<compile_context>
chip_gen: v7x
topology: tpu7x:2x2x1
jax: 0.10.2.dev20260603
libtpu: 0.0.44.dev20260713+nightly
codegen_flags: <defaults>
</compile_context>

<pallas_src>
import functools

import jax
import jax.numpy as jnp
from jax import lax
from jax.experimental import pallas as pl
from jax.experimental.pallas import tpu as pltpu
from jax.experimental.pallas import tpu_sc as plsc

N = 10000
E = 160000
D = 256
DH = D // 2
NC = 2
NS = 16
LANES = 16
DEGW = 128

EB = 80
NBT = 126
EPT = NBT * EB
E_PAD = NS * EPT

ACC_ROWS = 10080
NZBLK = ACC_ROWS // EB
OBLKS = N // EB

MBLK = 400
GRID = N // MBLK

_mesh = plsc.VectorSubcoreMesh(core_axis_name="c", subcore_axis_name="s")


def _fill_2d(ref, rows, width, value):
  def body(r, _):
    for j in range(width // LANES):
      ref[r, pl.ds(j * LANES, LANES)] = jnp.full((LANES,), value, jnp.float32)
    return 0
  lax.fori_loop(0, rows, body, 0)


def _zero_acc(acc_sh, zbuf, s):
  nblk = jnp.where(s < NZBLK % NS, NZBLK // NS + 1, NZBLK // NS)
  def body(k, _):
    row = (s + k * NS) * EB
    pltpu.sync_copy(zbuf, acc_sh.at[pl.ds(row, EB)])
    return 0
  lax.fori_loop(0, nblk, body, 0)


def _copy_out(acc_sh, out_hbm, s):
  nblk = jnp.where(s < OBLKS % NS, OBLKS // NS + 1, OBLKS // NS)
  def body(t, _):
    row = (s + t * NS) * EB
    pltpu.sync_copy(acc_sh.at[pl.ds(row, EB)], out_hbm.at[pl.ds(row, EB)])
    return 0
  lax.fori_loop(0, nblk, body, 0)


@functools.partial(
    pl.kernel,
    out_type=(jax.ShapeDtypeStruct((N, DEGW), jnp.float32),
              jax.ShapeDtypeStruct((N, DEGW), jnp.float32)),
    mesh=_mesh,
    scratch_types=[
        pltpu.VMEM((EB,), jnp.int32),
        pltpu.VMEM((EB,), jnp.int32),
        pltpu.VMEM((EB, DEGW), jnp.float32),
        pltpu.VMEM_SHARED((ACC_ROWS, DEGW), jnp.float32),
        pltpu.SemaphoreType.DMA,
        pltpu.SemaphoreType.DMA,
    ],
)
def _deg_kernel(src_hbm, dst_hbm, degout_hbm, degin_hbm,
                ib0, ib1, pay_v, acc_sh, is0, is1):
  c = lax.axis_index("c")
  s = lax.axis_index("s")

  _fill_2d(pay_v, EB, DEGW, 0.0)
  _zero_acc(acc_sh, pay_v, s)
  plsc.subcore_barrier()

  _fill_2d(pay_v, EB, DEGW, 1.0)

  def run(idx_hbm, out_hbm):
    def idx_slice(i):
      return idx_hbm.at[pl.ds(s * EPT + i * EB, EB)]
    pltpu.sync_copy(idx_slice(0), ib0)
    def body(t, _):
      i0 = 2 * t
      i1 = i0 + 1
      pltpu.async_copy(idx_slice(i1), ib1, is1)
      pltpu.sync_copy(pay_v, acc_sh.at[ib0], add=True)
      @pl.when(t < NBT // 2 - 1)
      def _():
        pltpu.async_copy(idx_slice(i0 + 2), ib0, is0)
      pltpu.make_async_copy(idx_slice(i1), ib1, is1).wait()
      pltpu.sync_copy(pay_v, acc_sh.at[ib1], add=True)
      @pl.when(t < NBT // 2 - 1)
      def _():
        pltpu.make_async_copy(idx_slice(i0 + 2), ib0, is0).wait()
      return 0
    lax.fori_loop(0, NBT // 2, body, 0)
    plsc.subcore_barrier()
    _copy_out(acc_sh, out_hbm, s)

  @pl.when(c == 0)
  def _():
    run(src_hbm, degout_hbm)

  @pl.when(c == 1)
  def _():
    run(dst_hbm, degin_hbm)


@functools.partial(
    pl.kernel,
    out_type=(jax.ShapeDtypeStruct((N, DH), jnp.float32),
              jax.ShapeDtypeStruct((N, DH), jnp.float32)),
    mesh=_mesh,
    scratch_types=[
        pltpu.VMEM((EB,), jnp.int32),
        pltpu.VMEM((EB,), jnp.int32),
        pltpu.VMEM((EB,), jnp.int32),
        pltpu.VMEM((EB,), jnp.int32),
        pltpu.VMEM((EB,), jnp.int32),
        pltpu.VMEM((EB,), jnp.int32),
        pltpu.VMEM((EB, DH), jnp.float32),
        pltpu.VMEM((EB, DH), jnp.float32),
        pltpu.VMEM((EB, DH), jnp.float32),
        pltpu.VMEM_SHARED((ACC_ROWS, DH), jnp.float32),
        pltpu.SemaphoreType.DMA,
        pltpu.SemaphoreType.DMA,
        pltpu.SemaphoreType.DMA,
    ],
)
def _agg_kernel(hl_hbm, hr_hbm, src_hbm, dst_hbm, outl_hbm, outr_hbm,
                sb0, db0, sb1, db1, sb2, db2, m0, m1, m2, acc_sh, g0, g1, g2):
  c = lax.axis_index("c")
  s = lax.axis_index("s")

  _fill_2d(m0, EB, DH, 0.0)
  _zero_acc(acc_sh, m0, s)
  plsc.subcore_barrier()

  def run(h_hbm, out_hbm):
    def load_idx(i, sb, db):
      pltpu.sync_copy(src_hbm.at[pl.ds(s * EPT + i * EB, EB)], sb)
      pltpu.sync_copy(dst_hbm.at[pl.ds(s * EPT + i * EB, EB)], db)
    load_idx(0, sb0, db0)
    pltpu.async_copy(h_hbm.at[sb0], m0, g0)
    load_idx(1, sb1, db1)
    pltpu.async_copy(h_hbm.at[sb1], m1, g1)
    load_idx(2, sb2, db2)
    pltpu.async_copy(h_hbm.at[sb2], m2, g2)
    def step(t, i, sb, db, m, g):
      pltpu.make_async_copy(h_hbm.at[sb], m, g).wait()
      pltpu.sync_copy(m, acc_sh.at[db], add=True)
      @pl.when(t < NBT // 3 - 1)
      def _():
        load_idx(i + 3, sb, db)
        pltpu.async_copy(h_hbm.at[sb], m, g)
    def body(t, _):
      i0 = 3 * t
      step(t, i0, sb0, db0, m0, g0)
      step(t, i0 + 1, sb1, db1, m1, g1)
      step(t, i0 + 2, sb2, db2, m2, g2)
      return 0
    lax.fori_loop(0, NBT // 3, body, 0)
    plsc.subcore_barrier()
    _copy_out(acc_sh, out_hbm, s)

  @pl.when(c == 0)
  def _():
    run(hl_hbm, outl_hbm)

  @pl.when(c == 1)
  def _():
    run(hr_hbm, outr_hbm)


def _prep_body(feat_ref, dow_ref, diw_ref, hl_ref, hr_ref, nsw_ref, ndw_ref):
  ns = lax.rsqrt(jnp.maximum(dow_ref[...], 1.0))
  nd = lax.rsqrt(jnp.maximum(diw_ref[...], 1.0))
  nsw_ref[...] = ns
  ndw_ref[...] = nd
  h0s = feat_ref[...] * ns[:, 0:1]
  hl_ref[...] = h0s[:, :DH]
  hr_ref[...] = h0s[:, DH:]


def _prep(features, degout_w, degin_w):
  return pl.pallas_call(
      _prep_body,
      grid=(GRID,),
      in_specs=[
          pl.BlockSpec((MBLK, D), lambda i: (i, 0)),
          pl.BlockSpec((MBLK, DEGW), lambda i: (i, 0)),
          pl.BlockSpec((MBLK, DEGW), lambda i: (i, 0)),
      ],
      out_specs=[
          pl.BlockSpec((MBLK, DH), lambda i: (i, 0)),
          pl.BlockSpec((MBLK, DH), lambda i: (i, 0)),
          pl.BlockSpec((MBLK, DEGW), lambda i: (i, 0)),
          pl.BlockSpec((MBLK, DEGW), lambda i: (i, 0)),
      ],
      out_shape=[
          jax.ShapeDtypeStruct((N, DH), jnp.float32),
          jax.ShapeDtypeStruct((N, DH), jnp.float32),
          jax.ShapeDtypeStruct((N, DEGW), jnp.float32),
          jax.ShapeDtypeStruct((N, DEGW), jnp.float32),
      ],
  )(features, degout_w, degin_w)


def _layer_body_mid(al_ref, ar_ref, ndw_ref, nsw_ref, w_ref, b_ref,
                    outl_ref, outr_ref):
  nd = ndw_ref[:, 0:1]
  y = (jnp.dot(al_ref[...] * nd, w_ref[:DH, :],
               preferred_element_type=jnp.float32)
       + jnp.dot(ar_ref[...] * nd, w_ref[DH:, :],
                 preferred_element_type=jnp.float32)
       + b_ref[0:1, :])
  y = jnp.maximum(y, 0.0) * nsw_ref[:, 0:1]
  outl_ref[...] = y[:, :DH]
  outr_ref[...] = y[:, DH:]


def _layer_body_last(al_ref, ar_ref, ndw_ref, nsw_ref, w_ref, b_ref, out_ref):
  nd = ndw_ref[:, 0:1]
  out_ref[...] = (jnp.dot(al_ref[...] * nd, w_ref[:DH, :],
                          preferred_element_type=jnp.float32)
                  + jnp.dot(ar_ref[...] * nd, w_ref[DH:, :],
                            preferred_element_type=jnp.float32)
                  + b_ref[0:1, :])


def _layer(al, ar, ndw, nsw, w, b, last):
  if last:
    out_specs = pl.BlockSpec((MBLK, D), lambda i: (i, 0))
    out_shape = jax.ShapeDtypeStruct((N, D), jnp.float32)
    body = _layer_body_last
  else:
    out_specs = [pl.BlockSpec((MBLK, DH), lambda i: (i, 0)),
                 pl.BlockSpec((MBLK, DH), lambda i: (i, 0))]
    out_shape = [jax.ShapeDtypeStruct((N, DH), jnp.float32),
                 jax.ShapeDtypeStruct((N, DH), jnp.float32)]
    body = _layer_body_mid
  return pl.pallas_call(
      body,
      grid=(GRID,),
      in_specs=[
          pl.BlockSpec((MBLK, DH), lambda i: (i, 0)),
          pl.BlockSpec((MBLK, DH), lambda i: (i, 0)),
          pl.BlockSpec((MBLK, DEGW), lambda i: (i, 0)),
          pl.BlockSpec((MBLK, DEGW), lambda i: (i, 0)),
          pl.BlockSpec((D, D), lambda i: (0, 0)),
          pl.BlockSpec((1, D), lambda i: (0, 0)),
      ],
      out_specs=out_specs,
      out_shape=out_shape,
  )(al, ar, ndw, nsw, w, b.reshape(1, D))


def kernel(features, edge_index, W1, b1, W2, b2, W3, b3):
  src = edge_index[0].astype(jnp.int32)
  dst = edge_index[1].astype(jnp.int32)

  pad_valid = jnp.zeros((E_PAD - E,), jnp.int32)
  pad_dummy = jnp.full((E_PAD - E,), N, jnp.int32)
  src_agg = jnp.concatenate([src, pad_valid])
  src_deg = jnp.concatenate([src, pad_dummy])
  dst_pad = jnp.concatenate([dst, pad_dummy])

  degout_w, degin_w = _deg_kernel(src_deg, dst_pad)
  hl, hr, nsw, ndw = _prep(features, degout_w, degin_w)

  al, ar = _agg_kernel(hl, hr, src_agg, dst_pad)
  hl, hr = _layer(al, ar, ndw, nsw, W1, b1, last=False)

  al, ar = _agg_kernel(hl, hr, src_agg, dst_pad)
  hl, hr = _layer(al, ar, ndw, nsw, W2, b2, last=False)

  al, ar = _agg_kernel(hl, hr, src_agg, dst_pad)
  return _layer(al, ar, ndw, nsw, W3, b3, last=True)

# --- scband reference (transcript-rebuilt; emitter-appended) ---
"""Pipeline reference for scband-gcnnet-79757542686934 (READ-ONLY COPY).

The authoritative reference and input builder live on the scoring server;
editing this copy changes nothing except your own understanding.
"""

import jax, jax.numpy as jnp
import numpy as np

N_NODES = 10000
N_EDGES = 160000
D_IN = 256
D_HID = 256
D_OUT = 256


def setup_inputs(seed: int = 0) -> dict:
    key = jax.random.key(seed)
    ks = jax.random.split(key, 8)
    features = jax.random.normal(ks[0], (N_NODES, D_IN), dtype=jnp.float32)
    edge_index = jax.random.randint(ks[1], (2, N_EDGES), 0, N_NODES)
    # GraphConv weights (glorot-ish init), shapes (in, out)
    W1 = jax.random.normal(ks[2], (D_IN, D_HID), dtype=jnp.float32) * (1.0 / np.sqrt(D_IN))
    b1 = jnp.zeros((D_HID,), dtype=jnp.float32)
    W2 = jax.random.normal(ks[3], (D_HID, D_HID), dtype=jnp.float32) * (1.0 / np.sqrt(D_HID))
    b2 = jnp.zeros((D_HID,), dtype=jnp.float32)
    W3 = jax.random.normal(ks[4], (D_HID, D_OUT), dtype=jnp.float32) * (1.0 / np.sqrt(D_HID))
    b3 = jnp.zeros((D_OUT,), dtype=jnp.float32)
    return {"features": features, "edge_index": edge_index,
            "W1": W1, "b1": b1, "W2": W2, "b2": b2, "W3": W3, "b3": b3}


def _gcn_layer(h, src, dst, norm_src, norm_dst, W, b, activate):
    # DGL GraphConv with norm='both': D_out^{-1/2} A D_in^{-1/2} H W + b
    h = h * norm_src[:, None]
    msgs = jnp.take(h, src, axis=0)                      # gather (SparseCore)
    agg = jnp.zeros_like(h).at[dst].add(msgs)            # scatter-add (SparseCore)
    h = agg * norm_dst[:, None]
    h = h @ W + b
    if activate:
        h = jax.nn.relu(h)
    return h


def reference(features, edge_index, W1, b1, W2, b2, W3, b3):
    src = edge_index[0]
    dst = edge_index[1]
    ones = jnp.ones((src.shape[0],), dtype=jnp.float32)
    deg_out = jnp.zeros((N_NODES,), dtype=jnp.float32).at[src].add(ones)
    deg_in = jnp.zeros((N_NODES,), dtype=jnp.float32).at[dst].add(ones)
    norm_src = jax.lax.rsqrt(jnp.clip(deg_out, 1.0))
    norm_dst = jax.lax.rsqrt(jnp.clip(deg_in, 1.0))
    h = features
    # layer 1 (relu)
    h = _gcn_layer(h, src, dst, norm_src, norm_dst, W1, b1, True)
    # dropout is identity in eval mode
    # layer 2 (relu)
    h = _gcn_layer(h, src, dst, norm_src, norm_dst, W2, b2, True)
    # layer 3 (no activation)
    h = _gcn_layer(h, src, dst, norm_src, norm_dst, W3, b3, False)
    return h

if __name__ == "__main__":
    import jax
    _d = setup_inputs()
    print(jax.jit(kernel)(*tuple(_d.values())))

</pallas_src>

<mosaic_0001>
#map = affine_map<(d0, d1) -> (0, 0)>
#map1 = affine_map<(d0, d1) -> (0)>
module attributes {stable_mosaic.version = 14 : i64} {
  func.func @_agg_kernel(%arg0: i32, %arg1: i32, %arg2: memref<10000x128xf32, #tpu.memory_space<hbm>>, %arg3: memref<10000x128xf32, #tpu.memory_space<hbm>>, %arg4: memref<161280xi32, #tpu.memory_space<hbm>>, %arg5: memref<161280xi32, #tpu.memory_space<hbm>>, %arg6: memref<10000x128xf32, #tpu.memory_space<hbm>>, %arg7: memref<10000x128xf32, #tpu.memory_space<hbm>>, %arg8: memref<80xi32, #tpu.memory_space<vmem>>, %arg9: memref<80xi32, #tpu.memory_space<vmem>>, %arg10: memref<80xi32, #tpu.memory_space<vmem>>, %arg11: memref<80xi32, #tpu.memory_space<vmem>>, %arg12: memref<80xi32, #tpu.memory_space<vmem>>, %arg13: memref<80xi32, #tpu.memory_space<vmem>>, %arg14: memref<80x128xf32, #tpu.memory_space<vmem>>, %arg15: memref<80x128xf32, #tpu.memory_space<vmem>>, %arg16: memref<80x128xf32, #tpu.memory_space<vmem>>, %arg17: memref<10080x128xf32, #tpu.memory_space<vmem_shared>>, %arg18: memref<!tpu.dma_semaphore, #tpu.memory_space<semaphore_mem>>, %arg19: memref<!tpu.dma_semaphore, #tpu.memory_space<semaphore_mem>>, %arg20: memref<!tpu.dma_semaphore, #tpu.memory_space<semaphore_mem>>) attributes {dimension_semantics = [#tpu.dimension_semantics<core_parallel>, #tpu.dimension_semantics<subcore_parallel>], iteration_bounds = array<i64: 2, 16>, scalar_prefetch = 0 : i64, scratch_operands = 13 : i64, tpu.core_type = #tpu.core_type<sc_vector_subcore>, window_params = [{transform_indices = #map}, {transform_indices = #map}, {transform_indices = #map1}, {transform_indices = #map1}, {transform_indices = #map}, {transform_indices = #map}]} {
    %scan3A = arith.constant 0 : i32
    %scan3A_0 = arith.constant 0 : i32
    %scan3A_1 = arith.constant 80 : i32
    %scan3A_2 = arith.addi %scan3A_0, %scan3A_1 : i32
    %scan3A_3 = arith.constant 1 : i32
    %scan3A_4 = scf.for %scan3A_26 = %scan3A_0 to %scan3A_2 step %scan3A_3 iter_args(%scan3A_27 = %scan3A) -> (i32)  : i32 {
      %broadcast_in_dim3A = arith.constant 0.000000e+00 : f32
      %broadcast_in_dim3A_28 = vector.broadcast %broadcast_in_dim3A : f32 to vector<16xf32>
      %swap3A = arith.index_cast %scan3A_26 : i32 to index
      %swap3A_29 = arith.constant 0 : index
      %swap3A_30 = tpu.vector_load %arg14[%swap3A, %swap3A_29] {strides = array<i32>} : memref<80x128xf32, #tpu.memory_space<vmem>>, vector<1x16xf32>,
      %swap3A_31 = vector.shape_cast %swap3A_30 : vector<1x16xf32> to vector<16xf32>
      %swap3A_32 = vector.shape_cast %broadcast_in_dim3A_28 : vector<16xf32> to vector<1x16xf32>
      tpu.vector_store %arg14[%swap3A, %swap3A_29], %swap3A_32 {strides = array<i32>} : memref<80x128xf32, #tpu.memory_space<vmem>>, vector<1x16xf32>,
      %broadcast_in_dim3A_33 = arith.constant 0.000000e+00 : f32
      %broadcast_in_dim3A_34 = vector.broadcast %broadcast_in_dim3A_33 : f32 to vector<16xf32>
      %swap3A_35 = arith.index_cast %scan3A_26 : i32 to index
      %swap3A_36 = arith.constant 16 : index
      %swap3A_37 = tpu.vector_load %arg14[%swap3A_35, %swap3A_36] {strides = array<i32>} : memref<80x128xf32, #tpu.memory_space<vmem>>, vector<1x16xf32>,
      %swap3A_38 = vector.shape_cast %swap3A_37 : vector<1x16xf32> to vector<16xf32>
      %swap3A_39 = vector.shape_cast %broadcast_in_dim3A_34 : vector<16xf32> to vector<1x16xf32>
      tpu.vector_store %arg14[%swap3A_35, %swap3A_36], %swap3A_39 {strides = array<i32>} : memref<80x128xf32, #tpu.memory_space<vmem>>, vector<1x16xf32>,
      %broadcast_in_dim3A_40 = arith.constant 0.000000e+00 : f32
      %broadcast_in_dim3A_41 = vector.broadcast %broadcast_in_dim3A_40 : f32 to vector<16xf32>
      %swap3A_42 = arith.index_cast %scan3A_26 : i32 to index
      %swap3A_43 = arith.constant 32 : index
      %swap3A_44 = tpu.vector_load %arg14[%swap3A_42, %swap3A_43] {strides = array<i32>} : memref<80x128xf32, #tpu.memory_space<vmem>>, vector<1x16xf32>,
      %swap3A_45 = vector.shape_cast %swap3A_44 : vector<1x16xf32> to vector<16xf32>
      %swap3A_46 = vector.shape_cast %broadcast_in_dim3A_41 : vector<16xf32> to vector<1x16xf32>
      tpu.vector_store %arg14[%swap3A_42, %swap3A_43], %swap3A_46 {strides = array<i32>} : memref<80x128xf32, #tpu.memory_space<vmem>>, vector<1x16xf32>,
      %broadcast_in_dim3A_47 = arith.constant 0.000000e+00 : f32
      %broadcast_in_dim3A_48 = vector.broadcast %broadcast_in_dim3A_47 : f32 to vector<16xf32>
      %swap3A_49 = arith.index_cast %scan3A_26 : i32 to index
      %swap3A_50 = arith.constant 48 : index
      %swap3A_51 = tpu.vector_load %arg14[%swap3A_49, %swap3A_50] {strides = array<i32>} : memref<80x128xf32, #tpu.memory_space<vmem>>, vector<1x16xf32>,
      %swap3A_52 = vector.shape_cast %swap3A_51 : vector<1x16xf32> to vector<16xf32>
      %swap3A_53 = vector.shape_cast %broadcast_in_dim3A_48 : vector<16xf32> to vector<1x16xf32>
      tpu.vector_store %arg14[%swap3A_49, %swap3A_50], %swap3A_53 {strides = array<i32>} : memref<80x128xf32, #tpu.memory_space<vmem>>, vector<1x16xf32>,
      %broadcast_in_dim3A_54 = arith.constant 0.000000e+00 : f32
      %broadcast_in_dim3A_55 = vector.broadcast %broadcast_in_dim3A_54 : f32 to vector<16xf32>
      %swap3A_56 = arith.index_cast %scan3A_26 : i32 to index
      %swap3A_57 = arith.constant 64 : index
      %swap3A_58 = tpu.vector_load %arg14[%swap3A_56, %swap3A_57] {strides = array<i32>} : memref<80x128xf32, #tpu.memory_space<vmem>>, vector<1x16xf32>,
      %swap3A_59 = vector.shape_cast %swap3A_58 : vector<1x16xf32> to vector<16xf32>
      %swap3A_60 = vector.shape_cast %broadcast_in_dim3A_55 : vector<16xf32> to vector<1x16xf32>
      tpu.vector_store %arg14[%swap3A_56, %swap3A_57], %swap3A_60 {strides = array<i32>} : memref<80x128xf32, #tpu.memory_space<vmem>>, vector<1x16xf32>,
      %broadcast_in_dim3A_61 = arith.constant 0.000000e+00 : f32
      %broadcast_in_dim3A_62 = vector.broadcast %broadcast_in_dim3A_61 : f32 to vector<16xf32>
      %swap3A_63 = arith.index_cast %scan3A_26 : i32 to index
      %swap3A_64 = arith.constant 80 : index
      %swap3A_65 = tpu.vector_load %arg14[%swap3A_63, %swap3A_64] {strides = array<i32>} : memref<80x128xf32, #tpu.memory_space<vmem>>, vector<1x16xf32>,
      %swap3A_66 = vector.shape_cast %swap3A_65 : vector<1x16xf32> to vector<16xf32>
      %swap3A_67 = vector.shape_cast %broadcast_in_dim3A_62 : vector<16xf32> to vector<1x16xf32>
      tpu.vector_store %arg14[%swap3A_63, %swap3A_64], %swap3A_67 {strides = array<i32>} : memref<80x128xf32, #tpu.memory_space<vmem>>, vector<1x16xf32>,
      %broadcast_in_dim3A_68 = arith.constant 0.000000e+00 : f32
      %broadcast_in_dim3A_69 = vector.broadcast %broadcast_in_dim3A_68 : f32 to vector<16xf32>
      %swap3A_70 = arith.index_cast %scan3A_26 : i32 to index
      %swap3A_71 = arith.constant 96 : index
      %swap3A_72 = tpu.vector_load %arg14[%swap3A_70, %swap3A_71] {strides = array<i32>} : memref<80x128xf32, #tpu.memory_space<vmem>>, vector<1x16xf32>,
      %swap3A_73 = vector.shape_cast %swap3A_72 : vector<1x16xf32> to vector<16xf32>
      %swap3A_74 = vector.shape_cast %broadcast_in_dim3A_69 : vector<16xf32> to vector<1x16xf32>
      tpu.vector_store %arg14[%swap3A_70, %swap3A_71], %swap3A_74 {strides = array<i32>} : memref<80x128xf32, #tpu.memory_space<vmem>>, vector<1x16xf32>,
      %broadcast_in_dim3A_75 = arith.constant 0.000000e+00 : f32
      %broadcast_in_dim3A_76 = vector.broadcast %broadcast_in_dim3A_75 : f32 to vector<16xf32>
      %swap3A_77 = arith.index_cast %scan3A_26 : i32 to index
      %swap3A_78 = arith.constant 112 : index
      %swap3A_79 = tpu.vector_load %arg14[%swap3A_77, %swap3A_78] {strides = array<i32>} : memref<80x128xf32, #tpu.memory_space<vmem>>, vector<1x16xf32>,
      %swap3A_80 = vector.shape_cast %swap3A_79 : vector<1x16xf32> to vector<16xf32>
      %swap3A_81 = vector.shape_cast %broadcast_in_dim3A_76 : vector<16xf32> to vector<1x16xf32>
      tpu.vector_store %arg14[%swap3A_77, %swap3A_78], %swap3A_81 {strides = array<i32>} : memref<80x128xf32, #tpu.memory_space<vmem>>, vector<1x16xf32>,
      %scan3A_82 = arith.constant 0 : i32
      scf.yield %scan3A_82 : i32
    }
    %scan3A_5 = arith.constant 80 : i32
    %lt3A = arith.constant 14 : i32
    %lt3A_6 = arith.cmpi slt, %arg1, %lt3A : i32
    %jit3A = arith.constant 8 : i32
    %jit3A_7 = arith.constant 7 : i32
    %select_n3A = arith.select %lt3A_6, %jit3A, %jit3A_7 : i32
    %while3A = arith.constant 0 : i32
    %while3A_8 = arith.constant 0 : i32
    %while3A_9 = arith.subi %select_n3A, %while3A : i32
    %while3A_10 = arith.addi %while3A, %while3A_9 : i32
    %while3A_11 = arith.constant 1 : i32
    %while3A_12 = arith.divsi %while3A_9, %while3A_11 : i32
    %while3A_13 = arith.muli %while3A_12, %while3A_11 : i32
    %while3A_14 = arith.addi %while3A, %while3A_13 : i32
    %while3A_15 = arith.constant 1 : i32
    %while3A_16 = scf.for %while3A_26 = %while3A to %while3A_14 step %while3A_15 iter_args(%while3A_27 = %while3A_8) -> (i32)  : i32 {
      %mul3A = arith.constant 16 : i32
      %mul3A_28 = arith.muli %while3A_26, %mul3A : i32
      %add3A = arith.addi %arg1, %mul3A_28 : i32
      %mul3A_29 = arith.constant 80 : i32
      %mul3A_30 = arith.muli %add3A, %mul3A_29 : i32
      "tpu.region"() ({
        %run_scoped3A = tpu.sem_alloc : memref<!tpu.dma_semaphore, #tpu.memory_space<semaphore_mem>>
        %dma_start3A = arith.constant 0 : i32
        %dma_start3A_32 = tpu.memref_slice %arg17[%mul3A_30, %dma_start3A] : memref<10080x128xf32, #tpu.memory_space<vmem_shared>> -> memref<80x128xf32, #tpu.memory_space<vmem_shared>>
        %dma_start3A_33 = arith.constant 0 : i32
        %dma_start3A_34 = tpu.memref_slice %arg17[%mul3A_30, %dma_start3A_33] : memref<10080x128xf32, #tpu.memory_space<vmem_shared>> -> memref<80x128xf32, #tpu.memory_space<vmem_shared>>
        tpu.enqueue_dma source(%arg14 : memref<80x128xf32, #tpu.memory_space<vmem>>) target(%dma_start3A_34 : memref<80x128xf32, #tpu.memory_space<vmem_shared>>) target_semaphore(%run_scoped3A : memref<!tpu.dma_semaphore, #tpu.memory_space<semaphore_mem>>)
        %dma_wait3A = arith.constant 0 : i32
        %dma_wait3A_35 = tpu.memref_slice %arg17[%mul3A_30, %dma_wait3A] : memref<10080x128xf32, #tpu.memory_space<vmem_shared>> -> memref<80x128xf32, #tpu.memory_space<vmem_shared>>
        %dma_wait3A_36 = arith.constant 0 : i32
        %dma_wait3A_37 = tpu.memref_slice %arg17[%mul3A_30, %dma_wait3A_36] : memref<10080x128xf32, #tpu.memory_space<vmem_shared>> -> memref<80x128xf32, #tpu.memory_space<vmem_shared>>
        tpu.wait_dma2 semaphore(%run_scoped3A : memref<!tpu.dma_semaphore, #tpu.memory_space<semaphore_mem>>) src(%arg14 : memref<80x128xf32, #tpu.memory_space<vmem>>) dst(%dma_wait3A_37 : memref<80x128xf32, #tpu.memory_space<vmem_shared>>)
        tpu.yield
      }) : () -> ()
      %while3A_31 = arith.constant 0 : i32
      scf.yield %while3A_31 : i32
    }
    %while3A_17 = arith.constant 1 : i32
    %while3A_18 = scf.for %while3A_26 = %while3A_14 to %while3A_10 step %while3A_17 iter_args(%while3A_27 = %while3A_16) -> (i32)  : i32 {
      %mul3A = arith.constant 16 : i32
      %mul3A_28 = arith.muli %while3A_26, %mul3A : i32
      %add3A = arith.addi %arg1, %mul3A_28 : i32
      %mul3A_29 = arith.constant 80 : i32
      %mul3A_30 = arith.muli %add3A, %mul3A_29 : i32
      "tpu.region"() ({
        %run_scoped3A = tpu.sem_alloc : memref<!tpu.dma_semaphore, #tpu.memory_space<semaphore_mem>>
        %dma_start3A = arith.constant 0 : i32
        %dma_start3A_32 = tpu.memref_slice %arg17[%mul3A_30, %dma_start3A] : memref<10080x128xf32, #tpu.memory_space<vmem_shared>> -> memref<80x128xf32, #tpu.memory_space<vmem_shared>>
        %dma_start3A_33 = arith.constant 0 : i32
        %dma_start3A_34 = tpu.memref_slice %arg17[%mul3A_30, %dma_start3A_33] : memref<10080x128xf32, #tpu.memory_space<vmem_shared>> -> memref<80x128xf32, #tpu.memory_space<vmem_shared>>
        tpu.enqueue_dma source(%arg14 : memref<80x128xf32, #tpu.memory_space<vmem>>) target(%dma_start3A_34 : memref<80x128xf32, #tpu.memory_space<vmem_shared>>) target_semaphore(%run_scoped3A : memref<!tpu.dma_semaphore, #tpu.memory_space<semaphore_mem>>)
        %dma_wait3A = arith.constant 0 : i32
        %dma_wait3A_35 = tpu.memref_slice %arg17[%mul3A_30, %dma_wait3A] : memref<10080x128xf32, #tpu.memory_space<vmem_shared>> -> memref<80x128xf32, #tpu.memory_space<vmem_shared>>
        %dma_wait3A_36 = arith.constant 0 : i32
        %dma_wait3A_37 = tpu.memref_slice %arg17[%mul3A_30, %dma_wait3A_36] : memref<10080x128xf32, #tpu.memory_space<vmem_shared>> -> memref<80x128xf32, #tpu.memory_space<vmem_shared>>
        tpu.wait_dma2 semaphore(%run_scoped3A : memref<!tpu.dma_semaphore, #tpu.memory_space<semaphore_mem>>) src(%arg14 : memref<80x128xf32, #tpu.memory_space<vmem>>) dst(%dma_wait3A_37 : memref<80x128xf32, #tpu.memory_space<vmem_shared>>)
        tpu.yield
      }) : () -> ()
      %while3A_31 = arith.constant 0 : i32
      scf.yield %while3A_31 : i32
    }
    %barrier3A = arith.constant 0 : index
    tpu.barrier barrier_id(%barrier3A)
    %eq3A = arith.constant 0 : i32
    %eq3A_19 = arith.cmpi eq, %arg0, %eq3A : i32
    %convert_element_type3A = arith.extui %eq3A_19 : i1 to i32
    %cond3A = arith.constant 0 : i32
    %cond3A_20 = arith.cmpi ne, %convert_element_type3A, %cond3A : i32
    scf.if %cond3A_20 {
      %mul3A = arith.constant 10080 : i32
      %mul3A_26 = arith.muli %arg1, %mul3A : i32
      %add3A = arith.constant 0 : i32
      %add3A_27 = arith.addi %mul3A_26, %add3A : i32
      "tpu.region"() ({
        %run_scoped3A = tpu.sem_alloc : memref<!tpu.dma_semaphore, #tpu.memory_space<semaphore_mem>>
        %dma_start3A_81 = tpu.memref_slice %arg4[%add3A_27] : memref<161280xi32, #tpu.memory_space<hbm>> -> memref<80xi32, #tpu.memory_space<hbm>>
        %dma_start3A_82 = tpu.memref_slice %arg4[%add3A_27] : memref<161280xi32, #tpu.memory_space<hbm>> -> memref<80xi32, #tpu.memory_space<hbm>>
        tpu.enqueue_dma source(%dma_start3A_82 : memref<80xi32, #tpu.memory_space<hbm>>) target(%arg8 : memref<80xi32, #tpu.memory_space<vmem>>) target_semaphore(%run_scoped3A : memref<!tpu.dma_semaphore, #tpu.memory_space<semaphore_mem>>)
        %dma_wait3A = tpu.memref_slice %arg4[%add3A_27] : memref<161280xi32, #tpu.memory_space<hbm>> -> memref<80xi32, #tpu.memory_space<hbm>>
        %dma_wait3A_83 = tpu.memref_slice %arg4[%add3A_27] : memref<161280xi32, #tpu.memory_space<hbm>> -> memref<80xi32, #tpu.memory_space<hbm>>
        tpu.wait_dma2 semaphore(%run_scoped3A : memref<!tpu.dma_semaphore, #tpu.memory_space<semaphore_mem>>) src(%dma_wait3A_83 : memref<80xi32, #tpu.memory_space<hbm>>) dst(%arg8 : memref<80xi32, #tpu.memory_space<vmem>>)
        tpu.yield
      }) : () -> ()
      %mul3A_28 = arith.constant 10080 : i32
      %mul3A_29 = arith.muli %arg1, %mul3A_28 : i32
      %add3A_30 = arith.constant 0 : i32
      %add3A_31 = arith.addi %mul3A_29, %add3A_30 : i32
      "tpu.region"() ({
        %run_scoped3A = tpu.sem_alloc : memref<!tpu.dma_semaphore, #tpu.memory_space<semaphore_mem>>
        %dma_start3A_81 = tpu.memref_slice %arg5[%add3A_31] : memref<161280xi32, #tpu.memory_space<hbm>> -> memref<80xi32, #tpu.memory_space<hbm>>
        %dma_start3A_82 = tpu.memref_slice %arg5[%add3A_31] : memref<161280xi32, #tpu.memory_space<hbm>> -> memref<80xi32, #tpu.memory_space<hbm>>
        tpu.enqueue_dma source(%dma_start3A_82 : memref<80xi32, #tpu.memory_space<hbm>>) target(%arg9 : memref<80xi32, #tpu.memory_space<vmem>>) target_semaphore(%run_scoped3A : memref<!tpu.dma_semaphore, #tpu.memory_space<semaphore_mem>>)
        %dma_wait3A = tpu.memref_slice %arg5[%add3A_31] : memref<161280xi32, #tpu.memory_space<hbm>> -> memref<80xi32, #tpu.memory_space<hbm>>
        %dma_wait3A_83 = tpu.memref_slice %arg5[%add3A_31] : memref<161280xi32, #tpu.memory_space<hbm>> -> memref<80xi32, #tpu.memory_space<hbm>>
        tpu.wait_dma2 semaphore(%run_scoped3A : memref<!tpu.dma_semaphore, #tpu.memory_space<semaphore_mem>>) src(%dma_wait3A_83 : memref<80xi32, #tpu.memory_space<hbm>>) dst(%arg9 : memref<80xi32, #tpu.memory_space<vmem>>)
        tpu.yield
      }) : () -> ()
      %dma_start3A = arith.constant 0 : i32
      %dma_start3A_32 = arith.constant 0 : i32
      %dma_start3A_33 = tpu.memref_slice %arg2[%dma_start3A, %dma_start3A_32] : memref<10000x128xf32, #tpu.memory_space<hbm>> -> memref<10000x128xf32, #tpu.memory_space<hbm>>
      tpu.enqueue_indirect_dma source(%dma_start3A_33 : memref<10000x128xf32, #tpu.memory_space<hbm>>) target(%arg14 : memref<80x128xf32, #tpu.memory_space<vmem>>) offsets(%arg8 : memref<80xi32, #tpu.memory_space<vmem>>) semaphore(%arg18 : memref<!tpu.dma_semaphore, #tpu.memory_space<semaphore_mem>>)
      %mul3A_34 = arith.constant 10080 : i32
      %mul3A_35 = arith.muli %arg1, %mul3A_34 : i32
      %add3A_36 = arith.constant 80 : i32
      %add3A_37 = arith.addi %mul3A_35, %add3A_36 : i32
      "tpu.region"() ({
        %run_scoped3A = tpu.sem_alloc : memref<!tpu.dma_semaphore, #tpu.memory_space<semaphore_mem>>
        %dma_start3A_81 = tpu.memref_slice %arg4[%add3A_37] : memref<161280xi32, #tpu.memory_space<hbm>> -> memref<80xi32, #tpu.memory_space<hbm>>
        %dma_start3A_82 = tpu.memref_slice %arg4[%add3A_37] : memref<161280xi32, #tpu.memory_space<hbm>> -> memref<80xi32, #tpu.memory_space<hbm>>
        tpu.enqueue_dma source(%dma_start3A_82 : memref<80xi32, #tpu.memory_space<hbm>>) target(%arg10 : memref<80xi32, #tpu.memory_space<vmem>>) target_semaphore(%run_scoped3A : memref<!tpu.dma_semaphore, #tpu.memory_space<semaphore_mem>>)
        %dma_wait3A = tpu.memref_slice %arg4[%add3A_37] : memref<161280xi32, #tpu.memory_space<hbm>> -> memref<80xi32, #tpu.memory_space<hbm>>
        %dma_wait3A_83 = tpu.memref_slice %arg4[%add3A_37] : memref<161280xi32, #tpu.memory_space<hbm>> -> memref<80xi32, #tpu.memory_space<hbm>>
        tpu.wait_dma2 semaphore(%run_scoped3A : memref<!tpu.dma_semaphore, #tpu.memory_space<semaphore_mem>>) src(%dma_wait3A_83 : memref<80xi32, #tpu.memory_space<hbm>>) dst(%arg10 : memref<80xi32, #tpu.memory_space<vmem>>)
        tpu.yield
      }) : () -> ()
      %mul3A_38 = arith.constant 10080 : i32
      %mul3A_39 = arith.muli %arg1, %mul3A_38 : i32
      %add3A_40 = arith.constant 80 : i32
      %add3A_41 = arith.addi %mul3A_39, %add3A_40 : i32
      "tpu.region"() ({
        %run_scoped3A = tpu.sem_alloc : memref<!tpu.dma_semaphore, #tpu.memory_space<semaphore_mem>>
        %dma_start3A_81 = tpu.memref_slice %arg5[%add3A_41] : memref<161280xi32, #tpu.memory_space<hbm>> -> memref<80xi32, #tpu.memory_space<hbm>>
        %dma_start3A_82 = tpu.memref_slice %arg5[%add3A_41] : memref<161280xi32, #tpu.memory_space<hbm>> -> memref<80xi32, #tpu.memory_space<hbm>>
        tpu.enqueue_dma source(%dma_start3A_82 : memref<80xi32, #tpu.memory_space<hbm>>) target(%arg11 : memref<80xi32, #tpu.memory_space<vmem>>) target_semaphore(%run_scoped3A : memref<!tpu.dma_semaphore, #tpu.memory_space<semaphore_mem>>)
        %dma_wait3A = tpu.memref_slice %arg5[%add3A_41] : memref<161280xi32, #tpu.memory_space<hbm>> -> memref<80xi32, #tpu.memory_space<hbm>>
        %dma_wait3A_83 = tpu.memref_slice %arg5[%add3A_41] : memref<161280xi32, #tpu.memory_space<hbm>> -> memref<80xi32, #tpu.memory_space<hbm>>
        tpu.wait_dma2 semaphore(%run_scoped3A : memref<!tpu.dma_semaphore, #tpu.memory_space<semaphore_mem>>) src(%dma_wait3A_83 : memref<80xi32, #tpu.memory_space<hbm>>) dst(%arg11 : memref<80xi32, #tpu.memory_space<vmem>>)
        tpu.yield
      }) : () -> ()
      %dma_start3A_42 = arith.constant 0 : i32
      %dma_start3A_43 = arith.constant 0 : i32
      %dma_start3A_44 = tpu.memref_slice %arg2[%dma_start3A_42, %dma_start3A_43] : memref<10000x128xf32, #tpu.memory_space<hbm>> -> memref<10000x128xf32, #tpu.memory_space<hbm>>
      tpu.enqueue_indirect_dma source(%dma_start3A_44 : memref<10000x128xf32, #tpu.memory_space<hbm>>) target(%arg15 : memref<80x128xf32, #tpu.memory_space<vmem>>) offsets(%arg10 : memref<80xi32, #tpu.memory_space<vmem>>) semaphore(%arg19 : memref<!tpu.dma_semaphore, #tpu.memory_space<semaphore_mem>>)
      %mul3A_45 = arith.constant 10080 : i32
      %mul3A_46 = arith.muli %arg1, %mul3A_45 : i32
      %add3A_47 = arith.constant 160 : i32
      %add3A_48 = arith.addi %mul3A_46, %add3A_47 : i32
      "tpu.region"() ({
        %run_scoped3A = tpu.sem_alloc : memref<!tpu.dma_semaphore, #tpu.memory_space<semaphore_mem>>
        %dma_start3A_81 = tpu.memref_slice %arg4[%add3A_48] : memref<161280xi32, #tpu.memory_space<hbm>> -> memref<80xi32, #tpu.memory_space<hbm>>
        %dma_start3A_82 = tpu.memref_slice %arg4[%add3A_48] : memref<161280xi32, #tpu.memory_space<hbm>> -> memref<80xi32, #tpu.memory_space<hbm>>
        tpu.enqueue_dma source(%dma_start3A_82 : memref<80xi32, #tpu.memory_space<hbm>>) target(%arg12 : memref<80xi32, #tpu.memory_space<vmem>>) target_semaphore(%run_scoped3A : memref<!tpu.dma_semaphore, #tpu.memory_space<semaphore_mem>>)
        %dma_wait3A = tpu.memref_slice %arg4[%add3A_48] : memref<161280xi32, #tpu.memory_space<hbm>> -> memref<80xi32, #tpu.memory_space<hbm>>
        %dma_wait3A_83 = tpu.memref_slice %arg4[%add3A_48] : memref<161280xi32, #tpu.memory_space<hbm>> -> memref<80xi32, #tpu.memory_space<hbm>>
        tpu.wait_dma2 semaphore(%run_scoped3A : memref<!tpu.dma_semaphore, #tpu.memory_space<semaphore_mem>>) src(%dma_wait3A_83 : memref<80xi32, #tpu.memory_space<hbm>>) dst(%arg12 : memref<80xi32, #tpu.memory_space<vmem>>)
        tpu.yield
      }) : () -> ()
      %mul3A_49 = arith.constant 10080 : i32
      %mul3A_50 = arith.muli %arg1, %mul3A_49 : i32
      %add3A_51 = arith.constant 160 : i32
      %add3A_52 = arith.addi %mul3A_50, %add3A_51 : i32
      "tpu.region"() ({
        %run_scoped3A = tpu.sem_alloc : memref<!tpu.dma_semaphore, #tpu.memory_space<semaphore_mem>>
        %dma_start3A_81 = tpu.memref_slice %arg5[%add3A_52] : memref<161280xi32, #tpu.memory_space<hbm>> -> memref<80xi32, #tpu.memory_space<hbm>>
        %dma_start3A_82 = tpu.memref_slice %arg5[%add3A_52] : memref<161280xi32, #tpu.memory_space<hbm>> -> memref<80xi32, #tpu.memory_space<hbm>>
        tpu.enqueue_dma source(%dma_start3A_82 : memref<80xi32, #tpu.memory_space<hbm>>) target(%arg13 : memref<80xi32, #tpu.memory_space<vmem>>) target_semaphore(%run_scoped3A : memref<!tpu.dma_semaphore, #tpu.memory_space<semaphore_mem>>)
        %dma_wait3A = tpu.memref_slice %arg5[%add3A_52] : memref<161280xi32, #tpu.memory_space<hbm>> -> memref<80xi32, #tpu.memory_space<hbm>>
        %dma_wait3A_83 = tpu.memref_slice %arg5[%add3A_52] : memref<161280xi32, #tpu.memory_space<hbm>> -> memref<80xi32, #tpu.memory_space<hbm>>
        tpu.wait_dma2 semaphore(%run_scoped3A : memref<!tpu.dma_semaphore, #tpu.memory_space<semaphore_mem>>) src(%dma_wait3A_83 : memref<80xi32, #tpu.memory_space<hbm>>) dst(%arg13 : memref<80xi32, #tpu.memory_space<vmem>>)
        tpu.yield
      }) : () -> ()
      %dma_start3A_53 = arith.constant 0 : i32
      %dma_start3A_54 = arith.constant 0 : i32
      %dma_start3A_55 = tpu.memref_slice %arg2[%dma_start3A_53, %dma_start3A_54] : memref<10000x128xf32, #tpu.memory_space<hbm>> -> memref<10000x128xf32, #tpu.memory_space<hbm>>
      tpu.enqueue_indirect_dma source(%dma_start3A_55 : memref<10000x128xf32, #tpu.memory_space<hbm>>) target(%arg16 : memref<80x128xf32, #tpu.memory_space<vmem>>) offsets(%arg12 : memref<80xi32, #tpu.memory_space<vmem>>) semaphore(%arg20 : memref<!tpu.dma_semaphore, #tpu.memory_space<semaphore_mem>>)
      %scan3A_56 = arith.constant 0 : i32
      %scan3A_57 = arith.constant 0 : i32
      %scan3A_58 = arith.constant 42 : i32
      %scan3A_59 = arith.addi %scan3A_57, %scan3A_58 : i32
      %scan3A_60 = arith.constant 1 : i32
      %scan3A_61 = scf.for %scan3A_81 = %scan3A_57 to %scan3A_59 step %scan3A_60 iter_args(%scan3A_82 = %scan3A_56) -> (i32)  : i32 {
        %mul3A_83 = arith.constant 3 : i32
        %mul3A_84 = arith.muli %mul3A_83, %scan3A_81 : i32
        %dma_wait3A = arith.constant 0 : i32
        %dma_wait3A_85 = arith.constant 0 : i32
        %dma_wait3A_86 = tpu.memref_slice %arg2[%dma_wait3A, %dma_wait3A_85] : memref<10000x128xf32, #tpu.memory_space<hbm>> -> memref<10000x128xf32, #tpu.memory_space<hbm>>
        tpu.wait_indirect_dma semaphore(%arg18 : memref<!tpu.dma_semaphore, #tpu.memory_space<semaphore_mem>>) src(%dma_wait3A_86 : memref<10000x128xf32, #tpu.memory_space<hbm>>) dst(%arg14 : memref<80x128xf32, #tpu.memory_space<vmem>>)
        "tpu.region"() ({
          %run_scoped3A = tpu.sem_alloc : memref<!tpu.dma_semaphore, #tpu.memory_space<semaphore_mem>>
          %dma_start3A_113 = arith.constant 0 : i32
          %dma_start3A_114 = arith.constant 0 : i32
          %dma_start3A_115 = tpu.memref_slice %arg17[%dma_start3A_113, %dma_start3A_114] : memref<10080x128xf32, #tpu.memory_space<vmem_shared>> -> memref<10080x128xf32, #tpu.memory_space<vmem_shared>>
          tpu.enqueue_indirect_dma source(%arg14 : memref<80x128xf32, #tpu.memory_space<vmem>>) target(%dma_start3A_115 : memref<10080x128xf32, #tpu.memory_space<vmem_shared>>) offsets(%arg9 : memref<80xi32, #tpu.memory_space<vmem>>) semaphore(%run_scoped3A : memref<!tpu.dma_semaphore, #tpu.memory_space<semaphore_mem>>) {add = true}
          %dma_wait3A_116 = arith.constant 0 : i32
          %dma_wait3A_117 = arith.constant 0 : i32
          %dma_wait3A_118 = tpu.memref_slice %arg17[%dma_wait3A_116, %dma_wait3A_117] : memref<10080x128xf32, #tpu.memory_space<vmem_shared>> -> memref<10080x128xf32, #tpu.memory_space<vmem_shared>>
          tpu.wait_indirect_dma semaphore(%run_scoped3A : memref<!tpu.dma_semaphore, #tpu.memory_space<semaphore_mem>>) src(%arg14 : memref<80x128xf32, #tpu.memory_space<vmem>>) dst(%dma_wait3A_118 : memref<10080x128xf32, #tpu.memory_space<vmem_shared>>)
          tpu.yield
        }) : () -> ()
        %lt3A_87 = arith.constant 41 : i32
        %lt3A_88 = arith.cmpi slt, %scan3A_81, %lt3A_87 : i32
        %convert_element_type3A_89 = arith.extui %lt3A_88 : i1 to i32
        %cond3A_90 = arith.constant 0 : i32
        %cond3A_91 = arith.cmpi ne, %convert_element_type3A_89, %cond3A_90 : i32
        scf.if %cond3A_91 {
          %add3A_113 = arith.constant 3 : i32
          %add3A_114 = arith.addi %mul3A_84, %add3A_113 : i32
          %mul3A_115 = arith.constant 10080 : i32
          %mul3A_116 = arith.muli %arg1, %mul3A_115 : i32
          %mul3A_117 = arith.constant 80 : i32
          %mul3A_118 = arith.muli %add3A_114, %mul3A_117 : i32
          %add3A_119 = arith.addi %mul3A_116, %mul3A_118 : i32
          "tpu.region"() ({
            %run_scoped3A = tpu.sem_alloc : memref<!tpu.dma_semaphore, #tpu.memory_space<semaphore_mem>>
            %dma_start3A_128 = tpu.memref_slice %arg4[%add3A_119] : memref<161280xi32, #tpu.memory_space<hbm>> -> memref<80xi32, #tpu.memory_space<hbm>>
            %dma_start3A_129 = tpu.memref_slice %arg4[%add3A_119] : memref<161280xi32, #tpu.memory_space<hbm>> -> memref<80xi32, #tpu.memory_space<hbm>>
            tpu.enqueue_dma source(%dma_start3A_129 : memref<80xi32, #tpu.memory_space<hbm>>) target(%arg8 : memref<80xi32, #tpu.memory_space<vmem>>) target_semaphore(%run_scoped3A : memref<!tpu.dma_semaphore, #tpu.memory_space<semaphore_mem>>)
            %dma_wait3A_130 = tpu.memref_slice %arg4[%add3A_119] : memref<161280xi32, #tpu.memory_space<hbm>> -> memref<80xi32, #tpu.memory_space<hbm>>
            %dma_wait3A_131 = tpu.memref_slice %arg4[%add3A_119] : memref<161280xi32, #tpu.memory_space<hbm>> -> memref<80xi32, #tpu.memory_space<hbm>>
            tpu.wait_dma2 semaphore(%run_scoped3A : memref<!tpu.dma_semaphore, #tpu.memory_space<semaphore_mem>>) src(%dma_wait3A_131 : memref<80xi32, #tpu.memory_space<hbm>>) dst(%arg8 : memref<80xi32, #tpu.memory_space<vmem>>)
            tpu.yield
          }) : () -> ()
          %mul3A_120 = arith.constant 10080 : i32
          %mul3A_121 = arith.muli %arg1, %mul3A_120 : i32
          %mul3A_122 = arith.constant 80 : i32
          %mul3A_123 = arith.muli %add3A_114, %mul3A_122 : i32
          %add3A_124 = arith.addi %mul3A_121, %mul3A_123 : i32
          "tpu.region"() ({
            %run_scoped3A = tpu.sem_alloc : memref<!tpu.dma_semaphore, #tpu.memory_space<semaphore_mem>>
            %dma_start3A_128 = tpu.memref_slice %arg5[%add3A_124] : memref<161280xi32, #tpu.memory_space<hbm>> -> memref<80xi32, #tpu.memory_space<hbm>>
            %dma_start3A_129 = tpu.memref_slice %arg5[%add3A_124] : memref<161280xi32, #tpu.memory_space<hbm>> -> memref<80xi32, #tpu.memory_space<hbm>>
            tpu.enqueue_dma source(%dma_start3A_129 : memref<80xi32, #tpu.memory_space<hbm>>) target(%arg9 : memref<80xi32, #tpu.memory_space<vmem>>) target_semaphore(%run_scoped3A : memref<!tpu.dma_semaphore, #tpu.memory_space<semaphore_mem>>)
            %dma_wait3A_130 = tpu.memref_slice %arg5[%add3A_124] : memref<161280xi32, #tpu.memory_space<hbm>> -> memref<80xi32, #tpu.memory_space<hbm>>
            %dma_wait3A_131 = tpu.memref_slice %arg5[%add3A_124] : memref<161280xi32, #tpu.memory_space<hbm>> -> memref<80xi32, #tpu.memory_space<hbm>>
            tpu.wait_dma2 semaphore(%run_scoped3A : memref<!tpu.dma_semaphore, #tpu.memory_space<semaphore_mem>>) src(%dma_wait3A_131 : memref<80xi32, #tpu.memory_space<hbm>>) dst(%arg9 : memref<80xi32, #tpu.memory_space<vmem>>)
            tpu.yield
          }) : () -> ()
          %dma_start3A_125 = arith.constant 0 : i32
          %dma_start3A_126 = arith.constant 0 : i32
          %dma_start3A_127 = tpu.memref_slice %arg2[%dma_start3A_125, %dma_start3A_126] : memref<10000x128xf32, #tpu.memory_space<hbm>> -> memref<10000x128xf32, #tpu.memory_space<hbm>>
          tpu.enqueue_indirect_dma source(%dma_start3A_127 : memref<10000x128xf32, #tpu.memory_space<hbm>>) target(%arg14 : memref<80x128xf32, #tpu.memory_space<vmem>>) offsets(%arg8 : memref<80xi32, #tpu.memory_space<vmem>>) semaphore(%arg18 : memref<!tpu.dma_semaphore, #tpu.memory_space<semaphore_mem>>)
        } else {
        }
        %add3A_92 = arith.constant 1 : i32
        %add3A_93 = arith.addi %mul3A_84, %add3A_92 : i32
        %dma_wait3A_94 = arith.constant 0 : i32
        %dma_wait3A_95 = arith.constant 0 : i32
        %dma_wait3A_96 = tpu.memref_slice %arg2[%dma_wait3A_94, %dma_wait3A_95] : memref<10000x128xf32, #tpu.memory_space<hbm>> -> memref<10000x128xf32, #tpu.memory_space<hbm>>
        tpu.wait_indirect_dma semaphore(%arg19 : memref<!tpu.dma_semaphore, #tpu.memory_space<semaphore_mem>>) src(%dma_wait3A_96 : memref<10000x128xf32, #tpu.memory_space<hbm>>) dst(%arg15 : memref<80x128xf32, #tpu.memory_space<vmem>>)
        "tpu.region"() ({
          %run_scoped3A = tpu.sem_alloc : memref<!tpu.dma_semaphore, #tpu.memory_space<semaphore_mem>>
          %dma_start3A_113 = arith.constant 0 : i32
          %dma_start3A_114 = arith.constant 0 : i32
          %dma_start3A_115 = tpu.memref_slice %arg17[%dma_start3A_113, %dma_start3A_114] : memref<10080x128xf32, #tpu.memory_space<vmem_shared>> -> memref<10080x128xf32, #tpu.memory_space<vmem_shared>>
          tpu.enqueue_indirect_dma source(%arg15 : memref<80x128xf32, #tpu.memory_space<vmem>>) target(%dma_start3A_115 : memref<10080x128xf32, #tpu.memory_space<vmem_shared>>) offsets(%arg11 : memref<80xi32, #tpu.memory_space<vmem>>) semaphore(%run_scoped3A : memref<!tpu.dma_semaphore, #tpu.memory_space<semaphore_mem>>) {add = true}
          %dma_wait3A_116 = arith.constant 0 : i32
          %dma_wait3A_117 = arith.constant 0 : i32
          %dma_wait3A_118 = tpu.memref_slice %arg17[%dma_wait3A_116, %dma_wait3A_117] : memref<10080x128xf32, #tpu.memory_space<vmem_shared>> -> memref<10080x128xf32, #tpu.memory_space<vmem_shared>>
          tpu.wait_indirect_dma semaphore(%run_scoped3A : memref<!tpu.dma_semaphore, #tpu.memory_space<semaphore_mem>>) src(%arg15 : memref<80x128xf32, #tpu.memory_space<vmem>>) dst(%dma_wait3A_118 : memref<10080x128xf32, #tpu.memory_space<vmem_shared>>)
          tpu.yield
        }) : () -> ()
        %lt3A_97 = arith.constant 41 : i32
        %lt3A_98 = arith.cmpi slt, %scan3A_81, %lt3A_97 : i32
        %convert_element_type3A_99 = arith.extui %lt3A_98 : i1 to i32
        %cond3A_100 = arith.constant 0 : i32
        %cond3A_101 = arith.cmpi ne, %convert_element_type3A_99, %cond3A_100 : i32
        scf.if %cond3A_101 {
          %add3A_113 = arith.constant 3 : i32
          %add3A_114 = arith.addi %add3A_93, %add3A_113 : i32
          %mul3A_115 = arith.constant 10080 : i32
          %mul3A_116 = arith.muli %arg1, %mul3A_115 : i32
          %mul3A_117 = arith.constant 80 : i32
          %mul3A_118 = arith.muli %add3A_114, %mul3A_117 : i32
          %add3A_119 = arith.addi %mul3A_116, %mul3A_118 : i32
          "tpu.region"() ({
            %run_scoped3A = tpu.sem_alloc : memref<!tpu.dma_semaphore, #tpu.memory_space<semaphore_mem>>
            %dma_start3A_128 = tpu.memref_slice %arg4[%add3A_119] : memref<161280xi32, #tpu.memory_space<hbm>> -> memref<80xi32, #tpu.memory_space<hbm>>
            %dma_start3A_129 = tpu.memref_slice %arg4[%add3A_119] : memref<161280xi32, #tpu.memory_space<hbm>> -> memref<80xi32, #tpu.memory_space<hbm>>
            tpu.enqueue_dma source(%dma_start3A_129 : memref<80xi32, #tpu.memory_space<hbm>>) target(%arg10 : memref<80xi32, #tpu.memory_space<vmem>>) target_semaphore(%run_scoped3A : memref<!tpu.dma_semaphore, #tpu.memory_space<semaphore_mem>>)
            %dma_wait3A_130 = tpu.memref_slice %arg4[%add3A_119] : memref<161280xi32, #tpu.memory_space<hbm>> -> memref<80xi32, #tpu.memory_space<hbm>>
            %dma_wait3A_131 = tpu.memref_slice %arg4[%add3A_119] : memref<161280xi32, #tpu.memory_space<hbm>> -> memref<80xi32, #tpu.memory_space<hbm>>
            tpu.wait_dma2 semaphore(%run_scoped3A : memref<!tpu.dma_semaphore, #tpu.memory_space<semaphore_mem>>) src(%dma_wait3A_131 : memref<80xi32, #tpu.memory_space<hbm>>) dst(%arg10 : memref<80xi32, #tpu.memory_space<vmem>>)
            tpu.yield
          }) : () -> ()
          %mul3A_120 = arith.constant 10080 : i32
          %mul3A_121 = arith.muli %arg1, %mul3A_120 : i32
          %mul3A_122 = arith.constant 80 : i32
          %mul3A_123 = arith.muli %add3A_114, %mul3A_122 : i32
          %add3A_124 = arith.addi %mul3A_121, %mul3A_123 : i32
          "tpu.region"() ({
            %run_scoped3A = tpu.sem_alloc : memref<!tpu.dma_semaphore, #tpu.memory_space<semaphore_mem>>
            %dma_start3A_128 = tpu.memref_slice %arg5[%add3A_124] : memref<161280xi32, #tpu.memory_space<hbm>> -> memref<80xi32, #tpu.memory_space<hbm>>
            %dma_start3A_129 = tpu.memref_slice %arg5[%add3A_124] : memref<161280xi32, #tpu.memory_space<hbm>> -> memref<80xi32, #tpu.memory_space<hbm>>
            tpu.enqueue_dma source(%dma_start3A_129 : memref<80xi32, #tpu.memory_space<hbm>>) target(%arg11 : memref<80xi32, #tpu.memory_space<vmem>>) target_semaphore(%run_scoped3A : memref<!tpu.dma_semaphore, #tpu.memory_space<semaphore_mem>>)
            %dma_wait3A_130 = tpu.memref_slice %arg5[%add3A_124] : memref<161280xi32, #tpu.memory_space<hbm>> -> memref<80xi32, #tpu.memory_space<hbm>>
            %dma_wait3A_131 = tpu.memref_slice %arg5[%add3A_124] : memref<161280xi32, #tpu.memory_space<hbm>> -> memref<80xi32, #tpu.memory_space<hbm>>
            tpu.wait_dma2 semaphore(%run_scoped3A : memref<!tpu.dma_semaphore, #tpu.memory_space<semaphore_mem>>) src(%dma_wait3A_131 : memref<80xi32, #tpu.memory_space<hbm>>) dst(%arg11 : memref<80xi32, #tpu.memory_space<vmem>>)
            tpu.yield
          }) : () -> ()
          %dma_start3A_125 = arith.constant 0 : i32
          %dma_start3A_126 = arith.constant 0 : i32
          %dma_start3A_127 = tpu.memref_slice %arg2[%dma_start3A_125, %dma_start3A_126] : memref<10000x128xf32, #tpu.memory_space<hbm>> -> memref<10000x128xf32, #tpu.memory_space<hbm>>
          tpu.enqueue_indirect_dma source(%dma_start3A_127 : memref<10000x128xf32, #tpu.memory_space<hbm>>) target(%arg15 : memref<80x128xf32, #tpu.memory_space<vmem>>) offsets(%arg10 : memref<80xi32, #tpu.memory_space<vmem>>) semaphore(%arg19 : memref<!tpu.dma_semaphore, #tpu.memory_space<semaphore_mem>>)
        } else {
        }
        %add3A_102 = arith.constant 2 : i32
        %add3A_103 = arith.addi %mul3A_84, %add3A_102 : i32
        %dma_wait3A_104 = arith.constant 0 : i32
        %dma_wait3A_105 = arith.constant 0 : i32
        %dma_wait3A_106 = tpu.memref_slice %arg2[%dma_wait3A_104, %dma_wait3A_105] : memref<10000x128xf32, #tpu.memory_space<hbm>> -> memref<10000x128xf32, #tpu.memory_space<hbm>>
        tpu.wait_indirect_dma semaphore(%arg20 : memref<!tpu.dma_semaphore, #tpu.memory_space<semaphore_mem>>) src(%dma_wait3A_106 : memref<10000x128xf32, #tpu.memory_space<hbm>>) dst(%arg16 : memref<80x128xf32, #tpu.memory_space<vmem>>)
        "tpu.region"() ({
          %run_scoped3A = tpu.sem_alloc : memref<!tpu.dma_semaphore, #tpu.memory_space<semaphore_mem>>
          %dma_start3A_113 = arith.constant 0 : i32
          %dma_start3A_114 = arith.constant 0 : i32
          %dma_start3A_115 = tpu.memref_slice %arg17[%dma_start3A_113, %dma_start3A_114] : memref<10080x128xf32, #tpu.memory_space<vmem_shared>> -> memref<10080x128xf32, #tpu.memory_space<vmem_shared>>
          tpu.enqueue_indirect_dma source(%arg16 : memref<80x128xf32, #tpu.memory_space<vmem>>) target(%dma_start3A_115 : memref<10080x128xf32, #tpu.memory_space<vmem_shared>>) offsets(%arg13 : memref<80xi32, #tpu.memory_space<vmem>>) semaphore(%run_scoped3A : memref<!tpu.dma_semaphore, #tpu.memory_space<semaphore_mem>>) {add = true}
          %dma_wait3A_116 = arith.constant 0 : i32
          %dma_wait3A_117 = arith.constant 0 : i32
          %dma_wait3A_118 = tpu.memref_slice %arg17[%dma_wait3A_116, %dma_wait3A_117] : memref<10080x128xf32, #tpu.memory_space<vmem_shared>> -> memref<10080x128xf32, #tpu.memory_space<vmem_shared>>
          tpu.wait_indirect_dma semaphore(%run_scoped3A : memref<!tpu.dma_semaphore, #tpu.memory_space<semaphore_mem>>) src(%arg16 : memref<80x128xf32, #tpu.memory_space<vmem>>) dst(%dma_wait3A_118 : memref<10080x128xf32, #tpu.memory_space<vmem_shared>>)
          tpu.yield
        }) : () -> ()
        %lt3A_107 = arith.constant 41 : i32
        %lt3A_108 = arith.cmpi slt, %scan3A_81, %lt3A_107 : i32
        %convert_element_type3A_109 = arith.extui %lt3A_108 : i1 to i32
        %cond3A_110 = arith.constant 0 : i32
        %cond3A_111 = arith.cmpi ne, %convert_element_type3A_109, %cond3A_110 : i32
        scf.if %cond3A_111 {
          %add3A_113 = arith.constant 3 : i32
          %add3A_114 = arith.addi %add3A_103, %add3A_113 : i32
          %mul3A_115 = arith.constant 10080 : i32
          %mul3A_116 = arith.muli %arg1, %mul3A_115 : i32
          %mul3A_117 = arith.constant 80 : i32
          %mul3A_118 = arith.muli %add3A_114, %mul3A_117 : i32
          %add3A_119 = arith.addi %mul3A_116, %mul3A_118 : i32
          "tpu.region"() ({
            %run_scoped3A = tpu.sem_alloc : memref<!tpu.dma_semaphore, #tpu.memory_space<semaphore_mem>>
            %dma_start3A_128 = tpu.memref_slice %arg4[%add3A_119] : memref<161280xi32, #tpu.memory_space<hbm>> -> memref<80xi32, #tpu.memory_space<hbm>>
            %dma_start3A_129 = tpu.memref_slice %arg4[%add3A_119] : memref<161280xi32, #tpu.memory_space<hbm>> -> memref<80xi32, #tpu.memory_space<hbm>>
            tpu.enqueue_dma source(%dma_start3A_129 : memref<80xi32, #tpu.memory_space<hbm>>) target(%arg12 : memref<80xi32, #tpu.memory_space<vmem>>) target_semaphore(%run_scoped3A : memref<!tpu.dma_semaphore, #tpu.memory_space<semaphore_mem>>)
            %dma_wait3A_130 = tpu.memref_slice %arg4[%add3A_119] : memref<161280xi32, #tpu.memory_space<hbm>> -> memref<80xi32, #tpu.memory_space<hbm>>
            %dma_wait3A_131 = tpu.memref_slice %arg4[%add3A_119] : memref<161280xi32, #tpu.memory_space<hbm>> -> memref<80xi32, #tpu.memory_space<hbm>>
            tpu.wait_dma2 semaphore(%run_scoped3A : memref<!tpu.dma_semaphore, #tpu.memory_space<semaphore_mem>>) src(%dma_wait3A_131 : memref<80xi32, #tpu.memory_space<hbm>>) dst(%arg12 : memref<80xi32, #tpu.memory_space<vmem>>)
            tpu.yield
          }) : () -> ()
          %mul3A_120 = arith.constant 10080 : i32
          %mul3A_121 = arith.muli %arg1, %mul3A_120 : i32
          %mul3A_122 = arith.constant 80 : i32
          %mul3A_123 = arith.muli %add3A_114, %mul3A_122 : i32
          %add3A_124 = arith.addi %mul3A_121, %mul3A_123 : i32
          "tpu.region"() ({
            %run_scoped3A = tpu.sem_alloc : memref<!tpu.dma_semaphore, #tpu.memory_space<semaphore_mem>>
            %dma_start3A_128 = tpu.memref_slice %arg5[%add3A_124] : memref<161280xi32, #tpu.memory_space<hbm>> -> memref<80xi32, #tpu.memory_space<hbm>>
            %dma_start3A_129 = tpu.memref_slice %arg5[%add3A_124] : memref<161280xi32, #tpu.memory_space<hbm>> -> memref<80xi32, #tpu.memory_space<hbm>>
            tpu.enqueue_dma source(%dma_start3A_129 : memref<80xi32, #tpu.memory_space<hbm>>) target(%arg13 : memref<80xi32, #tpu.memory_space<vmem>>) target_semaphore(%run_scoped3A : memref<!tpu.dma_semaphore, #tpu.memory_space<semaphore_mem>>)
            %dma_wait3A_130 = tpu.memref_slice %arg5[%add3A_124] : memref<161280xi32, #tpu.memory_space<hbm>> -> memref<80xi32, #tpu.memory_space<hbm>>
            %dma_wait3A_131 = tpu.memref_slice %arg5[%add3A_124] : memref<161280xi32, #tpu.memory_space<hbm>> -> memref<80xi32, #tpu.memory_space<hbm>>
            tpu.wait_dma2 semaphore(%run_scoped3A : memref<!tpu.dma_semaphore, #tpu.memory_space<semaphore_mem>>) src(%dma_wait3A_131 : memref<80xi32, #tpu.memory_space<hbm>>) dst(%arg13 : memref<80xi32, #tpu.memory_space<vmem>>)
            tpu.yield
          }) : () -> ()
          %dma_start3A_125 = arith.constant 0 : i32
          %dma_start3A_126 = arith.constant 0 : i32
          %dma_start3A_127 = tpu.memref_slice %arg2[%dma_start3A_125, %dma_start3A_126] : memref<10000x128xf32, #tpu.memory_space<hbm>> -> memref<10000x128xf32, #tpu.memory_space<hbm>>
          tpu.enqueue_indirect_dma source(%dma_start3A_127 : memref<10000x128xf32, #tpu.memory_space<hbm>>) target(%arg16 : memref<80x128xf32, #tpu.memory_space<vmem>>) offsets(%arg12 : memref<80xi32, #tpu.memory_space<vmem>>) semaphore(%arg20 : memref<!tpu.dma_semaphore, #tpu.memory_space<semaphore_mem>>)
        } else {
        }
        %scan3A_112 = arith.constant 0 : i32
        scf.yield %scan3A_112 : i32
      }
      %scan3A_62 = arith.constant 42 : i32
      %barrier3A_63 = arith.constant 0 : index
      tpu.barrier barrier_id(%barrier3A_63)
      %lt3A_64 = arith.constant 13 : i32
      %lt3A_65 = arith.cmpi slt, %arg1, %lt3A_64 : i32
      %jit3A_66 = arith.constant 8 : i32
      %jit3A_67 = arith.constant 7 : i32
      %select_n3A_68 = arith.select %lt3A_65, %jit3A_66, %jit3A_67 : i32
      %while3A_69 = arith.constant 0 : i32
      %while3A_70 = arith.constant 0 : i32
      %while3A_71 = arith.subi %select_n3A_68, %while3A_69 : i32
      %while3A_72 = arith.addi %while3A_69, %while3A_71 : i32
      %while3A_73 = arith.constant 1 : i32
      %while3A_74 = arith.divsi %while3A_71, %while3A_73 : i32
      %while3A_75 = arith.muli %while3A_74, %while3A_73 : i32
      %while3A_76 = arith.addi %while3A_69, %while3A_75 : i32
      %while3A_77 = arith.constant 1 : i32
      %while3A_78 = scf.for %while3A_81 = %while3A_69 to %while3A_76 step %while3A_77 iter_args(%while3A_82 = %while3A_70) -> (i32)  : i32 {
        %mul3A_83 = arith.constant 16 : i32
        %mul3A_84 = arith.muli %while3A_81, %mul3A_83 : i32
        %add3A_85 = arith.addi %arg1, %mul3A_84 : i32
        %mul3A_86 = arith.constant 80 : i32
        %mul3A_87 = arith.muli %add3A_85, %mul3A_86 : i32
        "tpu.region"() ({
          %run_scoped3A = tpu.sem_alloc : memref<!tpu.dma_semaphore, #tpu.memory_space<semaphore_mem>>
          %dma_start3A_89 = arith.constant 0 : i32
          %dma_start3A_90 = tpu.memref_slice %arg6[%mul3A_87, %dma_start3A_89] : memref<10000x128xf32, #tpu.memory_space<hbm>> -> memref<80x128xf32, #tpu.memory_space<hbm>>
          %dma_start3A_91 = arith.constant 0 : i32
          %dma_start3A_92 = tpu.memref_slice %arg17[%mul3A_87, %dma_start3A_91] : memref<10080x128xf32, #tpu.memory_space<vmem_shared>> -> memref<80x128xf32, #tpu.memory_space<vmem_shared>>
          tpu.enqueue_dma source(%dma_start3A_92 : memref<80x128xf32, #tpu.memory_space<vmem_shared>>) target(%dma_start3A_90 : memref<80x128xf32, #tpu.memory_space<hbm>>) target_semaphore(%run_scoped3A : memref<!tpu.dma_semaphore, #tpu.memory_space<semaphore_mem>>)
          %dma_wait3A = arith.constant 0 : i32
          %dma_wait3A_93 = tpu.memref_slice %arg6[%mul3A_87, %dma_wait3A] : memref<10000x128xf32, #tpu.memory_space<hbm>> -> memref<80x128xf32, #tpu.memory_space<hbm>>
          %dma_wait3A_94 = arith.constant 0 : i32
          %dma_wait3A_95 = tpu.memref_slice %arg17[%mul3A_87, %dma_wait3A_94] : memref<10080x128xf32, #tpu.memory_space<vmem_shared>> -> memref<80x128xf32, #tpu.memory_space<vmem_shared>>
          tpu.wait_dma2 semaphore(%run_scoped3A : memref<!tpu.dma_semaphore, #tpu.memory_space<semaphore_mem>>) src(%dma_wait3A_95 : memref<80x128xf32, #tpu.memory_space<vmem_shared>>) dst(%dma_wait3A_93 : memref<80x128xf32, #tpu.memory_space<hbm>>)
          tpu.yield
        }) : () -> ()
        %while3A_88 = arith.constant 0 : i32
        scf.yield %while3A_88 : i32
      }
      %while3A_79 = arith.constant 1 : i32
      %while3A_80 = scf.for %while3A_81 = %while3A_76 to %while3A_72 step %while3A_79 iter_args(%while3A_82 = %while3A_78) -> (i32)  : i32 {
        %mul3A_83 = arith.constant 16 : i32
        %mul3A_84 = arith.muli %while3A_81, %mul3A_83 : i32
        %add3A_85 = arith.addi %arg1, %mul3A_84 : i32
        %mul3A_86 = arith.constant 80 : i32
        %mul3A_87 = arith.muli %add3A_85, %mul3A_86 : i32
        "tpu.region"() ({
          %run_scoped3A = tpu.sem_alloc : memref<!tpu.dma_semaphore, #tpu.memory_space<semaphore_mem>>
          %dma_start3A_89 = arith.constant 0 : i32
          %dma_start3A_90 = tpu.memref_slice %arg6[%mul3A_87, %dma_start3A_89] : memref<10000x128xf32, #tpu.memory_space<hbm>> -> memref<80x128xf32, #tpu.memory_space<hbm>>
          %dma_start3A_91 = arith.constant 0 : i32
          %dma_start3A_92 = tpu.memref_slice %arg17[%mul3A_87, %dma_start3A_91] : memref<10080x128xf32, #tpu.memory_space<vmem_shared>> -> memref<80x128xf32, #tpu.memory_space<vmem_shared>>
          tpu.enqueue_dma source(%dma_start3A_92 : memref<80x128xf32, #tpu.memory_space<vmem_shared>>) target(%dma_start3A_90 : memref<80x128xf32, #tpu.memory_space<hbm>>) target_semaphore(%run_scoped3A : memref<!tpu.dma_semaphore, #tpu.memory_space<semaphore_mem>>)
          %dma_wait3A = arith.constant 0 : i32
          %dma_wait3A_93 = tpu.memref_slice %arg6[%mul3A_87, %dma_wait3A] : memref<10000x128xf32, #tpu.memory_space<hbm>> -> memref<80x128xf32, #tpu.memory_space<hbm>>
          %dma_wait3A_94 = arith.constant 0 : i32
          %dma_wait3A_95 = tpu.memref_slice %arg17[%mul3A_87, %dma_wait3A_94] : memref<10080x128xf32, #tpu.memory_space<vmem_shared>> -> memref<80x128xf32, #tpu.memory_space<vmem_shared>>
          tpu.wait_dma2 semaphore(%run_scoped3A : memref<!tpu.dma_semaphore, #tpu.memory_space<semaphore_mem>>) src(%dma_wait3A_95 : memref<80x128xf32, #tpu.memory_space<vmem_shared>>) dst(%dma_wait3A_93 : memref<80x128xf32, #tpu.memory_space<hbm>>)
          tpu.yield
        }) : () -> ()
        %while3A_88 = arith.constant 0 : i32
        scf.yield %while3A_88 : i32
      }
    } else {
    }
    %eq3A_21 = arith.constant 1 : i32
    %eq3A_22 = arith.cmpi eq, %arg0, %eq3A_21 : i32
    %convert_element_type3A_23 = arith.extui %eq3A_22 : i1 to i32
    %cond3A_24 = arith.constant 0 : i32
    %cond3A_25 = arith.cmpi ne, %convert_element_type3A_23, %cond3A_24 : i32
    scf.if %cond3A_25 {
      %mul3A = arith.constant 10080 : i32
      %mul3A_26 = arith.muli %arg1, %mul3A : i32
      %add3A = arith.constant 0 : i32
      %add3A_27 = arith.addi %mul3A_26, %add3A : i32
      "tpu.region"() ({
        %run_scoped3A = tpu.sem_alloc : memref<!tpu.dma_semaphore, #tpu.memory_space<semaphore_mem>>
        %dma_start3A_81 = tpu.memref_slice %arg4[%add3A_27] : memref<161280xi32, #tpu.memory_space<hbm>> -> memref<80xi32, #tpu.memory_space<hbm>>
        %dma_start3A_82 = tpu.memref_slice %arg4[%add3A_27] : memref<161280xi32, #tpu.memory_space<hbm>> -> memref<80xi32, #tpu.memory_space<hbm>>
        tpu.enqueue_dma source(%dma_start3A_82 : memref<80xi32, #tpu.memory_space<hbm>>) target(%arg8 : memref<80xi32, #tpu.memory_space<vmem>>) target_semaphore(%run_scoped3A : memref<!tpu.dma_semaphore, #tpu.memory_space<semaphore_mem>>)
        %dma_wait3A = tpu.memref_slice %arg4[%add3A_27] : memref<161280xi32, #tpu.memory_space<hbm>> -> memref<80xi32, #tpu.memory_space<hbm>>
        %dma_wait3A_83 = tpu.memref_slice %arg4[%add3A_27] : memref<161280xi32, #tpu.memory_space<hbm>> -> memref<80xi32, #tpu.memory_space<hbm>>
        tpu.wait_dma2 semaphore(%run_scoped3A : memref<!tpu.dma_semaphore, #tpu.memory_space<semaphore_mem>>) src(%dma_wait3A_83 : memref<80xi32, #tpu.memory_space<hbm>>) dst(%arg8 : memref<80xi32, #tpu.memory_space<vmem>>)
        tpu.yield
      }) : () -> ()
      %mul3A_28 = arith.constant 10080 : i32
      %mul3A_29 = arith.muli %arg1, %mul3A_28 : i32
      %add3A_30 = arith.constant 0 : i32
      %add3A_31 = arith.addi %mul3A_29, %add3A_30 : i32
      "tpu.region"() ({
        %run_scoped3A = tpu.sem_alloc : memref<!tpu.dma_semaphore, #tpu.memory_space<semaphore_mem>>
        %dma_start3A_81 = tpu.memref_slice %arg5[%add3A_31] : memref<161280xi32, #tpu.memory_space<hbm>> -> memref<80xi32, #tpu.memory_space<hbm>>
        %dma_start3A_82 = tpu.memref_slice %arg5[%add3A_31] : memref<161280xi32, #tpu.memory_space<hbm>> -> memref<80xi32, #tpu.memory_space<hbm>>
        tpu.enqueue_dma source(%dma_start3A_82 : memref<80xi32, #tpu.memory_space<hbm>>) target(%arg9 : memref<80xi32, #tpu.memory_space<vmem>>) target_semaphore(%run_scoped3A : memref<!tpu.dma_semaphore, #tpu.memory_space<semaphore_mem>>)
        %dma_wait3A = tpu.memref_slice %arg5[%add3A_31] : memref<161280xi32, #tpu.memory_space<hbm>> -> memref<80xi32, #tpu.memory_space<hbm>>
        %dma_wait3A_83 = tpu.memref_slice %arg5[%add3A_31] : memref<161280xi32, #tpu.memory_space<hbm>> -> memref<80xi32, #tpu.memory_space<hbm>>
        tpu.wait_dma2 semaphore(%run_scoped3A : memref<!tpu.dma_semaphore, #tpu.memory_space<semaphore_mem>>) src(%dma_wait3A_83 : memref<80xi32, #tpu.memory_space<hbm>>) dst(%arg9 : memref<80xi32, #tpu.memory_space<vmem>>)
        tpu.yield
      }) : () -> ()
      %dma_start3A = arith.constant 0 : i32
      %dma_start3A_32 = arith.constant 0 : i32
      %dma_start3A_33 = tpu.memref_slice %arg3[%dma_start3A, %dma_start3A_32] : memref<10000x128xf32, #tpu.memory_space<hbm>> -> memref<10000x128xf32, #tpu.memory_space<hbm>>
      tpu.enqueue_indirect_dma source(%dma_start3A_33 : memref<10000x128xf32, #tpu.memory_space<hbm>>) target(%arg14 : memref<80x128xf32, #tpu.memory_space<vmem>>) offsets(%arg8 : memref<80xi32, #tpu.memory_space<vmem>>) semaphore(%arg18 : memref<!tpu.dma_semaphore, #tpu.memory_space<semaphore_mem>>)
      %mul3A_34 = arith.constant 10080 : i32
      %mul3A_35 = arith.muli %arg1, %mul3A_34 : i32
      %add3A_36 = arith.constant 80 : i32
      %add3A_37 = arith.addi %mul3A_35, %add3A_36 : i32
      "tpu.region"() ({
        %run_scoped3A = tpu.sem_alloc : memref<!tpu.dma_semaphore, #tpu.memory_space<semaphore_mem>>
        %dma_start3A_81 = tpu.memref_slice %arg4[%add3A_37] : memref<161280xi32, #tpu.memory_space<hbm>> -> memref<80xi32, #tpu.memory_space<hbm>>
        %dma_start3A_82 = tpu.memref_slice %arg4[%add3A_37] : memref<161280xi32, #tpu.memory_space<hbm>> -> memref<80xi32, #tpu.memory_space<hbm>>
        tpu.enqueue_dma source(%dma_start3A_82 : memref<80xi32, #tpu.memory_space<hbm>>) target(%arg10 : memref<80xi32, #tpu.memory_space<vmem>>) target_semaphore(%run_scoped3A : memref<!tpu.dma_semaphore, #tpu.memory_space<semaphore_mem>>)
        %dma_wait3A = tpu.memref_slice %arg4[%add3A_37] : memref<161280xi32, #tpu.memory_space<hbm>> -> memref<80xi32, #tpu.memory_space<hbm>>
        %dma_wait3A_83 = tpu.memref_slice %arg4[%add3A_37] : memref<161280xi32, #tpu.memory_space<hbm>> -> memref<80xi32, #tpu.memory_space<hbm>>
        tpu.wait_dma2 semaphore(%run_scoped3A : memref<!tpu.dma_semaphore, #tpu.memory_space<semaphore_mem>>) src(%dma_wait3A_83 : memref<80xi32, #tpu.memory_space<hbm>>) dst(%arg10 : memref<80xi32, #tpu.memory_space<vmem>>)
        tpu.yield
      }) : () -> ()
      %mul3A_38 = arith.constant 10080 : i32
      %mul3A_39 = arith.muli %arg1, %mul3A_38 : i32
      %add3A_40 = arith.constant 80 : i32
      %add3A_41 = arith.addi %mul3A_39, %add3A_40 : i32
      "tpu.region"() ({
        %run_scoped3A = tpu.sem_alloc : memref<!tpu.dma_semaphore, #tpu.memory_space<semaphore_mem>>
        %dma_start3A_81 = tpu.memref_slice %arg5[%add3A_41] : memref<161280xi32, #tpu.memory_space<hbm>> -> memref<80xi32, #tpu.memory_space<hbm>>
        %dma_start3A_82 = tpu.memref_slice %arg5[%add3A_41] : memref<161280xi32, #tpu.memory_space<hbm>> -> memref<80xi32, #tpu.memory_space<hbm>>
        tpu.enqueue_dma source(%dma_start3A_82 : memref<80xi32, #tpu.memory_space<hbm>>) target(%arg11 : memref<80xi32, #tpu.memory_space<vmem>>) target_semaphore(%run_scoped3A : memref<!tpu.dma_semaphore, #tpu.memory_space<semaphore_mem>>)
        %dma_wait3A = tpu.memref_slice %arg5[%add3A_41] : memref<161280xi32, #tpu.memory_space<hbm>> -> memref<80xi32, #tpu.memory_space<hbm>>
        %dma_wait3A_83 = tpu.memref_slice %arg5[%add3A_41] : memref<161280xi32, #tpu.memory_space<hbm>> -> memref<80xi32, #tpu.memory_space<hbm>>
        tpu.wait_dma2 semaphore(%run_scoped3A : memref<!tpu.dma_semaphore, #tpu.memory_space<semaphore_mem>>) src(%dma_wait3A_83 : memref<80xi32, #tpu.memory_space<hbm>>) dst(%arg11 : memref<80xi32, #tpu.memory_space<vmem>>)
        tpu.yield
      }) : () -> ()
      %dma_start3A_42 = arith.constant 0 : i32
      %dma_start3A_43 = arith.constant 0 : i32
      %dma_start3A_44 = tpu.memref_slice %arg3[%dma_start3A_42, %dma_start3A_43] : memref<10000x128xf32, #tpu.memory_space<hbm>> -> memref<10000x128xf32, #tpu.memory_space<hbm>>
      tpu.enqueue_indirect_dma source(%dma_start3A_44 : memref<10000x128xf32, #tpu.memory_space<hbm>>) target(%arg15 : memref<80x128xf32, #tpu.memory_space<vmem>>) offsets(%arg10 : memref<80xi32, #tpu.memory_space<vmem>>) semaphore(%arg19 : memref<!tpu.dma_semaphore, #tpu.memory_space<semaphore_mem>>)
      %mul3A_45 = arith.constant 10080 : i32
      %mul3A_46 = arith.muli %arg1, %mul3A_45 : i32
      %add3A_47 = arith.constant 160 : i32
      %add3A_48 = arith.addi %mul3A_46, %add3A_47 : i32
      "tpu.region"() ({
        %run_scoped3A = tpu.sem_alloc : memref<!tpu.dma_semaphore, #tpu.memory_space<semaphore_mem>>
        %dma_start3A_81 = tpu.memref_slice %arg4[%add3A_48] : memref<161280xi32, #tpu.memory_space<hbm>> -> memref<80xi32, #tpu.memory_space<hbm>>
        %dma_start3A_82 = tpu.memref_slice %arg4[%add3A_48] : memref<161280xi32, #tpu.memory_space<hbm>> -> memref<80xi32, #tpu.memory_space<hbm>>
        tpu.enqueue_dma source(%dma_start3A_82 : memref<80xi32, #tpu.memory_space<hbm>>) target(%arg12 : memref<80xi32, #tpu.memory_space<vmem>>) target_semaphore(%run_scoped3A : memref<!tpu.dma_semaphore, #tpu.memory_space<semaphore_mem>>)
        %dma_wait3A = tpu.memref_slice %arg4[%add3A_48] : memref<161280xi32, #tpu.memory_space<hbm>> -> memref<80xi32, #tpu.memory_space<hbm>>
        %dma_wait3A_83 = tpu.memref_slice %arg4[%add3A_48] : memref<161280xi32, #tpu.memory_space<hbm>> -> memref<80xi32, #tpu.memory_space<hbm>>
        tpu.wait_dma2 semaphore(%run_scoped3A : memref<!tpu.dma_semaphore, #tpu.memory_space<semaphore_mem>>) src(%dma_wait3A_83 : memref<80xi32, #tpu.memory_space<hbm>>) dst(%arg12 : memref<80xi32, #tpu.memory_space<vmem>>)
        tpu.yield
      }) : () -> ()
      %mul3A_49 = arith.constant 10080 : i32
      %mul3A_50 = arith.muli %arg1, %mul3A_49 : i32
      %add3A_51 = arith.constant 160 : i32
      %add3A_52 = arith.addi %mul3A_50, %add3A_51 : i32
      "tpu.region"() ({
        %run_scoped3A = tpu.sem_alloc : memref<!tpu.dma_semaphore, #tpu.memory_space<semaphore_mem>>
        %dma_start3A_81 = tpu.memref_slice %arg5[%add3A_52] : memref<161280xi32, #tpu.memory_space<hbm>> -> memref<80xi32, #tpu.memory_space<hbm>>
        %dma_start3A_82 = tpu.memref_slice %arg5[%add3A_52] : memref<161280xi32, #tpu.memory_space<hbm>> -> memref<80xi32, #tpu.memory_space<hbm>>
        tpu.enqueue_dma source(%dma_start3A_82 : memref<80xi32, #tpu.memory_space<hbm>>) target(%arg13 : memref<80xi32, #tpu.memory_space<vmem>>) target_semaphore(%run_scoped3A : memref<!tpu.dma_semaphore, #tpu.memory_space<semaphore_mem>>)
        %dma_wait3A = tpu.memref_slice %arg5[%add3A_52] : memref<161280xi32, #tpu.memory_space<hbm>> -> memref<80xi32, #tpu.memory_space<hbm>>
        %dma_wait3A_83 = tpu.memref_slice %arg5[%add3A_52] : memref<161280xi32, #tpu.memory_space<hbm>> -> memref<80xi32, #tpu.memory_space<hbm>>
        tpu.wait_dma2 semaphore(%run_scoped3A : memref<!tpu.dma_semaphore, #tpu.memory_space<semaphore_mem>>) src(%dma_wait3A_83 : memref<80xi32, #tpu.memory_space<hbm>>) dst(%arg13 : memref<80xi32, #tpu.memory_space<vmem>>)
        tpu.yield
      }) : () -> ()
      %dma_start3A_53 = arith.constant 0 : i32
      %dma_start3A_54 = arith.constant 0 : i32
      %dma_start3A_55 = tpu.memref_slice %arg3[%dma_start3A_53, %dma_start3A_54] : memref<10000x128xf32, #tpu.memory_space<hbm>> -> memref<10000x128xf32, #tpu.memory_space<hbm>>
      tpu.enqueue_indirect_dma source(%dma_start3A_55 : memref<10000x128xf32, #tpu.memory_space<hbm>>) target(%arg16 : memref<80x128xf32, #tpu.memory_space<vmem>>) offsets(%arg12 : memref<80xi32, #tpu.memory_space<vmem>>) semaphore(%arg20 : memref<!tpu.dma_semaphore, #tpu.memory_space<semaphore_mem>>)
      %scan3A_56 = arith.constant 0 : i32
      %scan3A_57 = arith.constant 0 : i32
      %scan3A_58 = arith.constant 42 : i32
      %scan3A_59 = arith.addi %scan3A_57, %scan3A_58 : i32
      %scan3A_60 = arith.constant 1 : i32
      %scan3A_61 = scf.for %scan3A_81 = %scan3A_57 to %scan3A_59 step %scan3A_60 iter_args(%scan3A_82 = %scan3A_56) -> (i32)  : i32 {
        %mul3A_83 = arith.constant 3 : i32
        %mul3A_84 = arith.muli %mul3A_83, %scan3A_81 : i32
        %dma_wait3A = arith.constant 0 : i32
        %dma_wait3A_85 = arith.constant 0 : i32
        %dma_wait3A_86 = tpu.memref_slice %arg3[%dma_wait3A, %dma_wait3A_85] : memref<10000x128xf32, #tpu.memory_space<hbm>> -> memref<10000x128xf32, #tpu.memory_space<hbm>>
        tpu.wait_indirect_dma semaphore(%arg18 : memref<!tpu.dma_semaphore, #tpu.memory_space<semaphore_mem>>) src(%dma_wait3A_86 : memref<10000x128xf32, #tpu.memory_space<hbm>>) dst(%arg14 : memref<80x128xf32, #tpu.memory_space<vmem>>)
        "tpu.region"() ({
          %run_scoped3A = tpu.sem_alloc : memref<!tpu.dma_semaphore, #tpu.memory_space<semaphore_mem>>
          %dma_start3A_113 = arith.constant 0 : i32
          %dma_start3A_114 = arith.constant 0 : i32
          %dma_start3A_115 = tpu.memref_slice %arg17[%dma_start3A_113, %dma_start3A_114] : memref<10080x128xf32, #tpu.memory_space<vmem_shared>> -> memref<10080x128xf32, #tpu.memory_space<vmem_shared>>
          tpu.enqueue_indirect_dma source(%arg14 : memref<80x128xf32, #tpu.memory_space<vmem>>) target(%dma_start3A_115 : memref<10080x128xf32, #tpu.memory_space<vmem_shared>>) offsets(%arg9 : memref<80xi32, #tpu.memory_space<vmem>>) semaphore(%run_scoped3A : memref<!tpu.dma_semaphore, #tpu.memory_space<semaphore_mem>>) {add = true}
          %dma_wait3A_116 = arith.constant 0 : i32
          %dma_wait3A_117 = arith.constant 0 : i32
          %dma_wait3A_118 = tpu.memref_slice %arg17[%dma_wait3A_116, %dma_wait3A_117] : memref<10080x128xf32, #tpu.memory_space<vmem_shared>> -> memref<10080x128xf32, #tpu.memory_space<vmem_shared>>
          tpu.wait_indirect_dma semaphore(%run_scoped3A : memref<!tpu.dma_semaphore, #tpu.memory_space<semaphore_mem>>) src(%arg14 : memref<80x128xf32, #tpu.memory_space<vmem>>) dst(%dma_wait3A_118 : memref<10080x128xf32, #tpu.memory_space<vmem_shared>>)
          tpu.yield
        }) : () -> ()
        %lt3A_87 = arith.constant 41 : i32
        %lt3A_88 = arith.cmpi slt, %scan3A_81, %lt3A_87 : i32
        %convert_element_type3A_89 = arith.extui %lt3A_88 : i1 to i32
        %cond3A_90 = arith.constant 0 : i32
        %cond3A_91 = arith.cmpi ne, %convert_element_type3A_89, %cond3A_90 : i32
        scf.if %cond3A_91 {
          %add3A_113 = arith.constant 3 : i32
          %add3A_114 = arith.addi %mul3A_84, %add3A_113 : i32
          %mul3A_115 = arith.constant 10080 : i32
          %mul3A_116 = arith.muli %arg1, %mul3A_115 : i32
          %mul3A_117 = arith.constant 80 : i32
          %mul3A_118 = arith.muli %add3A_114, %mul3A_117 : i32
          %add3A_119 = arith.addi %mul3A_116, %mul3A_118 : i32
          "tpu.region"() ({
            %run_scoped3A = tpu.sem_alloc : memref<!tpu.dma_semaphore, #tpu.memory_space<semaphore_mem>>
            %dma_start3A_128 = tpu.memref_slice %arg4[%add3A_119] : memref<161280xi32, #tpu.memory_space<hbm>> -> memref<80xi32, #tpu.memory_space<hbm>>
            %dma_start3A_129 = tpu.memref_slice %arg4[%add3A_119] : memref<161280xi32, #tpu.memory_space<hbm>> -> memref<80xi32, #tpu.memory_space<hbm>>
            tpu.enqueue_dma source(%dma_start3A_129 : memref<80xi32, #tpu.memory_space<hbm>>) target(%arg8 : memref<80xi32, #tpu.memory_space<vmem>>) target_semaphore(%run_scoped3A : memref<!tpu.dma_semaphore, #tpu.memory_space<semaphore_mem>>)
            %dma_wait3A_130 = tpu.memref_slice %arg4[%add3A_119] : memref<161280xi32, #tpu.memory_space<hbm>> -> memref<80xi32, #tpu.memory_space<hbm>>
            %dma_wait3A_131 = tpu.memref_slice %arg4[%add3A_119] : memref<161280xi32, #tpu.memory_space<hbm>> -> memref<80xi32, #tpu.memory_space<hbm>>
            tpu.wait_dma2 semaphore(%run_scoped3A : memref<!tpu.dma_semaphore, #tpu.memory_space<semaphore_mem>>) src(%dma_wait3A_131 : memref<80xi32, #tpu.memory_space<hbm>>) dst(%arg8 : memref<80xi32, #tpu.memory_space<vmem>>)
            tpu.yield
          }) : () -> ()
          %mul3A_120 = arith.constant 10080 : i32
          %mul3A_121 = arith.muli %arg1, %mul3A_120 : i32
          %mul3A_122 = arith.constant 80 : i32
          %mul3A_123 = arith.muli %add3A_114, %mul3A_122 : i32
          %add3A_124 = arith.addi %mul3A_121, %mul3A_123 : i32
          "tpu.region"() ({
            %run_scoped3A = tpu.sem_alloc : memref<!tpu.dma_semaphore, #tpu.memory_space<semaphore_mem>>
            %dma_start3A_128 = tpu.memref_slice %arg5[%add3A_124] : memref<161280xi32, #tpu.memory_space<hbm>> -> memref<80xi32, #tpu.memory_space<hbm>>
            %dma_start3A_129 = tpu.memref_slice %arg5[%add3A_124] : memref<161280xi32, #tpu.memory_space<hbm>> -> memref<80xi32, #tpu.memory_space<hbm>>
            tpu.enqueue_dma source(%dma_start3A_129 : memref<80xi32, #tpu.memory_space<hbm>>) target(%arg9 : memref<80xi32, #tpu.memory_space<vmem>>) target_semaphore(%run_scoped3A : memref<!tpu.dma_semaphore, #tpu.memory_space<semaphore_mem>>)
            %dma_wait3A_130 = tpu.memref_slice %arg5[%add3A_124] : memref<161280xi32, #tpu.memory_space<hbm>> -> memref<80xi32, #tpu.memory_space<hbm>>
            %dma_wait3A_131 = tpu.memref_slice %arg5[%add3A_124] : memref<161280xi32, #tpu.memory_space<hbm>> -> memref<80xi32, #tpu.memory_space<hbm>>
            tpu.wait_dma2 semaphore(%run_scoped3A : memref<!tpu.dma_semaphore, #tpu.memory_space<semaphore_mem>>) src(%dma_wait3A_131 : memref<80xi32, #tpu.memory_space<hbm>>) dst(%arg9 : memref<80xi32, #tpu.memory_space<vmem>>)
            tpu.yield
          }) : () -> ()
          %dma_start3A_125 = arith.constant 0 : i32
          %dma_start3A_126 = arith.constant 0 : i32
          %dma_start3A_127 = tpu.memref_slice %arg3[%dma_start3A_125, %dma_start3A_126] : memref<10000x128xf32, #tpu.memory_space<hbm>> -> memref<10000x128xf32, #tpu.memory_space<hbm>>
          tpu.enqueue_indirect_dma source(%dma_start3A_127 : memref<10000x128xf32, #tpu.memory_space<hbm>>) target(%arg14 : memref<80x128xf32, #tpu.memory_space<vmem>>) offsets(%arg8 : memref<80xi32, #tpu.memory_space<vmem>>) semaphore(%arg18 : memref<!tpu.dma_semaphore, #tpu.memory_space<semaphore_mem>>)
        } else {
        }
        %add3A_92 = arith.constant 1 : i32
        %add3A_93 = arith.addi %mul3A_84, %add3A_92 : i32
        %dma_wait3A_94 = arith.constant 0 : i32
        %dma_wait3A_95 = arith.constant 0 : i32
        %dma_wait3A_96 = tpu.memref_slice %arg3[%dma_wait3A_94, %dma_wait3A_95] : memref<10000x128xf32, #tpu.memory_space<hbm>> -> memref<10000x128xf32, #tpu.memory_space<hbm>>
        tpu.wait_indirect_dma semaphore(%arg19 : memref<!tpu.dma_semaphore, #tpu.memory_space<semaphore_mem>>) src(%dma_wait3A_96 : memref<10000x128xf32, #tpu.memory_space<hbm>>) dst(%arg15 : memref<80x128xf32, #tpu.memory_space<vmem>>)
        "tpu.region"() ({
          %run_scoped3A = tpu.sem_alloc : memref<!tpu.dma_semaphore, #tpu.memory_space<semaphore_mem>>
          %dma_start3A_113 = arith.constant 0 : i32
          %dma_start3A_114 = arith.constant 0 : i32
          %dma_start3A_115 = tpu.memref_slice %arg17[%dma_start3A_113, %dma_start3A_114] : memref<10080x128xf32, #tpu.memory_space<vmem_shared>> -> memref<10080x128xf32, #tpu.memory_space<vmem_shared>>
          tpu.enqueue_indirect_dma source(%arg15 : memref<80x128xf32, #tpu.memory_space<vmem>>) target(%dma_start3A_115 : memref<10080x128xf32, #tpu.memory_space<vmem_shared>>) offsets(%arg11 : memref<80xi32, #tpu.memory_space<vmem>>) semaphore(%run_scoped3A : memref<!tpu.dma_semaphore, #tpu.memory_space<semaphore_mem>>) {add = true}
          %dma_wait3A_116 = arith.constant 0 : i32
          %dma_wait3A_117 = arith.constant 0 : i32
          %dma_wait3A_118 = tpu.memref_slice %arg17[%dma_wait3A_116, %dma_wait3A_117] : memref<10080x128xf32, #tpu.memory_space<vmem_shared>> -> memref<10080x128xf32, #tpu.memory_space<vmem_shared>>
          tpu.wait_indirect_dma semaphore(%run_scoped3A : memref<!tpu.dma_semaphore, #tpu.memory_space<semaphore_mem>>) src(%arg15 : memref<80x128xf32, #tpu.memory_space<vmem>>) dst(%dma_wait3A_118 : memref<10080x128xf32, #tpu.memory_space<vmem_shared>>)
          tpu.yield
        }) : () -> ()
        %lt3A_97 = arith.constant 41 : i32
        %lt3A_98 = arith.cmpi slt, %scan3A_81, %lt3A_97 : i32
        %convert_element_type3A_99 = arith.extui %lt3A_98 : i1 to i32
        %cond3A_100 = arith.constant 0 : i32
        %cond3A_101 = arith.cmpi ne, %convert_element_type3A_99, %cond3A_100 : i32
        scf.if %cond3A_101 {
          %add3A_113 = arith.constant 3 : i32
          %add3A_114 = arith.addi %add3A_93, %add3A_113 : i32
          %mul3A_115 = arith.constant 10080 : i32
          %mul3A_116 = arith.muli %arg1, %mul3A_115 : i32
          %mul3A_117 = arith.constant 80 : i32
          %mul3A_118 = arith.muli %add3A_114, %mul3A_117 : i32
          %add3A_119 = arith.addi %mul3A_116, %mul3A_118 : i32
          "tpu.region"() ({
            %run_scoped3A = tpu.sem_alloc : memref<!tpu.dma_semaphore, #tpu.memory_space<semaphore_mem>>
            %dma_start3A_128 = tpu.memref_slice %arg4[%add3A_119] : memref<161280xi32, #tpu.memory_space<hbm>> -> memref<80xi32, #tpu.memory_space<hbm>>
            %dma_start3A_129 = tpu.memref_slice %arg4[%add3A_119] : memref<161280xi32, #tpu.memory_space<hbm>> -> memref<80xi32, #tpu.memory_space<hbm>>
            tpu.enqueue_dma source(%dma_start3A_129 : memref<80xi32, #tpu.memory_space<hbm>>) target(%arg10 : memref<80xi32, #tpu.memory_space<vmem>>) target_semaphore(%run_scoped3A : memref<!tpu.dma_semaphore, #tpu.memory_space<semaphore_mem>>)
            %dma_wait3A_130 = tpu.memref_slice %arg4[%add3A_119] : memref<161280xi32, #tpu.memory_space<hbm>> -> memref<80xi32, #tpu.memory_space<hbm>>
            %dma_wait3A_131 = tpu.memref_slice %arg4[%add3A_119] : memref<161280xi32, #tpu.memory_space<hbm>> -> memref<80xi32, #tpu.memory_space<hbm>>
            tpu.wait_dma2 semaphore(%run_scoped3A : memref<!tpu.dma_semaphore, #tpu.memory_space<semaphore_mem>>) src(%dma_wait3A_131 : memref<80xi32, #tpu.memory_space<hbm>>) dst(%arg10 : memref<80xi32, #tpu.memory_space<vmem>>)
            tpu.yield
          }) : () -> ()
          %mul3A_120 = arith.constant 10080 : i32
          %mul3A_121 = arith.muli %arg1, %mul3A_120 : i32
          %mul3A_122 = arith.constant 80 : i32
          %mul3A_123 = arith.muli %add3A_114, %mul3A_122 : i32
          %add3A_124 = arith.addi %mul3A_121, %mul3A_123 : i32
          "tpu.region"() ({
            %run_scoped3A = tpu.sem_alloc : memref<!tpu.dma_semaphore, #tpu.memory_space<semaphore_mem>>
            %dma_start3A_128 = tpu.memref_slice %arg5[%add3A_124] : memref<161280xi32, #tpu.memory_space<hbm>> -> memref<80xi32, #tpu.memory_space<hbm>>
            %dma_start3A_129 = tpu.memref_slice %arg5[%add3A_124] : memref<161280xi32, #tpu.memory_space<hbm>> -> memref<80xi32, #tpu.memory_space<hbm>>
            tpu.enqueue_dma source(%dma_start3A_129 : memref<80xi32, #tpu.memory_space<hbm>>) target(%arg11 : memref<80xi32, #tpu.memory_space<vmem>>) target_semaphore(%run_scoped3A : memref<!tpu.dma_semaphore, #tpu.memory_space<semaphore_mem>>)
            %dma_wait3A_130 = tpu.memref_slice %arg5[%add3A_124] : memref<161280xi32, #tpu.memory_space<hbm>> -> memref<80xi32, #tpu.memory_space<hbm>>
            %dma_wait3A_131 = tpu.memref_slice %arg5[%add3A_124] : memref<161280xi32, #tpu.memory_space<hbm>> -> memref<80xi32, #tpu.memory_space<hbm>>
            tpu.wait_dma2 semaphore(%run_scoped3A : memref<!tpu.dma_semaphore, #tpu.memory_space<semaphore_mem>>) src(%dma_wait3A_131 : memref<80xi32, #tpu.memory_space<hbm>>) dst(%arg11 : memref<80xi32, #tpu.memory_space<vmem>>)
            tpu.yield
          }) : () -> ()
          %dma_start3A_125 = arith.constant 0 : i32
          %dma_start3A_126 = arith.constant 0 : i32
          %dma_start3A_127 = tpu.memref_slice %arg3[%dma_start3A_125, %dma_start3A_126] : memref<10000x128xf32, #tpu.memory_space<hbm>> -> memref<10000x128xf32, #tpu.memory_space<hbm>>
          tpu.enqueue_indirect_dma source(%dma_start3A_127 : memref<10000x128xf32, #tpu.memory_space<hbm>>) target(%arg15 : memref<80x128xf32, #tpu.memory_space<vmem>>) offsets(%arg10 : memref<80xi32, #tpu.memory_space<vmem>>) semaphore(%arg19 : memref<!tpu.dma_semaphore, #tpu.memory_space<semaphore_mem>>)
        } else {
        }
        %add3A_102 = arith.constant 2 : i32
        %add3A_103 = arith.addi %mul3A_84, %add3A_102 : i32
        %dma_wait3A_104 = arith.constant 0 : i32
        %dma_wait3A_105 = arith.constant 0 : i32
        %dma_wait3A_106 = tpu.memref_slice %arg3[%dma_wait3A_104, %dma_wait3A_105] : memref<10000x128xf32, #tpu.memory_space<hbm>> -> memref<10000x128xf32, #tpu.memory_space<hbm>>
        tpu.wait_indirect_dma semaphore(%arg20 : memref<!tpu.dma_semaphore, #tpu.memory_space<semaphore_mem>>) src(%dma_wait3A_106 : memref<10000x128xf32, #tpu.memory_space<hbm>>) dst(%arg16 : memref<80x128xf32, #tpu.memory_space<vmem>>)
        "tpu.region"() ({
          %run_scoped3A = tpu.sem_alloc : memref<!tpu.dma_semaphore, #tpu.memory_space<semaphore_mem>>
          %dma_start3A_113 = arith.constant 0 : i32
          %dma_start3A_114 = arith.constant 0 : i32
          %dma_start3A_115 = tpu.memref_slice %arg17[%dma_start3A_113, %dma_start3A_114] : memref<10080x128xf32, #tpu.memory_space<vmem_shared>> -> memref<10080x128xf32, #tpu.memory_space<vmem_shared>>
          tpu.enqueue_indirect_dma source(%arg16 : memref<80x128xf32, #tpu.memory_space<vmem>>) target(%dma_start3A_115 : memref<10080x128xf32, #tpu.memory_space<vmem_shared>>) offsets(%arg13 : memref<80xi32, #tpu.memory_space<vmem>>) semaphore(%run_scoped3A : memref<!tpu.dma_semaphore, #tpu.memory_space<semaphore_mem>>) {add = true}
          %dma_wait3A_116 = arith.constant 0 : i32
          %dma_wait3A_117 = arith.constant 0 : i32
          %dma_wait3A_118 = tpu.memref_slice %arg17[%dma_wait3A_116, %dma_wait3A_117] : memref<10080x128xf32, #tpu.memory_space<vmem_shared>> -> memref<10080x128xf32, #tpu.memory_space<vmem_shared>>
          tpu.wait_indirect_dma semaphore(%run_scoped3A : memref<!tpu.dma_semaphore, #tpu.memory_space<semaphore_mem>>) src(%arg16 : memref<80x128xf32, #tpu.memory_space<vmem>>) dst(%dma_wait3A_118 : memref<10080x128xf32, #tpu.memory_space<vmem_shared>>)
          tpu.yield
        }) : () -> ()
        %lt3A_107 = arith.constant 41 : i32
        %lt3A_108 = arith.cmpi slt, %scan3A_81, %lt3A_107 : i32
        %convert_element_type3A_109 = arith.extui %lt3A_108 : i1 to i32
        %cond3A_110 = arith.constant 0 : i32
        %cond3A_111 = arith.cmpi ne, %convert_element_type3A_109, %cond3A_110 : i32
        scf.if %cond3A_111 {
          %add3A_113 = arith.constant 3 : i32
          %add3A_114 = arith.addi %add3A_103, %add3A_113 : i32
          %mul3A_115 = arith.constant 10080 : i32
          %mul3A_116 = arith.muli %arg1, %mul3A_115 : i32
          %mul3A_117 = arith.constant 80 : i32
          %mul3A_118 = arith.muli %add3A_114, %mul3A_117 : i32
          %add3A_119 = arith.addi %mul3A_116, %mul3A_118 : i32
          "tpu.region"() ({
            %run_scoped3A = tpu.sem_alloc : memref<!tpu.dma_semaphore, #tpu.memory_space<semaphore_mem>>
            %dma_start3A_128 = tpu.memref_slice %arg4[%add3A_119] : memref<161280xi32, #tpu.memory_space<hbm>> -> memref<80xi32, #tpu.memory_space<hbm>>
            %dma_start3A_129 = tpu.memref_slice %arg4[%add3A_119] : memref<161280xi32, #tpu.memory_space<hbm>> -> memref<80xi32, #tpu.memory_space<hbm>>
            tpu.enqueue_dma source(%dma_start3A_129 : memref<80xi32, #tpu.memory_space<hbm>>) target(%arg12 : memref<80xi32, #tpu.memory_space<vmem>>) target_semaphore(%run_scoped3A : memref<!tpu.dma_semaphore, #tpu.memory_space<semaphore_mem>>)
            %dma_wait3A_130 = tpu.memref_slice %arg4[%add3A_119] : memref<161280xi32, #tpu.memory_space<hbm>> -> memref<80xi32, #tpu.memory_space<hbm>>
            %dma_wait3A_131 = tpu.memref_slice %arg4[%add3A_119] : memref<161280xi32, #tpu.memory_space<hbm>> -> memref<80xi32, #tpu.memory_space<hbm>>
            tpu.wait_dma2 semaphore(%run_scoped3A : memref<!tpu.dma_semaphore, #tpu.memory_space<semaphore_mem>>) src(%dma_wait3A_131 : memref<80xi32, #tpu.memory_space<hbm>>) dst(%arg12 : memref<80xi32, #tpu.memory_space<vmem>>)
            tpu.yield
          }) : () -> ()
          %mul3A_120 = arith.constant 10080 : i32
          %mul3A_121 = arith.muli %arg1, %mul3A_120 : i32
          %mul3A_122 = arith.constant 80 : i32
          %mul3A_123 = arith.muli %add3A_114, %mul3A_122 : i32
          %add3A_124 = arith.addi %mul3A_121, %mul3A_123 : i32
          "tpu.region"() ({
            %run_scoped3A = tpu.sem_alloc : memref<!tpu.dma_semaphore, #tpu.memory_space<semaphore_mem>>
            %dma_start3A_128 = tpu.memref_slice %arg5[%add3A_124] : memref<161280xi32, #tpu.memory_space<hbm>> -> memref<80xi32, #tpu.memory_space<hbm>>
            %dma_start3A_129 = tpu.memref_slice %arg5[%add3A_124] : memref<161280xi32, #tpu.memory_space<hbm>> -> memref<80xi32, #tpu.memory_space<hbm>>
            tpu.enqueue_dma source(%dma_start3A_129 : memref<80xi32, #tpu.memory_space<hbm>>) target(%arg13 : memref<80xi32, #tpu.memory_space<vmem>>) target_semaphore(%run_scoped3A : memref<!tpu.dma_semaphore, #tpu.memory_space<semaphore_mem>>)
            %dma_wait3A_130 = tpu.memref_slice %arg5[%add3A_124] : memref<161280xi32, #tpu.memory_space<hbm>> -> memref<80xi32, #tpu.memory_space<hbm>>
            %dma_wait3A_131 = tpu.memref_slice %arg5[%add3A_124] : memref<161280xi32, #tpu.memory_space<hbm>> -> memref<80xi32, #tpu.memory_space<hbm>>
            tpu.wait_dma2 semaphore(%run_scoped3A : memref<!tpu.dma_semaphore, #tpu.memory_space<semaphore_mem>>) src(%dma_wait3A_131 : memref<80xi32, #tpu.memory_space<hbm>>) dst(%arg13 : memref<80xi32, #tpu.memory_space<vmem>>)
            tpu.yield
          }) : () -> ()
          %dma_start3A_125 = arith.constant 0 : i32
          %dma_start3A_126 = arith.constant 0 : i32
          %dma_start3A_127 = tpu.memref_slice %arg3[%dma_start3A_125, %dma_start3A_126] : memref<10000x128xf32, #tpu.memory_space<hbm>> -> memref<10000x128xf32, #tpu.memory_space<hbm>>
          tpu.enqueue_indirect_dma source(%dma_start3A_127 : memref<10000x128xf32, #tpu.memory_space<hbm>>) target(%arg16 : memref<80x128xf32, #tpu.memory_space<vmem>>) offsets(%arg12 : memref<80xi32, #tpu.memory_space<vmem>>) semaphore(%arg20 : memref<!tpu.dma_semaphore, #tpu.memory_space<semaphore_mem>>)
        } else {
        }
        %scan3A_112 = arith.constant 0 : i32
        scf.yield %scan3A_112 : i32
      }
      %scan3A_62 = arith.constant 42 : i32
      %barrier3A_63 = arith.constant 0 : index
      tpu.barrier barrier_id(%barrier3A_63)
      %lt3A_64 = arith.constant 13 : i32
      %lt3A_65 = arith.cmpi slt, %arg1, %lt3A_64 : i32
      %jit3A_66 = arith.constant 8 : i32
      %jit3A_67 = arith.constant 7 : i32
      %select_n3A_68 = arith.select %lt3A_65, %jit3A_66, %jit3A_67 : i32
      %while3A_69 = arith.constant 0 : i32
      %while3A_70 = arith.constant 0 : i32
      %while3A_71 = arith.subi %select_n3A_68, %while3A_69 : i32
      %while3A_72 = arith.addi %while3A_69, %while3A_71 : i32
      %while3A_73 = arith.constant 1 : i32
      %while3A_74 = arith.divsi %while3A_71, %while3A_73 : i32
      %while3A_75 = arith.muli %while3A_74, %while3A_73 : i32
      %while3A_76 = arith.addi %while3A_69, %while3A_75 : i32
      %while3A_77 = arith.constant 1 : i32
      %while3A_78 = scf.for %while3A_81 = %while3A_69 to %while3A_76 step %while3A_77 iter_args(%while3A_82 = %while3A_70) -> (i32)  : i32 {
        %mul3A_83 = arith.constant 16 : i32
        %mul3A_84 = arith.muli %while3A_81, %mul3A_83 : i32
        %add3A_85 = arith.addi %arg1, %mul3A_84 : i32
        %mul3A_86 = arith.constant 80 : i32
        %mul3A_87 = arith.muli %add3A_85, %mul3A_86 : i32
        "tpu.region"() ({
          %run_scoped3A = tpu.sem_alloc : memref<!tpu.dma_semaphore, #tpu.memory_space<semaphore_mem>>
          %dma_start3A_89 = arith.constant 0 : i32
          %dma_start3A_90 = tpu.memref_slice %arg7[%mul3A_87, %dma_start3A_89] : memref<10000x128xf32, #tpu.memory_space<hbm>> -> memref<80x128xf32, #tpu.memory_space<hbm>>
          %dma_start3A_91 = arith.constant 0 : i32
          %dma_start3A_92 = tpu.memref_slice %arg17[%mul3A_87, %dma_start3A_91] : memref<10080x128xf32, #tpu.memory_space<vmem_shared>> -> memref<80x128xf32, #tpu.memory_space<vmem_shared>>
          tpu.enqueue_dma source(%dma_start3A_92 : memref<80x128xf32, #tpu.memory_space<vmem_shared>>) target(%dma_start3A_90 : memref<80x128xf32, #tpu.memory_space<hbm>>) target_semaphore(%run_scoped3A : memref<!tpu.dma_semaphore, #tpu.memory_space<semaphore_mem>>)
          %dma_wait3A = arith.constant 0 : i32
          %dma_wait3A_93 = tpu.memref_slice %arg7[%mul3A_87, %dma_wait3A] : memref<10000x128xf32, #tpu.memory_space<hbm>> -> memref<80x128xf32, #tpu.memory_space<hbm>>
          %dma_wait3A_94 = arith.constant 0 : i32
          %dma_wait3A_95 = tpu.memref_slice %arg17[%mul3A_87, %dma_wait3A_94] : memref<10080x128xf32, #tpu.memory_space<vmem_shared>> -> memref<80x128xf32, #tpu.memory_space<vmem_shared>>
          tpu.wait_dma2 semaphore(%run_scoped3A : memref<!tpu.dma_semaphore, #tpu.memory_space<semaphore_mem>>) src(%dma_wait3A_95 : memref<80x128xf32, #tpu.memory_space<vmem_shared>>) dst(%dma_wait3A_93 : memref<80x128xf32, #tpu.memory_space<hbm>>)
          tpu.yield
        }) : () -> ()
        %while3A_88 = arith.constant 0 : i32
        scf.yield %while3A_88 : i32
      }
      %while3A_79 = arith.constant 1 : i32
      %while3A_80 = scf.for %while3A_81 = %while3A_76 to %while3A_72 step %while3A_79 iter_args(%while3A_82 = %while3A_78) -> (i32)  : i32 {
        %mul3A_83 = arith.constant 16 : i32
        %mul3A_84 = arith.muli %while3A_81, %mul3A_83 : i32
        %add3A_85 = arith.addi %arg1, %mul3A_84 : i32
        %mul3A_86 = arith.constant 80 : i32
        %mul3A_87 = arith.muli %add3A_85, %mul3A_86 : i32
        "tpu.region"() ({
          %run_scoped3A = tpu.sem_alloc : memref<!tpu.dma_semaphore, #tpu.memory_space<semaphore_mem>>
          %dma_start3A_89 = arith.constant 0 : i32
          %dma_start3A_90 = tpu.memref_slice %arg7[%mul3A_87, %dma_start3A_89] : memref<10000x128xf32, #tpu.memory_space<hbm>> -> memref<80x128xf32, #tpu.memory_space<hbm>>
          %dma_start3A_91 = arith.constant 0 : i32
          %dma_start3A_92 = tpu.memref_slice %arg17[%mul3A_87, %dma_start3A_91] : memref<10080x128xf32, #tpu.memory_space<vmem_shared>> -> memref<80x128xf32, #tpu.memory_space<vmem_shared>>
          tpu.enqueue_dma source(%dma_start3A_92 : memref<80x128xf32, #tpu.memory_space<vmem_shared>>) target(%dma_start3A_90 : memref<80x128xf32, #tpu.memory_space<hbm>>) target_semaphore(%run_scoped3A : memref<!tpu.dma_semaphore, #tpu.memory_space<semaphore_mem>>)
          %dma_wait3A = arith.constant 0 : i32
          %dma_wait3A_93 = tpu.memref_slice %arg7[%mul3A_87, %dma_wait3A] : memref<10000x128xf32, #tpu.memory_space<hbm>> -> memref<80x128xf32, #tpu.memory_space<hbm>>
          %dma_wait3A_94 = arith.constant 0 : i32
          %dma_wait3A_95 = tpu.memref_slice %arg17[%mul3A_87, %dma_wait3A_94] : memref<10080x128xf32, #tpu.memory_space<vmem_shared>> -> memref<80x128xf32, #tpu.memory_space<vmem_shared>>
          tpu.wait_dma2 semaphore(%run_scoped3A : memref<!tpu.dma_semaphore, #tpu.memory_space<semaphore_mem>>) src(%dma_wait3A_95 : memref<80x128xf32, #tpu.memory_space<vmem_shared>>) dst(%dma_wait3A_93 : memref<80x128xf32, #tpu.memory_space<hbm>>)
          tpu.yield
        }) : () -> ()
        %while3A_88 = arith.constant 0 : i32
        scf.yield %while3A_88 : i32
      }
    } else {
    }
    return
  }
}

#map = affine_map<(d0, d1) -> (0)>
#map1 = affine_map<(d0, d1) -> (0, 0)>
module attributes {stable_mosaic.version = 14 : i64} {
  func.func @_deg_kernel(%arg0: i32, %arg1: i32, %arg2: memref<161280xi32, #tpu.memory_space<hbm>>, %arg3: memref<161280xi32, #tpu.memory_space<hbm>>, %arg4: memref<10000x128xf32, #tpu.memory_space<hbm>>, %arg5: memref<10000x128xf32, #tpu.memory_space<hbm>>, %arg6: memref<80xi32, #tpu.memory_space<vmem>>, %arg7: memref<80xi32, #tpu.memory_space<vmem>>, %arg8: memref<80x128xf32, #tpu.memory_space<vmem>>, %arg9: memref<10080x128xf32, #tpu.memory_space<vmem_shared>>, %arg10: memref<!tpu.dma_semaphore, #tpu.memory_space<semaphore_mem>>, %arg11: memref<!tpu.dma_semaphore, #tpu.memory_space<semaphore_mem>>) attributes {dimension_semantics = [#tpu.dimension_semantics<core_parallel>, #tpu.dimension_semantics<subcore_parallel>], iteration_bounds = array<i64: 2, 16>, scalar_prefetch = 0 : i64, scratch_operands = 6 : i64, tpu.core_type = #tpu.core_type<sc_vector_subcore>, window_params = [{transform_indices = #map}, {transform_indices = #map}, {transform_indices = #map1}, {transform_indices = #map1}]} {
    %scan3A = arith.constant 0 : i32
    %scan3A_0 = arith.constant 0 : i32
    %scan3A_1 = arith.constant 80 : i32
    %scan3A_2 = arith.addi %scan3A_0, %scan3A_1 : i32
    %scan3A_3 = arith.constant 1 : i32
    %scan3A_4 = scf.for %scan3A_33 = %scan3A_0 to %scan3A_2 step %scan3A_3 iter_args(%scan3A_34 = %scan3A) -> (i32)  : i32 {
      %broadcast_in_dim3A = arith.constant 0.000000e+00 : f32
      %broadcast_in_dim3A_35 = vector.broadcast %broadcast_in_dim3A : f32 to vector<16xf32>
      %swap3A = arith.index_cast %scan3A_33 : i32 to index
      %swap3A_36 = arith.constant 0 : index
      %swap3A_37 = tpu.vector_load %arg8[%swap3A, %swap3A_36] {strides = array<i32>} : memref<80x128xf32, #tpu.memory_space<vmem>>, vector<1x16xf32>,
      %swap3A_38 = vector.shape_cast %swap3A_37 : vector<1x16xf32> to vector<16xf32>
      %swap3A_39 = vector.shape_cast %broadcast_in_dim3A_35 : vector<16xf32> to vector<1x16xf32>
      tpu.vector_store %arg8[%swap3A, %swap3A_36], %swap3A_39 {strides = array<i32>} : memref<80x128xf32, #tpu.memory_space<vmem>>, vector<1x16xf32>,
      %broadcast_in_dim3A_40 = arith.constant 0.000000e+00 : f32
      %broadcast_in_dim3A_41 = vector.broadcast %broadcast_in_dim3A_40 : f32 to vector<16xf32>
      %swap3A_42 = arith.index_cast %scan3A_33 : i32 to index
      %swap3A_43 = arith.constant 16 : index
      %swap3A_44 = tpu.vector_load %arg8[%swap3A_42, %swap3A_43] {strides = array<i32>} : memref<80x128xf32, #tpu.memory_space<vmem>>, vector<1x16xf32>,
      %swap3A_45 = vector.shape_cast %swap3A_44 : vector<1x16xf32> to vector<16xf32>
      %swap3A_46 = vector.shape_cast %broadcast_in_dim3A_41 : vector<16xf32> to vector<1x16xf32>
      tpu.vector_store %arg8[%swap3A_42, %swap3A_43], %swap3A_46 {strides = array<i32>} : memref<80x128xf32, #tpu.memory_space<vmem>>, vector<1x16xf32>,
      %broadcast_in_dim3A_47 = arith.constant 0.000000e+00 : f32
      %broadcast_in_dim3A_48 = vector.broadcast %broadcast_in_dim3A_47 : f32 to vector<16xf32>
      %swap3A_49 = arith.index_cast %scan3A_33 : i32 to index
      %swap3A_50 = arith.constant 32 : index
      %swap3A_51 = tpu.vector_load %arg8[%swap3A_49, %swap3A_50] {strides = array<i32>} : memref<80x128xf32, #tpu.memory_space<vmem>>, vector<1x16xf32>,
      %swap3A_52 = vector.shape_cast %swap3A_51 : vector<1x16xf32> to vector<16xf32>
      %swap3A_53 = vector.shape_cast %broadcast_in_dim3A_48 : vector<16xf32> to vector<1x16xf32>
      tpu.vector_store %arg8[%swap3A_49, %swap3A_50], %swap3A_53 {strides = array<i32>} : memref<80x128xf32, #tpu.memory_space<vmem>>, vector<1x16xf32>,
      %broadcast_in_dim3A_54 = arith.constant 0.000000e+00 : f32
      %broadcast_in_dim3A_55 = vector.broadcast %broadcast_in_dim3A_54 : f32 to vector<16xf32>
      %swap3A_56 = arith.index_cast %scan3A_33 : i32 to index
      %swap3A_57 = arith.constant 48 : index
      %swap3A_58 = tpu.vector_load %arg8[%swap3A_56, %swap3A_57] {strides = array<i32>} : memref<80x128xf32, #tpu.memory_space<vmem>>, vector<1x16xf32>,
      %swap3A_59 = vector.shape_cast %swap3A_58 : vector<1x16xf32> to vector<16xf32>
      %swap3A_60 = vector.shape_cast %broadcast_in_dim3A_55 : vector<16xf32> to vector<1x16xf32>
      tpu.vector_store %arg8[%swap3A_56, %swap3A_57], %swap3A_60 {strides = array<i32>} : memref<80x128xf32, #tpu.memory_space<vmem>>, vector<1x16xf32>,
      %broadcast_in_dim3A_61 = arith.constant 0.000000e+00 : f32
      %broadcast_in_dim3A_62 = vector.broadcast %broadcast_in_dim3A_61 : f32 to vector<16xf32>
      %swap3A_63 = arith.index_cast %scan3A_33 : i32 to index
      %swap3A_64 = arith.constant 64 : index
      %swap3A_65 = tpu.vector_load %arg8[%swap3A_63, %swap3A_64] {strides = array<i32>} : memref<80x128xf32, #tpu.memory_space<vmem>>, vector<1x16xf32>,
      %swap3A_66 = vector.shape_cast %swap3A_65 : vector<1x16xf32> to vector<16xf32>
      %swap3A_67 = vector.shape_cast %broadcast_in_dim3A_62 : vector<16xf32> to vector<1x16xf32>
      tpu.vector_store %arg8[%swap3A_63, %swap3A_64], %swap3A_67 {strides = array<i32>} : memref<80x128xf32, #tpu.memory_space<vmem>>, vector<1x16xf32>,
      %broadcast_in_dim3A_68 = arith.constant 0.000000e+00 : f32
      %broadcast_in_dim3A_69 = vector.broadcast %broadcast_in_dim3A_68 : f32 to vector<16xf32>
      %swap3A_70 = arith.index_cast %scan3A_33 : i32 to index
      %swap3A_71 = arith.constant 80 : index
      %swap3A_72 = tpu.vector_load %arg8[%swap3A_70, %swap3A_71] {strides = array<i32>} : memref<80x128xf32, #tpu.memory_space<vmem>>, vector<1x16xf32>,
      %swap3A_73 = vector.shape_cast %swap3A_72 : vector<1x16xf32> to vector<16xf32>
      %swap3A_74 = vector.shape_cast %broadcast_in_dim3A_69 : vector<16xf32> to vector<1x16xf32>
      tpu.vector_store %arg8[%swap3A_70, %swap3A_71], %swap3A_74 {strides = array<i32>} : memref<80x128xf32, #tpu.memory_space<vmem>>, vector<1x16xf32>,
      %broadcast_in_dim3A_75 = arith.constant 0.000000e+00 : f32
      %broadcast_in_dim3A_76 = vector.broadcast %broadcast_in_dim3A_75 : f32 to vector<16xf32>
      %swap3A_77 = arith.index_cast %scan3A_33 : i32 to index
      %swap3A_78 = arith.constant 96 : index
      %swap3A_79 = tpu.vector_load %arg8[%swap3A_77, %swap3A_78] {strides = array<i32>} : memref<80x128xf32, #tpu.memory_space<vmem>>, vector<1x16xf32>,
      %swap3A_80 = vector.shape_cast %swap3A_79 : vector<1x16xf32> to vector<16xf32>
      %swap3A_81 = vector.shape_cast %broadcast_in_dim3A_76 : vector<16xf32> to vector<1x16xf32>
      tpu.vector_store %arg8[%swap3A_77, %swap3A_78], %swap3A_81 {strides = array<i32>} : memref<80x128xf32, #tpu.memory_space<vmem>>, vector<1x16xf32>,
      %broadcast_in_dim3A_82 = arith.constant 0.000000e+00 : f32
      %broadcast_in_dim3A_83 = vector.broadcast %broadcast_in_dim3A_82 : f32 to vector<16xf32>
      %swap3A_84 = arith.index_cast %scan3A_33 : i32 to index
      %swap3A_85 = arith.constant 112 : index
      %swap3A_86 = tpu.vector_load %arg8[%swap3A_84, %swap3A_85] {strides = array<i32>} : memref<80x128xf32, #tpu.memory_space<vmem>>, vector<1x16xf32>,
      %swap3A_87 = vector.shape_cast %swap3A_86 : vector<1x16xf32> to vector<16xf32>
      %swap3A_88 = vector.shape_cast %broadcast_in_dim3A_83 : vector<16xf32> to vector<1x16xf32>
      tpu.vector_store %arg8[%swap3A_84, %swap3A_85], %swap3A_88 {strides = array<i32>} : memref<80x128xf32, #tpu.memory_space<vmem>>, vector<1x16xf32>,
      %scan3A_89 = arith.constant 0 : i32
      scf.yield %scan3A_89 : i32
    }
    %scan3A_5 = arith.constant 80 : i32
    %lt3A = arith.constant 14 : i32
    %lt3A_6 = arith.cmpi slt, %arg1, %lt3A : i32
    %jit3A = arith.constant 8 : i32
    %jit3A_7 = arith.constant 7 : i32
    %select_n3A = arith.select %lt3A_6, %jit3A, %jit3A_7 : i32
    %while3A = arith.constant 0 : i32
    %while3A_8 = arith.constant 0 : i32
    %while3A_9 = arith.subi %select_n3A, %while3A : i32
    %while3A_10 = arith.addi %while3A, %while3A_9 : i32
    %while3A_11 = arith.constant 1 : i32
    %while3A_12 = arith.divsi %while3A_9, %while3A_11 : i32
    %while3A_13 = arith.muli %while3A_12, %while3A_11 : i32
    %while3A_14 = arith.addi %while3A, %while3A_13 : i32
    %while3A_15 = arith.constant 1 : i32
    %while3A_16 = scf.for %while3A_33 = %while3A to %while3A_14 step %while3A_15 iter_args(%while3A_34 = %while3A_8) -> (i32)  : i32 {
      %mul3A = arith.constant 16 : i32
      %mul3A_35 = arith.muli %while3A_33, %mul3A : i32
      %add3A = arith.addi %arg1, %mul3A_35 : i32
      %mul3A_36 = arith.constant 80 : i32
      %mul3A_37 = arith.muli %add3A, %mul3A_36 : i32
      "tpu.region"() ({
        %run_scoped3A = tpu.sem_alloc : memref<!tpu.dma_semaphore, #tpu.memory_space<semaphore_mem>>
        %dma_start3A = arith.constant 0 : i32
        %dma_start3A_39 = tpu.memref_slice %arg9[%mul3A_37, %dma_start3A] : memref<10080x128xf32, #tpu.memory_space<vmem_shared>> -> memref<80x128xf32, #tpu.memory_space<vmem_shared>>
        %dma_start3A_40 = arith.constant 0 : i32
        %dma_start3A_41 = tpu.memref_slice %arg9[%mul3A_37, %dma_start3A_40] : memref<10080x128xf32, #tpu.memory_space<vmem_shared>> -> memref<80x128xf32, #tpu.memory_space<vmem_shared>>
        tpu.enqueue_dma source(%arg8 : memref<80x128xf32, #tpu.memory_space<vmem>>) target(%dma_start3A_41 : memref<80x128xf32, #tpu.memory_space<vmem_shared>>) target_semaphore(%run_scoped3A : memref<!tpu.dma_semaphore, #tpu.memory_space<semaphore_mem>>)
        %dma_wait3A = arith.constant 0 : i32
        %dma_wait3A_42 = tpu.memref_slice %arg9[%mul3A_37, %dma_wait3A] : memref<10080x128xf32, #tpu.memory_space<vmem_shared>> -> memref<80x128xf32, #tpu.memory_space<vmem_shared>>
        %dma_wait3A_43 = arith.constant 0 : i32
        %dma_wait3A_44 = tpu.memref_slice %arg9[%mul3A_37, %dma_wait3A_43] : memref<10080x128xf32, #tpu.memory_space<vmem_shared>> -> memref<80x128xf32, #tpu.memory_space<vmem_shared>>
        tpu.wait_dma2 semaphore(%run_scoped3A : memref<!tpu.dma_semaphore, #tpu.memory_space<semaphore_mem>>) src(%arg8 : memref<80x128xf32, #tpu.memory_space<vmem>>) dst(%dma_wait3A_44 : memref<80x128xf32, #tpu.memory_space<vmem_shared>>)
        tpu.yield
      }) : () -> ()
      %while3A_38 = arith.constant 0 : i32
      scf.yield %while3A_38 : i32
    }
    %while3A_17 = arith.constant 1 : i32
    %while3A_18 = scf.for %while3A_33 = %while3A_14 to %while3A_10 step %while3A_17 iter_args(%while3A_34 = %while3A_16) -> (i32)  : i32 {
      %mul3A = arith.constant 16 : i32
      %mul3A_35 = arith.muli %while3A_33, %mul3A : i32
      %add3A = arith.addi %arg1, %mul3A_35 : i32
      %mul3A_36 = arith.constant 80 : i32
      %mul3A_37 = arith.muli %add3A, %mul3A_36 : i32
      "tpu.region"() ({
        %run_scoped3A = tpu.sem_alloc : memref<!tpu.dma_semaphore, #tpu.memory_space<semaphore_mem>>
        %dma_start3A = arith.constant 0 : i32
        %dma_start3A_39 = tpu.memref_slice %arg9[%mul3A_37, %dma_start3A] : memref<10080x128xf32, #tpu.memory_space<vmem_shared>> -> memref<80x128xf32, #tpu.memory_space<vmem_shared>>
        %dma_start3A_40 = arith.constant 0 : i32
        %dma_start3A_41 = tpu.memref_slice %arg9[%mul3A_37, %dma_start3A_40] : memref<10080x128xf32, #tpu.memory_space<vmem_shared>> -> memref<80x128xf32, #tpu.memory_space<vmem_shared>>
        tpu.enqueue_dma source(%arg8 : memref<80x128xf32, #tpu.memory_space<vmem>>) target(%dma_start3A_41 : memref<80x128xf32, #tpu.memory_space<vmem_shared>>) target_semaphore(%run_scoped3A : memref<!tpu.dma_semaphore, #tpu.memory_space<semaphore_mem>>)
        %dma_wait3A = arith.constant 0 : i32
        %dma_wait3A_42 = tpu.memref_slice %arg9[%mul3A_37, %dma_wait3A] : memref<10080x128xf32, #tpu.memory_space<vmem_shared>> -> memref<80x128xf32, #tpu.memory_space<vmem_shared>>
        %dma_wait3A_43 = arith.constant 0 : i32
        %dma_wait3A_44 = tpu.memref_slice %arg9[%mul3A_37, %dma_wait3A_43] : memref<10080x128xf32, #tpu.memory_space<vmem_shared>> -> memref<80x128xf32, #tpu.memory_space<vmem_shared>>
        tpu.wait_dma2 semaphore(%run_scoped3A : memref<!tpu.dma_semaphore, #tpu.memory_space<semaphore_mem>>) src(%arg8 : memref<80x128xf32, #tpu.memory_space<vmem>>) dst(%dma_wait3A_44 : memref<80x128xf32, #tpu.memory_space<vmem_shared>>)
        tpu.yield
      }) : () -> ()
      %while3A_38 = arith.constant 0 : i32
      scf.yield %while3A_38 : i32
    }
    %barrier3A = arith.constant 0 : index
    tpu.barrier barrier_id(%barrier3A)
    %scan3A_19 = arith.constant 0 : i32
    %scan3A_20 = arith.constant 0 : i32
    %scan3A_21 = arith.constant 80 : i32
    %scan3A_22 = arith.addi %scan3A_20, %scan3A_21 : i32
    %scan3A_23 = arith.constant 1 : i32
    %scan3A_24 = scf.for %scan3A_33 = %scan3A_20 to %scan3A_22 step %scan3A_23 iter_args(%scan3A_34 = %scan3A_19) -> (i32)  : i32 {
      %broadcast_in_dim3A = arith.constant 1.000000e+00 : f32
      %broadcast_in_dim3A_35 = vector.broadcast %broadcast_in_dim3A : f32 to vector<16xf32>
      %swap3A = arith.index_cast %scan3A_33 : i32 to index
      %swap3A_36 = arith.constant 0 : index
      %swap3A_37 = tpu.vector_load %arg8[%swap3A, %swap3A_36] {strides = array<i32>} : memref<80x128xf32, #tpu.memory_space<vmem>>, vector<1x16xf32>,
      %swap3A_38 = vector.shape_cast %swap3A_37 : vector<1x16xf32> to vector<16xf32>
      %swap3A_39 = vector.shape_cast %broadcast_in_dim3A_35 : vector<16xf32> to vector<1x16xf32>
      tpu.vector_store %arg8[%swap3A, %swap3A_36], %swap3A_39 {strides = array<i32>} : memref<80x128xf32, #tpu.memory_space<vmem>>, vector<1x16xf32>,
      %broadcast_in_dim3A_40 = arith.constant 1.000000e+00 : f32
      %broadcast_in_dim3A_41 = vector.broadcast %broadcast_in_dim3A_40 : f32 to vector<16xf32>
      %swap3A_42 = arith.index_cast %scan3A_33 : i32 to index
      %swap3A_43 = arith.constant 16 : index
      %swap3A_44 = tpu.vector_load %arg8[%swap3A_42, %swap3A_43] {strides = array<i32>} : memref<80x128xf32, #tpu.memory_space<vmem>>, vector<1x16xf32>,
      %swap3A_45 = vector.shape_cast %swap3A_44 : vector<1x16xf32> to vector<16xf32>
      %swap3A_46 = vector.shape_cast %broadcast_in_dim3A_41 : vector<16xf32> to vector<1x16xf32>
      tpu.vector_store %arg8[%swap3A_42, %swap3A_43], %swap3A_46 {strides = array<i32>} : memref<80x128xf32, #tpu.memory_space<vmem>>, vector<1x16xf32>,
      %broadcast_in_dim3A_47 = arith.constant 1.000000e+00 : f32
      %broadcast_in_dim3A_48 = vector.broadcast %broadcast_in_dim3A_47 : f32 to vector<16xf32>
      %swap3A_49 = arith.index_cast %scan3A_33 : i32 to index
      %swap3A_50 = arith.constant 32 : index
      %swap3A_51 = tpu.vector_load %arg8[%swap3A_49, %swap3A_50] {strides = array<i32>} : memref<80x128xf32, #tpu.memory_space<vmem>>, vector<1x16xf32>,
      %swap3A_52 = vector.shape_cast %swap3A_51 : vector<1x16xf32> to vector<16xf32>
      %swap3A_53 = vector.shape_cast %broadcast_in_dim3A_48 : vector<16xf32> to vector<1x16xf32>
      tpu.vector_store %arg8[%swap3A_49, %swap3A_50], %swap3A_53 {strides = array<i32>} : memref<80x128xf32, #tpu.memory_space<vmem>>, vector<1x16xf32>,
      %broadcast_in_dim3A_54 = arith.constant 1.000000e+00 : f32
      %broadcast_in_dim3A_55 = vector.broadcast %broadcast_in_dim3A_54 : f32 to vector<16xf32>
      %swap3A_56 = arith.index_cast %scan3A_33 : i32 to index
      %swap3A_57 = arith.constant 48 : index
      %swap3A_58 = tpu.vector_load %arg8[%swap3A_56, %swap3A_57] {strides = array<i32>} : memref<80x128xf32, #tpu.memory_space<vmem>>, vector<1x16xf32>,
      %swap3A_59 = vector.shape_cast %swap3A_58 : vector<1x16xf32> to vector<16xf32>
      %swap3A_60 = vector.shape_cast %broadcast_in_dim3A_55 : vector<16xf32> to vector<1x16xf32>
      tpu.vector_store %arg8[%swap3A_56, %swap3A_57], %swap3A_60 {strides = array<i32>} : memref<80x128xf32, #tpu.memory_space<vmem>>, vector<1x16xf32>,
      %broadcast_in_dim3A_61 = arith.constant 1.000000e+00 : f32
      %broadcast_in_dim3A_62 = vector.broadcast %broadcast_in_dim3A_61 : f32 to vector<16xf32>
      %swap3A_63 = arith.index_cast %scan3A_33 : i32 to index
      %swap3A_64 = arith.constant 64 : index
      %swap3A_65 = tpu.vector_load %arg8[%swap3A_63, %swap3A_64] {strides = array<i32>} : memref<80x128xf32, #tpu.memory_space<vmem>>, vector<1x16xf32>,
      %swap3A_66 = vector.shape_cast %swap3A_65 : vector<1x16xf32> to vector<16xf32>
      %swap3A_67 = vector.shape_cast %broadcast_in_dim3A_62 : vector<16xf32> to vector<1x16xf32>
      tpu.vector_store %arg8[%swap3A_63, %swap3A_64], %swap3A_67 {strides = array<i32>} : memref<80x128xf32, #tpu.memory_space<vmem>>, vector<1x16xf32>,
      %broadcast_in_dim3A_68 = arith.constant 1.000000e+00 : f32
      %broadcast_in_dim3A_69 = vector.broadcast %broadcast_in_dim3A_68 : f32 to vector<16xf32>
      %swap3A_70 = arith.index_cast %scan3A_33 : i32 to index
      %swap3A_71 = arith.constant 80 : index
      %swap3A_72 = tpu.vector_load %arg8[%swap3A_70, %swap3A_71] {strides = array<i32>} : memref<80x128xf32, #tpu.memory_space<vmem>>, vector<1x16xf32>,
      %swap3A_73 = vector.shape_cast %swap3A_72 : vector<1x16xf32> to vector<16xf32>
      %swap3A_74 = vector.shape_cast %broadcast_in_dim3A_69 : vector<16xf32> to vector<1x16xf32>
      tpu.vector_store %arg8[%swap3A_70, %swap3A_71], %swap3A_74 {strides = array<i32>} : memref<80x128xf32, #tpu.memory_space<vmem>>, vector<1x16xf32>,
      %broadcast_in_dim3A_75 = arith.constant 1.000000e+00 : f32
      %broadcast_in_dim3A_76 = vector.broadcast %broadcast_in_dim3A_75 : f32 to vector<16xf32>
      %swap3A_77 = arith.index_cast %scan3A_33 : i32 to index
      %swap3A_78 = arith.constant 96 : index
      %swap3A_79 = tpu.vector_load %arg8[%swap3A_77, %swap3A_78] {strides = array<i32>} : memref<80x128xf32, #tpu.memory_space<vmem>>, vector<1x16xf32>,
      %swap3A_80 = vector.shape_cast %swap3A_79 : vector<1x16xf32> to vector<16xf32>
      %swap3A_81 = vector.shape_cast %broadcast_in_dim3A_76 : vector<16xf32> to vector<1x16xf32>
      tpu.vector_store %arg8[%swap3A_77, %swap3A_78], %swap3A_81 {strides = array<i32>} : memref<80x128xf32, #tpu.memory_space<vmem>>, vector<1x16xf32>,
      %broadcast_in_dim3A_82 = arith.constant 1.000000e+00 : f32
      %broadcast_in_dim3A_83 = vector.broadcast %broadcast_in_dim3A_82 : f32 to vector<16xf32>
      %swap3A_84 = arith.index_cast %scan3A_33 : i32 to index
      %swap3A_85 = arith.constant 112 : index
      %swap3A_86 = tpu.vector_load %arg8[%swap3A_84, %swap3A_85] {strides = array<i32>} : memref<80x128xf32, #tpu.memory_space<vmem>>, vector<1x16xf32>,
      %swap3A_87 = vector.shape_cast %swap3A_86 : vector<1x16xf32> to vector<16xf32>
      %swap3A_88 = vector.shape_cast %broadcast_in_dim3A_83 : vector<16xf32> to vector<1x16xf32>
      tpu.vector_store %arg8[%swap3A_84, %swap3A_85], %swap3A_88 {strides = array<i32>} : memref<80x128xf32, #tpu.memory_space<vmem>>, vector<1x16xf32>,
      %scan3A_89 = arith.constant 0 : i32
      scf.yield %scan3A_89 : i32
    }
    %scan3A_25 = arith.constant 80 : i32
    %eq3A = arith.constant 0 : i32
    %eq3A_26 = arith.cmpi eq, %arg0, %eq3A : i32
    %convert_element_type3A = arith.extui %eq3A_26 : i1 to i32
    %cond3A = arith.constant 0 : i32
    %cond3A_27 = arith.cmpi ne, %convert_element_type3A, %cond3A : i32
    scf.if %cond3A_27 {
      %mul3A = arith.constant 10080 : i32
      %mul3A_33 = arith.muli %arg1, %mul3A : i32
      %add3A = arith.constant 0 : i32
      %add3A_34 = arith.addi %mul3A_33, %add3A : i32
      "tpu.region"() ({
        %run_scoped3A = tpu.sem_alloc : memref<!tpu.dma_semaphore, #tpu.memory_space<semaphore_mem>>
        %dma_start3A = tpu.memref_slice %arg2[%add3A_34] : memref<161280xi32, #tpu.memory_space<hbm>> -> memref<80xi32, #tpu.memory_space<hbm>>
        %dma_start3A_60 = tpu.memref_slice %arg2[%add3A_34] : memref<161280xi32, #tpu.memory_space<hbm>> -> memref<80xi32, #tpu.memory_space<hbm>>
        tpu.enqueue_dma source(%dma_start3A_60 : memref<80xi32, #tpu.memory_space<hbm>>) target(%arg6 : memref<80xi32, #tpu.memory_space<vmem>>) target_semaphore(%run_scoped3A : memref<!tpu.dma_semaphore, #tpu.memory_space<semaphore_mem>>)
        %dma_wait3A = tpu.memref_slice %arg2[%add3A_34] : memref<161280xi32, #tpu.memory_space<hbm>> -> memref<80xi32, #tpu.memory_space<hbm>>
        %dma_wait3A_61 = tpu.memref_slice %arg2[%add3A_34] : memref<161280xi32, #tpu.memory_space<hbm>> -> memref<80xi32, #tpu.memory_space<hbm>>
        tpu.wait_dma2 semaphore(%run_scoped3A : memref<!tpu.dma_semaphore, #tpu.memory_space<semaphore_mem>>) src(%dma_wait3A_61 : memref<80xi32, #tpu.memory_space<hbm>>) dst(%arg6 : memref<80xi32, #tpu.memory_space<vmem>>)
        tpu.yield
      }) : () -> ()
      %scan3A_35 = arith.constant 0 : i32
      %scan3A_36 = arith.constant 0 : i32
      %scan3A_37 = arith.constant 63 : i32
      %scan3A_38 = arith.addi %scan3A_36, %scan3A_37 : i32
      %scan3A_39 = arith.constant 1 : i32
      %scan3A_40 = scf.for %scan3A_60 = %scan3A_36 to %scan3A_38 step %scan3A_39 iter_args(%scan3A_61 = %scan3A_35) -> (i32)  : i32 {
        %mul3A_62 = arith.constant 2 : i32
        %mul3A_63 = arith.muli %mul3A_62, %scan3A_60 : i32
        %add3A_64 = arith.constant 1 : i32
        %add3A_65 = arith.addi %mul3A_63, %add3A_64 : i32
        %mul3A_66 = arith.constant 10080 : i32
        %mul3A_67 = arith.muli %arg1, %mul3A_66 : i32
        %mul3A_68 = arith.constant 80 : i32
        %mul3A_69 = arith.muli %add3A_65, %mul3A_68 : i32
        %add3A_70 = arith.addi %mul3A_67, %mul3A_69 : i32
        %dma_start3A = tpu.memref_slice %arg2[%add3A_70] : memref<161280xi32, #tpu.memory_space<hbm>> -> memref<80xi32, #tpu.memory_space<hbm>>
        %dma_start3A_71 = tpu.memref_slice %arg2[%add3A_70] : memref<161280xi32, #tpu.memory_space<hbm>> -> memref<80xi32, #tpu.memory_space<hbm>>
        tpu.enqueue_dma source(%dma_start3A_71 : memref<80xi32, #tpu.memory_space<hbm>>) target(%arg7 : memref<80xi32, #tpu.memory_space<vmem>>) target_semaphore(%arg11 : memref<!tpu.dma_semaphore, #tpu.memory_space<semaphore_mem>>)
        "tpu.region"() ({
          %run_scoped3A = tpu.sem_alloc : memref<!tpu.dma_semaphore, #tpu.memory_space<semaphore_mem>>
          %dma_start3A_89 = arith.constant 0 : i32
          %dma_start3A_90 = arith.constant 0 : i32
          %dma_start3A_91 = tpu.memref_slice %arg9[%dma_start3A_89, %dma_start3A_90] : memref<10080x128xf32, #tpu.memory_space<vmem_shared>> -> memref<10080x128xf32, #tpu.memory_space<vmem_shared>>
          tpu.enqueue_indirect_dma source(%arg8 : memref<80x128xf32, #tpu.memory_space<vmem>>) target(%dma_start3A_91 : memref<10080x128xf32, #tpu.memory_space<vmem_shared>>) offsets(%arg6 : memref<80xi32, #tpu.memory_space<vmem>>) semaphore(%run_scoped3A : memref<!tpu.dma_semaphore, #tpu.memory_space<semaphore_mem>>) {add = true}
          %dma_wait3A_92 = arith.constant 0 : i32
          %dma_wait3A_93 = arith.constant 0 : i32
          %dma_wait3A_94 = tpu.memref_slice %arg9[%dma_wait3A_92, %dma_wait3A_93] : memref<10080x128xf32, #tpu.memory_space<vmem_shared>> -> memref<10080x128xf32, #tpu.memory_space<vmem_shared>>
          tpu.wait_indirect_dma semaphore(%run_scoped3A : memref<!tpu.dma_semaphore, #tpu.memory_space<semaphore_mem>>) src(%arg8 : memref<80x128xf32, #tpu.memory_space<vmem>>) dst(%dma_wait3A_94 : memref<10080x128xf32, #tpu.memory_space<vmem_shared>>)
          tpu.yield
        }) : () -> ()
        %lt3A_72 = arith.constant 62 : i32
        %lt3A_73 = arith.cmpi slt, %scan3A_60, %lt3A_72 : i32
        %convert_element_type3A_74 = arith.extui %lt3A_73 : i1 to i32
        %cond3A_75 = arith.constant 0 : i32
        %cond3A_76 = arith.cmpi ne, %convert_element_type3A_74, %cond3A_75 : i32
        scf.if %cond3A_76 {
          %add3A_89 = arith.constant 2 : i32
          %add3A_90 = arith.addi %mul3A_63, %add3A_89 : i32
          %mul3A_91 = arith.constant 10080 : i32
          %mul3A_92 = arith.muli %arg1, %mul3A_91 : i32
          %mul3A_93 = arith.constant 80 : i32
          %mul3A_94 = arith.muli %add3A_90, %mul3A_93 : i32
          %add3A_95 = arith.addi %mul3A_92, %mul3A_94 : i32
          %dma_start3A_96 = tpu.memref_slice %arg2[%add3A_95] : memref<161280xi32, #tpu.memory_space<hbm>> -> memref<80xi32, #tpu.memory_space<hbm>>
          %dma_start3A_97 = tpu.memref_slice %arg2[%add3A_95] : memref<161280xi32, #tpu.memory_space<hbm>> -> memref<80xi32, #tpu.memory_space<hbm>>
          tpu.enqueue_dma source(%dma_start3A_97 : memref<80xi32, #tpu.memory_space<hbm>>) target(%arg6 : memref<80xi32, #tpu.memory_space<vmem>>) target_semaphore(%arg10 : memref<!tpu.dma_semaphore, #tpu.memory_space<semaphore_mem>>)
        } else {
        }
        %mul3A_77 = arith.constant 10080 : i32
        %mul3A_78 = arith.muli %arg1, %mul3A_77 : i32
        %mul3A_79 = arith.constant 80 : i32
        %mul3A_80 = arith.muli %add3A_65, %mul3A_79 : i32
        %add3A_81 = arith.addi %mul3A_78, %mul3A_80 : i32
        %dma_wait3A = tpu.memref_slice %arg2[%add3A_81] : memref<161280xi32, #tpu.memory_space<hbm>> -> memref<80xi32, #tpu.memory_space<hbm>>
        %dma_wait3A_82 = tpu.memref_slice %arg2[%add3A_81] : memref<161280xi32, #tpu.memory_space<hbm>> -> memref<80xi32, #tpu.memory_space<hbm>>
        tpu.wait_dma2 semaphore(%arg11 : memref<!tpu.dma_semaphore, #tpu.memory_space<semaphore_mem>>) src(%dma_wait3A_82 : memref<80xi32, #tpu.memory_space<hbm>>) dst(%arg7 : memref<80xi32, #tpu.memory_space<vmem>>)
        "tpu.region"() ({
          %run_scoped3A = tpu.sem_alloc : memref<!tpu.dma_semaphore, #tpu.memory_space<semaphore_mem>>
          %dma_start3A_89 = arith.constant 0 : i32
          %dma_start3A_90 = arith.constant 0 : i32
          %dma_start3A_91 = tpu.memref_slice %arg9[%dma_start3A_89, %dma_start3A_90] : memref<10080x128xf32, #tpu.memory_space<vmem_shared>> -> memref<10080x128xf32, #tpu.memory_space<vmem_shared>>
          tpu.enqueue_indirect_dma source(%arg8 : memref<80x128xf32, #tpu.memory_space<vmem>>) target(%dma_start3A_91 : memref<10080x128xf32, #tpu.memory_space<vmem_shared>>) offsets(%arg7 : memref<80xi32, #tpu.memory_space<vmem>>) semaphore(%run_scoped3A : memref<!tpu.dma_semaphore, #tpu.memory_space<semaphore_mem>>) {add = true}
          %dma_wait3A_92 = arith.constant 0 : i32
          %dma_wait3A_93 = arith.constant 0 : i32
          %dma_wait3A_94 = tpu.memref_slice %arg9[%dma_wait3A_92, %dma_wait3A_93] : memref<10080x128xf32, #tpu.memory_space<vmem_shared>> -> memref<10080x128xf32, #tpu.memory_space<vmem_shared>>
          tpu.wait_indirect_dma semaphore(%run_scoped3A : memref<!tpu.dma_semaphore, #tpu.memory_space<semaphore_mem>>) src(%arg8 : memref<80x128xf32, #tpu.memory_space<vmem>>) dst(%dma_wait3A_94 : memref<10080x128xf32, #tpu.memory_space<vmem_shared>>)
          tpu.yield
        }) : () -> ()
        %lt3A_83 = arith.constant 62 : i32
        %lt3A_84 = arith.cmpi slt, %scan3A_60, %lt3A_83 : i32
        %convert_element_type3A_85 = arith.extui %lt3A_84 : i1 to i32
        %cond3A_86 = arith.constant 0 : i32
        %cond3A_87 = arith.cmpi ne, %convert_element_type3A_85, %cond3A_86 : i32
        scf.if %cond3A_87 {
          %add3A_89 = arith.constant 2 : i32
          %add3A_90 = arith.addi %mul3A_63, %add3A_89 : i32
          %mul3A_91 = arith.constant 10080 : i32
          %mul3A_92 = arith.muli %arg1, %mul3A_91 : i32
          %mul3A_93 = arith.constant 80 : i32
          %mul3A_94 = arith.muli %add3A_90, %mul3A_93 : i32
          %add3A_95 = arith.addi %mul3A_92, %mul3A_94 : i32
          %dma_wait3A_96 = tpu.memref_slice %arg2[%add3A_95] : memref<161280xi32, #tpu.memory_space<hbm>> -> memref<80xi32, #tpu.memory_space<hbm>>
          %dma_wait3A_97 = tpu.memref_slice %arg2[%add3A_95] : memref<161280xi32, #tpu.memory_space<hbm>> -> memref<80xi32, #tpu.memory_space<hbm>>
          tpu.wait_dma2 semaphore(%arg10 : memref<!tpu.dma_semaphore, #tpu.memory_space<semaphore_mem>>) src(%dma_wait3A_97 : memref<80xi32, #tpu.memory_space<hbm>>) dst(%arg6 : memref<80xi32, #tpu.memory_space<vmem>>)
        } else {
        }
        %scan3A_88 = arith.constant 0 : i32
        scf.yield %scan3A_88 : i32
      }
      %scan3A_41 = arith.constant 63 : i32
      %barrier3A_42 = arith.constant 0 : index
      tpu.barrier barrier_id(%barrier3A_42)
      %lt3A_43 = arith.constant 13 : i32
      %lt3A_44 = arith.cmpi slt, %arg1, %lt3A_43 : i32
      %jit3A_45 = arith.constant 8 : i32
      %jit3A_46 = arith.constant 7 : i32
      %select_n3A_47 = arith.select %lt3A_44, %jit3A_45, %jit3A_46 : i32
      %while3A_48 = arith.constant 0 : i32
      %while3A_49 = arith.constant 0 : i32
      %while3A_50 = arith.subi %select_n3A_47, %while3A_48 : i32
      %while3A_51 = arith.addi %while3A_48, %while3A_50 : i32
      %while3A_52 = arith.constant 1 : i32
      %while3A_53 = arith.divsi %while3A_50, %while3A_52 : i32
      %while3A_54 = arith.muli %while3A_53, %while3A_52 : i32
      %while3A_55 = arith.addi %while3A_48, %while3A_54 : i32
      %while3A_56 = arith.constant 1 : i32
      %while3A_57 = scf.for %while3A_60 = %while3A_48 to %while3A_55 step %while3A_56 iter_args(%while3A_61 = %while3A_49) -> (i32)  : i32 {
        %mul3A_62 = arith.constant 16 : i32
        %mul3A_63 = arith.muli %while3A_60, %mul3A_62 : i32
        %add3A_64 = arith.addi %arg1, %mul3A_63 : i32
        %mul3A_65 = arith.constant 80 : i32
        %mul3A_66 = arith.muli %add3A_64, %mul3A_65 : i32
        "tpu.region"() ({
          %run_scoped3A = tpu.sem_alloc : memref<!tpu.dma_semaphore, #tpu.memory_space<semaphore_mem>>
          %dma_start3A = arith.constant 0 : i32
          %dma_start3A_68 = tpu.memref_slice %arg4[%mul3A_66, %dma_start3A] : memref<10000x128xf32, #tpu.memory_space<hbm>> -> memref<80x128xf32, #tpu.memory_space<hbm>>
          %dma_start3A_69 = arith.constant 0 : i32
          %dma_start3A_70 = tpu.memref_slice %arg9[%mul3A_66, %dma_start3A_69] : memref<10080x128xf32, #tpu.memory_space<vmem_shared>> -> memref<80x128xf32, #tpu.memory_space<vmem_shared>>
          tpu.enqueue_dma source(%dma_start3A_70 : memref<80x128xf32, #tpu.memory_space<vmem_shared>>) target(%dma_start3A_68 : memref<80x128xf32, #tpu.memory_space<hbm>>) target_semaphore(%run_scoped3A : memref<!tpu.dma_semaphore, #tpu.memory_space<semaphore_mem>>)
          %dma_wait3A = arith.constant 0 : i32
          %dma_wait3A_71 = tpu.memref_slice %arg4[%mul3A_66, %dma_wait3A] : memref<10000x128xf32, #tpu.memory_space<hbm>> -> memref<80x128xf32, #tpu.memory_space<hbm>>
          %dma_wait3A_72 = arith.constant 0 : i32
          %dma_wait3A_73 = tpu.memref_slice %arg9[%mul3A_66, %dma_wait3A_72] : memref<10080x128xf32, #tpu.memory_space<vmem_shared>> -> memref<80x128xf32, #tpu.memory_space<vmem_shared>>
          tpu.wait_dma2 semaphore(%run_scoped3A : memref<!tpu.dma_semaphore, #tpu.memory_space<semaphore_mem>>) src(%dma_wait3A_73 : memref<80x128xf32, #tpu.memory_space<vmem_shared>>) dst(%dma_wait3A_71 : memref<80x128xf32, #tpu.memory_space<hbm>>)
          tpu.yield
        }) : () -> ()
        %while3A_67 = arith.constant 0 : i32
        scf.yield %while3A_67 : i32
      }
      %while3A_58 = arith.constant 1 : i32
      %while3A_59 = scf.for %while3A_60 = %while3A_55 to %while3A_51 step %while3A_58 iter_args(%while3A_61 = %while3A_57) -> (i32)  : i32 {
        %mul3A_62 = arith.constant 16 : i32
        %mul3A_63 = arith.muli %while3A_60, %mul3A_62 : i32
        %add3A_64 = arith.addi %arg1, %mul3A_63 : i32
        %mul3A_65 = arith.constant 80 : i32
        %mul3A_66 = arith.muli %add3A_64, %mul3A_65 : i32
        "tpu.region"() ({
          %run_scoped3A = tpu.sem_alloc : memref<!tpu.dma_semaphore, #tpu.memory_space<semaphore_mem>>
          %dma_start3A = arith.constant 0 : i32
          %dma_start3A_68 = tpu.memref_slice %arg4[%mul3A_66, %dma_start3A] : memref<10000x128xf32, #tpu.memory_space<hbm>> -> memref<80x128xf32, #tpu.memory_space<hbm>>
          %dma_start3A_69 = arith.constant 0 : i32
          %dma_start3A_70 = tpu.memref_slice %arg9[%mul3A_66, %dma_start3A_69] : memref<10080x128xf32, #tpu.memory_space<vmem_shared>> -> memref<80x128xf32, #tpu.memory_space<vmem_shared>>
          tpu.enqueue_dma source(%dma_start3A_70 : memref<80x128xf32, #tpu.memory_space<vmem_shared>>) target(%dma_start3A_68 : memref<80x128xf32, #tpu.memory_space<hbm>>) target_semaphore(%run_scoped3A : memref<!tpu.dma_semaphore, #tpu.memory_space<semaphore_mem>>)
          %dma_wait3A = arith.constant 0 : i32
          %dma_wait3A_71 = tpu.memref_slice %arg4[%mul3A_66, %dma_wait3A] : memref<10000x128xf32, #tpu.memory_space<hbm>> -> memref<80x128xf32, #tpu.memory_space<hbm>>
          %dma_wait3A_72 = arith.constant 0 : i32
          %dma_wait3A_73 = tpu.memref_slice %arg9[%mul3A_66, %dma_wait3A_72] : memref<10080x128xf32, #tpu.memory_space<vmem_shared>> -> memref<80x128xf32, #tpu.memory_space<vmem_shared>>
          tpu.wait_dma2 semaphore(%run_scoped3A : memref<!tpu.dma_semaphore, #tpu.memory_space<semaphore_mem>>) src(%dma_wait3A_73 : memref<80x128xf32, #tpu.memory_space<vmem_shared>>) dst(%dma_wait3A_71 : memref<80x128xf32, #tpu.memory_space<hbm>>)
          tpu.yield
        }) : () -> ()
        %while3A_67 = arith.constant 0 : i32
        scf.yield %while3A_67 : i32
      }
    } else {
    }
    %eq3A_28 = arith.constant 1 : i32
    %eq3A_29 = arith.cmpi eq, %arg0, %eq3A_28 : i32
    %convert_element_type3A_30 = arith.extui %eq3A_29 : i1 to i32
    %cond3A_31 = arith.constant 0 : i32
    %cond3A_32 = arith.cmpi ne, %convert_element_type3A_30, %cond3A_31 : i32
    scf.if %cond3A_32 {
      %mul3A = arith.constant 10080 : i32
      %mul3A_33 = arith.muli %arg1, %mul3A : i32
      %add3A = arith.constant 0 : i32
      %add3A_34 = arith.addi %mul3A_33, %add3A : i32
      "tpu.region"() ({
        %run_scoped3A = tpu.sem_alloc : memref<!tpu.dma_semaphore, #tpu.memory_space<semaphore_mem>>
        %dma_start3A = tpu.memref_slice %arg3[%add3A_34] : memref<161280xi32, #tpu.memory_space<hbm>> -> memref<80xi32, #tpu.memory_space<hbm>>
        %dma_start3A_60 = tpu.memref_slice %arg3[%add3A_34] : memref<161280xi32, #tpu.memory_space<hbm>> -> memref<80xi32, #tpu.memory_space<hbm>>
        tpu.enqueue_dma source(%dma_start3A_60 : memref<80xi32, #tpu.memory_space<hbm>>) target(%arg6 : memref<80xi32, #tpu.memory_space<vmem>>) target_semaphore(%run_scoped3A : memref<!tpu.dma_semaphore, #tpu.memory_space<semaphore_mem>>)
        %dma_wait3A = tpu.memref_slice %arg3[%add3A_34] : memref<161280xi32, #tpu.memory_space<hbm>> -> memref<80xi32, #tpu.memory_space<hbm>>
        %dma_wait3A_61 = tpu.memref_slice %arg3[%add3A_34] : memref<161280xi32, #tpu.memory_space<hbm>> -> memref<80xi32, #tpu.memory_space<hbm>>
        tpu.wait_dma2 semaphore(%run_scoped3A : memref<!tpu.dma_semaphore, #tpu.memory_space<semaphore_mem>>) src(%dma_wait3A_61 : memref<80xi32, #tpu.memory_space<hbm>>) dst(%arg6 : memref<80xi32, #tpu.memory_space<vmem>>)
        tpu.yield
      }) : () -> ()
      %scan3A_35 = arith.constant 0 : i32
      %scan3A_36 = arith.constant 0 : i32
      %scan3A_37 = arith.constant 63 : i32
      %scan3A_38 = arith.addi %scan3A_36, %scan3A_37 : i32
      %scan3A_39 = arith.constant 1 : i32
      %scan3A_40 = scf.for %scan3A_60 = %scan3A_36 to %scan3A_38 step %scan3A_39 iter_args(%scan3A_61 = %scan3A_35) -> (i32)  : i32 {
        %mul3A_62 = arith.constant 2 : i32
        %mul3A_63 = arith.muli %mul3A_62, %scan3A_60 : i32
        %add3A_64 = arith.constant 1 : i32
        %add3A_65 = arith.addi %mul3A_63, %add3A_64 : i32
        %mul3A_66 = arith.constant 10080 : i32
        %mul3A_67 = arith.muli %arg1, %mul3A_66 : i32
        %mul3A_68 = arith.constant 80 : i32
        %mul3A_69 = arith.muli %add3A_65, %mul3A_68 : i32
        %add3A_70 = arith.addi %mul3A_67, %mul3A_69 : i32
        %dma_start3A = tpu.memref_slice %arg3[%add3A_70] : memref<161280xi32, #tpu.memory_space<hbm>> -> memref<80xi32, #tpu.memory_space<hbm>>
        %dma_start3A_71 = tpu.memref_slice %arg3[%add3A_70] : memref<161280xi32, #tpu.memory_space<hbm>> -> memref<80xi32, #tpu.memory_space<hbm>>
        tpu.enqueue_dma source(%dma_start3A_71 : memref<80xi32, #tpu.memory_space<hbm>>) target(%arg7 : memref<80xi32, #tpu.memory_space<vmem>>) target_semaphore(%arg11 : memref<!tpu.dma_semaphore, #tpu.memory_space<semaphore_mem>>)
        "tpu.region"() ({
          %run_scoped3A = tpu.sem_alloc : memref<!tpu.dma_semaphore, #tpu.memory_space<semaphore_mem>>
          %dma_start3A_89 = arith.constant 0 : i32
          %dma_start3A_90 = arith.constant 0 : i32
          %dma_start3A_91 = tpu.memref_slice %arg9[%dma_start3A_89, %dma_start3A_90] : memref<10080x128xf32, #tpu.memory_space<vmem_shared>> -> memref<10080x128xf32, #tpu.memory_space<vmem_shared>>
          tpu.enqueue_indirect_dma source(%arg8 : memref<80x128xf32, #tpu.memory_space<vmem>>) target(%dma_start3A_91 : memref<10080x128xf32, #tpu.memory_space<vmem_shared>>) offsets(%arg6 : memref<80xi32, #tpu.memory_space<vmem>>) semaphore(%run_scoped3A : memref<!tpu.dma_semaphore, #tpu.memory_space<semaphore_mem>>) {add = true}
          %dma_wait3A_92 = arith.constant 0 : i32
          %dma_wait3A_93 = arith.constant 0 : i32
          %dma_wait3A_94 = tpu.memref_slice %arg9[%dma_wait3A_92, %dma_wait3A_93] : memref<10080x128xf32, #tpu.memory_space<vmem_shared>> -> memref<10080x128xf32, #tpu.memory_space<vmem_shared>>
          tpu.wait_indirect_dma semaphore(%run_scoped3A : memref<!tpu.dma_semaphore, #tpu.memory_space<semaphore_mem>>) src(%arg8 : memref<80x128xf32, #tpu.memory_space<vmem>>) dst(%dma_wait3A_94 : memref<10080x128xf32, #tpu.memory_space<vmem_shared>>)
          tpu.yield
        }) : () -> ()
        %lt3A_72 = arith.constant 62 : i32
        %lt3A_73 = arith.cmpi slt, %scan3A_60, %lt3A_72 : i32
        %convert_element_type3A_74 = arith.extui %lt3A_73 : i1 to i32
        %cond3A_75 = arith.constant 0 : i32
        %cond3A_76 = arith.cmpi ne, %convert_element_type3A_74, %cond3A_75 : i32
        scf.if %cond3A_76 {
          %add3A_89 = arith.constant 2 : i32
          %add3A_90 = arith.addi %mul3A_63, %add3A_89 : i32
          %mul3A_91 = arith.constant 10080 : i32
          %mul3A_92 = arith.muli %arg1, %mul3A_91 : i32
          %mul3A_93 = arith.constant 80 : i32
          %mul3A_94 = arith.muli %add3A_90, %mul3A_93 : i32
          %add3A_95 = arith.addi %mul3A_92, %mul3A_94 : i32
          %dma_start3A_96 = tpu.memref_slice %arg3[%add3A_95] : memref<161280xi32, #tpu.memory_space<hbm>> -> memref<80xi32, #tpu.memory_space<hbm>>
          %dma_start3A_97 = tpu.memref_slice %arg3[%add3A_95] : memref<161280xi32, #tpu.memory_space<hbm>> -> memref<80xi32, #tpu.memory_space<hbm>>
          tpu.enqueue_dma source(%dma_start3A_97 : memref<80xi32, #tpu.memory_space<hbm>>) target(%arg6 : memref<80xi32, #tpu.memory_space<vmem>>) target_semaphore(%arg10 : memref<!tpu.dma_semaphore, #tpu.memory_space<semaphore_mem>>)
        } else {
        }
        %mul3A_77 = arith.constant 10080 : i32
        %mul3A_78 = arith.muli %arg1, %mul3A_77 : i32
        %mul3A_79 = arith.constant 80 : i32
        %mul3A_80 = arith.muli %add3A_65, %mul3A_79 : i32
        %add3A_81 = arith.addi %mul3A_78, %mul3A_80 : i32
        %dma_wait3A = tpu.memref_slice %arg3[%add3A_81] : memref<161280xi32, #tpu.memory_space<hbm>> -> memref<80xi32, #tpu.memory_space<hbm>>
        %dma_wait3A_82 = tpu.memref_slice %arg3[%add3A_81] : memref<161280xi32, #tpu.memory_space<hbm>> -> memref<80xi32, #tpu.memory_space<hbm>>
        tpu.wait_dma2 semaphore(%arg11 : memref<!tpu.dma_semaphore, #tpu.memory_space<semaphore_mem>>) src(%dma_wait3A_82 : memref<80xi32, #tpu.memory_space<hbm>>) dst(%arg7 : memref<80xi32, #tpu.memory_space<vmem>>)
        "tpu.region"() ({
          %run_scoped3A = tpu.sem_alloc : memref<!tpu.dma_semaphore, #tpu.memory_space<semaphore_mem>>
          %dma_start3A_89 = arith.constant 0 : i32
          %dma_start3A_90 = arith.constant 0 : i32
          %dma_start3A_91 = tpu.memref_slice %arg9[%dma_start3A_89, %dma_start3A_90] : memref<10080x128xf32, #tpu.memory_space<vmem_shared>> -> memref<10080x128xf32, #tpu.memory_space<vmem_shared>>
          tpu.enqueue_indirect_dma source(%arg8 : memref<80x128xf32, #tpu.memory_space<vmem>>) target(%dma_start3A_91 : memref<10080x128xf32, #tpu.memory_space<vmem_shared>>) offsets(%arg7 : memref<80xi32, #tpu.memory_space<vmem>>) semaphore(%run_scoped3A : memref<!tpu.dma_semaphore, #tpu.memory_space<semaphore_mem>>) {add = true}
          %dma_wait3A_92 = arith.constant 0 : i32
          %dma_wait3A_93 = arith.constant 0 : i32
          %dma_wait3A_94 = tpu.memref_slice %arg9[%dma_wait3A_92, %dma_wait3A_93] : memref<10080x128xf32, #tpu.memory_space<vmem_shared>> -> memref<10080x128xf32, #tpu.memory_space<vmem_shared>>
          tpu.wait_indirect_dma semaphore(%run_scoped3A : memref<!tpu.dma_semaphore, #tpu.memory_space<semaphore_mem>>) src(%arg8 : memref<80x128xf32, #tpu.memory_space<vmem>>) dst(%dma_wait3A_94 : memref<10080x128xf32, #tpu.memory_space<vmem_shared>>)
          tpu.yield
        }) : () -> ()
        %lt3A_83 = arith.constant 62 : i32
        %lt3A_84 = arith.cmpi slt, %scan3A_60, %lt3A_83 : i32
        %convert_element_type3A_85 = arith.extui %lt3A_84 : i1 to i32
        %cond3A_86 = arith.constant 0 : i32
        %cond3A_87 = arith.cmpi ne, %convert_element_type3A_85, %cond3A_86 : i32
        scf.if %cond3A_87 {
          %add3A_89 = arith.constant 2 : i32
          %add3A_90 = arith.addi %mul3A_63, %add3A_89 : i32
          %mul3A_91 = arith.constant 10080 : i32
          %mul3A_92 = arith.muli %arg1, %mul3A_91 : i32
          %mul3A_93 = arith.constant 80 : i32
          %mul3A_94 = arith.muli %add3A_90, %mul3A_93 : i32
          %add3A_95 = arith.addi %mul3A_92, %mul3A_94 : i32
          %dma_wait3A_96 = tpu.memref_slice %arg3[%add3A_95] : memref<161280xi32, #tpu.memory_space<hbm>> -> memref<80xi32, #tpu.memory_space<hbm>>
          %dma_wait3A_97 = tpu.memref_slice %arg3[%add3A_95] : memref<161280xi32, #tpu.memory_space<hbm>> -> memref<80xi32, #tpu.memory_space<hbm>>
          tpu.wait_dma2 semaphore(%arg10 : memref<!tpu.dma_semaphore, #tpu.memory_space<semaphore_mem>>) src(%dma_wait3A_97 : memref<80xi32, #tpu.memory_space<hbm>>) dst(%arg6 : memref<80xi32, #tpu.memory_space<vmem>>)
        } else {
        }
        %scan3A_88 = arith.constant 0 : i32
        scf.yield %scan3A_88 : i32
      }
      %scan3A_41 = arith.constant 63 : i32
      %barrier3A_42 = arith.constant 0 : index
      tpu.barrier barrier_id(%barrier3A_42)
      %lt3A_43 = arith.constant 13 : i32
      %lt3A_44 = arith.cmpi slt, %arg1, %lt3A_43 : i32
      %jit3A_45 = arith.constant 8 : i32
      %jit3A_46 = arith.constant 7 : i32
      %select_n3A_47 = arith.select %lt3A_44, %jit3A_45, %jit3A_46 : i32
      %while3A_48 = arith.constant 0 : i32
      %while3A_49 = arith.constant 0 : i32
      %while3A_50 = arith.subi %select_n3A_47, %while3A_48 : i32
      %while3A_51 = arith.addi %while3A_48, %while3A_50 : i32
      %while3A_52 = arith.constant 1 : i32
      %while3A_53 = arith.divsi %while3A_50, %while3A_52 : i32
      %while3A_54 = arith.muli %while3A_53, %while3A_52 : i32
      %while3A_55 = arith.addi %while3A_48, %while3A_54 : i32
      %while3A_56 = arith.constant 1 : i32
      %while3A_57 = scf.for %while3A_60 = %while3A_48 to %while3A_55 step %while3A_56 iter_args(%while3A_61 = %while3A_49) -> (i32)  : i32 {
        %mul3A_62 = arith.constant 16 : i32
        %mul3A_63 = arith.muli %while3A_60, %mul3A_62 : i32
        %add3A_64 = arith.addi %arg1, %mul3A_63 : i32
        %mul3A_65 = arith.constant 80 : i32
        %mul3A_66 = arith.muli %add3A_64, %mul3A_65 : i32
        "tpu.region"() ({
          %run_scoped3A = tpu.sem_alloc : memref<!tpu.dma_semaphore, #tpu.memory_space<semaphore_mem>>
          %dma_start3A = arith.constant 0 : i32
          %dma_start3A_68 = tpu.memref_slice %arg5[%mul3A_66, %dma_start3A] : memref<10000x128xf32, #tpu.memory_space<hbm>> -> memref<80x128xf32, #tpu.memory_space<hbm>>
          %dma_start3A_69 = arith.constant 0 : i32
          %dma_start3A_70 = tpu.memref_slice %arg9[%mul3A_66, %dma_start3A_69] : memref<10080x128xf32, #tpu.memory_space<vmem_shared>> -> memref<80x128xf32, #tpu.memory_space<vmem_shared>>
          tpu.enqueue_dma source(%dma_start3A_70 : memref<80x128xf32, #tpu.memory_space<vmem_shared>>) target(%dma_start3A_68 : memref<80x128xf32, #tpu.memory_space<hbm>>) target_semaphore(%run_scoped3A : memref<!tpu.dma_semaphore, #tpu.memory_space<semaphore_mem>>)
          %dma_wait3A = arith.constant 0 : i32
          %dma_wait3A_71 = tpu.memref_slice %arg5[%mul3A_66, %dma_wait3A] : memref<10000x128xf32, #tpu.memory_space<hbm>> -> memref<80x128xf32, #tpu.memory_space<hbm>>
          %dma_wait3A_72 = arith.constant 0 : i32
          %dma_wait3A_73 = tpu.memref_slice %arg9[%mul3A_66, %dma_wait3A_72] : memref<10080x128xf32, #tpu.memory_space<vmem_shared>> -> memref<80x128xf32, #tpu.memory_space<vmem_shared>>
          tpu.wait_dma2 semaphore(%run_scoped3A : memref<!tpu.dma_semaphore, #tpu.memory_space<semaphore_mem>>) src(%dma_wait3A_73 : memref<80x128xf32, #tpu.memory_space<vmem_shared>>) dst(%dma_wait3A_71 : memref<80x128xf32, #tpu.memory_space<hbm>>)
          tpu.yield
        }) : () -> ()
        %while3A_67 = arith.constant 0 : i32
        scf.yield %while3A_67 : i32
      }
      %while3A_58 = arith.constant 1 : i32
      %while3A_59 = scf.for %while3A_60 = %while3A_55 to %while3A_51 step %while3A_58 iter_args(%while3A_61 = %while3A_57) -> (i32)  : i32 {
        %mul3A_62 = arith.constant 16 : i32
        %mul3A_63 = arith.muli %while3A_60, %mul3A_62 : i32
        %add3A_64 = arith.addi %arg1, %mul3A_63 : i32
        %mul3A_65 = arith.constant 80 : i32
        %mul3A_66 = arith.muli %add3A_64, %mul3A_65 : i32
        "tpu.region"() ({
          %run_scoped3A = tpu.sem_alloc : memref<!tpu.dma_semaphore, #tpu.memory_space<semaphore_mem>>
          %dma_start3A = arith.constant 0 : i32
          %dma_start3A_68 = tpu.memref_slice %arg5[%mul3A_66, %dma_start3A] : memref<10000x128xf32, #tpu.memory_space<hbm>> -> memref<80x128xf32, #tpu.memory_space<hbm>>
          %dma_start3A_69 = arith.constant 0 : i32
          %dma_start3A_70 = tpu.memref_slice %arg9[%mul3A_66, %dma_start3A_69] : memref<10080x128xf32, #tpu.memory_space<vmem_shared>> -> memref<80x128xf32, #tpu.memory_space<vmem_shared>>
          tpu.enqueue_dma source(%dma_start3A_70 : memref<80x128xf32, #tpu.memory_space<vmem_shared>>) target(%dma_start3A_68 : memref<80x128xf32, #tpu.memory_space<hbm>>) target_semaphore(%run_scoped3A : memref<!tpu.dma_semaphore, #tpu.memory_space<semaphore_mem>>)
          %dma_wait3A = arith.constant 0 : i32
          %dma_wait3A_71 = tpu.memref_slice %arg5[%mul3A_66, %dma_wait3A] : memref<10000x128xf32, #tpu.memory_space<hbm>> -> memref<80x128xf32, #tpu.memory_space<hbm>>
          %dma_wait3A_72 = arith.constant 0 : i32
          %dma_wait3A_73 = tpu.memref_slice %arg9[%mul3A_66, %dma_wait3A_72] : memref<10080x128xf32, #tpu.memory_space<vmem_shared>> -> memref<80x128xf32, #tpu.memory_space<vmem_shared>>
          tpu.wait_dma2 semaphore(%run_scoped3A : memref<!tpu.dma_semaphore, #tpu.memory_space<semaphore_mem>>) src(%dma_wait3A_73 : memref<80x128xf32, #tpu.memory_space<vmem_shared>>) dst(%dma_wait3A_71 : memref<80x128xf32, #tpu.memory_space<hbm>>)
          tpu.yield
        }) : () -> ()
        %while3A_67 = arith.constant 0 : i32
        scf.yield %while3A_67 : i32
      }
    } else {
    }
    return
  }
}

#map = affine_map<(d0, d1) -> (0, 0)>
#map1 = affine_map<(d0, d1) -> (0)>
module attributes {stable_mosaic.version = 14 : i64} {
  func.func @_agg_kernel(%arg0: i32, %arg1: i32, %arg2: memref<10000x128xf32, #tpu.memory_space<hbm>>, %arg3: memref<10000x128xf32, #tpu.memory_space<hbm>>, %arg4: memref<161280xi32, #tpu.memory_space<hbm>>, %arg5: memref<161280xi32, #tpu.memory_space<hbm>>, %arg6: memref<10000x128xf32, #tpu.memory_space<hbm>>, %arg7: memref<10000x128xf32, #tpu.memory_space<hbm>>, %arg8: memref<80xi32, #tpu.memory_space<vmem>>, %arg9: memref<80xi32, #tpu.memory_space<vmem>>, %arg10: memref<80xi32, #tpu.memory_space<vmem>>, %arg11: memref<80xi32, #tpu.memory_space<vmem>>, %arg12: memref<80xi32, #tpu.memory_space<vmem>>, %arg13: memref<80xi32, #tpu.memory_space<vmem>>, %arg14: memref<80x128xf32, #tpu.memory_space<vmem>>, %arg15: memref<80x128xf32, #tpu.memory_space<vmem>>, %arg16: memref<80x128xf32, #tpu.memory_space<vmem>>, %arg17: memref<10080x128xf32, #tpu.memory_space<vmem_shared>>, %arg18: memref<!tpu.dma_semaphore, #tpu.memory_space<semaphore_mem>>, %arg19: memref<!tpu.dma_semaphore, #tpu.memory_space<semaphore_mem>>, %arg20: memref<!tpu.dma_semaphore, #tpu.memory_space<semaphore_mem>>) attributes {dimension_semantics = [#tpu.dimension_semantics<core_parallel>, #tpu.dimension_semantics<subcore_parallel>], iteration_bounds = array<i64: 2, 16>, scalar_prefetch = 0 : i64, scratch_operands = 13 : i64, tpu.core_type = #tpu.core_type<sc_vector_subcore>, window_params = [{transform_indices = #map}, {transform_indices = #map}, {transform_indices = #map1}, {transform_indices = #map1}, {transform_indices = #map}, {transform_indices = #map}]} {
    %scan3A = arith.constant 0 : i32
    %scan3A_0 = arith.constant 0 : i32
    %scan3A_1 = arith.constant 80 : i32
    %scan3A_2 = arith.addi %scan3A_0, %scan3A_1 : i32
    %scan3A_3 = arith.constant 1 : i32
    %scan3A_4 = scf.for %scan3A_26 = %scan3A_0 to %scan3A_2 step %scan3A_3 iter_args(%scan3A_27 = %scan3A) -> (i32)  : i32 {
      %broadcast_in_dim3A = arith.constant 0.000000e+00 : f32
      %broadcast_in_dim3A_28 = vector.broadcast %broadcast_in_dim3A : f32 to vector<16xf32>
      %swap3A = arith.index_cast %scan3A_26 : i32 to index
      %swap3A_29 = arith.constant 0 : index
      %swap3A_30 = tpu.vector_load %arg14[%swap3A, %swap3A_29] {strides = array<i32>} : memref<80x128xf32, #tpu.memory_space<vmem>>, vector<1x16xf32>,
      %swap3A_31 = vector.shape_cast %swap3A_30 : vector<1x16xf32> to vector<16xf32>
      %swap3A_32 = vector.shape_cast %broadcast_in_dim3A_28 : vector<16xf32> to vector<1x16xf32>
      tpu.vector_store %arg14[%swap3A, %swap3A_29], %swap3A_32 {strides = array<i32>} : memref<80x128xf32, #tpu.memory_space<vmem>>, vector<1x16xf32>,
      %broadcast_in_dim3A_33 = arith.constant 0.000000e+00 : f32
      %broadcast_in_dim3A_34 = vector.broadcast %broadcast_in_dim3A_33 : f32 to vector<16xf32>
      %swap3A_35 = arith.index_cast %scan3A_26 : i32 to index
      %swap3A_36 = arith.constant 16 : index
      %swap3A_37 = tpu.vector_load %arg14[%swap3A_35, %swap3A_36] {strides = array<i32>} : memref<80x128xf32, #tpu.memory_space<vmem>>, vector<1x16xf32>,
      %swap3A_38 = vector.shape_cast %swap3A_37 : vector<1x16xf32> to vector<16xf32>
      %swap3A_39 = vector.shape_cast %broadcast_in_dim3A_34 : vector<16xf32> to vector<1x16xf32>
      tpu.vector_store %arg14[%swap3A_35, %swap3A_36], %swap3A_39 {strides = array<i32>} : memref<80x128xf32, #tpu.memory_space<vmem>>, vector<1x16xf32>,
      %broadcast_in_dim3A_40 = arith.constant 0.000000e+00 : f32
      %broadcast_in_dim3A_41 = vector.broadcast %broadcast_in_dim3A_40 : f32 to vector<16xf32>
      %swap3A_42 = arith.index_cast %scan3A_26 : i32 to index
      %swap3A_43 = arith.constant 32 : index
      %swap3A_44 = tpu.vector_load %arg14[%swap3A_42, %swap3A_43] {strides = array<i32>} : memref<80x128xf32, #tpu.memory_space<vmem>>, vector<1x16xf32>,
      %swap3A_45 = vector.shape_cast %swap3A_44 : vector<1x16xf32> to vector<16xf32>
      %swap3A_46 = vector.shape_cast %broadcast_in_dim3A_41 : vector<16xf32> to vector<1x16xf32>
      tpu.vector_store %arg14[%swap3A_42, %swap3A_43], %swap3A_46 {strides = array<i32>} : memref<80x128xf32, #tpu.memory_space<vmem>>, vector<1x16xf32>,
      %broadcast_in_dim3A_47 = arith.constant 0.000000e+00 : f32
      %broadcast_in_dim3A_48 = vector.broadcast %broadcast_in_dim3A_47 : f32 to vector<16xf32>
      %swap3A_49 = arith.index_cast %scan3A_26 : i32 to index
      %swap3A_50 = arith.constant 48 : index
      %swap3A_51 = tpu.vector_load %arg14[%swap3A_49, %swap3A_50] {strides = array<i32>} : memref<80x128xf32, #tpu.memory_space<vmem>>, vector<1x16xf32>,
      %swap3A_52 = vector.shape_cast %swap3A_51 : vector<1x16xf32> to vector<16xf32>
      %swap3A_53 = vector.shape_cast %broadcast_in_dim3A_48 : vector<16xf32> to vector<1x16xf32>
      tpu.vector_store %arg14[%swap3A_49, %swap3A_50], %swap3A_53 {strides = array<i32>} : memref<80x128xf32, #tpu.memory_space<vmem>>, vector<1x16xf32>,
      %broadcast_in_dim3A_54 = arith.constant 0.000000e+00 : f32
      %broadcast_in_dim3A_55 = vector.broadcast %broadcast_in_dim3A_54 : f32 to vector<16xf32>
      %swap3A_56 = arith.index_cast %scan3A_26 : i32 to index
      %swap3A_57 = arith.constant 64 : index
      %swap3A_58 = tpu.vector_load %arg14[%swap3A_56, %swap3A_57] {strides = array<i32>} : memref<80x128xf32, #tpu.memory_space<vmem>>, vector<1x16xf32>,
      %swap3A_59 = vector.shape_cast %swap3A_58 : vector<1x16xf32> to vector<16xf32>
      %swap3A_60 = vector.shape_cast %broadcast_in_dim3A_55 : vector<16xf32> to vector<1x16xf32>
      tpu.vector_store %arg14[%swap3A_56, %swap3A_57], %swap3A_60 {strides = array<i32>} : memref<80x128xf32, #tpu.memory_space<vmem>>, vector<1x16xf32>,
      %broadcast_in_dim3A_61 = arith.constant 0.000000e+00 : f32
      %broadcast_in_dim3A_62 = vector.broadcast %broadcast_in_dim3A_61 : f32 to vector<16xf32>
      %swap3A_63 = arith.index_cast %scan3A_26 : i32 to index
      %swap3A_64 = arith.constant 80 : index
      %swap3A_65 = tpu.vector_load %arg14[%swap3A_63, %swap3A_64] {strides = array<i32>} : memref<80x128xf32, #tpu.memory_space<vmem>>, vector<1x16xf32>,
      %swap3A_66 = vector.shape_cast %swap3A_65 : vector<1x16xf32> to vector<16xf32>
      %swap3A_67 = vector.shape_cast %broadcast_in_dim3A_62 : vector<16xf32> to vector<1x16xf32>
      tpu.vector_store %arg14[%swap3A_63, %swap3A_64], %swap3A_67 {strides = array<i32>} : memref<80x128xf32, #tpu.memory_space<vmem>>, vector<1x16xf32>,
      %broadcast_in_dim3A_68 = arith.constant 0.000000e+00 : f32
      %broadcast_in_dim3A_69 = vector.broadcast %broadcast_in_dim3A_68 : f32 to vector<16xf32>
      %swap3A_70 = arith.index_cast %scan3A_26 : i32 to index
      %swap3A_71 = arith.constant 96 : index
      %swap3A_72 = tpu.vector_load %arg14[%swap3A_70, %swap3A_71] {strides = array<i32>} : memref<80x128xf32, #tpu.memory_space<vmem>>, vector<1x16xf32>,
      %swap3A_73 = vector.shape_cast %swap3A_72 : vector<1x16xf32> to vector<16xf32>
      %swap3A_74 = vector.shape_cast %broadcast_in_dim3A_69 : vector<16xf32> to vector<1x16xf32>
      tpu.vector_store %arg14[%swap3A_70, %swap3A_71], %swap3A_74 {strides = array<i32>} : memref<80x128xf32, #tpu.memory_space<vmem>>, vector<1x16xf32>,
      %broadcast_in_dim3A_75 = arith.constant 0.000000e+00 : f32
      %broadcast_in_dim3A_76 = vector.broadcast %broadcast_in_dim3A_75 : f32 to vector<16xf32>
      %swap3A_77 = arith.index_cast %scan3A_26 : i32 to index
      %swap3A_78 = arith.constant 112 : index
      %swap3A_79 = tpu.vector_load %arg14[%swap3A_77, %swap3A_78] {strides = array<i32>} : memref<80x128xf32, #tpu.memory_space<vmem>>, vector<1x16xf32>,
      %swap3A_80 = vector.shape_cast %swap3A_79 : vector<1x16xf32> to vector<16xf32>
      %swap3A_81 = vector.shape_cast %broadcast_in_dim3A_76 : vector<16xf32> to vector<1x16xf32>
      tpu.vector_store %arg14[%swap3A_77, %swap3A_78], %swap3A_81 {strides = array<i32>} : memref<80x128xf32, #tpu.memory_space<vmem>>, vector<1x16xf32>,
      %scan3A_82 = arith.constant 0 : i32
      scf.yield %scan3A_82 : i32
    }
    %scan3A_5 = arith.constant 80 : i32
    %lt3A = arith.constant 14 : i32
    %lt3A_6 = arith.cmpi slt, %arg1, %lt3A : i32
    %jit3A = arith.constant 8 : i32
    %jit3A_7 = arith.constant 7 : i32
    %select_n3A = arith.select %lt3A_6, %jit3A, %jit3A_7 : i32
    %while3A = arith.constant 0 : i32
    %while3A_8 = arith.constant 0 : i32
    %while3A_9 = arith.subi %select_n3A, %while3A : i32
    %while3A_10 = arith.addi %while3A, %while3A_9 : i32
    %while3A_11 = arith.constant 1 : i32
    %while3A_12 = arith.divsi %while3A_9, %while3A_11 : i32
    %while3A_13 = arith.muli %while3A_12, %while3A_11 : i32
    %while3A_14 = arith.addi %while3A, %while3A_13 : i32
    %while3A_15 = arith.constant 1 : i32
    %while3A_16 = scf.for %while3A_26 = %while3A to %while3A_14 step %while3A_15 iter_args(%while3A_27 = %while3A_8) -> (i32)  : i32 {
      %mul3A = arith.constant 16 : i32
      %mul3A_28 = arith.muli %while3A_26, %mul3A : i32
      %add3A = arith.addi %arg1, %mul3A_28 : i32
      %mul3A_29 = arith.constant 80 : i32
      %mul3A_30 = arith.muli %add3A, %mul3A_29 : i32
      "tpu.region"() ({
        %run_scoped3A = tpu.sem_alloc : memref<!tpu.dma_semaphore, #tpu.memory_space<semaphore_mem>>
        %dma_start3A = arith.constant 0 : i32
        %dma_start3A_32 = tpu.memref_slice %arg17[%mul3A_30, %dma_start3A] : memref<10080x128xf32, #tpu.memory_space<vmem_shared>> -> memref<80x128xf32, #tpu.memory_space<vmem_shared>>
        %dma_start3A_33 = arith.constant 0 : i32
        %dma_start3A_34 = tpu.memref_slice %arg17[%mul3A_30, %dma_start3A_33] : memref<10080x128xf32, #tpu.memory_space<vmem_shared>> -> memref<80x128xf32, #tpu.memory_space<vmem_shared>>
        tpu.enqueue_dma source(%arg14 : memref<80x128xf32, #tpu.memory_space<vmem>>) target(%dma_start3A_34 : memref<80x128xf32, #tpu.memory_space<vmem_shared>>) target_semaphore(%run_scoped3A : memref<!tpu.dma_semaphore, #tpu.memory_space<semaphore_mem>>)
        %dma_wait3A = arith.constant 0 : i32
        %dma_wait3A_35 = tpu.memref_slice %arg17[%mul3A_30, %dma_wait3A] : memref<10080x128xf32, #tpu.memory_space<vmem_shared>> -> memref<80x128xf32, #tpu.memory_space<vmem_shared>>
        %dma_wait3A_36 = arith.constant 0 : i32
        %dma_wait3A_37 = tpu.memref_slice %arg17[%mul3A_30, %dma_wait3A_36] : memref<10080x128xf32, #tpu.memory_space<vmem_shared>> -> memref<80x128xf32, #tpu.memory_space<vmem_shared>>
        tpu.wait_dma2 semaphore(%run_scoped3A : memref<!tpu.dma_semaphore, #tpu.memory_space<semaphore_mem>>) src(%arg14 : memref<80x128xf32, #tpu.memory_space<vmem>>) dst(%dma_wait3A_37 : memref<80x128xf32, #tpu.memory_space<vmem_shared>>)
        tpu.yield
      }) : () -> ()
      %while3A_31 = arith.constant 0 : i32
      scf.yield %while3A_31 : i32
    }
    %while3A_17 = arith.constant 1 : i32
    %while3A_18 = scf.for %while3A_26 = %while3A_14 to %while3A_10 step %while3A_17 iter_args(%while3A_27 = %while3A_16) -> (i32)  : i32 {
      %mul3A = arith.constant 16 : i32
      %mul3A_28 = arith.muli %while3A_26, %mul3A : i32
      %add3A = arith.addi %arg1, %mul3A_28 : i32
      %mul3A_29 = arith.constant 80 : i32
      %mul3A_30 = arith.muli %add3A, %mul3A_29 : i32
      "tpu.region"() ({
        %run_scoped3A = tpu.sem_alloc : memref<!tpu.dma_semaphore, #tpu.memory_space<semaphore_mem>>
        %dma_start3A = arith.constant 0 : i32
        %dma_start3A_32 = tpu.memref_slice %arg17[%mul3A_30, %dma_start3A] : memref<10080x128xf32, #tpu.memory_space<vmem_shared>> -> memref<80x128xf32, #tpu.memory_space<vmem_shared>>
        %dma_start3A_33 = arith.constant 0 : i32
        %dma_start3A_34 = tpu.memref_slice %arg17[%mul3A_30, %dma_start3A_33] : memref<10080x128xf32, #tpu.memory_space<vmem_shared>> -> memref<80x128xf32, #tpu.memory_space<vmem_shared>>
        tpu.enqueue_dma source(%arg14 : memref<80x128xf32, #tpu.memory_space<vmem>>) target(%dma_start3A_34 : memref<80x128xf32, #tpu.memory_space<vmem_shared>>) target_semaphore(%run_scoped3A : memref<!tpu.dma_semaphore, #tpu.memory_space<semaphore_mem>>)
        %dma_wait3A = arith.constant 0 : i32
        %dma_wait3A_35 = tpu.memref_slice %arg17[%mul3A_30, %dma_wait3A] : memref<10080x128xf32, #tpu.memory_space<vmem_shared>> -> memref<80x128xf32, #tpu.memory_space<vmem_shared>>
        %dma_wait3A_36 = arith.constant 0 : i32
        %dma_wait3A_37 = tpu.memref_slice %arg17[%mul3A_30, %dma_wait3A_36] : memref<10080x128xf32, #tpu.memory_space<vmem_shared>> -> memref<80x128xf32, #tpu.memory_space<vmem_shared>>
        tpu.wait_dma2 semaphore(%run_scoped3A : memref<!tpu.dma_semaphore, #tpu.memory_space<semaphore_mem>>) src(%arg14 : memref<80x128xf32, #tpu.memory_space<vmem>>) dst(%dma_wait3A_37 : memref<80x128xf32, #tpu.memory_space<vmem_shared>>)
        tpu.yield
      }) : () -> ()
      %while3A_31 = arith.constant 0 : i32
      scf.yield %while3A_31 : i32
    }
    %barrier3A = arith.constant 0 : index
    tpu.barrier barrier_id(%barrier3A)
    %eq3A = arith.constant 0 : i32
    %eq3A_19 = arith.cmpi eq, %arg0, %eq3A : i32
    %convert_element_type3A = arith.extui %eq3A_19 : i1 to i32
    %cond3A = arith.constant 0 : i32
    %cond3A_20 = arith.cmpi ne, %convert_element_type3A, %cond3A : i32
    scf.if %cond3A_20 {
      %mul3A = arith.constant 10080 : i32
      %mul3A_26 = arith.muli %arg1, %mul3A : i32
      %add3A = arith.constant 0 : i32
      %add3A_27 = arith.addi %mul3A_26, %add3A : i32
      "tpu.region"() ({
        %run_scoped3A = tpu.sem_alloc : memref<!tpu.dma_semaphore, #tpu.memory_space<semaphore_mem>>
        %dma_start3A_81 = tpu.memref_slice %arg4[%add3A_27] : memref<161280xi32, #tpu.memory_space<hbm>> -> memref<80xi32, #tpu.memory_space<hbm>>
        %dma_start3A_82 = tpu.memref_slice %arg4[%add3A_27] : memref<161280xi32, #tpu.memory_space<hbm>> -> memref<80xi32, #tpu.memory_space<hbm>>
        tpu.enqueue_dma source(%dma_start3A_82 : memref<80xi32, #tpu.memory_space<hbm>>) target(%arg8 : memref<80xi32, #tpu.memory_space<vmem>>) target_semaphore(%run_scoped3A : memref<!tpu.dma_semaphore, #tpu.memory_space<semaphore_mem>>)
        %dma_wait3A = tpu.memref_slice %arg4[%add3A_27] : memref<161280xi32, #tpu.memory_space<hbm>> -> memref<80xi32, #tpu.memory_space<hbm>>
        %dma_wait3A_83 = tpu.memref_slice %arg4[%add3A_27] : memref<161280xi32, #tpu.memory_space<hbm>> -> memref<80xi32, #tpu.memory_space<hbm>>
        tpu.wait_dma2 semaphore(%run_scoped3A : memref<!tpu.dma_semaphore, #tpu.memory_space<semaphore_mem>>) src(%dma_wait3A_83 : memref<80xi32, #tpu.memory_space<hbm>>) dst(%arg8 : memref<80xi32, #tpu.memory_space<vmem>>)
        tpu.yield
      }) : () -> ()
      %mul3A_28 = arith.constant 10080 : i32
      %mul3A_29 = arith.muli %arg1, %mul3A_28 : i32
      %add3A_30 = arith.constant 0 : i32
      %add3A_31 = arith.addi %mul3A_29, %add3A_30 : i32
      "tpu.region"() ({
        %run_scoped3A = tpu.sem_alloc : memref<!tpu.dma_semaphore, #tpu.memory_space<semaphore_mem>>
        %dma_start3A_81 = tpu.memref_slice %arg5[%add3A_31] : memref<161280xi32, #tpu.memory_space<hbm>> -> memref<80xi32, #tpu.memory_space<hbm>>
        %dma_start3A_82 = tpu.memref_slice %arg5[%add3A_31] : memref<161280xi32, #tpu.memory_space<hbm>> -> memref<80xi32, #tpu.memory_space<hbm>>
        tpu.enqueue_dma source(%dma_start3A_82 : memref<80xi32, #tpu.memory_space<hbm>>) target(%arg9 : memref<80xi32, #tpu.memory_space<vmem>>) target_semaphore(%run_scoped3A : memref<!tpu.dma_semaphore, #tpu.memory_space<semaphore_mem>>)
        %dma_wait3A = tpu.memref_slice %arg5[%add3A_31] : memref<161280xi32, #tpu.memory_space<hbm>> -> memref<80xi32, #tpu.memory_space<hbm>>
        %dma_wait3A_83 = tpu.memref_slice %arg5[%add3A_31] : memref<161280xi32, #tpu.memory_space<hbm>> -> memref<80xi32, #tpu.memory_space<hbm>>
        tpu.wait_dma2 semaphore(%run_scoped3A : memref<!tpu.dma_semaphore, #tpu.memory_space<semaphore_mem>>) src(%dma_wait3A_83 : memref<80xi32, #tpu.memory_space<hbm>>) dst(%arg9 : memref<80xi32, #tpu.memory_space<vmem>>)
        tpu.yield
      }) : () -> ()
      %dma_start3A = arith.constant 0 : i32
      %dma_start3A_32 = arith.constant 0 : i32
      %dma_start3A_33 = tpu.memref_slice %arg2[%dma_start3A, %dma_start3A_32] : memref<10000x128xf32, #tpu.memory_space<hbm>> -> memref<10000x128xf32, #tpu.memory_space<hbm>>
      tpu.enqueue_indirect_dma source(%dma_start3A_33 : memref<10000x128xf32, #tpu.memory_space<hbm>>) target(%arg14 : memref<80x128xf32, #tpu.memory_space<vmem>>) offsets(%arg8 : memref<80xi32, #tpu.memory_space<vmem>>) semaphore(%arg18 : memref<!tpu.dma_semaphore, #tpu.memory_space<semaphore_mem>>)
      %mul3A_34 = arith.constant 10080 : i32
      %mul3A_35 = arith.muli %arg1, %mul3A_34 : i32
      %add3A_36 = arith.constant 80 : i32
      %add3A_37 = arith.addi %mul3A_35, %add3A_36 : i32
      "tpu.region"() ({
        %run_scoped3A = tpu.sem_alloc : memref<!tpu.dma_semaphore, #tpu.memory_space<semaphore_mem>>
        %dma_start3A_81 = tpu.memref_slice %arg4[%add3A_37] : memref<161280xi32, #tpu.memory_space<hbm>> -> memref<80xi32, #tpu.memory_space<hbm>>
        %dma_start3A_82 = tpu.memref_slice %arg4[%add3A_37] : memref<161280xi32, #tpu.memory_space<hbm>> -> memref<80xi32, #tpu.memory_space<hbm>>
        tpu.enqueue_dma source(%dma_start3A_82 : memref<80xi32, #tpu.memory_space<hbm>>) target(%arg10 : memref<80xi32, #tpu.memory_space<vmem>>) target_semaphore(%run_scoped3A : memref<!tpu.dma_semaphore, #tpu.memory_space<semaphore_mem>>)
        %dma_wait3A = tpu.memref_slice %arg4[%add3A_37] : memref<161280xi32, #tpu.memory_space<hbm>> -> memref<80xi32, #tpu.memory_space<hbm>>
        %dma_wait3A_83 = tpu.memref_slice %arg4[%add3A_37] : memref<161280xi32, #tpu.memory_space<hbm>> -> memref<80xi32, #tpu.memory_space<hbm>>
        tpu.wait_dma2 semaphore(%run_scoped3A : memref<!tpu.dma_semaphore, #tpu.memory_space<semaphore_mem>>) src(%dma_wait3A_83 : memref<80xi32, #tpu.memory_space<hbm>>) dst(%arg10 : memref<80xi32, #tpu.memory_space<vmem>>)
        tpu.yield
      }) : () -> ()
      %mul3A_38 = arith.constant 10080 : i32
      %mul3A_39 = arith.muli %arg1, %mul3A_38 : i32
      %add3A_40 = arith.constant 80 : i32
      %add3A_41 = arith.addi %mul3A_39, %add3A_40 : i32
      "tpu.region"() ({
        %run_scoped3A = tpu.sem_alloc : memref<!tpu.dma_semaphore, #tpu.memory_space<semaphore_mem>>
        %dma_start3A_81 = tpu.memref_slice %arg5[%add3A_41] : memref<161280xi32, #tpu.memory_space<hbm>> -> memref<80xi32, #tpu.memory_space<hbm>>
        %dma_start3A_82 = tpu.memref_slice %arg5[%add3A_41] : memref<161280xi32, #tpu.memory_space<hbm>> -> memref<80xi32, #tpu.memory_space<hbm>>
        tpu.enqueue_dma source(%dma_start3A_82 : memref<80xi32, #tpu.memory_space<hbm>>) target(%arg11 : memref<80xi32, #tpu.memory_space<vmem>>) target_semaphore(%run_scoped3A : memref<!tpu.dma_semaphore, #tpu.memory_space<semaphore_mem>>)
        %dma_wait3A = tpu.memref_slice %arg5[%add3A_41] : memref<161280xi32, #tpu.memory_space<hbm>> -> memref<80xi32, #tpu.memory_space<hbm>>
        %dma_wait3A_83 = tpu.memref_slice %arg5[%add3A_41] : memref<161280xi32, #tpu.memory_space<hbm>> -> memref<80xi32, #tpu.memory_space<hbm>>
        tpu.wait_dma2 semaphore(%run_scoped3A : memref<!tpu.dma_semaphore, #tpu.memory_space<semaphore_mem>>) src(%dma_wait3A_83 : memref<80xi32, #tpu.memory_space<hbm>>) dst(%arg11 : memref<80xi32, #tpu.memory_space<vmem>>)
        tpu.yield
      }) : () -> ()
      %dma_start3A_42 = arith.constant 0 : i32
      %dma_start3A_43 = arith.constant 0 : i32
      %dma_start3A_44 = tpu.memref_slice %arg2[%dma_start3A_42, %dma_start3A_43] : memref<10000x128xf32, #tpu.memory_space<hbm>> -> memref<10000x128xf32, #tpu.memory_space<hbm>>
      tpu.enqueue_indirect_dma source(%dma_start3A_44 : memref<10000x128xf32, #tpu.memory_space<hbm>>) target(%arg15 : memref<80x128xf32, #tpu.memory_space<vmem>>) offsets(%arg10 : memref<80xi32, #tpu.memory_space<vmem>>) semaphore(%arg19 : memref<!tpu.dma_semaphore, #tpu.memory_space<semaphore_mem>>)
      %mul3A_45 = arith.constant 10080 : i32
      %mul3A_46 = arith.muli %arg1, %mul3A_45 : i32
      %add3A_47 = arith.constant 160 : i32
      %add3A_48 = arith.addi %mul3A_46, %add3A_47 : i32
      "tpu.region"() ({
        %run_scoped3A = tpu.sem_alloc : memref<!tpu.dma_semaphore, #tpu.memory_space<semaphore_mem>>
        %dma_start3A_81 = tpu.memref_slice %arg4[%add3A_48] : memref<161280xi32, #tpu.memory_space<hbm>> -> memref<80xi32, #tpu.memory_space<hbm>>
        %dma_start3A_82 = tpu.memref_slice %arg4[%add3A_48] : memref<161280xi32, #tpu.memory_space<hbm>> -> memref<80xi32, #tpu.memory_space<hbm>>
        tpu.enqueue_dma source(%dma_start3A_82 : memref<80xi32, #tpu.memory_space<hbm>>) target(%arg12 : memref<80xi32, #tpu.memory_space<vmem>>) target_semaphore(%run_scoped3A : memref<!tpu.dma_semaphore, #tpu.memory_space<semaphore_mem>>)
        %dma_wait3A = tpu.memref_slice %arg4[%add3A_48] : memref<161280xi32, #tpu.memory_space<hbm>> -> memref<80xi32, #tpu.memory_space<hbm>>
        %dma_wait3A_83 = tpu.memref_slice %arg4[%add3A_48] : memref<161280xi32, #tpu.memory_space<hbm>> -> memref<80xi32, #tpu.memory_space<hbm>>
        tpu.wait_dma2 semaphore(%run_scoped3A : memref<!tpu.dma_semaphore, #tpu.memory_space<semaphore_mem>>) src(%dma_wait3A_83 : memref<80xi32, #tpu.memory_space<hbm>>) dst(%arg12 : memref<80xi32, #tpu.memory_space<vmem>>)
        tpu.yield
      }) : () -> ()
      %mul3A_49 = arith.constant 10080 : i32
      %mul3A_50 = arith.muli %arg1, %mul3A_49 : i32
      %add3A_51 = arith.constant 160 : i32
      %add3A_52 = arith.addi %mul3A_50, %add3A_51 : i32
      "tpu.region"() ({
        %run_scoped3A = tpu.sem_alloc : memref<!tpu.dma_semaphore, #tpu.memory_space<semaphore_mem>>
        %dma_start3A_81 = tpu.memref_slice %arg5[%add3A_52] : memref<161280xi32, #tpu.memory_space<hbm>> -> memref<80xi32, #tpu.memory_space<hbm>>
        %dma_start3A_82 = tpu.memref_slice %arg5[%add3A_52] : memref<161280xi32, #tpu.memory_space<hbm>> -> memref<80xi32, #tpu.memory_space<hbm>>
        tpu.enqueue_dma source(%dma_start3A_82 : memref<80xi32, #tpu.memory_space<hbm>>) target(%arg13 : memref<80xi32, #tpu.memory_space<vmem>>) target_semaphore(%run_scoped3A : memref<!tpu.dma_semaphore, #tpu.memory_space<semaphore_mem>>)
        %dma_wait3A = tpu.memref_slice %arg5[%add3A_52] : memref<161280xi32, #tpu.memory_space<hbm>> -> memref<80xi32, #tpu.memory_space<hbm>>
        %dma_wait3A_83 = tpu.memref_slice %arg5[%add3A_52] : memref<161280xi32, #tpu.memory_space<hbm>> -> memref<80xi32, #tpu.memory_space<hbm>>
        tpu.wait_dma2 semaphore(%run_scoped3A : memref<!tpu.dma_semaphore, #tpu.memory_space<semaphore_mem>>) src(%dma_wait3A_83 : memref<80xi32, #tpu.memory_space<hbm>>) dst(%arg13 : memref<80xi32, #tpu.memory_space<vmem>>)
        tpu.yield
      }) : () -> ()
      %dma_start3A_53 = arith.constant 0 : i32
      %dma_start3A_54 = arith.constant 0 : i32
      %dma_start3A_55 = tpu.memref_slice %arg2[%dma_start3A_53, %dma_start3A_54] : memref<10000x128xf32, #tpu.memory_space<hbm>> -> memref<10000x128xf32, #tpu.memory_space<hbm>>
      tpu.enqueue_indirect_dma source(%dma_start3A_55 : memref<10000x128xf32, #tpu.memory_space<hbm>>) target(%arg16 : memref<80x128xf32, #tpu.memory_space<vmem>>) offsets(%arg12 : memref<80xi32, #tpu.memory_space<vmem>>) semaphore(%arg20 : memref<!tpu.dma_semaphore, #tpu.memory_space<semaphore_mem>>)
      %scan3A_56 = arith.constant 0 : i32
      %scan3A_57 = arith.constant 0 : i32
      %scan3A_58 = arith.constant 42 : i32
      %scan3A_59 = arith.addi %scan3A_57, %scan3A_58 : i32
      %scan3A_60 = arith.constant 1 : i32
      %scan3A_61 = scf.for %scan3A_81 = %scan3A_57 to %scan3A_59 step %scan3A_60 iter_args(%scan3A_82 = %scan3A_56) -> (i32)  : i32 {
        %mul3A_83 = arith.constant 3 : i32
        %mul3A_84 = arith.muli %mul3A_83, %scan3A_81 : i32
        %dma_wait3A = arith.constant 0 : i32
        %dma_wait3A_85 = arith.constant 0 : i32
        %dma_wait3A_86 = tpu.memref_slice %arg2[%dma_wait3A, %dma_wait3A_85] : memref<10000x128xf32, #tpu.memory_space<hbm>> -> memref<10000x128xf32, #tpu.memory_space<hbm>>
        tpu.wait_indirect_dma semaphore(%arg18 : memref<!tpu.dma_semaphore, #tpu.memory_space<semaphore_mem>>) src(%dma_wait3A_86 : memref<10000x128xf32, #tpu.memory_space<hbm>>) dst(%arg14 : memref<80x128xf32, #tpu.memory_space<vmem>>)
        "tpu.region"() ({
          %run_scoped3A = tpu.sem_alloc : memref<!tpu.dma_semaphore, #tpu.memory_space<semaphore_mem>>
          %dma_start3A_113 = arith.constant 0 : i32
          %dma_start3A_114 = arith.constant 0 : i32
          %dma_start3A_115 = tpu.memref_slice %arg17[%dma_start3A_113, %dma_start3A_114] : memref<10080x128xf32, #tpu.memory_space<vmem_shared>> -> memref<10080x128xf32, #tpu.memory_space<vmem_shared>>
          tpu.enqueue_indirect_dma source(%arg14 : memref<80x128xf32, #tpu.memory_space<vmem>>) target(%dma_start3A_115 : memref<10080x128xf32, #tpu.memory_space<vmem_shared>>) offsets(%arg9 : memref<80xi32, #tpu.memory_space<vmem>>) semaphore(%run_scoped3A : memref<!tpu.dma_semaphore, #tpu.memory_space<semaphore_mem>>) {add = true}
          %dma_wait3A_116 = arith.constant 0 : i32
          %dma_wait3A_117 = arith.constant 0 : i32
          %dma_wait3A_118 = tpu.memref_slice %arg17[%dma_wait3A_116, %dma_wait3A_117] : memref<10080x128xf32, #tpu.memory_space<vmem_shared>> -> memref<10080x128xf32, #tpu.memory_space<vmem_shared>>
          tpu.wait_indirect_dma semaphore(%run_scoped3A : memref<!tpu.dma_semaphore, #tpu.memory_space<semaphore_mem>>) src(%arg14 : memref<80x128xf32, #tpu.memory_space<vmem>>) dst(%dma_wait3A_118 : memref<10080x128xf32, #tpu.memory_space<vmem_shared>>)
          tpu.yield
        }) : () -> ()
        %lt3A_87 = arith.constant 41 : i32
        %lt3A_88 = arith.cmpi slt, %scan3A_81, %lt3A_87 : i32
        %convert_element_type3A_89 = arith.extui %lt3A_88 : i1 to i32
        %cond3A_90 = arith.constant 0 : i32
        %cond3A_91 = arith.cmpi ne, %convert_element_type3A_89, %cond3A_90 : i32
        scf.if %cond3A_91 {
          %add3A_113 = arith.constant 3 : i32
          %add3A_114 = arith.addi %mul3A_84, %add3A_113 : i32
          %mul3A_115 = arith.constant 10080 : i32
          %mul3A_116 = arith.muli %arg1, %mul3A_115 : i32
          %mul3A_117 = arith.constant 80 : i32
          %mul3A_118 = arith.muli %add3A_114, %mul3A_117 : i32
          %add3A_119 = arith.addi %mul3A_116, %mul3A_118 : i32
          "tpu.region"() ({
            %run_scoped3A = tpu.sem_alloc : memref<!tpu.dma_semaphore, #tpu.memory_space<semaphore_mem>>
            %dma_start3A_128 = tpu.memref_slice %arg4[%add3A_119] : memref<161280xi32, #tpu.memory_space<hbm>> -> memref<80xi32, #tpu.memory_space<hbm>>
            %dma_start3A_129 = tpu.memref_slice %arg4[%add3A_119] : memref<161280xi32, #tpu.memory_space<hbm>> -> memref<80xi32, #tpu.memory_space<hbm>>
            tpu.enqueue_dma source(%dma_start3A_129 : memref<80xi32, #tpu.memory_space<hbm>>) target(%arg8 : memref<80xi32, #tpu.memory_space<vmem>>) target_semaphore(%run_scoped3A : memref<!tpu.dma_semaphore, #tpu.memory_space<semaphore_mem>>)
            %dma_wait3A_130 = tpu.memref_slice %arg4[%add3A_119] : memref<161280xi32, #tpu.memory_space<hbm>> -> memref<80xi32, #tpu.memory_space<hbm>>
            %dma_wait3A_131 = tpu.memref_slice %arg4[%add3A_119] : memref<161280xi32, #tpu.memory_space<hbm>> -> memref<80xi32, #tpu.memory_space<hbm>>
            tpu.wait_dma2 semaphore(%run_scoped3A : memref<!tpu.dma_semaphore, #tpu.memory_space<semaphore_mem>>) src(%dma_wait3A_131 : memref<80xi32, #tpu.memory_space<hbm>>) dst(%arg8 : memref<80xi32, #tpu.memory_space<vmem>>)
            tpu.yield
          }) : () -> ()
          %mul3A_120 = arith.constant 10080 : i32
          %mul3A_121 = arith.muli %arg1, %mul3A_120 : i32
          %mul3A_122 = arith.constant 80 : i32
          %mul3A_123 = arith.muli %add3A_114, %mul3A_122 : i32
          %add3A_124 = arith.addi %mul3A_121, %mul3A_123 : i32
          "tpu.region"() ({
            %run_scoped3A = tpu.sem_alloc : memref<!tpu.dma_semaphore, #tpu.memory_space<semaphore_mem>>
            %dma_start3A_128 = tpu.memref_slice %arg5[%add3A_124] : memref<161280xi32, #tpu.memory_space<hbm>> -> memref<80xi32, #tpu.memory_space<hbm>>
            %dma_start3A_129 = tpu.memref_slice %arg5[%add3A_124] : memref<161280xi32, #tpu.memory_space<hbm>> -> memref<80xi32, #tpu.memory_space<hbm>>
            tpu.enqueue_dma source(%dma_start3A_129 : memref<80xi32, #tpu.memory_space<hbm>>) target(%arg9 : memref<80xi32, #tpu.memory_space<vmem>>) target_semaphore(%run_scoped3A : memref<!tpu.dma_semaphore, #tpu.memory_space<semaphore_mem>>)
            %dma_wait3A_130 = tpu.memref_slice %arg5[%add3A_124] : memref<161280xi32, #tpu.memory_space<hbm>> -> memref<80xi32, #tpu.memory_space<hbm>>
            %dma_wait3A_131 = tpu.memref_slice %arg5[%add3A_124] : memref<161280xi32, #tpu.memory_space<hbm>> -> memref<80xi32, #tpu.memory_space<hbm>>
            tpu.wait_dma2 semaphore(%run_scoped3A : memref<!tpu.dma_semaphore, #tpu.memory_space<semaphore_mem>>) src(%dma_wait3A_131 : memref<80xi32, #tpu.memory_space<hbm>>) dst(%arg9 : memref<80xi32, #tpu.memory_space<vmem>>)
            tpu.yield
          }) : () -> ()
          %dma_start3A_125 = arith.constant 0 : i32
          %dma_start3A_126 = arith.constant 0 : i32
          %dma_start3A_127 = tpu.memref_slice %arg2[%dma_start3A_125, %dma_start3A_126] : memref<10000x128xf32, #tpu.memory_space<hbm>> -> memref<10000x128xf32, #tpu.memory_space<hbm>>
          tpu.enqueue_indirect_dma source(%dma_start3A_127 : memref<10000x128xf32, #tpu.memory_space<hbm>>) target(%arg14 : memref<80x128xf32, #tpu.memory_space<vmem>>) offsets(%arg8 : memref<80xi32, #tpu.memory_space<vmem>>) semaphore(%arg18 : memref<!tpu.dma_semaphore, #tpu.memory_space<semaphore_mem>>)
        } else {
        }
        %add3A_92 = arith.constant 1 : i32
        %add3A_93 = arith.addi %mul3A_84, %add3A_92 : i32
        %dma_wait3A_94 = arith.constant 0 : i32
        %dma_wait3A_95 = arith.constant 0 : i32
        %dma_wait3A_96 = tpu.memref_slice %arg2[%dma_wait3A_94, %dma_wait3A_95] : memref<10000x128xf32, #tpu.memory_space<hbm>> -> memref<10000x128xf32, #tpu.memory_space<hbm>>
        tpu.wait_indirect_dma semaphore(%arg19 : memref<!tpu.dma_semaphore, #tpu.memory_space<semaphore_mem>>) src(%dma_wait3A_96 : memref<10000x128xf32, #tpu.memory_space<hbm>>) dst(%arg15 : memref<80x128xf32, #tpu.memory_space<vmem>>)
        "tpu.region"() ({
          %run_scoped3A = tpu.sem_alloc : memref<!tpu.dma_semaphore, #tpu.memory_space<semaphore_mem>>
          %dma_start3A_113 = arith.constant 0 : i32
          %dma_start3A_114 = arith.constant 0 : i32
          %dma_start3A_115 = tpu.memref_slice %arg17[%dma_start3A_113, %dma_start3A_114] : memref<10080x128xf32, #tpu.memory_space<vmem_shared>> -> memref<10080x128xf32, #tpu.memory_space<vmem_shared>>
          tpu.enqueue_indirect_dma source(%arg15 : memref<80x128xf32, #tpu.memory_space<vmem>>) target(%dma_start3A_115 : memref<10080x128xf32, #tpu.memory_space<vmem_shared>>) offsets(%arg11 : memref<80xi32, #tpu.memory_space<vmem>>) semaphore(%run_scoped3A : memref<!tpu.dma_semaphore, #tpu.memory_space<semaphore_mem>>) {add = true}
          %dma_wait3A_116 = arith.constant 0 : i32
          %dma_wait3A_117 = arith.constant 0 : i32
          %dma_wait3A_118 = tpu.memref_slice %arg17[%dma_wait3A_116, %dma_wait3A_117] : memref<10080x128xf32, #tpu.memory_space<vmem_shared>> -> memref<10080x128xf32, #tpu.memory_space<vmem_shared>>
          tpu.wait_indirect_dma semaphore(%run_scoped3A : memref<!tpu.dma_semaphore, #tpu.memory_space<semaphore_mem>>) src(%arg15 : memref<80x128xf32, #tpu.memory_space<vmem>>) dst(%dma_wait3A_118 : memref<10080x128xf32, #tpu.memory_space<vmem_shared>>)
          tpu.yield
        }) : () -> ()
        %lt3A_97 = arith.constant 41 : i32
        %lt3A_98 = arith.cmpi slt, %scan3A_81, %lt3A_97 : i32
        %convert_element_type3A_99 = arith.extui %lt3A_98 : i1 to i32
        %cond3A_100 = arith.constant 0 : i32
        %cond3A_101 = arith.cmpi ne, %convert_element_type3A_99, %cond3A_100 : i32
        scf.if %cond3A_101 {
          %add3A_113 = arith.constant 3 : i32
          %add3A_114 = arith.addi %add3A_93, %add3A_113 : i32
          %mul3A_115 = arith.constant 10080 : i32
          %mul3A_116 = arith.muli %arg1, %mul3A_115 : i32
          %mul3A_117 = arith.constant 80 : i32
          %mul3A_118 = arith.muli %add3A_114, %mul3A_117 : i32
          %add3A_119 = arith.addi %mul3A_116, %mul3A_118 : i32
          "tpu.region"() ({
            %run_scoped3A = tpu.sem_alloc : memref<!tpu.dma_semaphore, #tpu.memory_space<semaphore_mem>>
            %dma_start3A_128 = tpu.memref_slice %arg4[%add3A_119] : memref<161280xi32, #tpu.memory_space<hbm>> -> memref<80xi32, #tpu.memory_space<hbm>>
            %dma_start3A_129 = tpu.memref_slice %arg4[%add3A_119] : memref<161280xi32, #tpu.memory_space<hbm>> -> memref<80xi32, #tpu.memory_space<hbm>>
            tpu.enqueue_dma source(%dma_start3A_129 : memref<80xi32, #tpu.memory_space<hbm>>) target(%arg10 : memref<80xi32, #tpu.memory_space<vmem>>) target_semaphore(%run_scoped3A : memref<!tpu.dma_semaphore, #tpu.memory_space<semaphore_mem>>)
            %dma_wait3A_130 = tpu.memref_slice %arg4[%add3A_119] : memref<161280xi32, #tpu.memory_space<hbm>> -> memref<80xi32, #tpu.memory_space<hbm>>
            %dma_wait3A_131 = tpu.memref_slice %arg4[%add3A_119] : memref<161280xi32, #tpu.memory_space<hbm>> -> memref<80xi32, #tpu.memory_space<hbm>>
            tpu.wait_dma2 semaphore(%run_scoped3A : memref<!tpu.dma_semaphore, #tpu.memory_space<semaphore_mem>>) src(%dma_wait3A_131 : memref<80xi32, #tpu.memory_space<hbm>>) dst(%arg10 : memref<80xi32, #tpu.memory_space<vmem>>)
            tpu.yield
          }) : () -> ()
          %mul3A_120 = arith.constant 10080 : i32
          %mul3A_121 = arith.muli %arg1, %mul3A_120 : i32
          %mul3A_122 = arith.constant 80 : i32
          %mul3A_123 = arith.muli %add3A_114, %mul3A_122 : i32
          %add3A_124 = arith.addi %mul3A_121, %mul3A_123 : i32
          "tpu.region"() ({
            %run_scoped3A = tpu.sem_alloc : memref<!tpu.dma_semaphore, #tpu.memory_space<semaphore_mem>>
            %dma_start3A_128 = tpu.memref_slice %arg5[%add3A_124] : memref<161280xi32, #tpu.memory_space<hbm>> -> memref<80xi32, #tpu.memory_space<hbm>>
            %dma_start3A_129 = tpu.memref_slice %arg5[%add3A_124] : memref<161280xi32, #tpu.memory_space<hbm>> -> memref<80xi32, #tpu.memory_space<hbm>>
            tpu.enqueue_dma source(%dma_start3A_129 : memref<80xi32, #tpu.memory_space<hbm>>) target(%arg11 : memref<80xi32, #tpu.memory_space<vmem>>) target_semaphore(%run_scoped3A : memref<!tpu.dma_semaphore, #tpu.memory_space<semaphore_mem>>)
            %dma_wait3A_130 = tpu.memref_slice %arg5[%add3A_124] : memref<161280xi32, #tpu.memory_space<hbm>> -> memref<80xi32, #tpu.memory_space<hbm>>
            %dma_wait3A_131 = tpu.memref_slice %arg5[%add3A_124] : memref<161280xi32, #tpu.memory_space<hbm>> -> memref<80xi32, #tpu.memory_space<hbm>>
            tpu.wait_dma2 semaphore(%run_scoped3A : memref<!tpu.dma_semaphore, #tpu.memory_space<semaphore_mem>>) src(%dma_wait3A_131 : memref<80xi32, #tpu.memory_space<hbm>>) dst(%arg11 : memref<80xi32, #tpu.memory_space<vmem>>)
            tpu.yield
          }) : () -> ()
          %dma_start3A_125 = arith.constant 0 : i32
          %dma_start3A_126 = arith.constant 0 : i32
          %dma_start3A_127 = tpu.memref_slice %arg2[%dma_start3A_125, %dma_start3A_126] : memref<10000x128xf32, #tpu.memory_space<hbm>> -> memref<10000x128xf32, #tpu.memory_space<hbm>>
          tpu.enqueue_indirect_dma source(%dma_start3A_127 : memref<10000x128xf32, #tpu.memory_space<hbm>>) target(%arg15 : memref<80x128xf32, #tpu.memory_space<vmem>>) offsets(%arg10 : memref<80xi32, #tpu.memory_space<vmem>>) semaphore(%arg19 : memref<!tpu.dma_semaphore, #tpu.memory_space<semaphore_mem>>)
        } else {
        }
        %add3A_102 = arith.constant 2 : i32
        %add3A_103 = arith.addi %mul3A_84, %add3A_102 : i32
        %dma_wait3A_104 = arith.constant 0 : i32
        %dma_wait3A_105 = arith.constant 0 : i32
        %dma_wait3A_106 = tpu.memref_slice %arg2[%dma_wait3A_104, %dma_wait3A_105] : memref<10000x128xf32, #tpu.memory_space<hbm>> -> memref<10000x128xf32, #tpu.memory_space<hbm>>
        tpu.wait_indirect_dma semaphore(%arg20 : memref<!tpu.dma_semaphore, #tpu.memory_space<semaphore_mem>>) src(%dma_wait3A_106 : memref<10000x128xf32, #tpu.memory_space<hbm>>) dst(%arg16 : memref<80x128xf32, #tpu.memory_space<vmem>>)
        "tpu.region"() ({
          %run_scoped3A = tpu.sem_alloc : memref<!tpu.dma_semaphore, #tpu.memory_space<semaphore_mem>>
          %dma_start3A_113 = arith.constant 0 : i32
          %dma_start3A_114 = arith.constant 0 : i32
          %dma_start3A_115 = tpu.memref_slice %arg17[%dma_start3A_113, %dma_start3A_114] : memref<10080x128xf32, #tpu.memory_space<vmem_shared>> -> memref<10080x128xf32, #tpu.memory_space<vmem_shared>>
          tpu.enqueue_indirect_dma source(%arg16 : memref<80x128xf32, #tpu.memory_space<vmem>>) target(%dma_start3A_115 : memref<10080x128xf32, #tpu.memory_space<vmem_shared>>) offsets(%arg13 : memref<80xi32, #tpu.memory_space<vmem>>) semaphore(%run_scoped3A : memref<!tpu.dma_semaphore, #tpu.memory_space<semaphore_mem>>) {add = true}
          %dma_wait3A_116 = arith.constant 0 : i32
          %dma_wait3A_117 = arith.constant 0 : i32
          %dma_wait3A_118 = tpu.memref_slice %arg17[%dma_wait3A_116, %dma_wait3A_117] : memref<10080x128xf32, #tpu.memory_space<vmem_shared>> -> memref<10080x128xf32, #tpu.memory_space<vmem_shared>>
          tpu.wait_indirect_dma semaphore(%run_scoped3A : memref<!tpu.dma_semaphore, #tpu.memory_space<semaphore_mem>>) src(%arg16 : memref<80x128xf32, #tpu.memory_space<vmem>>) dst(%dma_wait3A_118 : memref<10080x128xf32, #tpu.memory_space<vmem_shared>>)
          tpu.yield
        }) : () -> ()
        %lt3A_107 = arith.constant 41 : i32
        %lt3A_108 = arith.cmpi slt, %scan3A_81, %lt3A_107 : i32
        %convert_element_type3A_109 = arith.extui %lt3A_108 : i1 to i32
        %cond3A_110 = arith.constant 0 : i32
        %cond3A_111 = arith.cmpi ne, %convert_element_type3A_109, %cond3A_110 : i32
        scf.if %cond3A_111 {
          %add3A_113 = arith.constant 3 : i32
          %add3A_114 = arith.addi %add3A_103, %add3A_113 : i32
          %mul3A_115 = arith.constant 10080 : i32
          %mul3A_116 = arith.muli %arg1, %mul3A_115 : i32
          %mul3A_117 = arith.constant 80 : i32
          %mul3A_118 = arith.muli %add3A_114, %mul3A_117 : i32
          %add3A_119 = arith.addi %mul3A_116, %mul3A_118 : i32
          "tpu.region"() ({
            %run_scoped3A = tpu.sem_alloc : memref<!tpu.dma_semaphore, #tpu.memory_space<semaphore_mem>>
            %dma_start3A_128 = tpu.memref_slice %arg4[%add3A_119] : memref<161280xi32, #tpu.memory_space<hbm>> -> memref<80xi32, #tpu.memory_space<hbm>>
            %dma_start3A_129 = tpu.memref_slice %arg4[%add3A_119] : memref<161280xi32, #tpu.memory_space<hbm>> -> memref<80xi32, #tpu.memory_space<hbm>>
            tpu.enqueue_dma source(%dma_start3A_129 : memref<80xi32, #tpu.memory_space<hbm>>) target(%arg12 : memref<80xi32, #tpu.memory_space<vmem>>) target_semaphore(%run_scoped3A : memref<!tpu.dma_semaphore, #tpu.memory_space<semaphore_mem>>)
            %dma_wait3A_130 = tpu.memref_slice %arg4[%add3A_119] : memref<161280xi32, #tpu.memory_space<hbm>> -> memref<80xi32, #tpu.memory_space<hbm>>
            %dma_wait3A_131 = tpu.memref_slice %arg4[%add3A_119] : memref<161280xi32, #tpu.memory_space<hbm>> -> memref<80xi32, #tpu.memory_space<hbm>>
            tpu.wait_dma2 semaphore(%run_scoped3A : memref<!tpu.dma_semaphore, #tpu.memory_space<semaphore_mem>>) src(%dma_wait3A_131 : memref<80xi32, #tpu.memory_space<hbm>>) dst(%arg12 : memref<80xi32, #tpu.memory_space<vmem>>)
            tpu.yield
          }) : () -> ()
          %mul3A_120 = arith.constant 10080 : i32
          %mul3A_121 = arith.muli %arg1, %mul3A_120 : i32
          %mul3A_122 = arith.constant 80 : i32
          %mul3A_123 = arith.muli %add3A_114, %mul3A_122 : i32
          %add3A_124 = arith.addi %mul3A_121, %mul3A_123 : i32
          "tpu.region"() ({
            %run_scoped3A = tpu.sem_alloc : memref<!tpu.dma_semaphore, #tpu.memory_space<semaphore_mem>>
            %dma_start3A_128 = tpu.memref_slice %arg5[%add3A_124] : memref<161280xi32, #tpu.memory_space<hbm>> -> memref<80xi32, #tpu.memory_space<hbm>>
            %dma_start3A_129 = tpu.memref_slice %arg5[%add3A_124] : memref<161280xi32, #tpu.memory_space<hbm>> -> memref<80xi32, #tpu.memory_space<hbm>>
            tpu.enqueue_dma source(%dma_start3A_129 : memref<80xi32, #tpu.memory_space<hbm>>) target(%arg13 : memref<80xi32, #tpu.memory_space<vmem>>) target_semaphore(%run_scoped3A : memref<!tpu.dma_semaphore, #tpu.memory_space<semaphore_mem>>)
            %dma_wait3A_130 = tpu.memref_slice %arg5[%add3A_124] : memref<161280xi32, #tpu.memory_space<hbm>> -> memref<80xi32, #tpu.memory_space<hbm>>
            %dma_wait3A_131 = tpu.memref_slice %arg5[%add3A_124] : memref<161280xi32, #tpu.memory_space<hbm>> -> memref<80xi32, #tpu.memory_space<hbm>>
            tpu.wait_dma2 semaphore(%run_scoped3A : memref<!tpu.dma_semaphore, #tpu.memory_space<semaphore_mem>>) src(%dma_wait3A_131 : memref<80xi32, #tpu.memory_space<hbm>>) dst(%arg13 : memref<80xi32, #tpu.memory_space<vmem>>)
            tpu.yield
          }) : () -> ()
          %dma_start3A_125 = arith.constant 0 : i32
          %dma_start3A_126 = arith.constant 0 : i32
          %dma_start3A_127 = tpu.memref_slice %arg2[%dma_start3A_125, %dma_start3A_126] : memref<10000x128xf32, #tpu.memory_space<hbm>> -> memref<10000x128xf32, #tpu.memory_space<hbm>>
          tpu.enqueue_indirect_dma source(%dma_start3A_127 : memref<10000x128xf32, #tpu.memory_space<hbm>>) target(%arg16 : memref<80x128xf32, #tpu.memory_space<vmem>>) offsets(%arg12 : memref<80xi32, #tpu.memory_space<vmem>>) semaphore(%arg20 : memref<!tpu.dma_semaphore, #tpu.memory_space<semaphore_mem>>)
        } else {
        }
        %scan3A_112 = arith.constant 0 : i32
        scf.yield %scan3A_112 : i32
      }
      %scan3A_62 = arith.constant 42 : i32
      %barrier3A_63 = arith.constant 0 : index
      tpu.barrier barrier_id(%barrier3A_63)
      %lt3A_64 = arith.constant 13 : i32
      %lt3A_65 = arith.cmpi slt, %arg1, %lt3A_64 : i32
      %jit3A_66 = arith.constant 8 : i32
      %jit3A_67 = arith.constant 7 : i32
      %select_n3A_68 = arith.select %lt3A_65, %jit3A_66, %jit3A_67 : i32
      %while3A_69 = arith.constant 0 : i32
      %while3A_70 = arith.constant 0 : i32
      %while3A_71 = arith.subi %select_n3A_68, %while3A_69 : i32
      %while3A_72 = arith.addi %while3A_69, %while3A_71 : i32
      %while3A_73 = arith.constant 1 : i32
      %while3A_74 = arith.divsi %while3A_71, %while3A_73 : i32
      %while3A_75 = arith.muli %while3A_74, %while3A_73 : i32
      %while3A_76 = arith.addi %while3A_69, %while3A_75 : i32
      %while3A_77 = arith.constant 1 : i32
      %while3A_78 = scf.for %while3A_81 = %while3A_69 to %while3A_76 step %while3A_77 iter_args(%while3A_82 = %while3A_70) -> (i32)  : i32 {
        %mul3A_83 = arith.constant 16 : i32
        %mul3A_84 = arith.muli %while3A_81, %mul3A_83 : i32
        %add3A_85 = arith.addi %arg1, %mul3A_84 : i32
        %mul3A_86 = arith.constant 80 : i32
        %mul3A_87 = arith.muli %add3A_85, %mul3A_86 : i32
        "tpu.region"() ({
          %run_scoped3A = tpu.sem_alloc : memref<!tpu.dma_semaphore, #tpu.memory_space<semaphore_mem>>
          %dma_start3A_89 = arith.constant 0 : i32
          %dma_start3A_90 = tpu.memref_slice %arg6[%mul3A_87, %dma_start3A_89] : memref<10000x128xf32, #tpu.memory_space<hbm>> -> memref<80x128xf32, #tpu.memory_space<hbm>>
          %dma_start3A_91 = arith.constant 0 : i32
          %dma_start3A_92 = tpu.memref_slice %arg17[%mul3A_87, %dma_start3A_91] : memref<10080x128xf32, #tpu.memory_space<vmem_shared>> -> memref<80x128xf32, #tpu.memory_space<vmem_shared>>
          tpu.enqueue_dma source(%dma_start3A_92 : memref<80x128xf32, #tpu.memory_space<vmem_shared>>) target(%dma_start3A_90 : memref<80x128xf32, #tpu.memory_space<hbm>>) target_semaphore(%run_scoped3A : memref<!tpu.dma_semaphore, #tpu.memory_space<semaphore_mem>>)
          %dma_wait3A = arith.constant 0 : i32
          %dma_wait3A_93 = tpu.memref_slice %arg6[%mul3A_87, %dma_wait3A] : memref<10000x128xf32, #tpu.memory_space<hbm>> -> memref<80x128xf32, #tpu.memory_space<hbm>>
          %dma_wait3A_94 = arith.constant 0 : i32
          %dma_wait3A_95 = tpu.memref_slice %arg17[%mul3A_87, %dma_wait3A_94] : memref<10080x128xf32, #tpu.memory_space<vmem_shared>> -> memref<80x128xf32, #tpu.memory_space<vmem_shared>>
          tpu.wait_dma2 semaphore(%run_scoped3A : memref<!tpu.dma_semaphore, #tpu.memory_space<semaphore_mem>>) src(%dma_wait3A_95 : memref<80x128xf32, #tpu.memory_space<vmem_shared>>) dst(%dma_wait3A_93 : memref<80x128xf32, #tpu.memory_space<hbm>>)
          tpu.yield
        }) : () -> ()
        %while3A_88 = arith.constant 0 : i32
        scf.yield %while3A_88 : i32
      }
      %while3A_79 = arith.constant 1 : i32
      %while3A_80 = scf.for %while3A_81 = %while3A_76 to %while3A_72 step %while3A_79 iter_args(%while3A_82 = %while3A_78) -> (i32)  : i32 {
        %mul3A_83 = arith.constant 16 : i32
        %mul3A_84 = arith.muli %while3A_81, %mul3A_83 : i32
        %add3A_85 = arith.addi %arg1, %mul3A_84 : i32
        %mul3A_86 = arith.constant 80 : i32
        %mul3A_87 = arith.muli %add3A_85, %mul3A_86 : i32
        "tpu.region"() ({
          %run_scoped3A = tpu.sem_alloc : memref<!tpu.dma_semaphore, #tpu.memory_space<semaphore_mem>>
          %dma_start3A_89 = arith.constant 0 : i32
          %dma_start3A_90 = tpu.memref_slice %arg6[%mul3A_87, %dma_start3A_89] : memref<10000x128xf32, #tpu.memory_space<hbm>> -> memref<80x128xf32, #tpu.memory_space<hbm>>
          %dma_start3A_91 = arith.constant 0 : i32
          %dma_start3A_92 = tpu.memref_slice %arg17[%mul3A_87, %dma_start3A_91] : memref<10080x128xf32, #tpu.memory_space<vmem_shared>> -> memref<80x128xf32, #tpu.memory_space<vmem_shared>>
          tpu.enqueue_dma source(%dma_start3A_92 : memref<80x128xf32, #tpu.memory_space<vmem_shared>>) target(%dma_start3A_90 : memref<80x128xf32, #tpu.memory_space<hbm>>) target_semaphore(%run_scoped3A : memref<!tpu.dma_semaphore, #tpu.memory_space<semaphore_mem>>)
          %dma_wait3A = arith.constant 0 : i32
          %dma_wait3A_93 = tpu.memref_slice %arg6[%mul3A_87, %dma_wait3A] : memref<10000x128xf32, #tpu.memory_space<hbm>> -> memref<80x128xf32, #tpu.memory_space<hbm>>
          %dma_wait3A_94 = arith.constant 0 : i32
          %dma_wait3A_95 = tpu.memref_slice %arg17[%mul3A_87, %dma_wait3A_94] : memref<10080x128xf32, #tpu.memory_space<vmem_shared>> -> memref<80x128xf32, #tpu.memory_space<vmem_shared>>
          tpu.wait_dma2 semaphore(%run_scoped3A : memref<!tpu.dma_semaphore, #tpu.memory_space<semaphore_mem>>) src(%dma_wait3A_95 : memref<80x128xf32, #tpu.memory_space<vmem_shared>>) dst(%dma_wait3A_93 : memref<80x128xf32, #tpu.memory_space<hbm>>)
          tpu.yield
        }) : () -> ()
        %while3A_88 = arith.constant 0 : i32
        scf.yield %while3A_88 : i32
      }
    } else {
    }
    %eq3A_21 = arith.constant 1 : i32
    %eq3A_22 = arith.cmpi eq, %arg0, %eq3A_21 : i32
    %convert_element_type3A_23 = arith.extui %eq3A_22 : i1 to i32
    %cond3A_24 = arith.constant 0 : i32
    %cond3A_25 = arith.cmpi ne, %convert_element_type3A_23, %cond3A_24 : i32
    scf.if %cond3A_25 {
      %mul3A = arith.constant 10080 : i32
      %mul3A_26 = arith.muli %arg1, %mul3A : i32
      %add3A = arith.constant 0 : i32
      %add3A_27 = arith.addi %mul3A_26, %add3A : i32
      "tpu.region"() ({
        %run_scoped3A = tpu.sem_alloc : memref<!tpu.dma_semaphore, #tpu.memory_space<semaphore_mem>>
        %dma_start3A_81 = tpu.memref_slice %arg4[%add3A_27] : memref<161280xi32, #tpu.memory_space<hbm>> -> memref<80xi32, #tpu.memory_space<hbm>>
        %dma_start3A_82 = tpu.memref_slice %arg4[%add3A_27] : memref<161280xi32, #tpu.memory_space<hbm>> -> memref<80xi32, #tpu.memory_space<hbm>>
        tpu.enqueue_dma source(%dma_start3A_82 : memref<80xi32, #tpu.memory_space<hbm>>) target(%arg8 : memref<80xi32, #tpu.memory_space<vmem>>) target_semaphore(%run_scoped3A : memref<!tpu.dma_semaphore, #tpu.memory_space<semaphore_mem>>)
        %dma_wait3A = tpu.memref_slice %arg4[%add3A_27] : memref<161280xi32, #tpu.memory_space<hbm>> -> memref<80xi32, #tpu.memory_space<hbm>>
        %dma_wait3A_83 = tpu.memref_slice %arg4[%add3A_27] : memref<161280xi32, #tpu.memory_space<hbm>> -> memref<80xi32, #tpu.memory_space<hbm>>
        tpu.wait_dma2 semaphore(%run_scoped3A : memref<!tpu.dma_semaphore, #tpu.memory_space<semaphore_mem>>) src(%dma_wait3A_83 : memref<80xi32, #tpu.memory_space<hbm>>) dst(%arg8 : memref<80xi32, #tpu.memory_space<vmem>>)
        tpu.yield
      }) : () -> ()
      %mul3A_28 = arith.constant 10080 : i32
      %mul3A_29 = arith.muli %arg1, %mul3A_28 : i32
      %add3A_30 = arith.constant 0 : i32
      %add3A_31 = arith.addi %mul3A_29, %add3A_30 : i32
      "tpu.region"() ({
        %run_scoped3A = tpu.sem_alloc : memref<!tpu.dma_semaphore, #tpu.memory_space<semaphore_mem>>
        %dma_start3A_81 = tpu.memref_slice %arg5[%add3A_31] : memref<161280xi32, #tpu.memory_space<hbm>> -> memref<80xi32, #tpu.memory_space<hbm>>
        %dma_start3A_82 = tpu.memref_slice %arg5[%add3A_31] : memref<161280xi32, #tpu.memory_space<hbm>> -> memref<80xi32, #tpu.memory_space<hbm>>
        tpu.enqueue_dma source(%dma_start3A_82 : memref<80xi32, #tpu.memory_space<hbm>>) target(%arg9 : memref<80xi32, #tpu.memory_space<vmem>>) target_semaphore(%run_scoped3A : memref<!tpu.dma_semaphore, #tpu.memory_space<semaphore_mem>>)
        %dma_wait3A = tpu.memref_slice %arg5[%add3A_31] : memref<161280xi32, #tpu.memory_space<hbm>> -> memref<80xi32, #tpu.memory_space<hbm>>
        %dma_wait3A_83 = tpu.memref_slice %arg5[%add3A_31] : memref<161280xi32, #tpu.memory_space<hbm>> -> memref<80xi32, #tpu.memory_space<hbm>>
        tpu.wait_dma2 semaphore(%run_scoped3A : memref<!tpu.dma_semaphore, #tpu.memory_space<semaphore_mem>>) src(%dma_wait3A_83 : memref<80xi32, #tpu.memory_space<hbm>>) dst(%arg9 : memref<80xi32, #tpu.memory_space<vmem>>)
        tpu.yield
      }) : () -> ()
      %dma_start3A = arith.constant 0 : i32
      %dma_start3A_32 = arith.constant 0 : i32
      %dma_start3A_33 = tpu.memref_slice %arg3[%dma_start3A, %dma_start3A_32] : memref<10000x128xf32, #tpu.memory_space<hbm>> -> memref<10000x128xf32, #tpu.memory_space<hbm>>
      tpu.enqueue_indirect_dma source(%dma_start3A_33 : memref<10000x128xf32, #tpu.memory_space<hbm>>) target(%arg14 : memref<80x128xf32, #tpu.memory_space<vmem>>) offsets(%arg8 : memref<80xi32, #tpu.memory_space<vmem>>) semaphore(%arg18 : memref<!tpu.dma_semaphore, #tpu.memory_space<semaphore_mem>>)
      %mul3A_34 = arith.constant 10080 : i32
      %mul3A_35 = arith.muli %arg1, %mul3A_34 : i32
      %add3A_36 = arith.constant 80 : i32
      %add3A_37 = arith.addi %mul3A_35, %add3A_36 : i32
      "tpu.region"() ({
        %run_scoped3A = tpu.sem_alloc : memref<!tpu.dma_semaphore, #tpu.memory_space<semaphore_mem>>
        %dma_start3A_81 = tpu.memref_slice %arg4[%add3A_37] : memref<161280xi32, #tpu.memory_space<hbm>> -> memref<80xi32, #tpu.memory_space<hbm>>
        %dma_start3A_82 = tpu.memref_slice %arg4[%add3A_37] : memref<161280xi32, #tpu.memory_space<hbm>> -> memref<80xi32, #tpu.memory_space<hbm>>
        tpu.enqueue_dma source(%dma_start3A_82 : memref<80xi32, #tpu.memory_space<hbm>>) target(%arg10 : memref<80xi32, #tpu.memory_space<vmem>>) target_semaphore(%run_scoped3A : memref<!tpu.dma_semaphore, #tpu.memory_space<semaphore_mem>>)
        %dma_wait3A = tpu.memref_slice %arg4[%add3A_37] : memref<161280xi32, #tpu.memory_space<hbm>> -> memref<80xi32, #tpu.memory_space<hbm>>
        %dma_wait3A_83 = tpu.memref_slice %arg4[%add3A_37] : memref<161280xi32, #tpu.memory_space<hbm>> -> memref<80xi32, #tpu.memory_space<hbm>>
        tpu.wait_dma2 semaphore(%run_scoped3A : memref<!tpu.dma_semaphore, #tpu.memory_space<semaphore_mem>>) src(%dma_wait3A_83 : memref<80xi32, #tpu.memory_space<hbm>>) dst(%arg10 : memref<80xi32, #tpu.memory_space<vmem>>)
        tpu.yield
      }) : () -> ()
      %mul3A_38 = arith.constant 10080 : i32
      %mul3A_39 = arith.muli %arg1, %mul3A_38 : i32
      %add3A_40 = arith.constant 80 : i32
      %add3A_41 = arith.addi %mul3A_39, %add3A_40 : i32
      "tpu.region"() ({
        %run_scoped3A = tpu.sem_alloc : memref<!tpu.dma_semaphore, #tpu.memory_space<semaphore_mem>>
        %dma_start3A_81 = tpu.memref_slice %arg5[%add3A_41] : memref<161280xi32, #tpu.memory_space<hbm>> -> memref<80xi32, #tpu.memory_space<hbm>>
        %dma_start3A_82 = tpu.memref_slice %arg5[%add3A_41] : memref<161280xi32, #tpu.memory_space<hbm>> -> memref<80xi32, #tpu.memory_space<hbm>>
        tpu.enqueue_dma source(%dma_start3A_82 : memref<80xi32, #tpu.memory_space<hbm>>) target(%arg11 : memref<80xi32, #tpu.memory_space<vmem>>) target_semaphore(%run_scoped3A : memref<!tpu.dma_semaphore, #tpu.memory_space<semaphore_mem>>)
        %dma_wait3A = tpu.memref_slice %arg5[%add3A_41] : memref<161280xi32, #tpu.memory_space<hbm>> -> memref<80xi32, #tpu.memory_space<hbm>>
        %dma_wait3A_83 = tpu.memref_slice %arg5[%add3A_41] : memref<161280xi32, #tpu.memory_space<hbm>> -> memref<80xi32, #tpu.memory_space<hbm>>
        tpu.wait_dma2 semaphore(%run_scoped3A : memref<!tpu.dma_semaphore, #tpu.memory_space<semaphore_mem>>) src(%dma_wait3A_83 : memref<80xi32, #tpu.memory_space<hbm>>) dst(%arg11 : memref<80xi32, #tpu.memory_space<vmem>>)
        tpu.yield
      }) : () -> ()
      %dma_start3A_42 = arith.constant 0 : i32
      %dma_start3A_43 = arith.constant 0 : i32
      %dma_start3A_44 = tpu.memref_slice %arg3[%dma_start3A_42, %dma_start3A_43] : memref<10000x128xf32, #tpu.memory_space<hbm>> -> memref<10000x128xf32, #tpu.memory_space<hbm>>
      tpu.enqueue_indirect_dma source(%dma_start3A_44 : memref<10000x128xf32, #tpu.memory_space<hbm>>) target(%arg15 : memref<80x128xf32, #tpu.memory_space<vmem>>) offsets(%arg10 : memref<80xi32, #tpu.memory_space<vmem>>) semaphore(%arg19 : memref<!tpu.dma_semaphore, #tpu.memory_space<semaphore_mem>>)
      %mul3A_45 = arith.constant 10080 : i32
      %mul3A_46 = arith.muli %arg1, %mul3A_45 : i32
      %add3A_47 = arith.constant 160 : i32
      %add3A_48 = arith.addi %mul3A_46, %add3A_47 : i32
      "tpu.region"() ({
        %run_scoped3A = tpu.sem_alloc : memref<!tpu.dma_semaphore, #tpu.memory_space<semaphore_mem>>
        %dma_start3A_81 = tpu.memref_slice %arg4[%add3A_48] : memref<161280xi32, #tpu.memory_space<hbm>> -> memref<80xi32, #tpu.memory_space<hbm>>
        %dma_start3A_82 = tpu.memref_slice %arg4[%add3A_48] : memref<161280xi32, #tpu.memory_space<hbm>> -> memref<80xi32, #tpu.memory_space<hbm>>
        tpu.enqueue_dma source(%dma_start3A_82 : memref<80xi32, #tpu.memory_space<hbm>>) target(%arg12 : memref<80xi32, #tpu.memory_space<vmem>>) target_semaphore(%run_scoped3A : memref<!tpu.dma_semaphore, #tpu.memory_space<semaphore_mem>>)
        %dma_wait3A = tpu.memref_slice %arg4[%add3A_48] : memref<161280xi32, #tpu.memory_space<hbm>> -> memref<80xi32, #tpu.memory_space<hbm>>
        %dma_wait3A_83 = tpu.memref_slice %arg4[%add3A_48] : memref<161280xi32, #tpu.memory_space<hbm>> -> memref<80xi32, #tpu.memory_space<hbm>>
        tpu.wait_dma2 semaphore(%run_scoped3A : memref<!tpu.dma_semaphore, #tpu.memory_space<semaphore_mem>>) src(%dma_wait3A_83 : memref<80xi32, #tpu.memory_space<hbm>>) dst(%arg12 : memref<80xi32, #tpu.memory_space<vmem>>)
        tpu.yield
      }) : () -> ()
      %mul3A_49 = arith.constant 10080 : i32
      %mul3A_50 = arith.muli %arg1, %mul3A_49 : i32
      %add3A_51 = arith.constant 160 : i32
      %add3A_52 = arith.addi %mul3A_50, %add3A_51 : i32
      "tpu.region"() ({
        %run_scoped3A = tpu.sem_alloc : memref<!tpu.dma_semaphore, #tpu.memory_space<semaphore_mem>>
        %dma_start3A_81 = tpu.memref_slice %arg5[%add3A_52] : memref<161280xi32, #tpu.memory_space<hbm>> -> memref<80xi32, #tpu.memory_space<hbm>>
        %dma_start3A_82 = tpu.memref_slice %arg5[%add3A_52] : memref<161280xi32, #tpu.memory_space<hbm>> -> memref<80xi32, #tpu.memory_space<hbm>>
        tpu.enqueue_dma source(%dma_start3A_82 : memref<80xi32, #tpu.memory_space<hbm>>) target(%arg13 : memref<80xi32, #tpu.memory_space<vmem>>) target_semaphore(%run_scoped3A : memref<!tpu.dma_semaphore, #tpu.memory_space<semaphore_mem>>)
        %dma_wait3A = tpu.memref_slice %arg5[%add3A_52] : memref<161280xi32, #tpu.memory_space<hbm>> -> memref<80xi32, #tpu.memory_space<hbm>>
        %dma_wait3A_83 = tpu.memref_slice %arg5[%add3A_52] : memref<161280xi32, #tpu.memory_space<hbm>> -> memref<80xi32, #tpu.memory_space<hbm>>
        tpu.wait_dma2 semaphore(%run_scoped3A : memref<!tpu.dma_semaphore, #tpu.memory_space<semaphore_mem>>) src(%dma_wait3A_83 : memref<80xi32, #tpu.memory_space<hbm>>) dst(%arg13 : memref<80xi32, #tpu.memory_space<vmem>>)
        tpu.yield
      }) : () -> ()
      %dma_start3A_53 = arith.constant 0 : i32
      %dma_start3A_54 = arith.constant 0 : i32
      %dma_start3A_55 = tpu.memref_slice %arg3[%dma_start3A_53, %dma_start3A_54] : memref<10000x128xf32, #tpu.memory_space<hbm>> -> memref<10000x128xf32, #tpu.memory_space<hbm>>
      tpu.enqueue_indirect_dma source(%dma_start3A_55 : memref<10000x128xf32, #tpu.memory_space<hbm>>) target(%arg16 : memref<80x128xf32, #tpu.memory_space<vmem>>) offsets(%arg12 : memref<80xi32, #tpu.memory_space<vmem>>) semaphore(%arg20 : memref<!tpu.dma_semaphore, #tpu.memory_space<semaphore_mem>>)
      %scan3A_56 = arith.constant 0 : i32
      %scan3A_57 = arith.constant 0 : i32
      %scan3A_58 = arith.constant 42 : i32
      %scan3A_59 = arith.addi %scan3A_57, %scan3A_58 : i32
      %scan3A_60 = arith.constant 1 : i32
      %scan3A_61 = scf.for %scan3A_81 = %scan3A_57 to %scan3A_59 step %scan3A_60 iter_args(%scan3A_82 = %scan3A_56) -> (i32)  : i32 {
        %mul3A_83 = arith.constant 3 : i32
        %mul3A_84 = arith.muli %mul3A_83, %scan3A_81 : i32
        %dma_wait3A = arith.constant 0 : i32
        %dma_wait3A_85 = arith.constant 0 : i32
        %dma_wait3A_86 = tpu.memref_slice %arg3[%dma_wait3A, %dma_wait3A_85] : memref<10000x128xf32, #tpu.memory_space<hbm>> -> memref<10000x128xf32, #tpu.memory_space<hbm>>
        tpu.wait_indirect_dma semaphore(%arg18 : memref<!tpu.dma_semaphore, #tpu.memory_space<semaphore_mem>>) src(%dma_wait3A_86 : memref<10000x128xf32, #tpu.memory_space<hbm>>) dst(%arg14 : memref<80x128xf32, #tpu.memory_space<vmem>>)
        "tpu.region"() ({
          %run_scoped3A = tpu.sem_alloc : memref<!tpu.dma_semaphore, #tpu.memory_space<semaphore_mem>>
          %dma_start3A_113 = arith.constant 0 : i32
          %dma_start3A_114 = arith.constant 0 : i32
          %dma_start3A_115 = tpu.memref_slice %arg17[%dma_start3A_113, %dma_start3A_114] : memref<10080x128xf32, #tpu.memory_space<vmem_shared>> -> memref<10080x128xf32, #tpu.memory_space<vmem_shared>>
          tpu.enqueue_indirect_dma source(%arg14 : memref<80x128xf32, #tpu.memory_space<vmem>>) target(%dma_start3A_115 : memref<10080x128xf32, #tpu.memory_space<vmem_shared>>) offsets(%arg9 : memref<80xi32, #tpu.memory_space<vmem>>) semaphore(%run_scoped3A : memref<!tpu.dma_semaphore, #tpu.memory_space<semaphore_mem>>) {add = true}
          %dma_wait3A_116 = arith.constant 0 : i32
          %dma_wait3A_117 = arith.constant 0 : i32
          %dma_wait3A_118 = tpu.memref_slice %arg17[%dma_wait3A_116, %dma_wait3A_117] : memref<10080x128xf32, #tpu.memory_space<vmem_shared>> -> memref<10080x128xf32, #tpu.memory_space<vmem_shared>>
          tpu.wait_indirect_dma semaphore(%run_scoped3A : memref<!tpu.dma_semaphore, #tpu.memory_space<semaphore_mem>>) src(%arg14 : memref<80x128xf32, #tpu.memory_space<vmem>>) dst(%dma_wait3A_118 : memref<10080x128xf32, #tpu.memory_space<vmem_shared>>)
          tpu.yield
        }) : () -> ()
        %lt3A_87 = arith.constant 41 : i32
        %lt3A_88 = arith.cmpi slt, %scan3A_81, %lt3A_87 : i32
        %convert_element_type3A_89 = arith.extui %lt3A_88 : i1 to i32
        %cond3A_90 = arith.constant 0 : i32
        %cond3A_91 = arith.cmpi ne, %convert_element_type3A_89, %cond3A_90 : i32
        scf.if %cond3A_91 {
          %add3A_113 = arith.constant 3 : i32
          %add3A_114 = arith.addi %mul3A_84, %add3A_113 : i32
          %mul3A_115 = arith.constant 10080 : i32
          %mul3A_116 = arith.muli %arg1, %mul3A_115 : i32
          %mul3A_117 = arith.constant 80 : i32
          %mul3A_118 = arith.muli %add3A_114, %mul3A_117 : i32
          %add3A_119 = arith.addi %mul3A_116, %mul3A_118 : i32
          "tpu.region"() ({
            %run_scoped3A = tpu.sem_alloc : memref<!tpu.dma_semaphore, #tpu.memory_space<semaphore_mem>>
            %dma_start3A_128 = tpu.memref_slice %arg4[%add3A_119] : memref<161280xi32, #tpu.memory_space<hbm>> -> memref<80xi32, #tpu.memory_space<hbm>>
            %dma_start3A_129 = tpu.memref_slice %arg4[%add3A_119] : memref<161280xi32, #tpu.memory_space<hbm>> -> memref<80xi32, #tpu.memory_space<hbm>>
            tpu.enqueue_dma source(%dma_start3A_129 : memref<80xi32, #tpu.memory_space<hbm>>) target(%arg8 : memref<80xi32, #tpu.memory_space<vmem>>) target_semaphore(%run_scoped3A : memref<!tpu.dma_semaphore, #tpu.memory_space<semaphore_mem>>)
            %dma_wait3A_130 = tpu.memref_slice %arg4[%add3A_119] : memref<161280xi32, #tpu.memory_space<hbm>> -> memref<80xi32, #tpu.memory_space<hbm>>
            %dma_wait3A_131 = tpu.memref_slice %arg4[%add3A_119] : memref<161280xi32, #tpu.memory_space<hbm>> -> memref<80xi32, #tpu.memory_space<hbm>>
            tpu.wait_dma2 semaphore(%run_scoped3A : memref<!tpu.dma_semaphore, #tpu.memory_space<semaphore_mem>>) src(%dma_wait3A_131 : memref<80xi32, #tpu.memory_space<hbm>>) dst(%arg8 : memref<80xi32, #tpu.memory_space<vmem>>)
            tpu.yield
          }) : () -> ()
          %mul3A_120 = arith.constant 10080 : i32
          %mul3A_121 = arith.muli %arg1, %mul3A_120 : i32
          %mul3A_122 = arith.constant 80 : i32
          %mul3A_123 = arith.muli %add3A_114, %mul3A_122 : i32
          %add3A_124 = arith.addi %mul3A_121, %mul3A_123 : i32
          "tpu.region"() ({
            %run_scoped3A = tpu.sem_alloc : memref<!tpu.dma_semaphore, #tpu.memory_space<semaphore_mem>>
            %dma_start3A_128 = tpu.memref_slice %arg5[%add3A_124] : memref<161280xi32, #tpu.memory_space<hbm>> -> memref<80xi32, #tpu.memory_space<hbm>>
            %dma_start3A_129 = tpu.memref_slice %arg5[%add3A_124] : memref<161280xi32, #tpu.memory_space<hbm>> -> memref<80xi32, #tpu.memory_space<hbm>>
            tpu.enqueue_dma source(%dma_start3A_129 : memref<80xi32, #tpu.memory_space<hbm>>) target(%arg9 : memref<80xi32, #tpu.memory_space<vmem>>) target_semaphore(%run_scoped3A : memref<!tpu.dma_semaphore, #tpu.memory_space<semaphore_mem>>)
            %dma_wait3A_130 = tpu.memref_slice %arg5[%add3A_124] : memref<161280xi32, #tpu.memory_space<hbm>> -> memref<80xi32, #tpu.memory_space<hbm>>
            %dma_wait3A_131 = tpu.memref_slice %arg5[%add3A_124] : memref<161280xi32, #tpu.memory_space<hbm>> -> memref<80xi32, #tpu.memory_space<hbm>>
            tpu.wait_dma2 semaphore(%run_scoped3A : memref<!tpu.dma_semaphore, #tpu.memory_space<semaphore_mem>>) src(%dma_wait3A_131 : memref<80xi32, #tpu.memory_space<hbm>>) dst(%arg9 : memref<80xi32, #tpu.memory_space<vmem>>)
            tpu.yield
          }) : () -> ()
          %dma_start3A_125 = arith.constant 0 : i32
          %dma_start3A_126 = arith.constant 0 : i32
          %dma_start3A_127 = tpu.memref_slice %arg3[%dma_start3A_125, %dma_start3A_126] : memref<10000x128xf32, #tpu.memory_space<hbm>> -> memref<10000x128xf32, #tpu.memory_space<hbm>>
          tpu.enqueue_indirect_dma source(%dma_start3A_127 : memref<10000x128xf32, #tpu.memory_space<hbm>>) target(%arg14 : memref<80x128xf32, #tpu.memory_space<vmem>>) offsets(%arg8 : memref<80xi32, #tpu.memory_space<vmem>>) semaphore(%arg18 : memref<!tpu.dma_semaphore, #tpu.memory_space<semaphore_mem>>)
        } else {
        }
        %add3A_92 = arith.constant 1 : i32
        %add3A_93 = arith.addi %mul3A_84, %add3A_92 : i32
        %dma_wait3A_94 = arith.constant 0 : i32
        %dma_wait3A_95 = arith.constant 0 : i32
        %dma_wait3A_96 = tpu.memref_slice %arg3[%dma_wait3A_94, %dma_wait3A_95] : memref<10000x128xf32, #tpu.memory_space<hbm>> -> memref<10000x128xf32, #tpu.memory_space<hbm>>
        tpu.wait_indirect_dma semaphore(%arg19 : memref<!tpu.dma_semaphore, #tpu.memory_space<semaphore_mem>>) src(%dma_wait3A_96 : memref<10000x128xf32, #tpu.memory_space<hbm>>) dst(%arg15 : memref<80x128xf32, #tpu.memory_space<vmem>>)
        "tpu.region"() ({
          %run_scoped3A = tpu.sem_alloc : memref<!tpu.dma_semaphore, #tpu.memory_space<semaphore_mem>>
          %dma_start3A_113 = arith.constant 0 : i32
          %dma_start3A_114 = arith.constant 0 : i32
          %dma_start3A_115 = tpu.memref_slice %arg17[%dma_start3A_113, %dma_start3A_114] : memref<10080x128xf32, #tpu.memory_space<vmem_shared>> -> memref<10080x128xf32, #tpu.memory_space<vmem_shared>>
          tpu.enqueue_indirect_dma source(%arg15 : memref<80x128xf32, #tpu.memory_space<vmem>>) target(%dma_start3A_115 : memref<10080x128xf32, #tpu.memory_space<vmem_shared>>) offsets(%arg11 : memref<80xi32, #tpu.memory_space<vmem>>) semaphore(%run_scoped3A : memref<!tpu.dma_semaphore, #tpu.memory_space<semaphore_mem>>) {add = true}
          %dma_wait3A_116 = arith.constant 0 : i32
          %dma_wait3A_117 = arith.constant 0 : i32
          %dma_wait3A_118 = tpu.memref_slice %arg17[%dma_wait3A_116, %dma_wait3A_117] : memref<10080x128xf32, #tpu.memory_space<vmem_shared>> -> memref<10080x128xf32, #tpu.memory_space<vmem_shared>>
          tpu.wait_indirect_dma semaphore(%run_scoped3A : memref<!tpu.dma_semaphore, #tpu.memory_space<semaphore_mem>>) src(%arg15 : memref<80x128xf32, #tpu.memory_space<vmem>>) dst(%dma_wait3A_118 : memref<10080x128xf32, #tpu.memory_space<vmem_shared>>)
          tpu.yield
        }) : () -> ()
        %lt3A_97 = arith.constant 41 : i32
        %lt3A_98 = arith.cmpi slt, %scan3A_81, %lt3A_97 : i32
        %convert_element_type3A_99 = arith.extui %lt3A_98 : i1 to i32
        %cond3A_100 = arith.constant 0 : i32
        %cond3A_101 = arith.cmpi ne, %convert_element_type3A_99, %cond3A_100 : i32
        scf.if %cond3A_101 {
          %add3A_113 = arith.constant 3 : i32
          %add3A_114 = arith.addi %add3A_93, %add3A_113 : i32
          %mul3A_115 = arith.constant 10080 : i32
          %mul3A_116 = arith.muli %arg1, %mul3A_115 : i32
          %mul3A_117 = arith.constant 80 : i32
          %mul3A_118 = arith.muli %add3A_114, %mul3A_117 : i32
          %add3A_119 = arith.addi %mul3A_116, %mul3A_118 : i32
          "tpu.region"() ({
            %run_scoped3A = tpu.sem_alloc : memref<!tpu.dma_semaphore, #tpu.memory_space<semaphore_mem>>
            %dma_start3A_128 = tpu.memref_slice %arg4[%add3A_119] : memref<161280xi32, #tpu.memory_space<hbm>> -> memref<80xi32, #tpu.memory_space<hbm>>
            %dma_start3A_129 = tpu.memref_slice %arg4[%add3A_119] : memref<161280xi32, #tpu.memory_space<hbm>> -> memref<80xi32, #tpu.memory_space<hbm>>
            tpu.enqueue_dma source(%dma_start3A_129 : memref<80xi32, #tpu.memory_space<hbm>>) target(%arg10 : memref<80xi32, #tpu.memory_space<vmem>>) target_semaphore(%run_scoped3A : memref<!tpu.dma_semaphore, #tpu.memory_space<semaphore_mem>>)
            %dma_wait3A_130 = tpu.memref_slice %arg4[%add3A_119] : memref<161280xi32, #tpu.memory_space<hbm>> -> memref<80xi32, #tpu.memory_space<hbm>>
            %dma_wait3A_131 = tpu.memref_slice %arg4[%add3A_119] : memref<161280xi32, #tpu.memory_space<hbm>> -> memref<80xi32, #tpu.memory_space<hbm>>
            tpu.wait_dma2 semaphore(%run_scoped3A : memref<!tpu.dma_semaphore, #tpu.memory_space<semaphore_mem>>) src(%dma_wait3A_131 : memref<80xi32, #tpu.memory_space<hbm>>) dst(%arg10 : memref<80xi32, #tpu.memory_space<vmem>>)
            tpu.yield
          }) : () -> ()
          %mul3A_120 = arith.constant 10080 : i32
          %mul3A_121 = arith.muli %arg1, %mul3A_120 : i32
          %mul3A_122 = arith.constant 80 : i32
          %mul3A_123 = arith.muli %add3A_114, %mul3A_122 : i32
          %add3A_124 = arith.addi %mul3A_121, %mul3A_123 : i32
          "tpu.region"() ({
            %run_scoped3A = tpu.sem_alloc : memref<!tpu.dma_semaphore, #tpu.memory_space<semaphore_mem>>
            %dma_start3A_128 = tpu.memref_slice %arg5[%add3A_124] : memref<161280xi32, #tpu.memory_space<hbm>> -> memref<80xi32, #tpu.memory_space<hbm>>
            %dma_start3A_129 = tpu.memref_slice %arg5[%add3A_124] : memref<161280xi32, #tpu.memory_space<hbm>> -> memref<80xi32, #tpu.memory_space<hbm>>
            tpu.enqueue_dma source(%dma_start3A_129 : memref<80xi32, #tpu.memory_space<hbm>>) target(%arg11 : memref<80xi32, #tpu.memory_space<vmem>>) target_semaphore(%run_scoped3A : memref<!tpu.dma_semaphore, #tpu.memory_space<semaphore_mem>>)
            %dma_wait3A_130 = tpu.memref_slice %arg5[%add3A_124] : memref<161280xi32, #tpu.memory_space<hbm>> -> memref<80xi32, #tpu.memory_space<hbm>>
            %dma_wait3A_131 = tpu.memref_slice %arg5[%add3A_124] : memref<161280xi32, #tpu.memory_space<hbm>> -> memref<80xi32, #tpu.memory_space<hbm>>
            tpu.wait_dma2 semaphore(%run_scoped3A : memref<!tpu.dma_semaphore, #tpu.memory_space<semaphore_mem>>) src(%dma_wait3A_131 : memref<80xi32, #tpu.memory_space<hbm>>) dst(%arg11 : memref<80xi32, #tpu.memory_space<vmem>>)
            tpu.yield
          }) : () -> ()
          %dma_start3A_125 = arith.constant 0 : i32
          %dma_start3A_126 = arith.constant 0 : i32
          %dma_start3A_127 = tpu.memref_slice %arg3[%dma_start3A_125, %dma_start3A_126] : memref<10000x128xf32, #tpu.memory_space<hbm>> -> memref<10000x128xf32, #tpu.memory_space<hbm>>
          tpu.enqueue_indirect_dma source(%dma_start3A_127 : memref<10000x128xf32, #tpu.memory_space<hbm>>) target(%arg15 : memref<80x128xf32, #tpu.memory_space<vmem>>) offsets(%arg10 : memref<80xi32, #tpu.memory_space<vmem>>) semaphore(%arg19 : memref<!tpu.dma_semaphore, #tpu.memory_space<semaphore_mem>>)
        } else {
        }
        %add3A_102 = arith.constant 2 : i32
        %add3A_103 = arith.addi %mul3A_84, %add3A_102 : i32
        %dma_wait3A_104 = arith.constant 0 : i32
        %dma_wait3A_105 = arith.constant 0 : i32
        %dma_wait3A_106 = tpu.memref_slice %arg3[%dma_wait3A_104, %dma_wait3A_105] : memref<10000x128xf32, #tpu.memory_space<hbm>> -> memref<10000x128xf32, #tpu.memory_space<hbm>>
        tpu.wait_indirect_dma semaphore(%arg20 : memref<!tpu.dma_semaphore, #tpu.memory_space<semaphore_mem>>) src(%dma_wait3A_106 : memref<10000x128xf32, #tpu.memory_space<hbm>>) dst(%arg16 : memref<80x128xf32, #tpu.memory_space<vmem>>)
        "tpu.region"() ({
          %run_scoped3A = tpu.sem_alloc : memref<!tpu.dma_semaphore, #tpu.memory_space<semaphore_mem>>
          %dma_start3A_113 = arith.constant 0 : i32
          %dma_start3A_114 = arith.constant 0 : i32
          %dma_start3A_115 = tpu.memref_slice %arg17[%dma_start3A_113, %dma_start3A_114] : memref<10080x128xf32, #tpu.memory_space<vmem_shared>> -> memref<10080x128xf32, #tpu.memory_space<vmem_shared>>
          tpu.enqueue_indirect_dma source(%arg16 : memref<80x128xf32, #tpu.memory_space<vmem>>) target(%dma_start3A_115 : memref<10080x128xf32, #tpu.memory_space<vmem_shared>>) offsets(%arg13 : memref<80xi32, #tpu.memory_space<vmem>>) semaphore(%run_scoped3A : memref<!tpu.dma_semaphore, #tpu.memory_space<semaphore_mem>>) {add = true}
          %dma_wait3A_116 = arith.constant 0 : i32
          %dma_wait3A_117 = arith.constant 0 : i32
          %dma_wait3A_118 = tpu.memref_slice %arg17[%dma_wait3A_116, %dma_wait3A_117] : memref<10080x128xf32, #tpu.memory_space<vmem_shared>> -> memref<10080x128xf32, #tpu.memory_space<vmem_shared>>
          tpu.wait_indirect_dma semaphore(%run_scoped3A : memref<!tpu.dma_semaphore, #tpu.memory_space<semaphore_mem>>) src(%arg16 : memref<80x128xf32, #tpu.memory_space<vmem>>) dst(%dma_wait3A_118 : memref<10080x128xf32, #tpu.memory_space<vmem_shared>>)
          tpu.yield
        }) : () -> ()
        %lt3A_107 = arith.constant 41 : i32
        %lt3A_108 = arith.cmpi slt, %scan3A_81, %lt3A_107 : i32
        %convert_element_type3A_109 = arith.extui %lt3A_108 : i1 to i32
        %cond3A_110 = arith.constant 0 : i32
        %cond3A_111 = arith.cmpi ne, %convert_element_type3A_109, %cond3A_110 : i32
        scf.if %cond3A_111 {
          %add3A_113 = arith.constant 3 : i32
          %add3A_114 = arith.addi %add3A_103, %add3A_113 : i32
          %mul3A_115 = arith.constant 10080 : i32
          %mul3A_116 = arith.muli %arg1, %mul3A_115 : i32
          %mul3A_117 = arith.constant 80 : i32
          %mul3A_118 = arith.muli %add3A_114, %mul3A_117 : i32
          %add3A_119 = arith.addi %mul3A_116, %mul3A_118 : i32
          "tpu.region"() ({
            %run_scoped3A = tpu.sem_alloc : memref<!tpu.dma_semaphore, #tpu.memory_space<semaphore_mem>>
            %dma_start3A_128 = tpu.memref_slice %arg4[%add3A_119] : memref<161280xi32, #tpu.memory_space<hbm>> -> memref<80xi32, #tpu.memory_space<hbm>>
            %dma_start3A_129 = tpu.memref_slice %arg4[%add3A_119] : memref<161280xi32, #tpu.memory_space<hbm>> -> memref<80xi32, #tpu.memory_space<hbm>>
            tpu.enqueue_dma source(%dma_start3A_129 : memref<80xi32, #tpu.memory_space<hbm>>) target(%arg12 : memref<80xi32, #tpu.memory_space<vmem>>) target_semaphore(%run_scoped3A : memref<!tpu.dma_semaphore, #tpu.memory_space<semaphore_mem>>)
            %dma_wait3A_130 = tpu.memref_slice %arg4[%add3A_119] : memref<161280xi32, #tpu.memory_space<hbm>> -> memref<80xi32, #tpu.memory_space<hbm>>
            %dma_wait3A_131 = tpu.memref_slice %arg4[%add3A_119] : memref<161280xi32, #tpu.memory_space<hbm>> -> memref<80xi32, #tpu.memory_space<hbm>>
            tpu.wait_dma2 semaphore(%run_scoped3A : memref<!tpu.dma_semaphore, #tpu.memory_space<semaphore_mem>>) src(%dma_wait3A_131 : memref<80xi32, #tpu.memory_space<hbm>>) dst(%arg12 : memref<80xi32, #tpu.memory_space<vmem>>)
            tpu.yield
          }) : () -> ()
          %mul3A_120 = arith.constant 10080 : i32
          %mul3A_121 = arith.muli %arg1, %mul3A_120 : i32
          %mul3A_122 = arith.constant 80 : i32
          %mul3A_123 = arith.muli %add3A_114, %mul3A_122 : i32
          %add3A_124 = arith.addi %mul3A_121, %mul3A_123 : i32
          "tpu.region"() ({
            %run_scoped3A = tpu.sem_alloc : memref<!tpu.dma_semaphore, #tpu.memory_space<semaphore_mem>>
            %dma_start3A_128 = tpu.memref_slice %arg5[%add3A_124] : memref<161280xi32, #tpu.memory_space<hbm>> -> memref<80xi32, #tpu.memory_space<hbm>>
            %dma_start3A_129 = tpu.memref_slice %arg5[%add3A_124] : memref<161280xi32, #tpu.memory_space<hbm>> -> memref<80xi32, #tpu.memory_space<hbm>>
            tpu.enqueue_dma source(%dma_start3A_129 : memref<80xi32, #tpu.memory_space<hbm>>) target(%arg13 : memref<80xi32, #tpu.memory_space<vmem>>) target_semaphore(%run_scoped3A : memref<!tpu.dma_semaphore, #tpu.memory_space<semaphore_mem>>)
            %dma_wait3A_130 = tpu.memref_slice %arg5[%add3A_124] : memref<161280xi32, #tpu.memory_space<hbm>> -> memref<80xi32, #tpu.memory_space<hbm>>
            %dma_wait3A_131 = tpu.memref_slice %arg5[%add3A_124] : memref<161280xi32, #tpu.memory_space<hbm>> -> memref<80xi32, #tpu.memory_space<hbm>>
            tpu.wait_dma2 semaphore(%run_scoped3A : memref<!tpu.dma_semaphore, #tpu.memory_space<semaphore_mem>>) src(%dma_wait3A_131 : memref<80xi32, #tpu.memory_space<hbm>>) dst(%arg13 : memref<80xi32, #tpu.memory_space<vmem>>)
            tpu.yield
          }) : () -> ()
          %dma_start3A_125 = arith.constant 0 : i32
          %dma_start3A_126 = arith.constant 0 : i32
          %dma_start3A_127 = tpu.memref_slice %arg3[%dma_start3A_125, %dma_start3A_126] : memref<10000x128xf32, #tpu.memory_space<hbm>> -> memref<10000x128xf32, #tpu.memory_space<hbm>>
          tpu.enqueue_indirect_dma source(%dma_start3A_127 : memref<10000x128xf32, #tpu.memory_space<hbm>>) target(%arg16 : memref<80x128xf32, #tpu.memory_space<vmem>>) offsets(%arg12 : memref<80xi32, #tpu.memory_space<vmem>>) semaphore(%arg20 : memref<!tpu.dma_semaphore, #tpu.memory_space<semaphore_mem>>)
        } else {
        }
        %scan3A_112 = arith.constant 0 : i32
        scf.yield %scan3A_112 : i32
      }
      %scan3A_62 = arith.constant 42 : i32
      %barrier3A_63 = arith.constant 0 : index
      tpu.barrier barrier_id(%barrier3A_63)
      %lt3A_64 = arith.constant 13 : i32
      %lt3A_65 = arith.cmpi slt, %arg1, %lt3A_64 : i32
      %jit3A_66 = arith.constant 8 : i32
      %jit3A_67 = arith.constant 7 : i32
      %select_n3A_68 = arith.select %lt3A_65, %jit3A_66, %jit3A_67 : i32
      %while3A_69 = arith.constant 0 : i32
      %while3A_70 = arith.constant 0 : i32
      %while3A_71 = arith.subi %select_n3A_68, %while3A_69 : i32
      %while3A_72 = arith.addi %while3A_69, %while3A_71 : i32
      %while3A_73 = arith.constant 1 : i32
      %while3A_74 = arith.divsi %while3A_71, %while3A_73 : i32
      %while3A_75 = arith.muli %while3A_74, %while3A_73 : i32
      %while3A_76 = arith.addi %while3A_69, %while3A_75 : i32
      %while3A_77 = arith.constant 1 : i32
      %while3A_78 = scf.for %while3A_81 = %while3A_69 to %while3A_76 step %while3A_77 iter_args(%while3A_82 = %while3A_70) -> (i32)  : i32 {
        %mul3A_83 = arith.constant 16 : i32
        %mul3A_84 = arith.muli %while3A_81, %mul3A_83 : i32
        %add3A_85 = arith.addi %arg1, %mul3A_84 : i32
        %mul3A_86 = arith.constant 80 : i32
        %mul3A_87 = arith.muli %add3A_85, %mul3A_86 : i32
        "tpu.region"() ({
          %run_scoped3A = tpu.sem_alloc : memref<!tpu.dma_semaphore, #tpu.memory_space<semaphore_mem>>
          %dma_start3A_89 = arith.constant 0 : i32
          %dma_start3A_90 = tpu.memref_slice %arg7[%mul3A_87, %dma_start3A_89] : memref<10000x128xf32, #tpu.memory_space<hbm>> -> memref<80x128xf32, #tpu.memory_space<hbm>>
          %dma_start3A_91 = arith.constant 0 : i32
          %dma_start3A_92 = tpu.memref_slice %arg17[%mul3A_87, %dma_start3A_91] : memref<10080x128xf32, #tpu.memory_space<vmem_shared>> -> memref<80x128xf32, #tpu.memory_space<vmem_shared>>
          tpu.enqueue_dma source(%dma_start3A_92 : memref<80x128xf32, #tpu.memory_space<vmem_shared>>) target(%dma_start3A_90 : memref<80x128xf32, #tpu.memory_space<hbm>>) target_semaphore(%run_scoped3A : memref<!tpu.dma_semaphore, #tpu.memory_space<semaphore_mem>>)
          %dma_wait3A = arith.constant 0 : i32
          %dma_wait3A_93 = tpu.memref_slice %arg7[%mul3A_87, %dma_wait3A] : memref<10000x128xf32, #tpu.memory_space<hbm>> -> memref<80x128xf32, #tpu.memory_space<hbm>>
          %dma_wait3A_94 = arith.constant 0 : i32
          %dma_wait3A_95 = tpu.memref_slice %arg17[%mul3A_87, %dma_wait3A_94] : memref<10080x128xf32, #tpu.memory_space<vmem_shared>> -> memref<80x128xf32, #tpu.memory_space<vmem_shared>>
          tpu.wait_dma2 semaphore(%run_scoped3A : memref<!tpu.dma_semaphore, #tpu.memory_space<semaphore_mem>>) src(%dma_wait3A_95 : memref<80x128xf32, #tpu.memory_space<vmem_shared>>) dst(%dma_wait3A_93 : memref<80x128xf32, #tpu.memory_space<hbm>>)
          tpu.yield
        }) : () -> ()
        %while3A_88 = arith.constant 0 : i32
        scf.yield %while3A_88 : i32
      }
      %while3A_79 = arith.constant 1 : i32
      %while3A_80 = scf.for %while3A_81 = %while3A_76 to %while3A_72 step %while3A_79 iter_args(%while3A_82 = %while3A_78) -> (i32)  : i32 {
        %mul3A_83 = arith.constant 16 : i32
        %mul3A_84 = arith.muli %while3A_81, %mul3A_83 : i32
        %add3A_85 = arith.addi %arg1, %mul3A_84 : i32
        %mul3A_86 = arith.constant 80 : i32
        %mul3A_87 = arith.muli %add3A_85, %mul3A_86 : i32
        "tpu.region"() ({
          %run_scoped3A = tpu.sem_alloc : memref<!tpu.dma_semaphore, #tpu.memory_space<semaphore_mem>>
          %dma_start3A_89 = arith.constant 0 : i32
          %dma_start3A_90 = tpu.memref_slice %arg7[%mul3A_87, %dma_start3A_89] : memref<10000x128xf32, #tpu.memory_space<hbm>> -> memref<80x128xf32, #tpu.memory_space<hbm>>
          %dma_start3A_91 = arith.constant 0 : i32
          %dma_start3A_92 = tpu.memref_slice %arg17[%mul3A_87, %dma_start3A_91] : memref<10080x128xf32, #tpu.memory_space<vmem_shared>> -> memref<80x128xf32, #tpu.memory_space<vmem_shared>>
          tpu.enqueue_dma source(%dma_start3A_92 : memref<80x128xf32, #tpu.memory_space<vmem_shared>>) target(%dma_start3A_90 : memref<80x128xf32, #tpu.memory_space<hbm>>) target_semaphore(%run_scoped3A : memref<!tpu.dma_semaphore, #tpu.memory_space<semaphore_mem>>)
          %dma_wait3A = arith.constant 0 : i32
          %dma_wait3A_93 = tpu.memref_slice %arg7[%mul3A_87, %dma_wait3A] : memref<10000x128xf32, #tpu.memory_space<hbm>> -> memref<80x128xf32, #tpu.memory_space<hbm>>
          %dma_wait3A_94 = arith.constant 0 : i32
          %dma_wait3A_95 = tpu.memref_slice %arg17[%mul3A_87, %dma_wait3A_94] : memref<10080x128xf32, #tpu.memory_space<vmem_shared>> -> memref<80x128xf32, #tpu.memory_space<vmem_shared>>
          tpu.wait_dma2 semaphore(%run_scoped3A : memref<!tpu.dma_semaphore, #tpu.memory_space<semaphore_mem>>) src(%dma_wait3A_95 : memref<80x128xf32, #tpu.memory_space<vmem_shared>>) dst(%dma_wait3A_93 : memref<80x128xf32, #tpu.memory_space<hbm>>)
          tpu.yield
        }) : () -> ()
        %while3A_88 = arith.constant 0 : i32
        scf.yield %while3A_88 : i32
      }
    } else {
    }
    return
  }
}

#map = affine_map<(d0, d1) -> (0, 0)>
#map1 = affine_map<(d0, d1) -> (0)>
module attributes {stable_mosaic.version = 14 : i64} {
  func.func @_agg_kernel(%arg0: i32, %arg1: i32, %arg2: memref<10000x128xf32, #tpu.memory_space<hbm>>, %arg3: memref<10000x128xf32, #tpu.memory_space<hbm>>, %arg4: memref<161280xi32, #tpu.memory_space<hbm>>, %arg5: memref<161280xi32, #tpu.memory_space<hbm>>, %arg6: memref<10000x128xf32, #tpu.memory_space<hbm>>, %arg7: memref<10000x128xf32, #tpu.memory_space<hbm>>, %arg8: memref<80xi32, #tpu.memory_space<vmem>>, %arg9: memref<80xi32, #tpu.memory_space<vmem>>, %arg10: memref<80xi32, #tpu.memory_space<vmem>>, %arg11: memref<80xi32, #tpu.memory_space<vmem>>, %arg12: memref<80xi32, #tpu.memory_space<vmem>>, %arg13: memref<80xi32, #tpu.memory_space<vmem>>, %arg14: memref<80x128xf32, #tpu.memory_space<vmem>>, %arg15: memref<80x128xf32, #tpu.memory_space<vmem>>, %arg16: memref<80x128xf32, #tpu.memory_space<vmem>>, %arg17: memref<10080x128xf32, #tpu.memory_space<vmem_shared>>, %arg18: memref<!tpu.dma_semaphore, #tpu.memory_space<semaphore_mem>>, %arg19: memref<!tpu.dma_semaphore, #tpu.memory_space<semaphore_mem>>, %arg20: memref<!tpu.dma_semaphore, #tpu.memory_space<semaphore_mem>>) attributes {dimension_semantics = [#tpu.dimension_semantics<core_parallel>, #tpu.dimension_semantics<subcore_parallel>], iteration_bounds = array<i64: 2, 16>, scalar_prefetch = 0 : i64, scratch_operands = 13 : i64, tpu.core_type = #tpu.core_type<sc_vector_subcore>, window_params = [{transform_indices = #map}, {transform_indices = #map}, {transform_indices = #map1}, {transform_indices = #map1}, {transform_indices = #map}, {transform_indices = #map}]} {
    %scan3A = arith.constant 0 : i32
    %scan3A_0 = arith.constant 0 : i32
    %scan3A_1 = arith.constant 80 : i32
    %scan3A_2 = arith.addi %scan3A_0, %scan3A_1 : i32
    %scan3A_3 = arith.constant 1 : i32
    %scan3A_4 = scf.for %scan3A_26 = %scan3A_0 to %scan3A_2 step %scan3A_3 iter_args(%scan3A_27 = %scan3A) -> (i32)  : i32 {
      %broadcast_in_dim3A = arith.constant 0.000000e+00 : f32
      %broadcast_in_dim3A_28 = vector.broadcast %broadcast_in_dim3A : f32 to vector<16xf32>
      %swap3A = arith.index_cast %scan3A_26 : i32 to index
      %swap3A_29 = arith.constant 0 : index
      %swap3A_30 = tpu.vector_load %arg14[%swap3A, %swap3A_29] {strides = array<i32>} : memref<80x128xf32, #tpu.memory_space<vmem>>, vector<1x16xf32>,
      %swap3A_31 = vector.shape_cast %swap3A_30 : vector<1x16xf32> to vector<16xf32>
      %swap3A_32 = vector.shape_cast %broadcast_in_dim3A_28 : vector<16xf32> to vector<1x16xf32>
      tpu.vector_store %arg14[%swap3A, %swap3A_29], %swap3A_32 {strides = array<i32>} : memref<80x128xf32, #tpu.memory_space<vmem>>, vector<1x16xf32>,
      %broadcast_in_dim3A_33 = arith.constant 0.000000e+00 : f32
      %broadcast_in_dim3A_34 = vector.broadcast %broadcast_in_dim3A_33 : f32 to vector<16xf32>
      %swap3A_35 = arith.index_cast %scan3A_26 : i32 to index
      %swap3A_36 = arith.constant 16 : index
      %swap3A_37 = tpu.vector_load %arg14[%swap3A_35, %swap3A_36] {strides = array<i32>} : memref<80x128xf32, #tpu.memory_space<vmem>>, vector<1x16xf32>,
      %swap3A_38 = vector.shape_cast %swap3A_37 : vector<1x16xf32> to vector<16xf32>
      %swap3A_39 = vector.shape_cast %broadcast_in_dim3A_34 : vector<16xf32> to vector<1x16xf32>
      tpu.vector_store %arg14[%swap3A_35, %swap3A_36], %swap3A_39 {strides = array<i32>} : memref<80x128xf32, #tpu.memory_space<vmem>>, vector<1x16xf32>,
      %broadcast_in_dim3A_40 = arith.constant 0.000000e+00 : f32
      %broadcast_in_dim3A_41 = vector.broadcast %broadcast_in_dim3A_40 : f32 to vector<16xf32>
      %swap3A_42 = arith.index_cast %scan3A_26 : i32 to index
      %swap3A_43 = arith.constant 32 : index
      %swap3A_44 = tpu.vector_load %arg14[%swap3A_42, %swap3A_43] {strides = array<i32>} : memref<80x128xf32, #tpu.memory_space<vmem>>, vector<1x16xf32>,
      %swap3A_45 = vector.shape_cast %swap3A_44 : vector<1x16xf32> to vector<16xf32>
      %swap3A_46 = vector.shape_cast %broadcast_in_dim3A_41 : vector<16xf32> to vector<1x16xf32>
      tpu.vector_store %arg14[%swap3A_42, %swap3A_43], %swap3A_46 {strides = array<i32>} : memref<80x128xf32, #tpu.memory_space<vmem>>, vector<1x16xf32>,
      %broadcast_in_dim3A_47 = arith.constant 0.000000e+00 : f32
      %broadcast_in_dim3A_48 = vector.broadcast %broadcast_in_dim3A_47 : f32 to vector<16xf32>
      %swap3A_49 = arith.index_cast %scan3A_26 : i32 to index
      %swap3A_50 = arith.constant 48 : index
      %swap3A_51 = tpu.vector_load %arg14[%swap3A_49, %swap3A_50] {strides = array<i32>} : memref<80x128xf32, #tpu.memory_space<vmem>>, vector<1x16xf32>,
      %swap3A_52 = vector.shape_cast %swap3A_51 : vector<1x16xf32> to vector<16xf32>
      %swap3A_53 = vector.shape_cast %broadcast_in_dim3A_48 : vector<16xf32> to vector<1x16xf32>
      tpu.vector_store %arg14[%swap3A_49, %swap3A_50], %swap3A_53 {strides = array<i32>} : memref<80x128xf32, #tpu.memory_space<vmem>>, vector<1x16xf32>,
      %broadcast_in_dim3A_54 = arith.constant 0.000000e+00 : f32
      %broadcast_in_dim3A_55 = vector.broadcast %broadcast_in_dim3A_54 : f32 to vector<16xf32>
      %swap3A_56 = arith.index_cast %scan3A_26 : i32 to index
      %swap3A_57 = arith.constant 64 : index
      %swap3A_58 = tpu.vector_load %arg14[%swap3A_56, %swap3A_57] {strides = array<i32>} : memref<80x128xf32, #tpu.memory_space<vmem>>, vector<1x16xf32>,
      %swap3A_59 = vector.shape_cast %swap3A_58 : vector<1x16xf32> to vector<16xf32>
      %swap3A_60 = vector.shape_cast %broadcast_in_dim3A_55 : vector<16xf32> to vector<1x16xf32>
      tpu.vector_store %arg14[%swap3A_56, %swap3A_57], %swap3A_60 {strides = array<i32>} : memref<80x128xf32, #tpu.memory_space<vmem>>, vector<1x16xf32>,
      %broadcast_in_dim3A_61 = arith.constant 0.000000e+00 : f32
      %broadcast_in_dim3A_62 = vector.broadcast %broadcast_in_dim3A_61 : f32 to vector<16xf32>
      %swap3A_63 = arith.index_cast %scan3A_26 : i32 to index
      %swap3A_64 = arith.constant 80 : index
      %swap3A_65 = tpu.vector_load %arg14[%swap3A_63, %swap3A_64] {strides = array<i32>} : memref<80x128xf32, #tpu.memory_space<vmem>>, vector<1x16xf32>,
      %swap3A_66 = vector.shape_cast %swap3A_65 : vector<1x16xf32> to vector<16xf32>
      %swap3A_67 = vector.shape_cast %broadcast_in_dim3A_62 : vector<16xf32> to vector<1x16xf32>
      tpu.vector_store %arg14[%swap3A_63, %swap3A_64], %swap3A_67 {strides = array<i32>} : memref<80x128xf32, #tpu.memory_space<vmem>>, vector<1x16xf32>,
      %broadcast_in_dim3A_68 = arith.constant 0.000000e+00 : f32
      %broadcast_in_dim3A_69 = vector.broadcast %broadcast_in_dim3A_68 : f32 to vector<16xf32>
      %swap3A_70 = arith.index_cast %scan3A_26 : i32 to index
      %swap3A_71 = arith.constant 96 : index
      %swap3A_72 = tpu.vector_load %arg14[%swap3A_70, %swap3A_71] {strides = array<i32>} : memref<80x128xf32, #tpu.memory_space<vmem>>, vector<1x16xf32>,
      %swap3A_73 = vector.shape_cast %swap3A_72 : vector<1x16xf32> to vector<16xf32>
      %swap3A_74 = vector.shape_cast %broadcast_in_dim3A_69 : vector<16xf32> to vector<1x16xf32>
      tpu.vector_store %arg14[%swap3A_70, %swap3A_71], %swap3A_74 {strides = array<i32>} : memref<80x128xf32, #tpu.memory_space<vmem>>, vector<1x16xf32>,
      %broadcast_in_dim3A_75 = arith.constant 0.000000e+00 : f32
      %broadcast_in_dim3A_76 = vector.broadcast %broadcast_in_dim3A_75 : f32 to vector<16xf32>
      %swap3A_77 = arith.index_cast %scan3A_26 : i32 to index
      %swap3A_78 = arith.constant 112 : index
      %swap3A_79 = tpu.vector_load %arg14[%swap3A_77, %swap3A_78] {strides = array<i32>} : memref<80x128xf32, #tpu.memory_space<vmem>>, vector<1x16xf32>,
      %swap3A_80 = vector.shape_cast %swap3A_79 : vector<1x16xf32> to vector<16xf32>
      %swap3A_81 = vector.shape_cast %broadcast_in_dim3A_76 : vector<16xf32> to vector<1x16xf32>
      tpu.vector_store %arg14[%swap3A_77, %swap3A_78], %swap3A_81 {strides = array<i32>} : memref<80x128xf32, #tpu.memory_space<vmem>>, vector<1x16xf32>,
      %scan3A_82 = arith.constant 0 : i32
      scf.yield %scan3A_82 : i32
    }
    %scan3A_5 = arith.constant 80 : i32
    %lt3A = arith.constant 14 : i32
    %lt3A_6 = arith.cmpi slt, %arg1, %lt3A : i32
    %jit3A = arith.constant 8 : i32
    %jit3A_7 = arith.constant 7 : i32
    %select_n3A = arith.select %lt3A_6, %jit3A, %jit3A_7 : i32
    %while3A = arith.constant 0 : i32
    %while3A_8 = arith.constant 0 : i32
    %while3A_9 = arith.subi %select_n3A, %while3A : i32
    %while3A_10 = arith.addi %while3A, %while3A_9 : i32
    %while3A_11 = arith.constant 1 : i32
    %while3A_12 = arith.divsi %while3A_9, %while3A_11 : i32
    %while3A_13 = arith.muli %while3A_12, %while3A_11 : i32
    %while3A_14 = arith.addi %while3A, %while3A_13 : i32
    %while3A_15 = arith.constant 1 : i32
    %while3A_16 = scf.for %while3A_26 = %while3A to %while3A_14 step %while3A_15 iter_args(%while3A_27 = %while3A_8) -> (i32)  : i32 {
      %mul3A = arith.constant 16 : i32
      %mul3A_28 = arith.muli %while3A_26, %mul3A : i32
      %add3A = arith.addi %arg1, %mul3A_28 : i32
      %mul3A_29 = arith.constant 80 : i32
      %mul3A_30 = arith.muli %add3A, %mul3A_29 : i32
      "tpu.region"() ({
        %run_scoped3A = tpu.sem_alloc : memref<!tpu.dma_semaphore, #tpu.memory_space<semaphore_mem>>
        %dma_start3A = arith.constant 0 : i32
        %dma_start3A_32 = tpu.memref_slice %arg17[%mul3A_30, %dma_start3A] : memref<10080x128xf32, #tpu.memory_space<vmem_shared>> -> memref<80x128xf32, #tpu.memory_space<vmem_shared>>
        %dma_start3A_33 = arith.constant 0 : i32
        %dma_start3A_34 = tpu.memref_slice %arg17[%mul3A_30, %dma_start3A_33] : memref<10080x128xf32, #tpu.memory_space<vmem_shared>> -> memref<80x128xf32, #tpu.memory_space<vmem_shared>>
        tpu.enqueue_dma source(%arg14 : memref<80x128xf32, #tpu.memory_space<vmem>>) target(%dma_start3A_34 : memref<80x128xf32, #tpu.memory_space<vmem_shared>>) target_semaphore(%run_scoped3A : memref<!tpu.dma_semaphore, #tpu.memory_space<semaphore_mem>>)
        %dma_wait3A = arith.constant 0 : i32
        %dma_wait3A_35 = tpu.memref_slice %arg17[%mul3A_30, %dma_wait3A] : memref<10080x128xf32, #tpu.memory_space<vmem_shared>> -> memref<80x128xf32, #tpu.memory_space<vmem_shared>>
        %dma_wait3A_36 = arith.constant 0 : i32
        %dma_wait3A_37 = tpu.memref_slice %arg17[%mul3A_30, %dma_wait3A_36] : memref<10080x128xf32, #tpu.memory_space<vmem_shared>> -> memref<80x128xf32, #tpu.memory_space<vmem_shared>>
        tpu.wait_dma2 semaphore(%run_scoped3A : memref<!tpu.dma_semaphore, #tpu.memory_space<semaphore_mem>>) src(%arg14 : memref<80x128xf32, #tpu.memory_space<vmem>>) dst(%dma_wait3A_37 : memref<80x128xf32, #tpu.memory_space<vmem_shared>>)
        tpu.yield
      }) : () -> ()
      %while3A_31 = arith.constant 0 : i32
      scf.yield %while3A_31 : i32
    }
    %while3A_17 = arith.constant 1 : i32
    %while3A_18 = scf.for %while3A_26 = %while3A_14 to %while3A_10 step %while3A_17 iter_args(%while3A_27 = %while3A_16) -> (i32)  : i32 {
      %mul3A = arith.constant 16 : i32
      %mul3A_28 = arith.muli %while3A_26, %mul3A : i32
      %add3A = arith.addi %arg1, %mul3A_28 : i32
      %mul3A_29 = arith.constant 80 : i32
      %mul3A_30 = arith.muli %add3A, %mul3A_29 : i32
      "tpu.region"() ({
        %run_scoped3A = tpu.sem_alloc : memref<!tpu.dma_semaphore, #tpu.memory_space<semaphore_mem>>
        %dma_start3A = arith.constant 0 : i32
        %dma_start3A_32 = tpu.memref_slice %arg17[%mul3A_30, %dma_start3A] : memref<10080x128xf32, #tpu.memory_space<vmem_shared>> -> memref<80x128xf32, #tpu.memory_space<vmem_shared>>
        %dma_start3A_33 = arith.constant 0 : i32
        %dma_start3A_34 = tpu.memref_slice %arg17[%mul3A_30, %dma_start3A_33] : memref<10080x128xf32, #tpu.memory_space<vmem_shared>> -> memref<80x128xf32, #tpu.memory_space<vmem_shared>>
        tpu.enqueue_dma source(%arg14 : memref<80x128xf32, #tpu.memory_space<vmem>>) target(%dma_start3A_34 : memref<80x128xf32, #tpu.memory_space<vmem_shared>>) target_semaphore(%run_scoped3A : memref<!tpu.dma_semaphore, #tpu.memory_space<semaphore_mem>>)
        %dma_wait3A = arith.constant 0 : i32
        %dma_wait3A_35 = tpu.memref_slice %arg17[%mul3A_30, %dma_wait3A] : memref<10080x128xf32, #tpu.memory_space<vmem_shared>> -> memref<80x128xf32, #tpu.memory_space<vmem_shared>>
        %dma_wait3A_36 = arith.constant 0 : i32
        %dma_wait3A_37 = tpu.memref_slice %arg17[%mul3A_30, %dma_wait3A_36] : memref<10080x128xf32, #tpu.memory_space<vmem_shared>> -> memref<80x128xf32, #tpu.memory_space<vmem_shared>>
        tpu.wait_dma2 semaphore(%run_scoped3A : memref<!tpu.dma_semaphore, #tpu.memory_space<semaphore_mem>>) src(%arg14 : memref<80x128xf32, #tpu.memory_space<vmem>>) dst(%dma_wait3A_37 : memref<80x128xf32, #tpu.memory_space<vmem_shared>>)
        tpu.yield
      }) : () -> ()
      %while3A_31 = arith.constant 0 : i32
      scf.yield %while3A_31 : i32
    }
    %barrier3A = arith.constant 0 : index
    tpu.barrier barrier_id(%barrier3A)
    %eq3A = arith.constant 0 : i32
    %eq3A_19 = arith.cmpi eq, %arg0, %eq3A : i32
    %convert_element_type3A = arith.extui %eq3A_19 : i1 to i32
    %cond3A = arith.constant 0 : i32
    %cond3A_20 = arith.cmpi ne, %convert_element_type3A, %cond3A : i32
    scf.if %cond3A_20 {
      %mul3A = arith.constant 10080 : i32
      %mul3A_26 = arith.muli %arg1, %mul3A : i32
      %add3A = arith.constant 0 : i32
      %add3A_27 = arith.addi %mul3A_26, %add3A : i32
      "tpu.region"() ({
        %run_scoped3A = tpu.sem_alloc : memref<!tpu.dma_semaphore, #tpu.memory_space<semaphore_mem>>
        %dma_start3A_81 = tpu.memref_slice %arg4[%add3A_27] : memref<161280xi32, #tpu.memory_space<hbm>> -> memref<80xi32, #tpu.memory_space<hbm>>
        %dma_start3A_82 = tpu.memref_slice %arg4[%add3A_27] : memref<161280xi32, #tpu.memory_space<hbm>> -> memref<80xi32, #tpu.memory_space<hbm>>
        tpu.enqueue_dma source(%dma_start3A_82 : memref<80xi32, #tpu.memory_space<hbm>>) target(%arg8 : memref<80xi32, #tpu.memory_space<vmem>>) target_semaphore(%run_scoped3A : memref<!tpu.dma_semaphore, #tpu.memory_space<semaphore_mem>>)
        %dma_wait3A = tpu.memref_slice %arg4[%add3A_27] : memref<161280xi32, #tpu.memory_space<hbm>> -> memref<80xi32, #tpu.memory_space<hbm>>
        %dma_wait3A_83 = tpu.memref_slice %arg4[%add3A_27] : memref<161280xi32, #tpu.memory_space<hbm>> -> memref<80xi32, #tpu.memory_space<hbm>>
        tpu.wait_dma2 semaphore(%run_scoped3A : memref<!tpu.dma_semaphore, #tpu.memory_space<semaphore_mem>>) src(%dma_wait3A_83 : memref<80xi32, #tpu.memory_space<hbm>>) dst(%arg8 : memref<80xi32, #tpu.memory_space<vmem>>)
        tpu.yield
      }) : () -> ()
      %mul3A_28 = arith.constant 10080 : i32
      %mul3A_29 = arith.muli %arg1, %mul3A_28 : i32
      %add3A_30 = arith.constant 0 : i32
      %add3A_31 = arith.addi %mul3A_29, %add3A_30 : i32
      "tpu.region"() ({
        %run_scoped3A = tpu.sem_alloc : memref<!tpu.dma_semaphore, #tpu.memory_space<semaphore_mem>>
        %dma_start3A_81 = tpu.memref_slice %arg5[%add3A_31] : memref<161280xi32, #tpu.memory_space<hbm>> -> memref<80xi32, #tpu.memory_space<hbm>>
        %dma_start3A_82 = tpu.memref_slice %arg5[%add3A_31] : memref<161280xi32, #tpu.memory_space<hbm>> -> memref<80xi32, #tpu.memory_space<hbm>>
        tpu.enqueue_dma source(%dma_start3A_82 : memref<80xi32, #tpu.memory_space<hbm>>) target(%arg9 : memref<80xi32, #tpu.memory_space<vmem>>) target_semaphore(%run_scoped3A : memref<!tpu.dma_semaphore, #tpu.memory_space<semaphore_mem>>)
        %dma_wait3A = tpu.memref_slice %arg5[%add3A_31] : memref<161280xi32, #tpu.memory_space<hbm>> -> memref<80xi32, #tpu.memory_space<hbm>>
        %dma_wait3A_83 = tpu.memref_slice %arg5[%add3A_31] : memref<161280xi32, #tpu.memory_space<hbm>> -> memref<80xi32, #tpu.memory_space<hbm>>
        tpu.wait_dma2 semaphore(%run_scoped3A : memref<!tpu.dma_semaphore, #tpu.memory_space<semaphore_mem>>) src(%dma_wait3A_83 : memref<80xi32, #tpu.memory_space<hbm>>) dst(%arg9 : memref<80xi32, #tpu.memory_space<vmem>>)
        tpu.yield
      }) : () -> ()
      %dma_start3A = arith.constant 0 : i32
      %dma_start3A_32 = arith.constant 0 : i32
      %dma_start3A_33 = tpu.memref_slice %arg2[%dma_start3A, %dma_start3A_32] : memref<10000x128xf32, #tpu.memory_space<hbm>> -> memref<10000x128xf32, #tpu.memory_space<hbm>>
      tpu.enqueue_indirect_dma source(%dma_start3A_33 : memref<10000x128xf32, #tpu.memory_space<hbm>>) target(%arg14 : memref<80x128xf32, #tpu.memory_space<vmem>>) offsets(%arg8 : memref<80xi32, #tpu.memory_space<vmem>>) semaphore(%arg18 : memref<!tpu.dma_semaphore, #tpu.memory_space<semaphore_mem>>)
      %mul3A_34 = arith.constant 10080 : i32
      %mul3A_35 = arith.muli %arg1, %mul3A_34 : i32
      %add3A_36 = arith.constant 80 : i32
      %add3A_37 = arith.addi %mul3A_35, %add3A_36 : i32
      "tpu.region"() ({
        %run_scoped3A = tpu.sem_alloc : memref<!tpu.dma_semaphore, #tpu.memory_space<semaphore_mem>>
        %dma_start3A_81 = tpu.memref_slice %arg4[%add3A_37] : memref<161280xi32, #tpu.memory_space<hbm>> -> memref<80xi32, #tpu.memory_space<hbm>>
        %dma_start3A_82 = tpu.memref_slice %arg4[%add3A_37] : memref<161280xi32, #tpu.memory_space<hbm>> -> memref<80xi32, #tpu.memory_space<hbm>>
        tpu.enqueue_dma source(%dma_start3A_82 : memref<80xi32, #tpu.memory_space<hbm>>) target(%arg10 : memref<80xi32, #tpu.memory_space<vmem>>) target_semaphore(%run_scoped3A : memref<!tpu.dma_semaphore, #tpu.memory_space<semaphore_mem>>)
        %dma_wait3A = tpu.memref_slice %arg4[%add3A_37] : memref<161280xi32, #tpu.memory_space<hbm>> -> memref<80xi32, #tpu.memory_space<hbm>>
        %dma_wait3A_83 = tpu.memref_slice %arg4[%add3A_37] : memref<161280xi32, #tpu.memory_space<hbm>> -> memref<80xi32, #tpu.memory_space<hbm>>
        tpu.wait_dma2 semaphore(%run_scoped3A : memref<!tpu.dma_semaphore, #tpu.memory_space<semaphore_mem>>) src(%dma_wait3A_83 : memref<80xi32, #tpu.memory_space<hbm>>) dst(%arg10 : memref<80xi32, #tpu.memory_space<vmem>>)
        tpu.yield
      }) : () -> ()
      %mul3A_38 = arith.constant 10080 : i32
      %mul3A_39 = arith.muli %arg1, %mul3A_38 : i32
      %add3A_40 = arith.constant 80 : i32
      %add3A_41 = arith.addi %mul3A_39, %add3A_40 : i32
      "tpu.region"() ({
        %run_scoped3A = tpu.sem_alloc : memref<!tpu.dma_semaphore, #tpu.memory_space<semaphore_mem>>
        %dma_start3A_81 = tpu.memref_slice %arg5[%add3A_41] : memref<161280xi32, #tpu.memory_space<hbm>> -> memref<80xi32, #tpu.memory_space<hbm>>
        %dma_start3A_82 = tpu.memref_slice %arg5[%add3A_41] : memref<161280xi32, #tpu.memory_space<hbm>> -> memref<80xi32, #tpu.memory_space<hbm>>
        tpu.enqueue_dma source(%dma_start3A_82 : memref<80xi32, #tpu.memory_space<hbm>>) target(%arg11 : memref<80xi32, #tpu.memory_space<vmem>>) target_semaphore(%run_scoped3A : memref<!tpu.dma_semaphore, #tpu.memory_space<semaphore_mem>>)
        %dma_wait3A = tpu.memref_slice %arg5[%add3A_41] : memref<161280xi32, #tpu.memory_space<hbm>> -> memref<80xi32, #tpu.memory_space<hbm>>
        %dma_wait3A_83 = tpu.memref_slice %arg5[%add3A_41] : memref<161280xi32, #tpu.memory_space<hbm>> -> memref<80xi32, #tpu.memory_space<hbm>>
        tpu.wait_dma2 semaphore(%run_scoped3A : memref<!tpu.dma_semaphore, #tpu.memory_space<semaphore_mem>>) src(%dma_wait3A_83 : memref<80xi32, #tpu.memory_space<hbm>>) dst(%arg11 : memref<80xi32, #tpu.memory_space<vmem>>)
        tpu.yield
      }) : () -> ()
      %dma_start3A_42 = arith.constant 0 : i32
      %dma_start3A_43 = arith.constant 0 : i32
      %dma_start3A_44 = tpu.memref_slice %arg2[%dma_start3A_42, %dma_start3A_43] : memref<10000x128xf32, #tpu.memory_space<hbm>> -> memref<10000x128xf32, #tpu.memory_space<hbm>>
      tpu.enqueue_indirect_dma source(%dma_start3A_44 : memref<10000x128xf32, #tpu.memory_space<hbm>>) target(%arg15 : memref<80x128xf32, #tpu.memory_space<vmem>>) offsets(%arg10 : memref<80xi32, #tpu.memory_space<vmem>>) semaphore(%arg19 : memref<!tpu.dma_semaphore, #tpu.memory_space<semaphore_mem>>)
      %mul3A_45 = arith.constant 10080 : i32
      %mul3A_46 = arith.muli %arg1, %mul3A_45 : i32
      %add3A_47 = arith.constant 160 : i32
      %add3A_48 = arith.addi %mul3A_46, %add3A_47 : i32
      "tpu.region"() ({
        %run_scoped3A = tpu.sem_alloc : memref<!tpu.dma_semaphore, #tpu.memory_space<semaphore_mem>>
        %dma_start3A_81 = tpu.memref_slice %arg4[%add3A_48] : memref<161280xi32, #tpu.memory_space<hbm>> -> memref<80xi32, #tpu.memory_space<hbm>>
        %dma_start3A_82 = tpu.memref_slice %arg4[%add3A_48] : memref<161280xi32, #tpu.memory_space<hbm>> -> memref<80xi32, #tpu.memory_space<hbm>>
        tpu.enqueue_dma source(%dma_start3A_82 : memref<80xi32, #tpu.memory_space<hbm>>) target(%arg12 : memref<80xi32, #tpu.memory_space<vmem>>) target_semaphore(%run_scoped3A : memref<!tpu.dma_semaphore, #tpu.memory_space<semaphore_mem>>)
        %dma_wait3A = tpu.memref_slice %arg4[%add3A_48] : memref<161280xi32, #tpu.memory_space<hbm>> -> memref<80xi32, #tpu.memory_space<hbm>>
        %dma_wait3A_83 = tpu.memref_slice %arg4[%add3A_48] : memref<161280xi32, #tpu.memory_space<hbm>> -> memref<80xi32, #tpu.memory_space<hbm>>
        tpu.wait_dma2 semaphore(%run_scoped3A : memref<!tpu.dma_semaphore, #tpu.memory_space<semaphore_mem>>) src(%dma_wait3A_83 : memref<80xi32, #tpu.memory_space<hbm>>) dst(%arg12 : memref<80xi32, #tpu.memory_space<vmem>>)
        tpu.yield
      }) : () -> ()
      %mul3A_49 = arith.constant 10080 : i32
      %mul3A_50 = arith.muli %arg1, %mul3A_49 : i32
      %add3A_51 = arith.constant 160 : i32
      %add3A_52 = arith.addi %mul3A_50, %add3A_51 : i32
      "tpu.region"() ({
        %run_scoped3A = tpu.sem_alloc : memref<!tpu.dma_semaphore, #tpu.memory_space<semaphore_mem>>
        %dma_start3A_81 = tpu.memref_slice %arg5[%add3A_52] : memref<161280xi32, #tpu.memory_space<hbm>> -> memref<80xi32, #tpu.memory_space<hbm>>
        %dma_start3A_82 = tpu.memref_slice %arg5[%add3A_52] : memref<161280xi32, #tpu.memory_space<hbm>> -> memref<80xi32, #tpu.memory_space<hbm>>
        tpu.enqueue_dma source(%dma_start3A_82 : memref<80xi32, #tpu.memory_space<hbm>>) target(%arg13 : memref<80xi32, #tpu.memory_space<vmem>>) target_semaphore(%run_scoped3A : memref<!tpu.dma_semaphore, #tpu.memory_space<semaphore_mem>>)
        %dma_wait3A = tpu.memref_slice %arg5[%add3A_52] : memref<161280xi32, #tpu.memory_space<hbm>> -> memref<80xi32, #tpu.memory_space<hbm>>
        %dma_wait3A_83 = tpu.memref_slice %arg5[%add3A_52] : memref<161280xi32, #tpu.memory_space<hbm>> -> memref<80xi32, #tpu.memory_space<hbm>>
        tpu.wait_dma2 semaphore(%run_scoped3A : memref<!tpu.dma_semaphore, #tpu.memory_space<semaphore_mem>>) src(%dma_wait3A_83 : memref<80xi32, #tpu.memory_space<hbm>>) dst(%arg13 : memref<80xi32, #tpu.memory_space<vmem>>)
        tpu.yield
      }) : () -> ()
      %dma_start3A_53 = arith.constant 0 : i32
      %dma_start3A_54 = arith.constant 0 : i32
      %dma_start3A_55 = tpu.memref_slice %arg2[%dma_start3A_53, %dma_start3A_54] : memref<10000x128xf32, #tpu.memory_space<hbm>> -> memref<10000x128xf32, #tpu.memory_space<hbm>>
      tpu.enqueue_indirect_dma source(%dma_start3A_55 : memref<10000x128xf32, #tpu.memory_space<hbm>>) target(%arg16 : memref<80x128xf32, #tpu.memory_space<vmem>>) offsets(%arg12 : memref<80xi32, #tpu.memory_space<vmem>>) semaphore(%arg20 : memref<!tpu.dma_semaphore, #tpu.memory_space<semaphore_mem>>)
      %scan3A_56 = arith.constant 0 : i32
      %scan3A_57 = arith.constant 0 : i32
      %scan3A_58 = arith.constant 42 : i32
      %scan3A_59 = arith.addi %scan3A_57, %scan3A_58 : i32
      %scan3A_60 = arith.constant 1 : i32
      %scan3A_61 = scf.for %scan3A_81 = %scan3A_57 to %scan3A_59 step %scan3A_60 iter_args(%scan3A_82 = %scan3A_56) -> (i32)  : i32 {
        %mul3A_83 = arith.constant 3 : i32
        %mul3A_84 = arith.muli %mul3A_83, %scan3A_81 : i32
        %dma_wait3A = arith.constant 0 : i32
        %dma_wait3A_85 = arith.constant 0 : i32
        %dma_wait3A_86 = tpu.memref_slice %arg2[%dma_wait3A, %dma_wait3A_85] : memref<10000x128xf32, #tpu.memory_space<hbm>> -> memref<10000x128xf32, #tpu.memory_space<hbm>>
        tpu.wait_indirect_dma semaphore(%arg18 : memref<!tpu.dma_semaphore, #tpu.memory_space<semaphore_mem>>) src(%dma_wait3A_86 : memref<10000x128xf32, #tpu.memory_space<hbm>>) dst(%arg14 : memref<80x128xf32, #tpu.memory_space<vmem>>)
        "tpu.region"() ({
          %run_scoped3A = tpu.sem_alloc : memref<!tpu.dma_semaphore, #tpu.memory_space<semaphore_mem>>
          %dma_start3A_113 = arith.constant 0 : i32
          %dma_start3A_114 = arith.constant 0 : i32
          %dma_start3A_115 = tpu.memref_slice %arg17[%dma_start3A_113, %dma_start3A_114] : memref<10080x128xf32, #tpu.memory_space<vmem_shared>> -> memref<10080x128xf32, #tpu.memory_space<vmem_shared>>
          tpu.enqueue_indirect_dma source(%arg14 : memref<80x128xf32, #tpu.memory_space<vmem>>) target(%dma_start3A_115 : memref<10080x128xf32, #tpu.memory_space<vmem_shared>>) offsets(%arg9 : memref<80xi32, #tpu.memory_space<vmem>>) semaphore(%run_scoped3A : memref<!tpu.dma_semaphore, #tpu.memory_space<semaphore_mem>>) {add = true}
          %dma_wait3A_116 = arith.constant 0 : i32
          %dma_wait3A_117 = arith.constant 0 : i32
          %dma_wait3A_118 = tpu.memref_slice %arg17[%dma_wait3A_116, %dma_wait3A_117] : memref<10080x128xf32, #tpu.memory_space<vmem_shared>> -> memref<10080x128xf32, #tpu.memory_space<vmem_shared>>
          tpu.wait_indirect_dma semaphore(%run_scoped3A : memref<!tpu.dma_semaphore, #tpu.memory_space<semaphore_mem>>) src(%arg14 : memref<80x128xf32, #tpu.memory_space<vmem>>) dst(%dma_wait3A_118 : memref<10080x128xf32, #tpu.memory_space<vmem_shared>>)
          tpu.yield
        }) : () -> ()
        %lt3A_87 = arith.constant 41 : i32
        %lt3A_88 = arith.cmpi slt, %scan3A_81, %lt3A_87 : i32
        %convert_element_type3A_89 = arith.extui %lt3A_88 : i1 to i32
        %cond3A_90 = arith.constant 0 : i32
        %cond3A_91 = arith.cmpi ne, %convert_element_type3A_89, %cond3A_90 : i32
        scf.if %cond3A_91 {
          %add3A_113 = arith.constant 3 : i32
          %add3A_114 = arith.addi %mul3A_84, %add3A_113 : i32
          %mul3A_115 = arith.constant 10080 : i32
          %mul3A_116 = arith.muli %arg1, %mul3A_115 : i32
          %mul3A_117 = arith.constant 80 : i32
          %mul3A_118 = arith.muli %add3A_114, %mul3A_117 : i32
          %add3A_119 = arith.addi %mul3A_116, %mul3A_118 : i32
          "tpu.region"() ({
            %run_scoped3A = tpu.sem_alloc : memref<!tpu.dma_semaphore, #tpu.memory_space<semaphore_mem>>
            %dma_start3A_128 = tpu.memref_slice %arg4[%add3A_119] : memref<161280xi32, #tpu.memory_space<hbm>> -> memref<80xi32, #tpu.memory_space<hbm>>
            %dma_start3A_129 = tpu.memref_slice %arg4[%add3A_119] : memref<161280xi32, #tpu.memory_space<hbm>> -> memref<80xi32, #tpu.memory_space<hbm>>
            tpu.enqueue_dma source(%dma_start3A_129 : memref<80xi32, #tpu.memory_space<hbm>>) target(%arg8 : memref<80xi32, #tpu.memory_space<vmem>>) target_semaphore(%run_scoped3A : memref<!tpu.dma_semaphore, #tpu.memory_space<semaphore_mem>>)
            %dma_wait3A_130 = tpu.memref_slice %arg4[%add3A_119] : memref<161280xi32, #tpu.memory_space<hbm>> -> memref<80xi32, #tpu.memory_space<hbm>>
            %dma_wait3A_131 = tpu.memref_slice %arg4[%add3A_119] : memref<161280xi32, #tpu.memory_space<hbm>> -> memref<80xi32, #tpu.memory_space<hbm>>
            tpu.wait_dma2 semaphore(%run_scoped3A : memref<!tpu.dma_semaphore, #tpu.memory_space<semaphore_mem>>) src(%dma_wait3A_131 : memref<80xi32, #tpu.memory_space<hbm>>) dst(%arg8 : memref<80xi32, #tpu.memory_space<vmem>>)
            tpu.yield
          }) : () -> ()
          %mul3A_120 = arith.constant 10080 : i32
          %mul3A_121 = arith.muli %arg1, %mul3A_120 : i32
          %mul3A_122 = arith.constant 80 : i32
          %mul3A_123 = arith.muli %add3A_114, %mul3A_122 : i32
          %add3A_124 = arith.addi %mul3A_121, %mul3A_123 : i32
          "tpu.region"() ({
            %run_scoped3A = tpu.sem_alloc : memref<!tpu.dma_semaphore, #tpu.memory_space<semaphore_mem>>
            %dma_start3A_128 = tpu.memref_slice %arg5[%add3A_124] : memref<161280xi32, #tpu.memory_space<hbm>> -> memref<80xi32, #tpu.memory_space<hbm>>
            %dma_start3A_129 = tpu.memref_slice %arg5[%add3A_124] : memref<161280xi32, #tpu.memory_space<hbm>> -> memref<80xi32, #tpu.memory_space<hbm>>
            tpu.enqueue_dma source(%dma_start3A_129 : memref<80xi32, #tpu.memory_space<hbm>>) target(%arg9 : memref<80xi32, #tpu.memory_space<vmem>>) target_semaphore(%run_scoped3A : memref<!tpu.dma_semaphore, #tpu.memory_space<semaphore_mem>>)
            %dma_wait3A_130 = tpu.memref_slice %arg5[%add3A_124] : memref<161280xi32, #tpu.memory_space<hbm>> -> memref<80xi32, #tpu.memory_space<hbm>>
            %dma_wait3A_131 = tpu.memref_slice %arg5[%add3A_124] : memref<161280xi32, #tpu.memory_space<hbm>> -> memref<80xi32, #tpu.memory_space<hbm>>
            tpu.wait_dma2 semaphore(%run_scoped3A : memref<!tpu.dma_semaphore, #tpu.memory_space<semaphore_mem>>) src(%dma_wait3A_131 : memref<80xi32, #tpu.memory_space<hbm>>) dst(%arg9 : memref<80xi32, #tpu.memory_space<vmem>>)
            tpu.yield
          }) : () -> ()
          %dma_start3A_125 = arith.constant 0 : i32
          %dma_start3A_126 = arith.constant 0 : i32
          %dma_start3A_127 = tpu.memref_slice %arg2[%dma_start3A_125, %dma_start3A_126] : memref<10000x128xf32, #tpu.memory_space<hbm>> -> memref<10000x128xf32, #tpu.memory_space<hbm>>
          tpu.enqueue_indirect_dma source(%dma_start3A_127 : memref<10000x128xf32, #tpu.memory_space<hbm>>) target(%arg14 : memref<80x128xf32, #tpu.memory_space<vmem>>) offsets(%arg8 : memref<80xi32, #tpu.memory_space<vmem>>) semaphore(%arg18 : memref<!tpu.dma_semaphore, #tpu.memory_space<semaphore_mem>>)
        } else {
        }
        %add3A_92 = arith.constant 1 : i32
        %add3A_93 = arith.addi %mul3A_84, %add3A_92 : i32
        %dma_wait3A_94 = arith.constant 0 : i32
        %dma_wait3A_95 = arith.constant 0 : i32
        %dma_wait3A_96 = tpu.memref_slice %arg2[%dma_wait3A_94, %dma_wait3A_95] : memref<10000x128xf32, #tpu.memory_space<hbm>> -> memref<10000x128xf32, #tpu.memory_space<hbm>>
        tpu.wait_indirect_dma semaphore(%arg19 : memref<!tpu.dma_semaphore, #tpu.memory_space<semaphore_mem>>) src(%dma_wait3A_96 : memref<10000x128xf32, #tpu.memory_space<hbm>>) dst(%arg15 : memref<80x128xf32, #tpu.memory_space<vmem>>)
        "tpu.region"() ({
          %run_scoped3A = tpu.sem_alloc : memref<!tpu.dma_semaphore, #tpu.memory_space<semaphore_mem>>
          %dma_start3A_113 = arith.constant 0 : i32
          %dma_start3A_114 = arith.constant 0 : i32
          %dma_start3A_115 = tpu.memref_slice %arg17[%dma_start3A_113, %dma_start3A_114] : memref<10080x128xf32, #tpu.memory_space<vmem_shared>> -> memref<10080x128xf32, #tpu.memory_space<vmem_shared>>
          tpu.enqueue_indirect_dma source(%arg15 : memref<80x128xf32, #tpu.memory_space<vmem>>) target(%dma_start3A_115 : memref<10080x128xf32, #tpu.memory_space<vmem_shared>>) offsets(%arg11 : memref<80xi32, #tpu.memory_space<vmem>>) semaphore(%run_scoped3A : memref<!tpu.dma_semaphore, #tpu.memory_space<semaphore_mem>>) {add = true}
          %dma_wait3A_116 = arith.constant 0 : i32
          %dma_wait3A_117 = arith.constant 0 : i32
          %dma_wait3A_118 = tpu.memref_slice %arg17[%dma_wait3A_116, %dma_wait3A_117] : memref<10080x128xf32, #tpu.memory_space<vmem_shared>> -> memref<10080x128xf32, #tpu.memory_space<vmem_shared>>
          tpu.wait_indirect_dma semaphore(%run_scoped3A : memref<!tpu.dma_semaphore, #tpu.memory_space<semaphore_mem>>) src(%arg15 : memref<80x128xf32, #tpu.memory_space<vmem>>) dst(%dma_wait3A_118 : memref<10080x128xf32, #tpu.memory_space<vmem_shared>>)
          tpu.yield
        }) : () -> ()
        %lt3A_97 = arith.constant 41 : i32
        %lt3A_98 = arith.cmpi slt, %scan3A_81, %lt3A_97 : i32
        %convert_element_type3A_99 = arith.extui %lt3A_98 : i1 to i32
        %cond3A_100 = arith.constant 0 : i32
        %cond3A_101 = arith.cmpi ne, %convert_element_type3A_99, %cond3A_100 : i32
        scf.if %cond3A_101 {
          %add3A_113 = arith.constant 3 : i32
          %add3A_114 = arith.addi %add3A_93, %add3A_113 : i32
          %mul3A_115 = arith.constant 10080 : i32
          %mul3A_116 = arith.muli %arg1, %mul3A_115 : i32
          %mul3A_117 = arith.constant 80 : i32
          %mul3A_118 = arith.muli %add3A_114, %mul3A_117 : i32
          %add3A_119 = arith.addi %mul3A_116, %mul3A_118 : i32
          "tpu.region"() ({
            %run_scoped3A = tpu.sem_alloc : memref<!tpu.dma_semaphore, #tpu.memory_space<semaphore_mem>>
            %dma_start3A_128 = tpu.memref_slice %arg4[%add3A_119] : memref<161280xi32, #tpu.memory_space<hbm>> -> memref<80xi32, #tpu.memory_space<hbm>>
            %dma_start3A_129 = tpu.memref_slice %arg4[%add3A_119] : memref<161280xi32, #tpu.memory_space<hbm>> -> memref<80xi32, #tpu.memory_space<hbm>>
            tpu.enqueue_dma source(%dma_start3A_129 : memref<80xi32, #tpu.memory_space<hbm>>) target(%arg10 : memref<80xi32, #tpu.memory_space<vmem>>) target_semaphore(%run_scoped3A : memref<!tpu.dma_semaphore, #tpu.memory_space<semaphore_mem>>)
            %dma_wait3A_130 = tpu.memref_slice %arg4[%add3A_119] : memref<161280xi32, #tpu.memory_space<hbm>> -> memref<80xi32, #tpu.memory_space<hbm>>
            %dma_wait3A_131 = tpu.memref_slice %arg4[%add3A_119] : memref<161280xi32, #tpu.memory_space<hbm>> -> memref<80xi32, #tpu.memory_space<hbm>>
            tpu.wait_dma2 semaphore(%run_scoped3A : memref<!tpu.dma_semaphore, #tpu.memory_space<semaphore_mem>>) src(%dma_wait3A_131 : memref<80xi32, #tpu.memory_space<hbm>>) dst(%arg10 : memref<80xi32, #tpu.memory_space<vmem>>)
            tpu.yield
          }) : () -> ()
          %mul3A_120 = arith.constant 10080 : i32
          %mul3A_121 = arith.muli %arg1, %mul3A_120 : i32
          %mul3A_122 = arith.constant 80 : i32
          %mul3A_123 = arith.muli %add3A_114, %mul3A_122 : i32
          %add3A_124 = arith.addi %mul3A_121, %mul3A_123 : i32
          "tpu.region"() ({
            %run_scoped3A = tpu.sem_alloc : memref<!tpu.dma_semaphore, #tpu.memory_space<semaphore_mem>>
            %dma_start3A_128 = tpu.memref_slice %arg5[%add3A_124] : memref<161280xi32, #tpu.memory_space<hbm>> -> memref<80xi32, #tpu.memory_space<hbm>>
            %dma_start3A_129 = tpu.memref_slice %arg5[%add3A_124] : memref<161280xi32, #tpu.memory_space<hbm>> -> memref<80xi32, #tpu.memory_space<hbm>>
            tpu.enqueue_dma source(%dma_start3A_129 : memref<80xi32, #tpu.memory_space<hbm>>) target(%arg11 : memref<80xi32, #tpu.memory_space<vmem>>) target_semaphore(%run_scoped3A : memref<!tpu.dma_semaphore, #tpu.memory_space<semaphore_mem>>)
            %dma_wait3A_130 = tpu.memref_slice %arg5[%add3A_124] : memref<161280xi32, #tpu.memory_space<hbm>> -> memref<80xi32, #tpu.memory_space<hbm>>
            %dma_wait3A_131 = tpu.memref_slice %arg5[%add3A_124] : memref<161280xi32, #tpu.memory_space<hbm>> -> memref<80xi32, #tpu.memory_space<hbm>>
            tpu.wait_dma2 semaphore(%run_scoped3A : memref<!tpu.dma_semaphore, #tpu.memory_space<semaphore_mem>>) src(%dma_wait3A_131 : memref<80xi32, #tpu.memory_space<hbm>>) dst(%arg11 : memref<80xi32, #tpu.memory_space<vmem>>)
            tpu.yield
          }) : () -> ()
          %dma_start3A_125 = arith.constant 0 : i32
          %dma_start3A_126 = arith.constant 0 : i32
          %dma_start3A_127 = tpu.memref_slice %arg2[%dma_start3A_125, %dma_start3A_126] : memref<10000x128xf32, #tpu.memory_space<hbm>> -> memref<10000x128xf32, #tpu.memory_space<hbm>>
          tpu.enqueue_indirect_dma source(%dma_start3A_127 : memref<10000x128xf32, #tpu.memory_space<hbm>>) target(%arg15 : memref<80x128xf32, #tpu.memory_space<vmem>>) offsets(%arg10 : memref<80xi32, #tpu.memory_space<vmem>>) semaphore(%arg19 : memref<!tpu.dma_semaphore, #tpu.memory_space<semaphore_mem>>)
        } else {
        }
        %add3A_102 = arith.constant 2 : i32
        %add3A_103 = arith.addi %mul3A_84, %add3A_102 : i32
        %dma_wait3A_104 = arith.constant 0 : i32
        %dma_wait3A_105 = arith.constant 0 : i32
        %dma_wait3A_106 = tpu.memref_slice %arg2[%dma_wait3A_104, %dma_wait3A_105] : memref<10000x128xf32, #tpu.memory_space<hbm>> -> memref<10000x128xf32, #tpu.memory_space<hbm>>
        tpu.wait_indirect_dma semaphore(%arg20 : memref<!tpu.dma_semaphore, #tpu.memory_space<semaphore_mem>>) src(%dma_wait3A_106 : memref<10000x128xf32, #tpu.memory_space<hbm>>) dst(%arg16 : memref<80x128xf32, #tpu.memory_space<vmem>>)
        "tpu.region"() ({
          %run_scoped3A = tpu.sem_alloc : memref<!tpu.dma_semaphore, #tpu.memory_space<semaphore_mem>>
          %dma_start3A_113 = arith.constant 0 : i32
          %dma_start3A_114 = arith.constant 0 : i32
          %dma_start3A_115 = tpu.memref_slice %arg17[%dma_start3A_113, %dma_start3A_114] : memref<10080x128xf32, #tpu.memory_space<vmem_shared>> -> memref<10080x128xf32, #tpu.memory_space<vmem_shared>>
          tpu.enqueue_indirect_dma source(%arg16 : memref<80x128xf32, #tpu.memory_space<vmem>>) target(%dma_start3A_115 : memref<10080x128xf32, #tpu.memory_space<vmem_shared>>) offsets(%arg13 : memref<80xi32, #tpu.memory_space<vmem>>) semaphore(%run_scoped3A : memref<!tpu.dma_semaphore, #tpu.memory_space<semaphore_mem>>) {add = true}
          %dma_wait3A_116 = arith.constant 0 : i32
          %dma_wait3A_117 = arith.constant 0 : i32
          %dma_wait3A_118 = tpu.memref_slice %arg17[%dma_wait3A_116, %dma_wait3A_117] : memref<10080x128xf32, #tpu.memory_space<vmem_shared>> -> memref<10080x128xf32, #tpu.memory_space<vmem_shared>>
          tpu.wait_indirect_dma semaphore(%run_scoped3A : memref<!tpu.dma_semaphore, #tpu.memory_space<semaphore_mem>>) src(%arg16 : memref<80x128xf32, #tpu.memory_space<vmem>>) dst(%dma_wait3A_118 : memref<10080x128xf32, #tpu.memory_space<vmem_shared>>)
          tpu.yield
        }) : () -> ()
        %lt3A_107 = arith.constant 41 : i32
        %lt3A_108 = arith.cmpi slt, %scan3A_81, %lt3A_107 : i32
        %convert_element_type3A_109 = arith.extui %lt3A_108 : i1 to i32
        %cond3A_110 = arith.constant 0 : i32
        %cond3A_111 = arith.cmpi ne, %convert_element_type3A_109, %cond3A_110 : i32
        scf.if %cond3A_111 {
          %add3A_113 = arith.constant 3 : i32
          %add3A_114 = arith.addi %add3A_103, %add3A_113 : i32
          %mul3A_115 = arith.constant 10080 : i32
          %mul3A_116 = arith.muli %arg1, %mul3A_115 : i32
          %mul3A_117 = arith.constant 80 : i32
          %mul3A_118 = arith.muli %add3A_114, %mul3A_117 : i32
          %add3A_119 = arith.addi %mul3A_116, %mul3A_118 : i32
          "tpu.region"() ({
            %run_scoped3A = tpu.sem_alloc : memref<!tpu.dma_semaphore, #tpu.memory_space<semaphore_mem>>
            %dma_start3A_128 = tpu.memref_slice %arg4[%add3A_119] : memref<161280xi32, #tpu.memory_space<hbm>> -> memref<80xi32, #tpu.memory_space<hbm>>
            %dma_start3A_129 = tpu.memref_slice %arg4[%add3A_119] : memref<161280xi32, #tpu.memory_space<hbm>> -> memref<80xi32, #tpu.memory_space<hbm>>
            tpu.enqueue_dma source(%dma_start3A_129 : memref<80xi32, #tpu.memory_space<hbm>>) target(%arg12 : memref<80xi32, #tpu.memory_space<vmem>>) target_semaphore(%run_scoped3A : memref<!tpu.dma_semaphore, #tpu.memory_space<semaphore_mem>>)
            %dma_wait3A_130 = tpu.memref_slice %arg4[%add3A_119] : memref<161280xi32, #tpu.memory_space<hbm>> -> memref<80xi32, #tpu.memory_space<hbm>>
            %dma_wait3A_131 = tpu.memref_slice %arg4[%add3A_119] : memref<161280xi32, #tpu.memory_space<hbm>> -> memref<80xi32, #tpu.memory_space<hbm>>
            tpu.wait_dma2 semaphore(%run_scoped3A : memref<!tpu.dma_semaphore, #tpu.memory_space<semaphore_mem>>) src(%dma_wait3A_131 : memref<80xi32, #tpu.memory_space<hbm>>) dst(%arg12 : memref<80xi32, #tpu.memory_space<vmem>>)
            tpu.yield
          }) : () -> ()
          %mul3A_120 = arith.constant 10080 : i32
          %mul3A_121 = arith.muli %arg1, %mul3A_120 : i32
          %mul3A_122 = arith.constant 80 : i32
          %mul3A_123 = arith.muli %add3A_114, %mul3A_122 : i32
          %add3A_124 = arith.addi %mul3A_121, %mul3A_123 : i32
          "tpu.region"() ({
            %run_scoped3A = tpu.sem_alloc : memref<!tpu.dma_semaphore, #tpu.memory_space<semaphore_mem>>
            %dma_start3A_128 = tpu.memref_slice %arg5[%add3A_124] : memref<161280xi32, #tpu.memory_space<hbm>> -> memref<80xi32, #tpu.memory_space<hbm>>
            %dma_start3A_129 = tpu.memref_slice %arg5[%add3A_124] : memref<161280xi32, #tpu.memory_space<hbm>> -> memref<80xi32, #tpu.memory_space<hbm>>
            tpu.enqueue_dma source(%dma_start3A_129 : memref<80xi32, #tpu.memory_space<hbm>>) target(%arg13 : memref<80xi32, #tpu.memory_space<vmem>>) target_semaphore(%run_scoped3A : memref<!tpu.dma_semaphore, #tpu.memory_space<semaphore_mem>>)
            %dma_wait3A_130 = tpu.memref_slice %arg5[%add3A_124] : memref<161280xi32, #tpu.memory_space<hbm>> -> memref<80xi32, #tpu.memory_space<hbm>>
            %dma_wait3A_131 = tpu.memref_slice %arg5[%add3A_124] : memref<161280xi32, #tpu.memory_space<hbm>> -> memref<80xi32, #tpu.memory_space<hbm>>
            tpu.wait_dma2 semaphore(%run_scoped3A : memref<!tpu.dma_semaphore, #tpu.memory_space<semaphore_mem>>) src(%dma_wait3A_131 : memref<80xi32, #tpu.memory_space<hbm>>) dst(%arg13 : memref<80xi32, #tpu.memory_space<vmem>>)
            tpu.yield
          }) : () -> ()
          %dma_start3A_125 = arith.constant 0 : i32
          %dma_start3A_126 = arith.constant 0 : i32
          %dma_start3A_127 = tpu.memref_slice %arg2[%dma_start3A_125, %dma_start3A_126] : memref<10000x128xf32, #tpu.memory_space<hbm>> -> memref<10000x128xf32, #tpu.memory_space<hbm>>
          tpu.enqueue_indirect_dma source(%dma_start3A_127 : memref<10000x128xf32, #tpu.memory_space<hbm>>) target(%arg16 : memref<80x128xf32, #tpu.memory_space<vmem>>) offsets(%arg12 : memref<80xi32, #tpu.memory_space<vmem>>) semaphore(%arg20 : memref<!tpu.dma_semaphore, #tpu.memory_space<semaphore_mem>>)
        } else {
        }
        %scan3A_112 = arith.constant 0 : i32
        scf.yield %scan3A_112 : i32
      }
      %scan3A_62 = arith.constant 42 : i32
      %barrier3A_63 = arith.constant 0 : index
      tpu.barrier barrier_id(%barrier3A_63)
      %lt3A_64 = arith.constant 13 : i32
      %lt3A_65 = arith.cmpi slt, %arg1, %lt3A_64 : i32
      %jit3A_66 = arith.constant 8 : i32
      %jit3A_67 = arith.constant 7 : i32
      %select_n3A_68 = arith.select %lt3A_65, %jit3A_66, %jit3A_67 : i32
      %while3A_69 = arith.constant 0 : i32
      %while3A_70 = arith.constant 0 : i32
      %while3A_71 = arith.subi %select_n3A_68, %while3A_69 : i32
      %while3A_72 = arith.addi %while3A_69, %while3A_71 : i32
      %while3A_73 = arith.constant 1 : i32
      %while3A_74 = arith.divsi %while3A_71, %while3A_73 : i32
      %while3A_75 = arith.muli %while3A_74, %while3A_73 : i32
      %while3A_76 = arith.addi %while3A_69, %while3A_75 : i32
      %while3A_77 = arith.constant 1 : i32
      %while3A_78 = scf.for %while3A_81 = %while3A_69 to %while3A_76 step %while3A_77 iter_args(%while3A_82 = %while3A_70) -> (i32)  : i32 {
        %mul3A_83 = arith.constant 16 : i32
        %mul3A_84 = arith.muli %while3A_81, %mul3A_83 : i32
        %add3A_85 = arith.addi %arg1, %mul3A_84 : i32
        %mul3A_86 = arith.constant 80 : i32
        %mul3A_87 = arith.muli %add3A_85, %mul3A_86 : i32
        "tpu.region"() ({
          %run_scoped3A = tpu.sem_alloc : memref<!tpu.dma_semaphore, #tpu.memory_space<semaphore_mem>>
          %dma_start3A_89 = arith.constant 0 : i32
          %dma_start3A_90 = tpu.memref_slice %arg6[%mul3A_87, %dma_start3A_89] : memref<10000x128xf32, #tpu.memory_space<hbm>> -> memref<80x128xf32, #tpu.memory_space<hbm>>
          %dma_start3A_91 = arith.constant 0 : i32
          %dma_start3A_92 = tpu.memref_slice %arg17[%mul3A_87, %dma_start3A_91] : memref<10080x128xf32, #tpu.memory_space<vmem_shared>> -> memref<80x128xf32, #tpu.memory_space<vmem_shared>>
          tpu.enqueue_dma source(%dma_start3A_92 : memref<80x128xf32, #tpu.memory_space<vmem_shared>>) target(%dma_start3A_90 : memref<80x128xf32, #tpu.memory_space<hbm>>) target_semaphore(%run_scoped3A : memref<!tpu.dma_semaphore, #tpu.memory_space<semaphore_mem>>)
          %dma_wait3A = arith.constant 0 : i32
          %dma_wait3A_93 = tpu.memref_slice %arg6[%mul3A_87, %dma_wait3A] : memref<10000x128xf32, #tpu.memory_space<hbm>> -> memref<80x128xf32, #tpu.memory_space<hbm>>
          %dma_wait3A_94 = arith.constant 0 : i32
          %dma_wait3A_95 = tpu.memref_slice %arg17[%mul3A_87, %dma_wait3A_94] : memref<10080x128xf32, #tpu.memory_space<vmem_shared>> -> memref<80x128xf32, #tpu.memory_space<vmem_shared>>
          tpu.wait_dma2 semaphore(%run_scoped3A : memref<!tpu.dma_semaphore, #tpu.memory_space<semaphore_mem>>) src(%dma_wait3A_95 : memref<80x128xf32, #tpu.memory_space<vmem_shared>>) dst(%dma_wait3A_93 : memref<80x128xf32, #tpu.memory_space<hbm>>)
          tpu.yield
        }) : () -> ()
        %while3A_88 = arith.constant 0 : i32
        scf.yield %while3A_88 : i32
      }
      %while3A_79 = arith.constant 1 : i32
      %while3A_80 = scf.for %while3A_81 = %while3A_76 to %while3A_72 step %while3A_79 iter_args(%while3A_82 = %while3A_78) -> (i32)  : i32 {
        %mul3A_83 = arith.constant 16 : i32
        %mul3A_84 = arith.muli %while3A_81, %mul3A_83 : i32
        %add3A_85 = arith.addi %arg1, %mul3A_84 : i32
        %mul3A_86 = arith.constant 80 : i32
        %mul3A_87 = arith.muli %add3A_85, %mul3A_86 : i32
        "tpu.region"() ({
          %run_scoped3A = tpu.sem_alloc : memref<!tpu.dma_semaphore, #tpu.memory_space<semaphore_mem>>
          %dma_start3A_89 = arith.constant 0 : i32
          %dma_start3A_90 = tpu.memref_slice %arg6[%mul3A_87, %dma_start3A_89] : memref<10000x128xf32, #tpu.memory_space<hbm>> -> memref<80x128xf32, #tpu.memory_space<hbm>>
          %dma_start3A_91 = arith.constant 0 : i32
          %dma_start3A_92 = tpu.memref_slice %arg17[%mul3A_87, %dma_start3A_91] : memref<10080x128xf32, #tpu.memory_space<vmem_shared>> -> memref<80x128xf32, #tpu.memory_space<vmem_shared>>
          tpu.enqueue_dma source(%dma_start3A_92 : memref<80x128xf32, #tpu.memory_space<vmem_shared>>) target(%dma_start3A_90 : memref<80x128xf32, #tpu.memory_space<hbm>>) target_semaphore(%run_scoped3A : memref<!tpu.dma_semaphore, #tpu.memory_space<semaphore_mem>>)
          %dma_wait3A = arith.constant 0 : i32
          %dma_wait3A_93 = tpu.memref_slice %arg6[%mul3A_87, %dma_wait3A] : memref<10000x128xf32, #tpu.memory_space<hbm>> -> memref<80x128xf32, #tpu.memory_space<hbm>>
          %dma_wait3A_94 = arith.constant 0 : i32
          %dma_wait3A_95 = tpu.memref_slice %arg17[%mul3A_87, %dma_wait3A_94] : memref<10080x128xf32, #tpu.memory_space<vmem_shared>> -> memref<80x128xf32, #tpu.memory_space<vmem_shared>>
          tpu.wait_dma2 semaphore(%run_scoped3A : memref<!tpu.dma_semaphore, #tpu.memory_space<semaphore_mem>>) src(%dma_wait3A_95 : memref<80x128xf32, #tpu.memory_space<vmem_shared>>) dst(%dma_wait3A_93 : memref<80x128xf32, #tpu.memory_space<hbm>>)
          tpu.yield
        }) : () -> ()
        %while3A_88 = arith.constant 0 : i32
        scf.yield %while3A_88 : i32
      }
    } else {
    }
    %eq3A_21 = arith.constant 1 : i32
    %eq3A_22 = arith.cmpi eq, %arg0, %eq3A_21 : i32
    %convert_element_type3A_23 = arith.extui %eq3A_22 : i1 to i32
    %cond3A_24 = arith.constant 0 : i32
    %cond3A_25 = arith.cmpi ne, %convert_element_type3A_23, %cond3A_24 : i32
    scf.if %cond3A_25 {
      %mul3A = arith.constant 10080 : i32
      %mul3A_26 = arith.muli %arg1, %mul3A : i32
      %add3A = arith.constant 0 : i32
      %add3A_27 = arith.addi %mul3A_26, %add3A : i32
      "tpu.region"() ({
        %run_scoped3A = tpu.sem_alloc : memref<!tpu.dma_semaphore, #tpu.memory_space<semaphore_mem>>
        %dma_start3A_81 = tpu.memref_slice %arg4[%add3A_27] : memref<161280xi32, #tpu.memory_space<hbm>> -> memref<80xi32, #tpu.memory_space<hbm>>
        %dma_start3A_82 = tpu.memref_slice %arg4[%add3A_27] : memref<161280xi32, #tpu.memory_space<hbm>> -> memref<80xi32, #tpu.memory_space<hbm>>
        tpu.enqueue_dma source(%dma_start3A_82 : memref<80xi32, #tpu.memory_space<hbm>>) target(%arg8 : memref<80xi32, #tpu.memory_space<vmem>>) target_semaphore(%run_scoped3A : memref<!tpu.dma_semaphore, #tpu.memory_space<semaphore_mem>>)
        %dma_wait3A = tpu.memref_slice %arg4[%add3A_27] : memref<161280xi32, #tpu.memory_space<hbm>> -> memref<80xi32, #tpu.memory_space<hbm>>
        %dma_wait3A_83 = tpu.memref_slice %arg4[%add3A_27] : memref<161280xi32, #tpu.memory_space<hbm>> -> memref<80xi32, #tpu.memory_space<hbm>>
        tpu.wait_dma2 semaphore(%run_scoped3A : memref<!tpu.dma_semaphore, #tpu.memory_space<semaphore_mem>>) src(%dma_wait3A_83 : memref<80xi32, #tpu.memory_space<hbm>>) dst(%arg8 : memref<80xi32, #tpu.memory_space<vmem>>)
        tpu.yield
      }) : () -> ()
      %mul3A_28 = arith.constant 10080 : i32
      %mul3A_29 = arith.muli %arg1, %mul3A_28 : i32
      %add3A_30 = arith.constant 0 : i32
      %add3A_31 = arith.addi %mul3A_29, %add3A_30 : i32
      "tpu.region"() ({
        %run_scoped3A = tpu.sem_alloc : memref<!tpu.dma_semaphore, #tpu.memory_space<semaphore_mem>>
        %dma_start3A_81 = tpu.memref_slice %arg5[%add3A_31] : memref<161280xi32, #tpu.memory_space<hbm>> -> memref<80xi32, #tpu.memory_space<hbm>>
        %dma_start3A_82 = tpu.memref_slice %arg5[%add3A_31] : memref<161280xi32, #tpu.memory_space<hbm>> -> memref<80xi32, #tpu.memory_space<hbm>>
        tpu.enqueue_dma source(%dma_start3A_82 : memref<80xi32, #tpu.memory_space<hbm>>) target(%arg9 : memref<80xi32, #tpu.memory_space<vmem>>) target_semaphore(%run_scoped3A : memref<!tpu.dma_semaphore, #tpu.memory_space<semaphore_mem>>)
        %dma_wait3A = tpu.memref_slice %arg5[%add3A_31] : memref<161280xi32, #tpu.memory_space<hbm>> -> memref<80xi32, #tpu.memory_space<hbm>>
        %dma_wait3A_83 = tpu.memref_slice %arg5[%add3A_31] : memref<161280xi32, #tpu.memory_space<hbm>> -> memref<80xi32, #tpu.memory_space<hbm>>
        tpu.wait_dma2 semaphore(%run_scoped3A : memref<!tpu.dma_semaphore, #tpu.memory_space<semaphore_mem>>) src(%dma_wait3A_83 : memref<80xi32, #tpu.memory_space<hbm>>) dst(%arg9 : memref<80xi32, #tpu.memory_space<vmem>>)
        tpu.yield
      }) : () -> ()
      %dma_start3A = arith.constant 0 : i32
      %dma_start3A_32 = arith.constant 0 : i32
      %dma_start3A_33 = tpu.memref_slice %arg3[%dma_start3A, %dma_start3A_32] : memref<10000x128xf32, #tpu.memory_space<hbm>> -> memref<10000x128xf32, #tpu.memory_space<hbm>>
      tpu.enqueue_indirect_dma source(%dma_start3A_33 : memref<10000x128xf32, #tpu.memory_space<hbm>>) target(%arg14 : memref<80x128xf32, #tpu.memory_space<vmem>>) offsets(%arg8 : memref<80xi32, #tpu.memory_space<vmem>>) semaphore(%arg18 : memref<!tpu.dma_semaphore, #tpu.memory_space<semaphore_mem>>)
      %mul3A_34 = arith.constant 10080 : i32
      %mul3A_35 = arith.muli %arg1, %mul3A_34 : i32
      %add3A_36 = arith.constant 80 : i32
      %add3A_37 = arith.addi %mul3A_35, %add3A_36 : i32
      "tpu.region"() ({
        %run_scoped3A = tpu.sem_alloc : memref<!tpu.dma_semaphore, #tpu.memory_space<semaphore_mem>>
        %dma_start3A_81 = tpu.memref_slice %arg4[%add3A_37] : memref<161280xi32, #tpu.memory_space<hbm>> -> memref<80xi32, #tpu.memory_space<hbm>>
        %dma_start3A_82 = tpu.memref_slice %arg4[%add3A_37] : memref<161280xi32, #tpu.memory_space<hbm>> -> memref<80xi32, #tpu.memory_space<hbm>>
        tpu.enqueue_dma source(%dma_start3A_82 : memref<80xi32, #tpu.memory_space<hbm>>) target(%arg10 : memref<80xi32, #tpu.memory_space<vmem>>) target_semaphore(%run_scoped3A : memref<!tpu.dma_semaphore, #tpu.memory_space<semaphore_mem>>)
        %dma_wait3A = tpu.memref_slice %arg4[%add3A_37] : memref<161280xi32, #tpu.memory_space<hbm>> -> memref<80xi32, #tpu.memory_space<hbm>>
        %dma_wait3A_83 = tpu.memref_slice %arg4[%add3A_37] : memref<161280xi32, #tpu.memory_space<hbm>> -> memref<80xi32, #tpu.memory_space<hbm>>
        tpu.wait_dma2 semaphore(%run_scoped3A : memref<!tpu.dma_semaphore, #tpu.memory_space<semaphore_mem>>) src(%dma_wait3A_83 : memref<80xi32, #tpu.memory_space<hbm>>) dst(%arg10 : memref<80xi32, #tpu.memory_space<vmem>>)
        tpu.yield
      }) : () -> ()
      %mul3A_38 = arith.constant 10080 : i32
      %mul3A_39 = arith.muli %arg1, %mul3A_38 : i32
      %add3A_40 = arith.constant 80 : i32
      %add3A_41 = arith.addi %mul3A_39, %add3A_40 : i32
      "tpu.region"() ({
        %run_scoped3A = tpu.sem_alloc : memref<!tpu.dma_semaphore, #tpu.memory_space<semaphore_mem>>
        %dma_start3A_81 = tpu.memref_slice %arg5[%add3A_41] : memref<161280xi32, #tpu.memory_space<hbm>> -> memref<80xi32, #tpu.memory_space<hbm>>
        %dma_start3A_82 = tpu.memref_slice %arg5[%add3A_41] : memref<161280xi32, #tpu.memory_space<hbm>> -> memref<80xi32, #tpu.memory_space<hbm>>
        tpu.enqueue_dma source(%dma_start3A_82 : memref<80xi32, #tpu.memory_space<hbm>>) target(%arg11 : memref<80xi32, #tpu.memory_space<vmem>>) target_semaphore(%run_scoped3A : memref<!tpu.dma_semaphore, #tpu.memory_space<semaphore_mem>>)
        %dma_wait3A = tpu.memref_slice %arg5[%add3A_41] : memref<161280xi32, #tpu.memory_space<hbm>> -> memref<80xi32, #tpu.memory_space<hbm>>
        %dma_wait3A_83 = tpu.memref_slice %arg5[%add3A_41] : memref<161280xi32, #tpu.memory_space<hbm>> -> memref<80xi32, #tpu.memory_space<hbm>>
        tpu.wait_dma2 semaphore(%run_scoped3A : memref<!tpu.dma_semaphore, #tpu.memory_space<semaphore_mem>>) src(%dma_wait3A_83 : memref<80xi32, #tpu.memory_space<hbm>>) dst(%arg11 : memref<80xi32, #tpu.memory_space<vmem>>)
        tpu.yield
      }) : () -> ()
      %dma_start3A_42 = arith.constant 0 : i32
      %dma_start3A_43 = arith.constant 0 : i32
      %dma_start3A_44 = tpu.memref_slice %arg3[%dma_start3A_42, %dma_start3A_43] : memref<10000x128xf32, #tpu.memory_space<hbm>> -> memref<10000x128xf32, #tpu.memory_space<hbm>>
      tpu.enqueue_indirect_dma source(%dma_start3A_44 : memref<10000x128xf32, #tpu.memory_space<hbm>>) target(%arg15 : memref<80x128xf32, #tpu.memory_space<vmem>>) offsets(%arg10 : memref<80xi32, #tpu.memory_space<vmem>>) semaphore(%arg19 : memref<!tpu.dma_semaphore, #tpu.memory_space<semaphore_mem>>)
      %mul3A_45 = arith.constant 10080 : i32
      %mul3A_46 = arith.muli %arg1, %mul3A_45 : i32
      %add3A_47 = arith.constant 160 : i32
      %add3A_48 = arith.addi %mul3A_46, %add3A_47 : i32
      "tpu.region"() ({
        %run_scoped3A = tpu.sem_alloc : memref<!tpu.dma_semaphore, #tpu.memory_space<semaphore_mem>>
        %dma_start3A_81 = tpu.memref_slice %arg4[%add3A_48] : memref<161280xi32, #tpu.memory_space<hbm>> -> memref<80xi32, #tpu.memory_space<hbm>>
        %dma_start3A_82 = tpu.memref_slice %arg4[%add3A_48] : memref<161280xi32, #tpu.memory_space<hbm>> -> memref<80xi32, #tpu.memory_space<hbm>>
        tpu.enqueue_dma source(%dma_start3A_82 : memref<80xi32, #tpu.memory_space<hbm>>) target(%arg12 : memref<80xi32, #tpu.memory_space<vmem>>) target_semaphore(%run_scoped3A : memref<!tpu.dma_semaphore, #tpu.memory_space<semaphore_mem>>)
        %dma_wait3A = tpu.memref_slice %arg4[%add3A_48] : memref<161280xi32, #tpu.memory_space<hbm>> -> memref<80xi32, #tpu.memory_space<hbm>>
        %dma_wait3A_83 = tpu.memref_slice %arg4[%add3A_48] : memref<161280xi32, #tpu.memory_space<hbm>> -> memref<80xi32, #tpu.memory_space<hbm>>
        tpu.wait_dma2 semaphore(%run_scoped3A : memref<!tpu.dma_semaphore, #tpu.memory_space<semaphore_mem>>) src(%dma_wait3A_83 : memref<80xi32, #tpu.memory_space<hbm>>) dst(%arg12 : memref<80xi32, #tpu.memory_space<vmem>>)
        tpu.yield
      }) : () -> ()
      %mul3A_49 = arith.constant 10080 : i32
      %mul3A_50 = arith.muli %arg1, %mul3A_49 : i32
      %add3A_51 = arith.constant 160 : i32
      %add3A_52 = arith.addi %mul3A_50, %add3A_51 : i32
      "tpu.region"() ({
        %run_scoped3A = tpu.sem_alloc : memref<!tpu.dma_semaphore, #tpu.memory_space<semaphore_mem>>
        %dma_start3A_81 = tpu.memref_slice %arg5[%add3A_52] : memref<161280xi32, #tpu.memory_space<hbm>> -> memref<80xi32, #tpu.memory_space<hbm>>
        %dma_start3A_82 = tpu.memref_slice %arg5[%add3A_52] : memref<161280xi32, #tpu.memory_space<hbm>> -> memref<80xi32, #tpu.memory_space<hbm>>
        tpu.enqueue_dma source(%dma_start3A_82 : memref<80xi32, #tpu.memory_space<hbm>>) target(%arg13 : memref<80xi32, #tpu.memory_space<vmem>>) target_semaphore(%run_scoped3A : memref<!tpu.dma_semaphore, #tpu.memory_space<semaphore_mem>>)
        %dma_wait3A = tpu.memref_slice %arg5[%add3A_52] : memref<161280xi32, #tpu.memory_space<hbm>> -> memref<80xi32, #tpu.memory_space<hbm>>
        %dma_wait3A_83 = tpu.memref_slice %arg5[%add3A_52] : memref<161280xi32, #tpu.memory_space<hbm>> -> memref<80xi32, #tpu.memory_space<hbm>>
        tpu.wait_dma2 semaphore(%run_scoped3A : memref<!tpu.dma_semaphore, #tpu.memory_space<semaphore_mem>>) src(%dma_wait3A_83 : memref<80xi32, #tpu.memory_space<hbm>>) dst(%arg13 : memref<80xi32, #tpu.memory_space<vmem>>)
        tpu.yield
      }) : () -> ()
      %dma_start3A_53 = arith.constant 0 : i32
      %dma_start3A_54 = arith.constant 0 : i32
      %dma_start3A_55 = tpu.memref_slice %arg3[%dma_start3A_53, %dma_start3A_54] : memref<10000x128xf32, #tpu.memory_space<hbm>> -> memref<10000x128xf32, #tpu.memory_space<hbm>>
      tpu.enqueue_indirect_dma source(%dma_start3A_55 : memref<10000x128xf32, #tpu.memory_space<hbm>>) target(%arg16 : memref<80x128xf32, #tpu.memory_space<vmem>>) offsets(%arg12 : memref<80xi32, #tpu.memory_space<vmem>>) semaphore(%arg20 : memref<!tpu.dma_semaphore, #tpu.memory_space<semaphore_mem>>)
      %scan3A_56 = arith.constant 0 : i32
      %scan3A_57 = arith.constant 0 : i32
      %scan3A_58 = arith.constant 42 : i32
      %scan3A_59 = arith.addi %scan3A_57, %scan3A_58 : i32
      %scan3A_60 = arith.constant 1 : i32
      %scan3A_61 = scf.for %scan3A_81 = %scan3A_57 to %scan3A_59 step %scan3A_60 iter_args(%scan3A_82 = %scan3A_56) -> (i32)  : i32 {
        %mul3A_83 = arith.constant 3 : i32
        %mul3A_84 = arith.muli %mul3A_83, %scan3A_81 : i32
        %dma_wait3A = arith.constant 0 : i32
        %dma_wait3A_85 = arith.constant 0 : i32
        %dma_wait3A_86 = tpu.memref_slice %arg3[%dma_wait3A, %dma_wait3A_85] : memref<10000x128xf32, #tpu.memory_space<hbm>> -> memref<10000x128xf32, #tpu.memory_space<hbm>>
        tpu.wait_indirect_dma semaphore(%arg18 : memref<!tpu.dma_semaphore, #tpu.memory_space<semaphore_mem>>) src(%dma_wait3A_86 : memref<10000x128xf32, #tpu.memory_space<hbm>>) dst(%arg14 : memref<80x128xf32, #tpu.memory_space<vmem>>)
        "tpu.region"() ({
          %run_scoped3A = tpu.sem_alloc : memref<!tpu.dma_semaphore, #tpu.memory_space<semaphore_mem>>
          %dma_start3A_113 = arith.constant 0 : i32
          %dma_start3A_114 = arith.constant 0 : i32
          %dma_start3A_115 = tpu.memref_slice %arg17[%dma_start3A_113, %dma_start3A_114] : memref<10080x128xf32, #tpu.memory_space<vmem_shared>> -> memref<10080x128xf32, #tpu.memory_space<vmem_shared>>
          tpu.enqueue_indirect_dma source(%arg14 : memref<80x128xf32, #tpu.memory_space<vmem>>) target(%dma_start3A_115 : memref<10080x128xf32, #tpu.memory_space<vmem_shared>>) offsets(%arg9 : memref<80xi32, #tpu.memory_space<vmem>>) semaphore(%run_scoped3A : memref<!tpu.dma_semaphore, #tpu.memory_space<semaphore_mem>>) {add = true}
          %dma_wait3A_116 = arith.constant 0 : i32
          %dma_wait3A_117 = arith.constant 0 : i32
          %dma_wait3A_118 = tpu.memref_slice %arg17[%dma_wait3A_116, %dma_wait3A_117] : memref<10080x128xf32, #tpu.memory_space<vmem_shared>> -> memref<10080x128xf32, #tpu.memory_space<vmem_shared>>
          tpu.wait_indirect_dma semaphore(%run_scoped3A : memref<!tpu.dma_semaphore, #tpu.memory_space<semaphore_mem>>) src(%arg14 : memref<80x128xf32, #tpu.memory_space<vmem>>) dst(%dma_wait3A_118 : memref<10080x128xf32, #tpu.memory_space<vmem_shared>>)
          tpu.yield
        }) : () -> ()
        %lt3A_87 = arith.constant 41 : i32
        %lt3A_88 = arith.cmpi slt, %scan3A_81, %lt3A_87 : i32
        %convert_element_type3A_89 = arith.extui %lt3A_88 : i1 to i32
        %cond3A_90 = arith.constant 0 : i32
        %cond3A_91 = arith.cmpi ne, %convert_element_type3A_89, %cond3A_90 : i32
        scf.if %cond3A_91 {
          %add3A_113 = arith.constant 3 : i32
          %add3A_114 = arith.addi %mul3A_84, %add3A_113 : i32
          %mul3A_115 = arith.constant 10080 : i32
          %mul3A_116 = arith.muli %arg1, %mul3A_115 : i32
          %mul3A_117 = arith.constant 80 : i32
          %mul3A_118 = arith.muli %add3A_114, %mul3A_117 : i32
          %add3A_119 = arith.addi %mul3A_116, %mul3A_118 : i32
          "tpu.region"() ({
            %run_scoped3A = tpu.sem_alloc : memref<!tpu.dma_semaphore, #tpu.memory_space<semaphore_mem>>
            %dma_start3A_128 = tpu.memref_slice %arg4[%add3A_119] : memref<161280xi32, #tpu.memory_space<hbm>> -> memref<80xi32, #tpu.memory_space<hbm>>
            %dma_start3A_129 = tpu.memref_slice %arg4[%add3A_119] : memref<161280xi32, #tpu.memory_space<hbm>> -> memref<80xi32, #tpu.memory_space<hbm>>
            tpu.enqueue_dma source(%dma_start3A_129 : memref<80xi32, #tpu.memory_space<hbm>>) target(%arg8 : memref<80xi32, #tpu.memory_space<vmem>>) target_semaphore(%run_scoped3A : memref<!tpu.dma_semaphore, #tpu.memory_space<semaphore_mem>>)
            %dma_wait3A_130 = tpu.memref_slice %arg4[%add3A_119] : memref<161280xi32, #tpu.memory_space<hbm>> -> memref<80xi32, #tpu.memory_space<hbm>>
            %dma_wait3A_131 = tpu.memref_slice %arg4[%add3A_119] : memref<161280xi32, #tpu.memory_space<hbm>> -> memref<80xi32, #tpu.memory_space<hbm>>
            tpu.wait_dma2 semaphore(%run_scoped3A : memref<!tpu.dma_semaphore, #tpu.memory_space<semaphore_mem>>) src(%dma_wait3A_131 : memref<80xi32, #tpu.memory_space<hbm>>) dst(%arg8 : memref<80xi32, #tpu.memory_space<vmem>>)
            tpu.yield
          }) : () -> ()
          %mul3A_120 = arith.constant 10080 : i32
          %mul3A_121 = arith.muli %arg1, %mul3A_120 : i32
          %mul3A_122 = arith.constant 80 : i32
          %mul3A_123 = arith.muli %add3A_114, %mul3A_122 : i32
          %add3A_124 = arith.addi %mul3A_121, %mul3A_123 : i32
          "tpu.region"() ({
            %run_scoped3A = tpu.sem_alloc : memref<!tpu.dma_semaphore, #tpu.memory_space<semaphore_mem>>
            %dma_start3A_128 = tpu.memref_slice %arg5[%add3A_124] : memref<161280xi32, #tpu.memory_space<hbm>> -> memref<80xi32, #tpu.memory_space<hbm>>
            %dma_start3A_129 = tpu.memref_slice %arg5[%add3A_124] : memref<161280xi32, #tpu.memory_space<hbm>> -> memref<80xi32, #tpu.memory_space<hbm>>
            tpu.enqueue_dma source(%dma_start3A_129 : memref<80xi32, #tpu.memory_space<hbm>>) target(%arg9 : memref<80xi32, #tpu.memory_space<vmem>>) target_semaphore(%run_scoped3A : memref<!tpu.dma_semaphore, #tpu.memory_space<semaphore_mem>>)
            %dma_wait3A_130 = tpu.memref_slice %arg5[%add3A_124] : memref<161280xi32, #tpu.memory_space<hbm>> -> memref<80xi32, #tpu.memory_space<hbm>>
            %dma_wait3A_131 = tpu.memref_slice %arg5[%add3A_124] : memref<161280xi32, #tpu.memory_space<hbm>> -> memref<80xi32, #tpu.memory_space<hbm>>
            tpu.wait_dma2 semaphore(%run_scoped3A : memref<!tpu.dma_semaphore, #tpu.memory_space<semaphore_mem>>) src(%dma_wait3A_131 : memref<80xi32, #tpu.memory_space<hbm>>) dst(%arg9 : memref<80xi32, #tpu.memory_space<vmem>>)
            tpu.yield
          }) : () -> ()
          %dma_start3A_125 = arith.constant 0 : i32
          %dma_start3A_126 = arith.constant 0 : i32
          %dma_start3A_127 = tpu.memref_slice %arg3[%dma_start3A_125, %dma_start3A_126] : memref<10000x128xf32, #tpu.memory_space<hbm>> -> memref<10000x128xf32, #tpu.memory_space<hbm>>
          tpu.enqueue_indirect_dma source(%dma_start3A_127 : memref<10000x128xf32, #tpu.memory_space<hbm>>) target(%arg14 : memref<80x128xf32, #tpu.memory_space<vmem>>) offsets(%arg8 : memref<80xi32, #tpu.memory_space<vmem>>) semaphore(%arg18 : memref<!tpu.dma_semaphore, #tpu.memory_space<semaphore_mem>>)
        } else {
        }
        %add3A_92 = arith.constant 1 : i32
        %add3A_93 = arith.addi %mul3A_84, %add3A_92 : i32
        %dma_wait3A_94 = arith.constant 0 : i32
        %dma_wait3A_95 = arith.constant 0 : i32
        %dma_wait3A_96 = tpu.memref_slice %arg3[%dma_wait3A_94, %dma_wait3A_95] : memref<10000x128xf32, #tpu.memory_space<hbm>> -> memref<10000x128xf32, #tpu.memory_space<hbm>>
        tpu.wait_indirect_dma semaphore(%arg19 : memref<!tpu.dma_semaphore, #tpu.memory_space<semaphore_mem>>) src(%dma_wait3A_96 : memref<10000x128xf32, #tpu.memory_space<hbm>>) dst(%arg15 : memref<80x128xf32, #tpu.memory_space<vmem>>)
        "tpu.region"() ({
          %run_scoped3A = tpu.sem_alloc : memref<!tpu.dma_semaphore, #tpu.memory_space<semaphore_mem>>
          %dma_start3A_113 = arith.constant 0 : i32
          %dma_start3A_114 = arith.constant 0 : i32
          %dma_start3A_115 = tpu.memref_slice %arg17[%dma_start3A_113, %dma_start3A_114] : memref<10080x128xf32, #tpu.memory_space<vmem_shared>> -> memref<10080x128xf32, #tpu.memory_space<vmem_shared>>
          tpu.enqueue_indirect_dma source(%arg15 : memref<80x128xf32, #tpu.memory_space<vmem>>) target(%dma_start3A_115 : memref<10080x128xf32, #tpu.memory_space<vmem_shared>>) offsets(%arg11 : memref<80xi32, #tpu.memory_space<vmem>>) semaphore(%run_scoped3A : memref<!tpu.dma_semaphore, #tpu.memory_space<semaphore_mem>>) {add = true}
          %dma_wait3A_116 = arith.constant 0 : i32
          %dma_wait3A_117 = arith.constant 0 : i32
          %dma_wait3A_118 = tpu.memref_slice %arg17[%dma_wait3A_116, %dma_wait3A_117] : memref<10080x128xf32, #tpu.memory_space<vmem_shared>> -> memref<10080x128xf32, #tpu.memory_space<vmem_shared>>
          tpu.wait_indirect_dma semaphore(%run_scoped3A : memref<!tpu.dma_semaphore, #tpu.memory_space<semaphore_mem>>) src(%arg15 : memref<80x128xf32, #tpu.memory_space<vmem>>) dst(%dma_wait3A_118 : memref<10080x128xf32, #tpu.memory_space<vmem_shared>>)
          tpu.yield
        }) : () -> ()
        %lt3A_97 = arith.constant 41 : i32
        %lt3A_98 = arith.cmpi slt, %scan3A_81, %lt3A_97 : i32
        %convert_element_type3A_99 = arith.extui %lt3A_98 : i1 to i32
        %cond3A_100 = arith.constant 0 : i32
        %cond3A_101 = arith.cmpi ne, %convert_element_type3A_99, %cond3A_100 : i32
        scf.if %cond3A_101 {
          %add3A_113 = arith.constant 3 : i32
          %add3A_114 = arith.addi %add3A_93, %add3A_113 : i32
          %mul3A_115 = arith.constant 10080 : i32
          %mul3A_116 = arith.muli %arg1, %mul3A_115 : i32
          %mul3A_117 = arith.constant 80 : i32
          %mul3A_118 = arith.muli %add3A_114, %mul3A_117 : i32
          %add3A_119 = arith.addi %mul3A_116, %mul3A_118 : i32
          "tpu.region"() ({
            %run_scoped3A = tpu.sem_alloc : memref<!tpu.dma_semaphore, #tpu.memory_space<semaphore_mem>>
            %dma_start3A_128 = tpu.memref_slice %arg4[%add3A_119] : memref<161280xi32, #tpu.memory_space<hbm>> -> memref<80xi32, #tpu.memory_space<hbm>>
            %dma_start3A_129 = tpu.memref_slice %arg4[%add3A_119] : memref<161280xi32, #tpu.memory_space<hbm>> -> memref<80xi32, #tpu.memory_space<hbm>>
            tpu.enqueue_dma source(%dma_start3A_129 : memref<80xi32, #tpu.memory_space<hbm>>) target(%arg10 : memref<80xi32, #tpu.memory_space<vmem>>) target_semaphore(%run_scoped3A : memref<!tpu.dma_semaphore, #tpu.memory_space<semaphore_mem>>)
            %dma_wait3A_130 = tpu.memref_slice %arg4[%add3A_119] : memref<161280xi32, #tpu.memory_space<hbm>> -> memref<80xi32, #tpu.memory_space<hbm>>
            %dma_wait3A_131 = tpu.memref_slice %arg4[%add3A_119] : memref<161280xi32, #tpu.memory_space<hbm>> -> memref<80xi32, #tpu.memory_space<hbm>>
            tpu.wait_dma2 semaphore(%run_scoped3A : memref<!tpu.dma_semaphore, #tpu.memory_space<semaphore_mem>>) src(%dma_wait3A_131 : memref<80xi32, #tpu.memory_space<hbm>>) dst(%arg10 : memref<80xi32, #tpu.memory_space<vmem>>)
            tpu.yield
          }) : () -> ()
          %mul3A_120 = arith.constant 10080 : i32
          %mul3A_121 = arith.muli %arg1, %mul3A_120 : i32
          %mul3A_122 = arith.constant 80 : i32
          %mul3A_123 = arith.muli %add3A_114, %mul3A_122 : i32
          %add3A_124 = arith.addi %mul3A_121, %mul3A_123 : i32
          "tpu.region"() ({
            %run_scoped3A = tpu.sem_alloc : memref<!tpu.dma_semaphore, #tpu.memory_space<semaphore_mem>>
            %dma_start3A_128 = tpu.memref_slice %arg5[%add3A_124] : memref<161280xi32, #tpu.memory_space<hbm>> -> memref<80xi32, #tpu.memory_space<hbm>>
            %dma_start3A_129 = tpu.memref_slice %arg5[%add3A_124] : memref<161280xi32, #tpu.memory_space<hbm>> -> memref<80xi32, #tpu.memory_space<hbm>>
            tpu.enqueue_dma source(%dma_start3A_129 : memref<80xi32, #tpu.memory_space<hbm>>) target(%arg11 : memref<80xi32, #tpu.memory_space<vmem>>) target_semaphore(%run_scoped3A : memref<!tpu.dma_semaphore, #tpu.memory_space<semaphore_mem>>)
            %dma_wait3A_130 = tpu.memref_slice %arg5[%add3A_124] : memref<161280xi32, #tpu.memory_space<hbm>> -> memref<80xi32, #tpu.memory_space<hbm>>
            %dma_wait3A_131 = tpu.memref_slice %arg5[%add3A_124] : memref<161280xi32, #tpu.memory_space<hbm>> -> memref<80xi32, #tpu.memory_space<hbm>>
            tpu.wait_dma2 semaphore(%run_scoped3A : memref<!tpu.dma_semaphore, #tpu.memory_space<semaphore_mem>>) src(%dma_wait3A_131 : memref<80xi32, #tpu.memory_space<hbm>>) dst(%arg11 : memref<80xi32, #tpu.memory_space<vmem>>)
            tpu.yield
          }) : () -> ()
          %dma_start3A_125 = arith.constant 0 : i32
          %dma_start3A_126 = arith.constant 0 : i32
          %dma_start3A_127 = tpu.memref_slice %arg3[%dma_start3A_125, %dma_start3A_126] : memref<10000x128xf32, #tpu.memory_space<hbm>> -> memref<10000x128xf32, #tpu.memory_space<hbm>>
          tpu.enqueue_indirect_dma source(%dma_start3A_127 : memref<10000x128xf32, #tpu.memory_space<hbm>>) target(%arg15 : memref<80x128xf32, #tpu.memory_space<vmem>>) offsets(%arg10 : memref<80xi32, #tpu.memory_space<vmem>>) semaphore(%arg19 : memref<!tpu.dma_semaphore, #tpu.memory_space<semaphore_mem>>)
        } else {
        }
        %add3A_102 = arith.constant 2 : i32
        %add3A_103 = arith.addi %mul3A_84, %add3A_102 : i32
        %dma_wait3A_104 = arith.constant 0 : i32
        %dma_wait3A_105 = arith.constant 0 : i32
        %dma_wait3A_106 = tpu.memref_slice %arg3[%dma_wait3A_104, %dma_wait3A_105] : memref<10000x128xf32, #tpu.memory_space<hbm>> -> memref<10000x128xf32, #tpu.memory_space<hbm>>
        tpu.wait_indirect_dma semaphore(%arg20 : memref<!tpu.dma_semaphore, #tpu.memory_space<semaphore_mem>>) src(%dma_wait3A_106 : memref<10000x128xf32, #tpu.memory_space<hbm>>) dst(%arg16 : memref<80x128xf32, #tpu.memory_space<vmem>>)
        "tpu.region"() ({
          %run_scoped3A = tpu.sem_alloc : memref<!tpu.dma_semaphore, #tpu.memory_space<semaphore_mem>>
          %dma_start3A_113 = arith.constant 0 : i32
          %dma_start3A_114 = arith.constant 0 : i32
          %dma_start3A_115 = tpu.memref_slice %arg17[%dma_start3A_113, %dma_start3A_114] : memref<10080x128xf32, #tpu.memory_space<vmem_shared>> -> memref<10080x128xf32, #tpu.memory_space<vmem_shared>>
          tpu.enqueue_indirect_dma source(%arg16 : memref<80x128xf32, #tpu.memory_space<vmem>>) target(%dma_start3A_115 : memref<10080x128xf32, #tpu.memory_space<vmem_shared>>) offsets(%arg13 : memref<80xi32, #tpu.memory_space<vmem>>) semaphore(%run_scoped3A : memref<!tpu.dma_semaphore, #tpu.memory_space<semaphore_mem>>) {add = true}
          %dma_wait3A_116 = arith.constant 0 : i32
          %dma_wait3A_117 = arith.constant 0 : i32
          %dma_wait3A_118 = tpu.memref_slice %arg17[%dma_wait3A_116, %dma_wait3A_117] : memref<10080x128xf32, #tpu.memory_space<vmem_shared>> -> memref<10080x128xf32, #tpu.memory_space<vmem_shared>>
          tpu.wait_indirect_dma semaphore(%run_scoped3A : memref<!tpu.dma_semaphore, #tpu.memory_space<semaphore_mem>>) src(%arg16 : memref<80x128xf32, #tpu.memory_space<vmem>>) dst(%dma_wait3A_118 : memref<10080x128xf32, #tpu.memory_space<vmem_shared>>)
          tpu.yield
        }) : () -> ()
        %lt3A_107 = arith.constant 41 : i32
        %lt3A_108 = arith.cmpi slt, %scan3A_81, %lt3A_107 : i32
        %convert_element_type3A_109 = arith.extui %lt3A_108 : i1 to i32
        %cond3A_110 = arith.constant 0 : i32
        %cond3A_111 = arith.cmpi ne, %convert_element_type3A_109, %cond3A_110 : i32
        scf.if %cond3A_111 {
          %add3A_113 = arith.constant 3 : i32
          %add3A_114 = arith.addi %add3A_103, %add3A_113 : i32
          %mul3A_115 = arith.constant 10080 : i32
          %mul3A_116 = arith.muli %arg1, %mul3A_115 : i32
          %mul3A_117 = arith.constant 80 : i32
          %mul3A_118 = arith.muli %add3A_114, %mul3A_117 : i32
          %add3A_119 = arith.addi %mul3A_116, %mul3A_118 : i32
          "tpu.region"() ({
            %run_scoped3A = tpu.sem_alloc : memref<!tpu.dma_semaphore, #tpu.memory_space<semaphore_mem>>
            %dma_start3A_128 = tpu.memref_slice %arg4[%add3A_119] : memref<161280xi32, #tpu.memory_space<hbm>> -> memref<80xi32, #tpu.memory_space<hbm>>
            %dma_start3A_129 = tpu.memref_slice %arg4[%add3A_119] : memref<161280xi32, #tpu.memory_space<hbm>> -> memref<80xi32, #tpu.memory_space<hbm>>
            tpu.enqueue_dma source(%dma_start3A_129 : memref<80xi32, #tpu.memory_space<hbm>>) target(%arg12 : memref<80xi32, #tpu.memory_space<vmem>>) target_semaphore(%run_scoped3A : memref<!tpu.dma_semaphore, #tpu.memory_space<semaphore_mem>>)
            %dma_wait3A_130 = tpu.memref_slice %arg4[%add3A_119] : memref<161280xi32, #tpu.memory_space<hbm>> -> memref<80xi32, #tpu.memory_space<hbm>>
            %dma_wait3A_131 = tpu.memref_slice %arg4[%add3A_119] : memref<161280xi32, #tpu.memory_space<hbm>> -> memref<80xi32, #tpu.memory_space<hbm>>
            tpu.wait_dma2 semaphore(%run_scoped3A : memref<!tpu.dma_semaphore, #tpu.memory_space<semaphore_mem>>) src(%dma_wait3A_131 : memref<80xi32, #tpu.memory_space<hbm>>) dst(%arg12 : memref<80xi32, #tpu.memory_space<vmem>>)
            tpu.yield
          }) : () -> ()
          %mul3A_120 = arith.constant 10080 : i32
          %mul3A_121 = arith.muli %arg1, %mul3A_120 : i32
          %mul3A_122 = arith.constant 80 : i32
          %mul3A_123 = arith.muli %add3A_114, %mul3A_122 : i32
          %add3A_124 = arith.addi %mul3A_121, %mul3A_123 : i32
          "tpu.region"() ({
            %run_scoped3A = tpu.sem_alloc : memref<!tpu.dma_semaphore, #tpu.memory_space<semaphore_mem>>
            %dma_start3A_128 = tpu.memref_slice %arg5[%add3A_124] : memref<161280xi32, #tpu.memory_space<hbm>> -> memref<80xi32, #tpu.memory_space<hbm>>
            %dma_start3A_129 = tpu.memref_slice %arg5[%add3A_124] : memref<161280xi32, #tpu.memory_space<hbm>> -> memref<80xi32, #tpu.memory_space<hbm>>
            tpu.enqueue_dma source(%dma_start3A_129 : memref<80xi32, #tpu.memory_space<hbm>>) target(%arg13 : memref<80xi32, #tpu.memory_space<vmem>>) target_semaphore(%run_scoped3A : memref<!tpu.dma_semaphore, #tpu.memory_space<semaphore_mem>>)
            %dma_wait3A_130 = tpu.memref_slice %arg5[%add3A_124] : memref<161280xi32, #tpu.memory_space<hbm>> -> memref<80xi32, #tpu.memory_space<hbm>>
            %dma_wait3A_131 = tpu.memref_slice %arg5[%add3A_124] : memref<161280xi32, #tpu.memory_space<hbm>> -> memref<80xi32, #tpu.memory_space<hbm>>
            tpu.wait_dma2 semaphore(%run_scoped3A : memref<!tpu.dma_semaphore, #tpu.memory_space<semaphore_mem>>) src(%dma_wait3A_131 : memref<80xi32, #tpu.memory_space<hbm>>) dst(%arg13 : memref<80xi32, #tpu.memory_space<vmem>>)
            tpu.yield
          }) : () -> ()
          %dma_start3A_125 = arith.constant 0 : i32
          %dma_start3A_126 = arith.constant 0 : i32
          %dma_start3A_127 = tpu.memref_slice %arg3[%dma_start3A_125, %dma_start3A_126] : memref<10000x128xf32, #tpu.memory_space<hbm>> -> memref<10000x128xf32, #tpu.memory_space<hbm>>
          tpu.enqueue_indirect_dma source(%dma_start3A_127 : memref<10000x128xf32, #tpu.memory_space<hbm>>) target(%arg16 : memref<80x128xf32, #tpu.memory_space<vmem>>) offsets(%arg12 : memref<80xi32, #tpu.memory_space<vmem>>) semaphore(%arg20 : memref<!tpu.dma_semaphore, #tpu.memory_space<semaphore_mem>>)
        } else {
        }
        %scan3A_112 = arith.constant 0 : i32
        scf.yield %scan3A_112 : i32
      }
      %scan3A_62 = arith.constant 42 : i32
      %barrier3A_63 = arith.constant 0 : index
      tpu.barrier barrier_id(%barrier3A_63)
      %lt3A_64 = arith.constant 13 : i32
      %lt3A_65 = arith.cmpi slt, %arg1, %lt3A_64 : i32
      %jit3A_66 = arith.constant 8 : i32
      %jit3A_67 = arith.constant 7 : i32
      %select_n3A_68 = arith.select %lt3A_65, %jit3A_66, %jit3A_67 : i32
      %while3A_69 = arith.constant 0 : i32
      %while3A_70 = arith.constant 0 : i32
      %while3A_71 = arith.subi %select_n3A_68, %while3A_69 : i32
      %while3A_72 = arith.addi %while3A_69, %while3A_71 : i32
      %while3A_73 = arith.constant 1 : i32
      %while3A_74 = arith.divsi %while3A_71, %while3A_73 : i32
      %while3A_75 = arith.muli %while3A_74, %while3A_73 : i32
      %while3A_76 = arith.addi %while3A_69, %while3A_75 : i32
      %while3A_77 = arith.constant 1 : i32
      %while3A_78 = scf.for %while3A_81 = %while3A_69 to %while3A_76 step %while3A_77 iter_args(%while3A_82 = %while3A_70) -> (i32)  : i32 {
        %mul3A_83 = arith.constant 16 : i32
        %mul3A_84 = arith.muli %while3A_81, %mul3A_83 : i32
        %add3A_85 = arith.addi %arg1, %mul3A_84 : i32
        %mul3A_86 = arith.constant 80 : i32
        %mul3A_87 = arith.muli %add3A_85, %mul3A_86 : i32
        "tpu.region"() ({
          %run_scoped3A = tpu.sem_alloc : memref<!tpu.dma_semaphore, #tpu.memory_space<semaphore_mem>>
          %dma_start3A_89 = arith.constant 0 : i32
          %dma_start3A_90 = tpu.memref_slice %arg7[%mul3A_87, %dma_start3A_89] : memref<10000x128xf32, #tpu.memory_space<hbm>> -> memref<80x128xf32, #tpu.memory_space<hbm>>
          %dma_start3A_91 = arith.constant 0 : i32
          %dma_start3A_92 = tpu.memref_slice %arg17[%mul3A_87, %dma_start3A_91] : memref<10080x128xf32, #tpu.memory_space<vmem_shared>> -> memref<80x128xf32, #tpu.memory_space<vmem_shared>>
          tpu.enqueue_dma source(%dma_start3A_92 : memref<80x128xf32, #tpu.memory_space<vmem_shared>>) target(%dma_start3A_90 : memref<80x128xf32, #tpu.memory_space<hbm>>) target_semaphore(%run_scoped3A : memref<!tpu.dma_semaphore, #tpu.memory_space<semaphore_mem>>)
          %dma_wait3A = arith.constant 0 : i32
          %dma_wait3A_93 = tpu.memref_slice %arg7[%mul3A_87, %dma_wait3A] : memref<10000x128xf32, #tpu.memory_space<hbm>> -> memref<80x128xf32, #tpu.memory_space<hbm>>
          %dma_wait3A_94 = arith.constant 0 : i32
          %dma_wait3A_95 = tpu.memref_slice %arg17[%mul3A_87, %dma_wait3A_94] : memref<10080x128xf32, #tpu.memory_space<vmem_shared>> -> memref<80x128xf32, #tpu.memory_space<vmem_shared>>
          tpu.wait_dma2 semaphore(%run_scoped3A : memref<!tpu.dma_semaphore, #tpu.memory_space<semaphore_mem>>) src(%dma_wait3A_95 : memref<80x128xf32, #tpu.memory_space<vmem_shared>>) dst(%dma_wait3A_93 : memref<80x128xf32, #tpu.memory_space<hbm>>)
          tpu.yield
        }) : () -> ()
        %while3A_88 = arith.constant 0 : i32
        scf.yield %while3A_88 : i32
      }
      %while3A_79 = arith.constant 1 : i32
      %while3A_80 = scf.for %while3A_81 = %while3A_76 to %while3A_72 step %while3A_79 iter_args(%while3A_82 = %while3A_78) -> (i32)  : i32 {
        %mul3A_83 = arith.constant 16 : i32
        %mul3A_84 = arith.muli %while3A_81, %mul3A_83 : i32
        %add3A_85 = arith.addi %arg1, %mul3A_84 : i32
        %mul3A_86 = arith.constant 80 : i32
        %mul3A_87 = arith.muli %add3A_85, %mul3A_86 : i32
        "tpu.region"() ({
          %run_scoped3A = tpu.sem_alloc : memref<!tpu.dma_semaphore, #tpu.memory_space<semaphore_mem>>
          %dma_start3A_89 = arith.constant 0 : i32
          %dma_start3A_90 = tpu.memref_slice %arg7[%mul3A_87, %dma_start3A_89] : memref<10000x128xf32, #tpu.memory_space<hbm>> -> memref<80x128xf32, #tpu.memory_space<hbm>>
          %dma_start3A_91 = arith.constant 0 : i32
          %dma_start3A_92 = tpu.memref_slice %arg17[%mul3A_87, %dma_start3A_91] : memref<10080x128xf32, #tpu.memory_space<vmem_shared>> -> memref<80x128xf32, #tpu.memory_space<vmem_shared>>
          tpu.enqueue_dma source(%dma_start3A_92 : memref<80x128xf32, #tpu.memory_space<vmem_shared>>) target(%dma_start3A_90 : memref<80x128xf32, #tpu.memory_space<hbm>>) target_semaphore(%run_scoped3A : memref<!tpu.dma_semaphore, #tpu.memory_space<semaphore_mem>>)
          %dma_wait3A = arith.constant 0 : i32
          %dma_wait3A_93 = tpu.memref_slice %arg7[%mul3A_87, %dma_wait3A] : memref<10000x128xf32, #tpu.memory_space<hbm>> -> memref<80x128xf32, #tpu.memory_space<hbm>>
          %dma_wait3A_94 = arith.constant 0 : i32
          %dma_wait3A_95 = tpu.memref_slice %arg17[%mul3A_87, %dma_wait3A_94] : memref<10080x128xf32, #tpu.memory_space<vmem_shared>> -> memref<80x128xf32, #tpu.memory_space<vmem_shared>>
          tpu.wait_dma2 semaphore(%run_scoped3A : memref<!tpu.dma_semaphore, #tpu.memory_space<semaphore_mem>>) src(%dma_wait3A_95 : memref<80x128xf32, #tpu.memory_space<vmem_shared>>) dst(%dma_wait3A_93 : memref<80x128xf32, #tpu.memory_space<hbm>>)
          tpu.yield
        }) : () -> ()
        %while3A_88 = arith.constant 0 : i32
        scf.yield %while3A_88 : i32
      }
    } else {
    }
    return
  }
}

module attributes {stable_mosaic.version = 14 : i64} {
  func.func @_prep_body(%arg0: i32, %arg1: memref<400x256xf32, #tpu.memory_space<vmem>>, %arg2: memref<400x128xf32, #tpu.memory_space<vmem>>, %arg3: memref<400x128xf32, #tpu.memory_space<vmem>>, %arg4: memref<400x128xf32, #tpu.memory_space<vmem>>, %arg5: memref<400x128xf32, #tpu.memory_space<vmem>>, %arg6: memref<400x128xf32, #tpu.memory_space<vmem>>, %arg7: memref<400x128xf32, #tpu.memory_space<vmem>>) attributes {dimension_semantics = [#tpu.dimension_semantics<arbitrary>], iteration_bounds = array<i64: 25>, scalar_prefetch = 0 : i64, scratch_operands = 0 : i64, tpu.core_type = #tpu.core_type<tc>, window_params = [{transform_indices = @transform_0, window_bounds = array<i64: 400, 256>}, {transform_indices = @transform_1, window_bounds = array<i64: 400, 128>}, {transform_indices = @transform_2, window_bounds = array<i64: 400, 128>}, {transform_indices = @transform_3, window_bounds = array<i64: 400, 128>}, {transform_indices = @transform_4, window_bounds = array<i64: 400, 128>}, {transform_indices = @transform_5, window_bounds = array<i64: 400, 128>}, {transform_indices = @transform_6, window_bounds = array<i64: 400, 128>}]} {
    %get3A = arith.constant 0 : index
    %get3A_0 = arith.constant 0 : index
    %get3A_1 = vector.load %arg2[%get3A, %get3A_0] : memref<400x128xf32, #tpu.memory_space<vmem>>, vector<400x128xf32>
    %max3A = arith.constant 1.000000e+00 : f32
    %max3A_2 = vector.broadcast %max3A : f32 to vector<400x128xf32>
    %max3A_3 = arith.maximumf %get3A_1, %max3A_2 : vector<400x128xf32>
    %rsqrt3A = math.rsqrt %max3A_3 : vector<400x128xf32>
    %get3A_4 = arith.constant 0 : index
    %get3A_5 = arith.constant 0 : index
    %get3A_6 = vector.load %arg3[%get3A_4, %get3A_5] : memref<400x128xf32, #tpu.memory_space<vmem>>, vector<400x128xf32>
    %max3A_7 = arith.constant 1.000000e+00 : f32
    %max3A_8 = vector.broadcast %max3A_7 : f32 to vector<400x128xf32>
    %max3A_9 = arith.maximumf %get3A_6, %max3A_8 : vector<400x128xf32>
    %rsqrt3A_10 = math.rsqrt %max3A_9 : vector<400x128xf32>
    %swap3A = arith.constant 0 : index
    %swap3A_11 = arith.constant 0 : index
    %swap3A_12 = vector.load %arg6[%swap3A, %swap3A_11] : memref<400x128xf32, #tpu.memory_space<vmem>>, vector<400x128xf32>
    tpu.vector_store %arg6[%swap3A, %swap3A_11], %rsqrt3A {strides = array<i32>} : memref<400x128xf32, #tpu.memory_space<vmem>>, vector<400x128xf32>,
    %swap3A_13 = arith.constant 0 : index
    %swap3A_14 = arith.constant 0 : index
    %swap3A_15 = vector.load %arg7[%swap3A_13, %swap3A_14] : memref<400x128xf32, #tpu.memory_space<vmem>>, vector<400x128xf32>
    tpu.vector_store %arg7[%swap3A_13, %swap3A_14], %rsqrt3A_10 {strides = array<i32>} : memref<400x128xf32, #tpu.memory_space<vmem>>, vector<400x128xf32>,
    %get3A_16 = arith.constant 0 : index
    %get3A_17 = arith.constant 0 : index
    %get3A_18 = vector.load %arg1[%get3A_16, %get3A_17] : memref<400x256xf32, #tpu.memory_space<vmem>>, vector<400x256xf32>
    %slice3A = vector.extract_strided_slice %rsqrt3A {offsets = [0, 0], sizes = [400, 1], strides = [1, 1]} : vector<400x128xf32> to vector<400x1xf32>
    %mul3A = vector.broadcast %slice3A : vector<400x1xf32> to vector<400x256xf32>
    %mul3A_19 = arith.mulf %get3A_18, %mul3A : vector<400x256xf32>
    %slice3A_20 = vector.extract_strided_slice %mul3A_19 {offsets = [0, 0], sizes = [400, 128], strides = [1, 1]} : vector<400x256xf32> to vector<400x128xf32>
    %swap3A_21 = arith.constant 0 : index
    %swap3A_22 = arith.constant 0 : index
    %swap3A_23 = vector.load %arg4[%swap3A_21, %swap3A_22] : memref<400x128xf32, #tpu.memory_space<vmem>>, vector<400x128xf32>
    tpu.vector_store %arg4[%swap3A_21, %swap3A_22], %slice3A_20 {strides = array<i32>} : memref<400x128xf32, #tpu.memory_space<vmem>>, vector<400x128xf32>,
    %slice3A_24 = vector.extract_strided_slice %mul3A_19 {offsets = [0, 128], sizes = [400, 128], strides = [1, 1]} : vector<400x256xf32> to vector<400x128xf32>
    %swap3A_25 = arith.constant 0 : index
    %swap3A_26 = arith.constant 0 : index
    %swap3A_27 = vector.load %arg5[%swap3A_25, %swap3A_26] : memref<400x128xf32, #tpu.memory_space<vmem>>, vector<400x128xf32>
    tpu.vector_store %arg5[%swap3A_25, %swap3A_26], %slice3A_24 {strides = array<i32>} : memref<400x128xf32, #tpu.memory_space<vmem>>, vector<400x128xf32>,
    return
  }
  func.func @transform_0(%arg0: i32) -> (i32, i32) {
    %c0_i32 = arith.constant 0 : i32
    %c0_i32_0 = arith.constant 0 : i32
    return %arg0, %c0_i32 : i32, i32
  }
  func.func @transform_1(%arg0: i32) -> (i32, i32) {
    %c0_i32 = arith.constant 0 : i32
    %c0_i32_0 = arith.constant 0 : i32
    return %arg0, %c0_i32 : i32, i32
  }
  func.func @transform_2(%arg0: i32) -> (i32, i32) {
    %c0_i32 = arith.constant 0 : i32
    %c0_i32_0 = arith.constant 0 : i32
    return %arg0, %c0_i32 : i32, i32
  }
  func.func @transform_3(%arg0: i32) -> (i32, i32) {
    %c0_i32 = arith.constant 0 : i32
    %c0_i32_0 = arith.constant 0 : i32
    return %arg0, %c0_i32 : i32, i32
  }
  func.func @transform_4(%arg0: i32) -> (i32, i32) {
    %c0_i32 = arith.constant 0 : i32
    %c0_i32_0 = arith.constant 0 : i32
    return %arg0, %c0_i32 : i32, i32
  }
  func.func @transform_5(%arg0: i32) -> (i32, i32) {
    %c0_i32 = arith.constant 0 : i32
    %c0_i32_0 = arith.constant 0 : i32
    return %arg0, %c0_i32 : i32, i32
  }
  func.func @transform_6(%arg0: i32) -> (i32, i32) {
    %c0_i32 = arith.constant 0 : i32
    %c0_i32_0 = arith.constant 0 : i32
    return %arg0, %c0_i32 : i32, i32
  }
}

module attributes {stable_mosaic.version = 14 : i64} {
  func.func @_layer_body_mid(%arg0: i32, %arg1: memref<400x128xf32, #tpu.memory_space<vmem>>, %arg2: memref<400x128xf32, #tpu.memory_space<vmem>>, %arg3: memref<400x128xf32, #tpu.memory_space<vmem>>, %arg4: memref<400x128xf32, #tpu.memory_space<vmem>>, %arg5: memref<256x256xf32, #tpu.memory_space<vmem>>, %arg6: memref<1x256xf32, #tpu.memory_space<vmem>>, %arg7: memref<400x128xf32, #tpu.memory_space<vmem>>, %arg8: memref<400x128xf32, #tpu.memory_space<vmem>>) attributes {dimension_semantics = [#tpu.dimension_semantics<arbitrary>], iteration_bounds = array<i64: 25>, scalar_prefetch = 0 : i64, scratch_operands = 0 : i64, tpu.core_type = #tpu.core_type<tc>, window_params = [{transform_indices = @transform_0, window_bounds = array<i64: 400, 128>}, {transform_indices = @transform_1, window_bounds = array<i64: 400, 128>}, {transform_indices = @transform_2, window_bounds = array<i64: 400, 128>}, {transform_indices = @transform_3, window_bounds = array<i64: 400, 128>}, {pipeline_mode = #tpu.pipeline_mode<synchronous>, transform_indices = @transform_4, window_bounds = array<i64: 256, 256>}, {pipeline_mode = #tpu.pipeline_mode<synchronous>, transform_indices = @transform_5, window_bounds = array<i64: 1, 256>}, {transform_indices = @transform_6, window_bounds = array<i64: 400, 128>}, {transform_indices = @transform_7, window_bounds = array<i64: 400, 128>}]} {
    %get3A = arith.constant 0 : index
    %get3A_0 = arith.constant 0 : index
    %get3A_1 = vector.load %arg3[%get3A, %get3A_0] : memref<400x128xf32, #tpu.memory_space<vmem>>, vector<400x1xf32>
    %get3A_2 = arith.constant 0 : index
    %get3A_3 = arith.constant 0 : index
    %get3A_4 = vector.load %arg1[%get3A_2, %get3A_3] : memref<400x128xf32, #tpu.memory_space<vmem>>, vector<400x128xf32>
    %mul3A = vector.broadcast %get3A_1 : vector<400x1xf32> to vector<400x128xf32>
    %mul3A_5 = arith.mulf %get3A_4, %mul3A : vector<400x128xf32>
    %get3A_6 = arith.constant 0 : index
    %get3A_7 = arith.constant 0 : index
    %get3A_8 = vector.load %arg5[%get3A_6, %get3A_7] : memref<256x256xf32, #tpu.memory_space<vmem>>, vector<128x256xf32>
    %dot_general3A = arith.constant dense<0.000000e+00> : vector<400x256xf32>
    %dot_general3A_9 = tpu.matmul %mul3A_5, %get3A_8, %dot_general3A {dimension_numbers = #tpu.dot_dimension_numbers<[1], [0], [0], [1], [0, 0, 1, 1], [], []>, transpose_lhs_hint = false} : vector<400x128xf32>, vector<128x256xf32>, vector<400x256xf32> -> vector<400x256xf32>
    %get3A_10 = arith.constant 0 : index
    %get3A_11 = arith.constant 0 : index
    %get3A_12 = vector.load %arg2[%get3A_10, %get3A_11] : memref<400x128xf32, #tpu.memory_space<vmem>>, vector<400x128xf32>
    %mul3A_13 = vector.broadcast %get3A_1 : vector<400x1xf32> to vector<400x128xf32>
    %mul3A_14 = arith.mulf %get3A_12, %mul3A_13 : vector<400x128xf32>
    %get3A_15 = arith.constant 128 : index
    %get3A_16 = arith.constant 0 : index
    %get3A_17 = vector.load %arg5[%get3A_15, %get3A_16] : memref<256x256xf32, #tpu.memory_space<vmem>>, vector<128x256xf32>
    %dot_general3A_18 = arith.constant dense<0.000000e+00> : vector<400x256xf32>
    %dot_general3A_19 = tpu.matmul %mul3A_14, %get3A_17, %dot_general3A_18 {dimension_numbers = #tpu.dot_dimension_numbers<[1], [0], [0], [1], [0, 0, 1, 1], [], []>, transpose_lhs_hint = false} : vector<400x128xf32>, vector<128x256xf32>, vector<400x256xf32> -> vector<400x256xf32>
    %add3A = arith.addf %dot_general3A_9, %dot_general3A_19 : vector<400x256xf32>
    %get3A_20 = arith.constant 0 : index
    %get3A_21 = arith.constant 0 : index
    %get3A_22 = vector.load %arg6[%get3A_20, %get3A_21] : memref<1x256xf32, #tpu.memory_space<vmem>>, vector<1x256xf32>
    %add3A_23 = vector.broadcast %get3A_22 : vector<1x256xf32> to vector<400x256xf32>
    %add3A_24 = arith.addf %add3A, %add3A_23 : vector<400x256xf32>
    %max3A = arith.constant 0.000000e+00 : f32
    %max3A_25 = vector.broadcast %max3A : f32 to vector<400x256xf32>
    %max3A_26 = arith.maximumf %add3A_24, %max3A_25 : vector<400x256xf32>
    %get3A_27 = arith.constant 0 : index
    %get3A_28 = arith.constant 0 : index
    %get3A_29 = vector.load %arg4[%get3A_27, %get3A_28] : memref<400x128xf32, #tpu.memory_space<vmem>>, vector<400x1xf32>
    %mul3A_30 = vector.broadcast %get3A_29 : vector<400x1xf32> to vector<400x256xf32>
    %mul3A_31 = arith.mulf %max3A_26, %mul3A_30 : vector<400x256xf32>
    %slice3A = vector.extract_strided_slice %mul3A_31 {offsets = [0, 0], sizes = [400, 128], strides = [1, 1]} : vector<400x256xf32> to vector<400x128xf32>
    %swap3A = arith.constant 0 : index
    %swap3A_32 = arith.constant 0 : index
    %swap3A_33 = vector.load %arg7[%swap3A, %swap3A_32] : memref<400x128xf32, #tpu.memory_space<vmem>>, vector<400x128xf32>
    tpu.vector_store %arg7[%swap3A, %swap3A_32], %slice3A {strides = array<i32>} : memref<400x128xf32, #tpu.memory_space<vmem>>, vector<400x128xf32>,
    %slice3A_34 = vector.extract_strided_slice %mul3A_31 {offsets = [0, 128], sizes = [400, 128], strides = [1, 1]} : vector<400x256xf32> to vector<400x128xf32>
    %swap3A_35 = arith.constant 0 : index
    %swap3A_36 = arith.constant 0 : index
    %swap3A_37 = vector.load %arg8[%swap3A_35, %swap3A_36] : memref<400x128xf32, #tpu.memory_space<vmem>>, vector<400x128xf32>
    tpu.vector_store %arg8[%swap3A_35, %swap3A_36], %slice3A_34 {strides = array<i32>} : memref<400x128xf32, #tpu.memory_space<vmem>>, vector<400x128xf32>,
    return
  }
  func.func @transform_0(%arg0: i32) -> (i32, i32) {
    %c0_i32 = arith.constant 0 : i32
    %c0_i32_0 = arith.constant 0 : i32
    return %arg0, %c0_i32 : i32, i32
  }
  func.func @transform_1(%arg0: i32) -> (i32, i32) {
    %c0_i32 = arith.constant 0 : i32
    %c0_i32_0 = arith.constant 0 : i32
    return %arg0, %c0_i32 : i32, i32
  }
  func.func @transform_2(%arg0: i32) -> (i32, i32) {
    %c0_i32 = arith.constant 0 : i32
    %c0_i32_0 = arith.constant 0 : i32
    return %arg0, %c0_i32 : i32, i32
  }
  func.func @transform_3(%arg0: i32) -> (i32, i32) {
    %c0_i32 = arith.constant 0 : i32
    %c0_i32_0 = arith.constant 0 : i32
    return %arg0, %c0_i32 : i32, i32
  }
  func.func @transform_4(%arg0: i32) -> (i32, i32) {
    %c0_i32 = arith.constant 0 : i32
    %c0_i32_0 = arith.constant 0 : i32
    %c0_i32_1 = arith.constant 0 : i32
    return %c0_i32, %c0_i32_0 : i32, i32
  }
  func.func @transform_5(%arg0: i32) -> (i32, i32) {
    %c0_i32 = arith.constant 0 : i32
    %c0_i32_0 = arith.constant 0 : i32
    %c0_i32_1 = arith.constant 0 : i32
    return %c0_i32, %c0_i32_0 : i32, i32
  }
  func.func @transform_6(%arg0: i32) -> (i32, i32) {
    %c0_i32 = arith.constant 0 : i32
    %c0_i32_0 = arith.constant 0 : i32
    return %arg0, %c0_i32 : i32, i32
  }
  func.func @transform_7(%arg0: i32) -> (i32, i32) {
    %c0_i32 = arith.constant 0 : i32
    %c0_i32_0 = arith.constant 0 : i32
    return %arg0, %c0_i32 : i32, i32
  }
}

module attributes {stable_mosaic.version = 14 : i64} {
  func.func @_layer_body_last(%arg0: i32, %arg1: memref<400x128xf32, #tpu.memory_space<vmem>>, %arg2: memref<400x128xf32, #tpu.memory_space<vmem>>, %arg3: memref<400x128xf32, #tpu.memory_space<vmem>>, %arg4: memref<400x128xf32, #tpu.memory_space<vmem>>, %arg5: memref<256x256xf32, #tpu.memory_space<vmem>>, %arg6: memref<1x256xf32, #tpu.memory_space<vmem>>, %arg7: memref<400x256xf32, #tpu.memory_space<vmem>>) attributes {dimension_semantics = [#tpu.dimension_semantics<arbitrary>], iteration_bounds = array<i64: 25>, scalar_prefetch = 0 : i64, scratch_operands = 0 : i64, tpu.core_type = #tpu.core_type<tc>, window_params = [{transform_indices = @transform_0, window_bounds = array<i64: 400, 128>}, {transform_indices = @transform_1, window_bounds = array<i64: 400, 128>}, {transform_indices = @transform_2, window_bounds = array<i64: 400, 128>}, {transform_indices = @transform_3, window_bounds = array<i64: 400, 128>}, {pipeline_mode = #tpu.pipeline_mode<synchronous>, transform_indices = @transform_4, window_bounds = array<i64: 256, 256>}, {pipeline_mode = #tpu.pipeline_mode<synchronous>, transform_indices = @transform_5, window_bounds = array<i64: 1, 256>}, {transform_indices = @transform_6, window_bounds = array<i64: 400, 256>}]} {
    %get3A = arith.constant 0 : index
    %get3A_0 = arith.constant 0 : index
    %get3A_1 = vector.load %arg3[%get3A, %get3A_0] : memref<400x128xf32, #tpu.memory_space<vmem>>, vector<400x1xf32>
    %get3A_2 = arith.constant 0 : index
    %get3A_3 = arith.constant 0 : index
    %get3A_4 = vector.load %arg1[%get3A_2, %get3A_3] : memref<400x128xf32, #tpu.memory_space<vmem>>, vector<400x128xf32>
    %mul3A = vector.broadcast %get3A_1 : vector<400x1xf32> to vector<400x128xf32>
    %mul3A_5 = arith.mulf %get3A_4, %mul3A : vector<400x128xf32>
    %get3A_6 = arith.constant 0 : index
    %get3A_7 = arith.constant 0 : index
    %get3A_8 = vector.load %arg5[%get3A_6, %get3A_7] : memref<256x256xf32, #tpu.memory_space<vmem>>, vector<128x256xf32>
    %dot_general3A = arith.constant dense<0.000000e+00> : vector<400x256xf32>
    %dot_general3A_9 = tpu.matmul %mul3A_5, %get3A_8, %dot_general3A {dimension_numbers = #tpu.dot_dimension_numbers<[1], [0], [0], [1], [0, 0, 1, 1], [], []>, transpose_lhs_hint = false} : vector<400x128xf32>, vector<128x256xf32>, vector<400x256xf32> -> vector<400x256xf32>
    %get3A_10 = arith.constant 0 : index
    %get3A_11 = arith.constant 0 : index
    %get3A_12 = vector.load %arg2[%get3A_10, %get3A_11] : memref<400x128xf32, #tpu.memory_space<vmem>>, vector<400x128xf32>
    %mul3A_13 = vector.broadcast %get3A_1 : vector<400x1xf32> to vector<400x128xf32>
    %mul3A_14 = arith.mulf %get3A_12, %mul3A_13 : vector<400x128xf32>
    %get3A_15 = arith.constant 128 : index
    %get3A_16 = arith.constant 0 : index
    %get3A_17 = vector.load %arg5[%get3A_15, %get3A_16] : memref<256x256xf32, #tpu.memory_space<vmem>>, vector<128x256xf32>
    %dot_general3A_18 = arith.constant dense<0.000000e+00> : vector<400x256xf32>
    %dot_general3A_19 = tpu.matmul %mul3A_14, %get3A_17, %dot_general3A_18 {dimension_numbers = #tpu.dot_dimension_numbers<[1], [0], [0], [1], [0, 0, 1, 1], [], []>, transpose_lhs_hint = false} : vector<400x128xf32>, vector<128x256xf32>, vector<400x256xf32> -> vector<400x256xf32>
    %add3A = arith.addf %dot_general3A_9, %dot_general3A_19 : vector<400x256xf32>
    %get3A_20 = arith.constant 0 : index
    %get3A_21 = arith.constant 0 : index
    %get3A_22 = vector.load %arg6[%get3A_20, %get3A_21] : memref<1x256xf32, #tpu.memory_space<vmem>>, vector<1x256xf32>
    %add3A_23 = vector.broadcast %get3A_22 : vector<1x256xf32> to vector<400x256xf32>
    %add3A_24 = arith.addf %add3A, %add3A_23 : vector<400x256xf32>
    %swap3A = arith.constant 0 : index
    %swap3A_25 = arith.constant 0 : index
    %swap3A_26 = vector.load %arg7[%swap3A, %swap3A_25] : memref<400x256xf32, #tpu.memory_space<vmem>>, vector<400x256xf32>
    tpu.vector_store %arg7[%swap3A, %swap3A_25], %add3A_24 {strides = array<i32>} : memref<400x256xf32, #tpu.memory_space<vmem>>, vector<400x256xf32>,
    return
  }
  func.func @transform_0(%arg0: i32) -> (i32, i32) {
    %c0_i32 = arith.constant 0 : i32
    %c0_i32_0 = arith.constant 0 : i32
    return %arg0, %c0_i32 : i32, i32
  }
  func.func @transform_1(%arg0: i32) -> (i32, i32) {
    %c0_i32 = arith.constant 0 : i32
    %c0_i32_0 = arith.constant 0 : i32
    return %arg0, %c0_i32 : i32, i32
  }
  func.func @transform_2(%arg0: i32) -> (i32, i32) {
    %c0_i32 = arith.constant 0 : i32
    %c0_i32_0 = arith.constant 0 : i32
    return %arg0, %c0_i32 : i32, i32
  }
  func.func @transform_3(%arg0: i32) -> (i32, i32) {
    %c0_i32 = arith.constant 0 : i32
    %c0_i32_0 = arith.constant 0 : i32
    return %arg0, %c0_i32 : i32, i32
  }
  func.func @transform_4(%arg0: i32) -> (i32, i32) {
    %c0_i32 = arith.constant 0 : i32
    %c0_i32_0 = arith.constant 0 : i32
    %c0_i32_1 = arith.constant 0 : i32
    return %c0_i32, %c0_i32_0 : i32, i32
  }
  func.func @transform_5(%arg0: i32) -> (i32, i32) {
    %c0_i32 = arith.constant 0 : i32
    %c0_i32_0 = arith.constant 0 : i32
    %c0_i32_1 = arith.constant 0 : i32
    return %c0_i32, %c0_i32_0 : i32, i32
  }
  func.func @transform_6(%arg0: i32) -> (i32, i32) {
    %c0_i32 = arith.constant 0 : i32
    %c0_i32_0 = arith.constant 0 : i32
    return %arg0, %c0_i32 : i32, i32
  }
}

</mosaic_0001>

<sc_bundles>
// kernel: kernel.10.cloned.1.call-start
scs
__scs_entry_jumppad:
0x0: {  	(pc) =	sbr.rel $0x88, $3  }
0x1: {  	(tag) =	ssettag $0x0;
	lr =	simm.s32 $0x1  }
0x2: {  	[smem:$0x3F99] =	sst lr;
	_ =	strace $0xD0000000  }
0x3: {  	_ = 	snop  }
0x4: {  	_ = 	snop  }
0x5: {  	_ = 	snop  }
0x6: {  	_ = 	snop  }
0x7: {  	_ = 	snop  }
__scs_overlays_trampoline_lowered:
0x8: {  	[smem:$0x3FA8] =	sst s0  }
0x9: {  	[smem:$0x3FA9] =	sst s1  }
0xa: {  	[smem:$0x3FAA] =	sst s2  }
0xb: {  	[smem:$0x3FAB] =	sst s3  }
0xc: {  	[smem:$0x3FAC] =	sst s4  }
0xd: {  	[smem:$0x3FAD] =	sst s5  }
0xe: {  	[smem:$0x3FAE] =	sst s6  }
0xf: {  	[smem:$0x3FAF] =	sst s7  }
0x10: {  	[smem:$0x3FB0] =	sst s8  }
0x11: {  	[smem:$0x3FB1] =	sst s9;
	s0 =	simm.s32 @!p0 $0x0  }
0x12: {  	s1 =	sld [smem:$0x3F97];
	s0 =	simm.s32 @p0 $0x1  }
0x13: {  	[smem:$0x3FB2] =	sst s0;
	s0 =	simm.s32 @!p1 $0x0  }
0x14: {  	s2 =	sld [smem:$0x3F96];
	s0 =	simm.s32 @p1 $0x1  }
0x15: {  	[smem:$0x3FB3] =	sst s0;
	s0 =	simm.s32 @!p2 $0x0  }
0x16: {  	s3 =	sld [smem:$0x3FDB];
	s0 =	simm.s32 @p2 $0x1  }
0x17: {  	s4 =	simm.s32 $0x1BF5;
	[smem:$0x3FB5] =	sst s0  }
0x18: {  	s0 =	sld [smem:$0x3F98];
	_ =	swait.ge [sflag:s4], $0x0  }
0x19: {  	s7 =	sld [smem:$0x3F99]  }
0x1a: {  	s8 =	sadd.s32 $0xFFFFE003, lr  }
0x1b: {  	s9 =	sadd.s32 $0xFFFFFEF7, lr;
	s5 =	simm.s32 $0xFFFFFFFF;
	p2 =	slt.u32 s8, $0xFFFFF086  }
0x1c: {  	p1 =	slt.u32 s9, $0xF7A;
	s5 =	simm.s32 @!p2 $0x0  }
0x1d: {  	s5 =	simm.s32 @p1 $0x1;
	p0 =	seq.s32 s7, s2  }
0x1e: {  	s7 =	smul.u32 @!p0 $0xF7A, s2;
	p2 =	seq.s32 @!p0 s5, $0x0  }
0x1f: {  	s9 =	smul.u32 $0xF7A, s1;
	s8 =	simm.s32 @!p0 $0x1BF5;
	p2 =	por !p2, p0  }
0x20: {  	[sflag:s8] =	ssyncset.s32 @!p0 $0xFFFFF086;
	s6 =	sadd.s32 @!p0 s3, s7;
	s7 =	simm.s32 @!p0 $0x108  }
0x21: {  	s3 =	sadd.s32 s3, s9;
	s6 =	sadd.s32 @!p0 $0x88, s6;
	s7 =	simm.s32 @p2 $0x1082  }
0x22: {  	[simem:s7], [sflag:s8] =	dma.local @!p0 [hbm:s6], $0xF7A  }
0x23: {  	s9 =	sor.u32 $0xD0000000, s2;
	s6 =	simm.s32 $0x108;
	_ =	swait.ge @!p0 [sflag:s8], $0x0  }
0x24: {  	s3 =	sadd.s32 $0x88, s3;
	s6 =	simm.s32 @!p1 $0x1082;
	[sflag:s4] =	ssyncset.s32 $0xFFFFF086  }
0x25: {  	[simem:s6], [sflag:s4] =	dma.local [hbm:s3], $0xF7A  }
0x26: {  	[smem:$0x3F99] =	sst s1;
	(tag) =	ssettag s2;
	_ =	strace s9  }
0x27: {  	s1 =	sld [smem:$0x3FA9]  }
0x28: {  	s2 =	sld [smem:$0x3FAA]  }
0x29: {  	s4 =	sld [smem:$0x3FAC]  }
0x2a: {  	p0 =	seq.s32 s5, $0x0;
	s5 =	sld [smem:$0x3FAD]  }
0x2b: {  	s6 =	sld [smem:$0x3FAE]  }
0x2c: {  	s7 =	sld [smem:$0x3FAF]  }
0x2d: {  	s3 =	simm.s32 $0x108;
	s8 =	sld [smem:$0x3FB0]  }
0x2e: {  	s3 =	simm.s32 @!p0 $0x1082;
	s9 =	sld [smem:$0x3FB1]  }
0x2f: {  	lr =	sadd.s32 s0, s3;
	s0 =	sld [smem:$0x3FA8]  }
0x30: {  	s3 =	sld [smem:$0x3FAB]  }
0x31: {  	[smem:$0x3FB4] =	sst s10  }
0x32: {  	s10 =	sld [smem:$0x3FB2];
	_ =	sdelay $0x3  }
0x33: {  	p0 =	seq.s32 s10, $0x1;
	s10 =	sld [smem:$0x3FB4];
	_ =	sdelay $0x3  }
0x34: {  	[smem:$0x3FB4] =	sst s10  }
0x35: {  	s10 =	sld [smem:$0x3FB3];
	_ =	sdelay $0x3  }
0x36: {  	p1 =	seq.s32 s10, $0x1;
	s10 =	sld [smem:$0x3FB4];
	_ =	sdelay $0x3  }
0x37: {  	[smem:$0x3FB4] =	sst s10  }
0x38: {  	s10 =	sld [smem:$0x3FB5]  }
0x39: {  	_ = 	snop;
	(pc) =	sbr.ind lr, $3  }
0x3a: {  	_ = 	snop  }
0x3b: {  	_ = 	snop  }
0x3c: {  	p2 =	seq.s32 s10, $0x1;
	s10 =	sld [smem:$0x3FB4]  }
0x3d: {  	_ =	shalt  }
0x3e: {  	_ =	shalt  }
0x3f: {  	_ =	shalt  }
0x40: {  	_ =	shalt  }
0x41: {  	_ =	shalt  }
0x42: {  	_ =	shalt  }
0x43: {  	_ =	shalt  }
0x44: {  	_ =	shalt  }
0x45: {  	_ =	shalt  }
0x46: {  	_ =	shalt  }
0x47: {  	_ =	shalt  }
0x48: {  	_ =	shalt  }
0x49: {  	_ =	shalt  }
0x4a: {  	_ =	shalt  }
0x4b: {  	_ =	shalt  }
0x4c: {  	_ =	shalt  }
0x4d: {  	_ =	shalt  }
0x4e: {  	_ =	shalt  }
0x4f: {  	_ =	shalt  }
0x50: {  	_ =	shalt  }
0x51: {  	_ =	shalt  }
0x52: {  	_ =	shalt  }
0x53: {  	_ =	shalt  }
0x54: {  	_ =	shalt  }
0x55: {  	_ =	shalt  }
0x56: {  	_ =	shalt  }
0x57: {  	_ =	shalt  }
0x58: {  	_ =	shalt  }
0x59: {  	_ =	shalt  }
0x5a: {  	_ =	shalt  }
0x5b: {  	_ =	shalt  }
0x5c: {  	_ =	shalt  }
0x5d: {  	_ =	shalt  }
0x5e: {  	_ =	shalt  }
0x5f: {  	_ =	shalt  }
0x60: {  	_ =	shalt  }
0x61: {  	_ =	shalt  }
0x62: {  	_ =	shalt  }
0x63: {  	_ =	shalt  }
0x64: {  	_ =	shalt  }
0x65: {  	_ =	shalt  }
0x66: {  	_ =	shalt  }
0x67: {  	_ =	shalt  }
0x68: {  	_ =	shalt  }
0x69: {  	_ =	shalt  }
0x6a: {  	_ =	shalt  }
0x6b: {  	_ =	shalt  }
0x6c: {  	_ =	shalt  }
0x6d: {  	_ =	shalt  }
0x6e: {  	_ =	shalt  }
0x6f: {  	_ =	shalt  }
0x70: {  	_ =	shalt  }
0x71: {  	_ =	shalt  }
0x72: {  	_ =	shalt  }
0x73: {  	_ =	shalt  }
0x74: {  	_ =	shalt  }
0x75: {  	_ =	shalt  }
0x76: {  	_ =	shalt  }
0x77: {  	_ =	shalt  }
0x78: {  	_ =	shalt  }
0x79: {  	_ =	shalt  }
0x7a: {  	_ =	shalt  }
0x7b: {  	_ =	shalt  }
0x7c: {  	_ =	shalt  }
0x7d: {  	_ =	shalt  }
0x7e: {  	_ =	shalt  }
0x7f: {  	_ =	shalt  }
0x80: {  	_ =	shalt  }
0x81: {  	_ =	shalt  }
0x82: {  	_ =	shalt  }
0x83: {  	_ =	shalt  }
0x84: {  	_ =	shalt  }
0x85: {  	_ =	shalt  }
0x86: {  	_ =	shalt  }
0x87: {  	_ =	shalt  }
.Lfunc_end0:
.L_simem_size_0:
called_computation_lowered:
.L_overlay_start_0:
0x88: {  	s2 =	sld [smem:$0x3FD9]  }
0x89: {  	s3 =	sld [smem:$0x3FFE];
	_ =	sdelay $0x1  }
0x8a: {  	s1 =	srdreg.scid  }
0x8b: {  	s0 =	sand.u32 $0x1, s1  }
0x8c: {  	s17 =	sshll.u32 s0, $0xA;
	s2 =	sadd.s32 s3, s2  }
0x8d: {  	s2 =	sadd.s32 s2, s17  }
0x8e: {  	[smem:$0x3FC0] =	sst s2  }
0x8f: {  	_ = 	snop  }
0x90: {  	s2 =	sld [smem:$0x3FD0];
	(tm) =	ssettm $0x1  }
0x91: {  	s18 =	sld [smem:$0x3FFB];
	_ =	sdelay $0x3  }
0x92: {  	_ =	strace s18  }
0x93: {  	s3 =	sld [smem:$0x3FFC];
	_ =	sdelay $0x3  }
0x94: {  	_ =	strace s3  }
0x95: {  	s3 =	sld [smem:$0x3FFD];
	_ =	sdelay $0x3  }
0x96: {  	_ =	strace s3  }
0x97: {  	_ =	strace $0x8FFFFFFF  }
0x98: {  	s19 =	sld [smem:$0x3FDB];
	_ =	sdelay $0x1  }
0x99: {  	s4 =	simm.s32 $_scs_section_size  }
0x9a: {  	s5 =	simm.s32 $_size__tile_overlayer_lowered;
	s6 =	simm.s32 $_tile_overlayer_lowered  }
0x9b: {  	s22 =	simm.s32 $0x1BFF;
	s21 =	sshll.u32 s6, $0x1;
	s3 =	sadd.s32 s4, s19  }
0x9c: {  	s7 =	simm.s32 $0x0;
	s20 =	sshll.u32 s5, $0x1;
	s5 =	sadd.s32 s21, s3  }
0x9d: {  	[timem:s7], [sflag:s22] =	dma.local [hbm:s5], s20  }
0x9e: {  	_ =	swait.ge [sflag:s22], s20  }
0x9f: {  	s4 =	ssub.s32 $0x0, s20;
	[sflag:s22] =	ssyncset.done $0x0  }
0xa0: {  	[sflag:s22] =	ssyncadd.s32 s4;
	_ =	sdelay $0x1  }
0xa1: {  	s23 =	simm.s32 $0x1B8B  }
0xa2: {  	_ =	swait.ge [sflag:s23], $0x1  }
0xa3: {  	[sflag:s23] =	ssyncset.done $0x0  }
0xa4: {  	s25 =	simm.s32 $0x1B8E;
	s24 =	sld [smem:$0x3FFE];
	[sflag:s23] =	ssyncadd.s32 $0xFFFFFFFF  }
0xa5: {  	s26 =	simm.s32 $execute0_lowered;
	[smem:$0x3FD2] =	sst s25  }
0xa6: {  	s5 =	sshll.u32 s26, $0x1;
	_ =	strace $0x80000046;
	[dreg:$0x1] =	wrdreg $0xFFFFFFFF  }
0xa7: {  	s28 =	simm.s32 $_size_execute0_lowered;
	s3 =	sadd.s32 s3, s5;
	[dreg:$0x0] =	wrdreg $0x0  }
0xa8: {  	s5 =	sshll.u32 s28, $0x1;
	[dreg:$0x2] =	wrdreg s3  }
0xa9: {  	[dreg:$0x3] =	wrdreg s5  }
0xaa: {  	[dreg:$0x4] =	wrdreg $0xC0  }
0xab: {  	_ =	task [dreg:s7], $0x5FFFF  }
0xac: {  	[dreg:$0x1] =	wrdreg $0xFFFFFFFF  }
0xad: {  	[dreg:$0x0] =	wrdreg $0x60  }
0xae: {  	[dreg:$0x2] =	wrdreg s24  }
0xaf: {  	[dreg:$0x3] =	wrdreg s2  }
0xb0: {  	[dreg:$0x4] =	wrdreg $0x29000  }
0xb1: {  	[dreg:$0x5] =	wrdreg $0x9  }
0xb2: {  	_ =	task.clear_ibuf [dreg:s7], $0x6FFFF;
	_ =	strace $0x90000046  }
0xb3: {  	s29 =	simm.s32 $0x9;
	_ =	strace $0x80000048  }
0xb4: {  	_ =	swait.ge [sflag:s29], $0x1  }
0xb5: {  	[sflag:s29] =	ssyncadd.s32 $0xFFFFFFFF  }
0xb6: {  	_ =	strace $0x90000048  }
0xb7: {  	_ =	sfence  }
0xb8: {  	s30 =	sld [smem:$0x0];
	_ =	sdelay $0x2  }
0xb9: {  	s31 =	sshll.u32 s1, $0xD;
	s1 =	sshrl.u32 s1, $0x2  }
0xba: {  	s3 =	sand.u32 $0x4000, s31;
	s1 =	sadd.s32 s1, s30  }
0xbb: {  	s0 =	sor.u32 s3, s0;
	s1 =	sshll.u32 s1, $0x11  }
0xbc: {  	s0 =	sor.u32 s1, s0  }
0xbd: {  	s0 =	sadd.s32 $0x8F2B, s0  }
0xbe: {  	[sflag:s0] =	ssyncadd.remote.s32 $0x1  }
0xbf: {  	_ =	sfence.sel $0xFFFF  }
0xc0: {  	[dreg:$0x0] =	wrdreg $0xFFFFFFFF;
	(pc) =	sbr.abs _section_cstart, $3  }
0xc1: {  	[dreg:$0x1] =	wrdreg $0xFFFFFFFF  }
0xc2: {  	_ =	task.clear_ibuf [dreg:s7], $0x2FFFF;
	_ =	strace $0x9FFFFFFF  }
0xc3: {  	(tm) =	ssettm $0x7FFFFFFF  }
tec
execute0_lowered:
.L_overlay_start_1:
0x0: {  	(tag) =	ssettag $0x1  }
0x1: {  	s4 =	rddreg [dreg:$0x0]  }
0x2: {  	s13 =	rddreg [dreg:$0x1]  }
0x3: {  	s2 =	rddreg [dreg:$0x2]  }
0x4: {  	s0 =	rddreg [dreg:$0x3];
	s3 =	simm.s32 $0x0;
	s1 =	stileid.u32  }
0x5: {  	s5 =	srdreg.scid;
	s18 =	simm.s32 $0x80;
	s19 =	simm.s32 $0x50  }
0x6: {  	s20 =	simm.s32 $0x2;
	s21 =	simm.s32 $0x1;
	s22 =	simm.s32 $0x0  }
0x7: {  	[smem:$0x7FF] =	sst s3;
	s14 =	smul.u32 $0x500, s1;
	s6 =	sand.u32 $0x1, s5  }
0x8: {  	s12 =	sadd.s32 $0x5800, s4;
	s15 =	sadd.s32 $0xF800, s4;
	s7 =	smul.u32 $0x2760, s1  }
0x9: {  	p0 =	slt.u32 s1, $0xE;
	p1 =	slt.u32 s1, $0xD;
	s11 =	smul.u32 $0xA000, s1  }
0xa: {  	s17 =	smul.u32 $0x4EC, s1;
	_ =	strace $0x80000047;
	s5 =	ssub.s32 $0x2, s6  }
0xb: {  	s16 =	sadd.s32 s14, s4;
	s31 =	sshrl.u32 s5, $0x1;
	s4 =	simm.s32 $0x8  }
0xc: {  	s9 =	sshrl.u32 s7, $0x3;
	s11 =	sshrl.u32 s11, $0x2;
	s13 =	sadd.s32 s14, s13  }
0xd: {  	s14 =	sadd.s32 s17, s15;
	s8 =	ssub.s32 s5, s31;
	s5 =	simm.s32 $0x8  }
.Ltmp0:
0xe: {  	s4 =	simm.s32 @!p0 $0x7;
	p0 =	seq.s32 s6, $0x1;
	(pc) =	sbr.rel .LBB2_1-.Ltmp0, $4  }
0xf: {  	s6 =	sadd.s32 s12, s9;
	s7 =	sadd.s32 s15, s9;
	s10 =	sadd.s32 $0x4E2, s9  }
0x10: {  	s11 =	sadd.s32 s11, s2;
	s5 =	simm.s32 @!p1 $0x7;
	s8 =	smax.u32 s8, $0x1  }
0x11: {  	s9 =	sadd.s32 s12, s10;
	s10 =	sadd.s32 s15, s10;
	s12 =	sadd.s32 s17, s12  }
0x12: {  	v0 =	vimm.f32 $0.0e+00;
	v1 =	vimm.f32 $1.000000000e+00;
	s15 =	sadd.s32 $0x14800, s16;
	s16 =	simm.s32 $0x100;
	s17 =	simm.s32 $0x3  }
.LBB2_17:
0x13: {  	[sflag:s17] =	ssyncset.done $0x0  }
0x14: {  	[sflag:s17] =	ssyncadd.s32 $0xFFFFFB00  }
.LBB2_18:
0x15: {  	s22 =	sadd.s32 $0x1, s22  }
0x16: {  	p1 =	sne.s32 s22, s8  }
.Ltmp1:
0x17: {  	_ = 	snop;
	(pc) =	sbr.rel @!p1 .LBB2_19-.Ltmp1, $1  }
0x18: {  	_ =	sdelay $0x3  }
.LBB2_1:
0x19: {  	s23 =	simm.s32 $0x0;
	s24 =	simm.s32 $0x200  }
.LBB2_2:
0x1a: {  	p1 =	sne.s32 s24, $0x9E00;
	[tilespmem:s23+$0x170] =	vst v0  }
0x1b: {  	[tilespmem:s23+$0x100] =	vst v0  }
0x1c: {  	[tilespmem:s23+$0x110] =	vst v0  }
.Ltmp2:
0x1d: {  	[tilespmem:s23+$0x120] =	vst v0;
	(pc) =	sbr.rel @p1 .LBB2_2-.Ltmp2, $4  }
0x1e: {  	[tilespmem:s23+$0x130] =	vst v0  }
0x1f: {  	[tilespmem:s23+$0x140] =	vst v0  }
0x20: {  	[tilespmem:s23+$0x150] =	vst v0  }
0x21: {  	[tilespmem:s23+$0x160] =	vst v0;
	s23 =	sshra.s32 s24, $0x2;
	s24 =	sadd.s32 $0x200, s24  }
0x22: {  	[tilespmem:s23+$0x170] =	vst v0  }
0x23: {  	[tilespmem:s23+$0x100] =	vst v0  }
0x24: {  	[tilespmem:s23+$0x110] =	vst v0  }
0x25: {  	[tilespmem:s23+$0x120] =	vst v0  }
0x26: {  	[tilespmem:s23+$0x130] =	vst v0  }
0x27: {  	[tilespmem:s23+$0x140] =	vst v0;
	p1 =	sne.s32 s4, $0x1  }
.Ltmp3:
0x28: {  	[tilespmem:s23+$0x150] =	vst v0;
	(pc) =	sbr.rel @!p1 .LBB2_5-.Ltmp3, $4  }
0x29: {  	[tilespmem:s23+$0x160] =	vst v0  }
0x2a: {  	[spmem:s11] =	stream.linear.scatter [tilespmem:s16], [sflag:$0x3], $0x2800, $0x38;
	[tilespmem:$0x16400] =	vst v63  }
0x2b: {  	_ =	swait.ge [sflag:s17], $0x2800  }
0x2c: {  	s23 =	sadd.s32 $0xFFFFFFFF, s4;
	s24 =	smov.u32 s11;
	[sflag:s17] =	ssyncset.done $0x0  }
.LBB2_4:
0x2d: {  	p1 =	sne.s32 s23, $0x1;
	[sflag:s17] =	ssyncadd.s32 $0xFFFFD800;
	s24 =	sadd.s32 $0x28000, s24  }
.Ltmp4:
0x2e: {  	s23 =	sadd.s32 $0xFFFFFFFF, s23;
	(pc) =	sbr.rel @p1 .LBB2_4-.Ltmp4, $4  }
0x2f: {  	_ = 	snop  }
0x30: {  	[spmem:s24] =	stream.linear.scatter [tilespmem:s16], [sflag:$0x3], $0x2800, $0x38;
	[tilespmem:$0x16400] =	vst v63  }
0x31: {  	_ =	swait.ge [sflag:s17], $0x2800  }
0x32: {  	[sflag:s17] =	ssyncset.done $0x0  }
.LBB2_5:
0x33: {  	[sflag:s17] =	ssyncadd.s32 $0xFFFFD800  }
0x34: {  	s23 =	simm.s32 $0x0;
	s24 =	simm.s32 $0x200;
	[bflag:$0x0] =	sbarrier.arrive $0xFFFF  }
.LBB2_6:
0x35: {  	p1 =	sne.s32 s24, $0x9E00;
	[tilespmem:s23+$0x170] =	vst v1  }
0x36: {  	[tilespmem:s23+$0x100] =	vst v1  }
0x37: {  	[tilespmem:s23+$0x110] =	vst v1  }
.Ltmp5:
0x38: {  	[tilespmem:s23+$0x120] =	vst v1;
	(pc) =	sbr.rel @p1 .LBB2_6-.Ltmp5, $4  }
0x39: {  	[tilespmem:s23+$0x130] =	vst v1  }
0x3a: {  	[tilespmem:s23+$0x140] =	vst v1  }
0x3b: {  	[tilespmem:s23+$0x150] =	vst v1  }
0x3c: {  	[tilespmem:s23+$0x160] =	vst v1;
	s23 =	sshra.s32 s24, $0x2;
	s24 =	sadd.s32 $0x200, s24  }
0x3d: {  	[tilespmem:s23+$0x170] =	vst v1  }
0x3e: {  	[tilespmem:s23+$0x100] =	vst v1  }
0x3f: {  	[tilespmem:s23+$0x110] =	vst v1  }
.Ltmp6:
0x40: {  	[tilespmem:s23+$0x120] =	vst v1;
	(pc) =	sbr.rel @!p0 .LBB2_8-.Ltmp6, $4  }
0x41: {  	[tilespmem:s23+$0x130] =	vst v1  }
0x42: {  	[tilespmem:s23+$0x140] =	vst v1  }
0x43: {  	[tilespmem:s23+$0x150] =	vst v1  }
0x44: {  	[tilespmem:s23+$0x160] =	vst v1  }
0x45: {  	[tilespmem:s3], [sflag:$0x3] =	stream.linear.gather [hbm4b:s7+s3], $0x50, $0x38;
	[tilespmem:$0x16400] =	vst v63  }
0x46: {  	_ =	swait.ge [sflag:s17], $0x50  }
0x47: {  	s23 =	sadd.s32 $0xFFFFFB28, s14;
	[sflag:s17] =	ssyncset.done $0x0  }
0x48: {  	s24 =	sadd.s32 $0x4E2, s23;
	[sflag:s17] =	ssyncadd.s32 $0xFFFFFFB0  }
0x49: {  	[tilespmem:s18], [sflag:$0x2] =	stream.linear.gather [hbm4b:s24+s3], $0x50, $0x38;
	[tilespmem:$0x16400] =	vst v63  }
0x4a: {  	_ = 	snop  }
0x4b: {  	[spmem:s2] =	stream.indirect.scatter.add.f32 [tilespmem:s16], [sflag:$0x3], $0x80, s3, s19, $0xb8;
	[tilespmem:$0x16400] =	vst v63  }
0x4c: {  	_ =	swait.ge [sflag:s17], $0x2800  }
0x4d: {  	[sflag:s17] =	ssyncset.done $0x0  }
0x4e: {  	s23 =	sadd.s32 $0x4EC, s23;
	[sflag:s17] =	ssyncadd.s32 $0xFFFFD800  }
0x4f: {  	[tilespmem:s3], [sflag:$0x1] =	stream.linear.gather [hbm4b:s23+s3], $0x50, $0x38;
	[tilespmem:$0x16400] =	vst v63  }
0x50: {  	_ =	swait.ge [sflag:s20], $0x50  }
0x51: {  	[sflag:s20] =	ssyncset.done $0x0  }
0x52: {  	[sflag:s20] =	ssyncadd.s32 $0xFFFFFFB0  }
0x53: {  	[spmem:s2] =	stream.indirect.scatter.add.f32 [tilespmem:s16], [sflag:$0x3], $0x80, s18, s19, $0xb8;
	[tilespmem:$0x16400] =	vst v63  }
0x54: {  	_ =	swait.ge [sflag:s17], $0x2800  }
0x55: {  	[sflag:s17] =	ssyncset.done $0x0  }
0x56: {  	[sflag:s17] =	ssyncadd.s32 $0xFFFFD800  }
0x57: {  	_ =	swait.ge [sflag:s21], $0x50  }
0x58: {  	s24 =	simm.s32 $0xFFFFFB50;
	s23 =	sadd.s32 $0xFFFFFB3C, s14;
	[sflag:s21] =	ssyncset.done $0x0  }
.LBB2_14:
0x59: {  	s25 =	sadd.s32 $0x4E2, s23  }
0x5a: {  	[sflag:s21] =	ssyncadd.s32 $0xFFFFFFB0;
	s26 =	smov.u32 s24;
	s28 =	sadd.s32 $0x14, s24  }
0x5b: {  	[tilespmem:s18], [sflag:$0x2] =	stream.linear.gather [hbm4b:s25+s3], $0x50, $0x38;
	[tilespmem:$0x16400] =	vst v63  }
0x5c: {  	p1 =	sne.s32 s24, $0xFFFFFFEC  }
0x5d: {  	[spmem:s2] =	stream.indirect.scatter.add.f32 [tilespmem:s16], [sflag:$0x3], $0x80, s3, s19, $0xb8;
	[tilespmem:$0x16400] =	vst v63  }
0x5e: {  	_ =	swait.ge [sflag:s17], $0x2800  }
0x5f: {  	[sflag:s17] =	ssyncset.done $0x0  }
0x60: {  	s23 =	sadd.s32 $0x4EC, s23;
	[sflag:s17] =	ssyncadd.s32 $0xFFFFD800  }
0x61: {  	[tilespmem:s3], [sflag:$0x1] =	stream.linear.gather [hbm4b:s23+s3], $0x50, $0x38;
	[tilespmem:$0x16400] =	vst v63  }
0x62: {  	_ =	swait.ge [sflag:s20], $0x50  }
0x63: {  	[sflag:s20] =	ssyncset.done $0x0  }
0x64: {  	[sflag:s20] =	ssyncadd.s32 $0xFFFFFFB0  }
0x65: {  	[spmem:s2] =	stream.indirect.scatter.add.f32 [tilespmem:s16], [sflag:$0x3], $0x80, s18, s19, $0xb8;
	[tilespmem:$0x16400] =	vst v63  }
.Ltmp7:
0x66: {  	_ =	swait.ge [sflag:s17], $0x2800;
	(pc) =	sbr.rel @p1 .LBB2_14-.Ltmp7, $4  }
0x67: {  	[sflag:s17] =	ssyncset.done $0x0  }
0x68: {  	[sflag:s17] =	ssyncadd.s32 $0xFFFFD800  }
0x69: {  	_ =	swait.ge [sflag:s21], $0x50  }
0x6a: {  	s24 =	smov.u32 s28;
	s23 =	sadd.s32 s26, s14;
	[sflag:s21] =	ssyncset.done $0x0  }
0x6b: {  	s24 =	sadd.s32 $0x4E2, s23;
	[sflag:s21] =	ssyncadd.s32 $0xFFFFFFB0  }
0x6c: {  	[tilespmem:s18], [sflag:$0x2] =	stream.linear.gather [hbm4b:s24+s3], $0x50, $0x38;
	[tilespmem:$0x16400] =	vst v63  }
0x6d: {  	_ = 	snop  }
0x6e: {  	[spmem:s2] =	stream.indirect.scatter.add.f32 [tilespmem:s16], [sflag:$0x3], $0x80, s3, s19, $0xb8;
	[tilespmem:$0x16400] =	vst v63  }
0x6f: {  	_ =	swait.ge [sflag:s17], $0x2800  }
0x70: {  	[sflag:s17] =	ssyncset.done $0x0  }
0x71: {  	s29 =	sadd.s32 $0x4EC, s23;
	[sflag:s17] =	ssyncadd.s32 $0xFFFFD800  }
0x72: {  	[tilespmem:s3], [sflag:$0x1] =	stream.linear.gather [hbm4b:s29+s3], $0x50, $0x38;
	[tilespmem:$0x16400] =	vst v63  }
0x73: {  	_ =	swait.ge [sflag:s20], $0x50  }
0x74: {  	[sflag:s20] =	ssyncset.done $0x0  }
0x75: {  	[sflag:s20] =	ssyncadd.s32 $0xFFFFFFB0  }
0x76: {  	[spmem:s2] =	stream.indirect.scatter.add.f32 [tilespmem:s16], [sflag:$0x3], $0x80, s18, s19, $0xb8;
	[tilespmem:$0x16400] =	vst v63  }
0x77: {  	_ =	swait.ge [sflag:s17], $0x2800  }
0x78: {  	[sflag:s17] =	ssyncset.done $0x0  }
0x79: {  	[sflag:s17] =	ssyncadd.s32 $0xFFFFD800  }
0x7a: {  	_ =	swait.ge [sflag:s21], $0x50  }
0x7b: {  	[sflag:s21] =	ssyncset.done $0x0  }
0x7c: {  	[sflag:s21] =	ssyncadd.s32 $0xFFFFFFB0  }
0x7d: {  	[tilespmem:s18], [sflag:$0x2] =	stream.linear.gather [hbm4b:s10+s3], $0x50, $0x38;
	[tilespmem:$0x16400] =	vst v63  }
0x7e: {  	_ = 	snop  }
0x7f: {  	[spmem:s2] =	stream.indirect.scatter.add.f32 [tilespmem:s16], [sflag:$0x3], $0x80, s3, s19, $0xb8;
	[tilespmem:$0x16400] =	vst v63  }
0x80: {  	_ =	swait.ge [sflag:s17], $0x2800  }
0x81: {  	[sflag:s17] =	ssyncset.done $0x0  }
0x82: {  	[sflag:s17] =	ssyncadd.s32 $0xFFFFD800  }
0x83: {  	_ =	swait.ge [sflag:s20], $0x50  }
0x84: {  	[sflag:s20] =	ssyncset.done $0x0  }
0x85: {  	[sflag:s20] =	ssyncadd.s32 $0xFFFFFFB0  }
0x86: {  	[spmem:s2] =	stream.indirect.scatter.add.f32 [tilespmem:s16], [sflag:$0x3], $0x80, s18, s19, $0xb8;
	[tilespmem:$0x16400] =	vst v63  }
0x87: {  	p1 =	sne.s32 s5, $0x1;
	_ =	swait.ge [sflag:s17], $0x2800  }
.Ltmp8:
0x88: {  	[sflag:s17] =	ssyncset.done $0x0;
	(pc) =	sbr.rel @!p1 .LBB2_17-.Ltmp8, $4  }
0x89: {  	s30 =	sshll.u32 s1, $0x6;
	s31 =	sshrl.u32 s11, $0x3;
	[sflag:s17] =	ssyncadd.s32 $0xFFFFD800  }
0x8a: {  	s25 =	sadd.s32 $0x5000, s15;
	s23 =	sor.u32 $0x1C03, s30;
	[bflag:$0x0] =	sbarrier.arrive $0xFFFF  }
0x8b: {  	[hbm:s15], [sflag:s23] =	dma.local [spmem:s31], $0x500  }
0x8c: {  	s26 =	smov.u32 s11;
	s24 =	sadd.s32 $0xFFFFFFFF, s5;
	_ =	swait.ge [sflag:s17], $0x500  }
.LBB2_16:
0x8d: {  	[sflag:s17] =	ssyncset.done $0x0;
	s26 =	sadd.s32 $0x28000, s26;
	p1 =	sne.s32 s24, $0x1  }
.Ltmp9:
0x8e: {  	s28 =	sshrl.u32 s26, $0x3;
	[sflag:s17] =	ssyncadd.s32 $0xFFFFFB00;
	(pc) =	sbr.rel @p1 .LBB2_16-.Ltmp9, $3  }
0x8f: {  	[hbm:s25], [sflag:s23] =	dma.local [spmem:s28], $0x500  }
0x90: {  	s24 =	sadd.s32 $0xFFFFFFFF, s24;
	_ =	sdelay $0x1  }
0x91: {  	s25 =	sadd.s32 $0x5000, s25;
	_ =	swait.ge [sflag:s17], $0x500  }
.Ltmp10:
0x92: {  	_ = 	snop;
	(pc) =	sbr.rel .LBB2_17-.Ltmp10, $1  }
0x93: {  	_ =	sdelay $0x3  }
.LBB2_8:
0x94: {  	[tilespmem:s3], [sflag:$0x3] =	stream.linear.gather [hbm4b:s6+s3], $0x50, $0x38;
	[tilespmem:$0x16400] =	vst v63  }
0x95: {  	_ =	swait.ge [sflag:s17], $0x50  }
0x96: {  	s23 =	sadd.s32 $0xFFFFFB28, s12;
	[sflag:s17] =	ssyncset.done $0x0  }
0x97: {  	s24 =	sadd.s32 $0x4E2, s23;
	[sflag:s17] =	ssyncadd.s32 $0xFFFFFFB0  }
0x98: {  	[tilespmem:s18], [sflag:$0x2] =	stream.linear.gather [hbm4b:s24+s3], $0x50, $0x38;
	[tilespmem:$0x16400] =	vst v63  }
0x99: {  	_ = 	snop  }
0x9a: {  	[spmem:s2] =	stream.indirect.scatter.add.f32 [tilespmem:s16], [sflag:$0x3], $0x80, s3, s19, $0xb8;
	[tilespmem:$0x16400] =	vst v63  }
0x9b: {  	_ =	swait.ge [sflag:s17], $0x2800  }
0x9c: {  	[sflag:s17] =	ssyncset.done $0x0  }
0x9d: {  	s23 =	sadd.s32 $0x4EC, s23;
	[sflag:s17] =	ssyncadd.s32 $0xFFFFD800  }
0x9e: {  	[tilespmem:s3], [sflag:$0x1] =	stream.linear.gather [hbm4b:s23+s3], $0x50, $0x38;
	[tilespmem:$0x16400] =	vst v63  }
0x9f: {  	_ =	swait.ge [sflag:s20], $0x50  }
0xa0: {  	[sflag:s20] =	ssyncset.done $0x0  }
0xa1: {  	[sflag:s20] =	ssyncadd.s32 $0xFFFFFFB0  }
0xa2: {  	[spmem:s2] =	stream.indirect.scatter.add.f32 [tilespmem:s16], [sflag:$0x3], $0x80, s18, s19, $0xb8;
	[tilespmem:$0x16400] =	vst v63  }
0xa3: {  	_ =	swait.ge [sflag:s17], $0x2800  }
0xa4: {  	[sflag:s17] =	ssyncset.done $0x0  }
0xa5: {  	[sflag:s17] =	ssyncadd.s32 $0xFFFFD800  }
0xa6: {  	_ =	swait.ge [sflag:s21], $0x50  }
0xa7: {  	s24 =	simm.s32 $0xFFFFFB50;
	s23 =	sadd.s32 $0xFFFFFB3C, s12;
	[sflag:s21] =	ssyncset.done $0x0  }
.LBB2_9:
0xa8: {  	s25 =	sadd.s32 $0x4E2, s23  }
0xa9: {  	[sflag:s21] =	ssyncadd.s32 $0xFFFFFFB0;
	s26 =	smov.u32 s24;
	s28 =	sadd.s32 $0x14, s24  }
0xaa: {  	[tilespmem:s18], [sflag:$0x2] =	stream.linear.gather [hbm4b:s25+s3], $0x50, $0x38;
	[tilespmem:$0x16400] =	vst v63  }
0xab: {  	p1 =	sne.s32 s24, $0xFFFFFFEC  }
0xac: {  	[spmem:s2] =	stream.indirect.scatter.add.f32 [tilespmem:s16], [sflag:$0x3], $0x80, s3, s19, $0xb8;
	[tilespmem:$0x16400] =	vst v63  }
0xad: {  	_ =	swait.ge [sflag:s17], $0x2800  }
0xae: {  	[sflag:s17] =	ssyncset.done $0x0  }
0xaf: {  	s23 =	sadd.s32 $0x4EC, s23;
	[sflag:s17] =	ssyncadd.s32 $0xFFFFD800  }
0xb0: {  	[tilespmem:s3], [sflag:$0x1] =	stream.linear.gather [hbm4b:s23+s3], $0x50, $0x38;
	[tilespmem:$0x16400] =	vst v63  }
0xb1: {  	_ =	swait.ge [sflag:s20], $0x50  }
0xb2: {  	[sflag:s20] =	ssyncset.done $0x0  }
0xb3: {  	[sflag:s20] =	ssyncadd.s32 $0xFFFFFFB0  }
0xb4: {  	[spmem:s2] =	stream.indirect.scatter.add.f32 [tilespmem:s16], [sflag:$0x3], $0x80, s18, s19, $0xb8;
	[tilespmem:$0x16400] =	vst v63  }
.Ltmp11:
0xb5: {  	_ =	swait.ge [sflag:s17], $0x2800;
	(pc) =	sbr.rel @p1 .LBB2_9-.Ltmp11, $4  }
0xb6: {  	[sflag:s17] =	ssyncset.done $0x0  }
0xb7: {  	[sflag:s17] =	ssyncadd.s32 $0xFFFFD800  }
0xb8: {  	_ =	swait.ge [sflag:s21], $0x50  }
0xb9: {  	s24 =	smov.u32 s28;
	s23 =	sadd.s32 s26, s12;
	[sflag:s21] =	ssyncset.done $0x0  }
0xba: {  	s24 =	sadd.s32 $0x4E2, s23;
	[sflag:s21] =	ssyncadd.s32 $0xFFFFFFB0  }
0xbb: {  	[tilespmem:s18], [sflag:$0x2] =	stream.linear.gather [hbm4b:s24+s3], $0x50, $0x38;
	[tilespmem:$0x16400] =	vst v63  }
0xbc: {  	_ = 	snop  }
0xbd: {  	[spmem:s2] =	stream.indirect.scatter.add.f32 [tilespmem:s16], [sflag:$0x3], $0x80, s3, s19, $0xb8;
	[tilespmem:$0x16400] =	vst v63  }
0xbe: {  	_ =	swait.ge [sflag:s17], $0x2800  }
0xbf: {  	[sflag:s17] =	ssyncset.done $0x0  }
0xc0: {  	s29 =	sadd.s32 $0x4EC, s23;
	[sflag:s17] =	ssyncadd.s32 $0xFFFFD800  }
0xc1: {  	[tilespmem:s3], [sflag:$0x1] =	stream.linear.gather [hbm4b:s29+s3], $0x50, $0x38;
	[tilespmem:$0x16400] =	vst v63  }
0xc2: {  	_ =	swait.ge [sflag:s20], $0x50  }
0xc3: {  	[sflag:s20] =	ssyncset.done $0x0  }
0xc4: {  	[sflag:s20] =	ssyncadd.s32 $0xFFFFFFB0  }
0xc5: {  	[spmem:s2] =	stream.indirect.scatter.add.f32 [tilespmem:s16], [sflag:$0x3], $0x80, s18, s19, $0xb8;
	[tilespmem:$0x16400] =	vst v63  }
0xc6: {  	_ =	swait.ge [sflag:s17], $0x2800  }
0xc7: {  	[sflag:s17] =	ssyncset.done $0x0  }
0xc8: {  	[sflag:s17] =	ssyncadd.s32 $0xFFFFD800  }
0xc9: {  	_ =	swait.ge [sflag:s21], $0x50  }
0xca: {  	[sflag:s21] =	ssyncset.done $0x0  }
0xcb: {  	[sflag:s21] =	ssyncadd.s32 $0xFFFFFFB0  }
0xcc: {  	[tilespmem:s18], [sflag:$0x2] =	stream.linear.gather [hbm4b:s9+s3], $0x50, $0x38;
	[tilespmem:$0x16400] =	vst v63  }
0xcd: {  	_ = 	snop  }
0xce: {  	[spmem:s2] =	stream.indirect.scatter.add.f32 [tilespmem:s16], [sflag:$0x3], $0x80, s3, s19, $0xb8;
	[tilespmem:$0x16400] =	vst v63  }
0xcf: {  	_ =	swait.ge [sflag:s17], $0x2800  }
0xd0: {  	[sflag:s17] =	ssyncset.done $0x0  }
0xd1: {  	[sflag:s17] =	ssyncadd.s32 $0xFFFFD800  }
0xd2: {  	_ =	swait.ge [sflag:s20], $0x50  }
0xd3: {  	[sflag:s20] =	ssyncset.done $0x0  }
0xd4: {  	[sflag:s20] =	ssyncadd.s32 $0xFFFFFFB0  }
0xd5: {  	[spmem:s2] =	stream.indirect.scatter.add.f32 [tilespmem:s16], [sflag:$0x3], $0x80, s18, s19, $0xb8;
	[tilespmem:$0x16400] =	vst v63  }
0xd6: {  	p1 =	seq.s32 s5, $0x1;
	_ =	swait.ge [sflag:s17], $0x2800  }
.Ltmp12:
0xd7: {  	[sflag:s17] =	ssyncset.done $0x0;
	(pc) =	sbr.rel @p1 .LBB2_12-.Ltmp12, $4  }
0xd8: {  	s30 =	sshll.u32 s1, $0x6;
	s31 =	sshrl.u32 s11, $0x3;
	[sflag:s17] =	ssyncadd.s32 $0xFFFFD800  }
0xd9: {  	s25 =	sadd.s32 $0x5000, s13;
	s23 =	sor.u32 $0x1C03, s30;
	[bflag:$0x0] =	sbarrier.arrive $0xFFFF  }
0xda: {  	[hbm:s13], [sflag:s23] =	dma.local [spmem:s31], $0x500  }
0xdb: {  	s26 =	smov.u32 s11;
	s24 =	sadd.s32 $0xFFFFFFFF, s5;
	_ =	swait.ge [sflag:s17], $0x500  }
.LBB2_11:
0xdc: {  	[sflag:s17] =	ssyncset.done $0x0;
	s26 =	sadd.s32 $0x28000, s26;
	p1 =	seq.s32 s24, $0x1  }
.Ltmp13:
0xdd: {  	s28 =	sshrl.u32 s26, $0x3;
	[sflag:s17] =	ssyncadd.s32 $0xFFFFFB00;
	(pc) =	sbr.rel @!p1 .LBB2_11-.Ltmp13, $3  }
0xde: {  	[hbm:s25], [sflag:s23] =	dma.local [spmem:s28], $0x500  }
0xdf: {  	s24 =	sadd.s32 $0xFFFFFFFF, s24;
	_ =	sdelay $0x1  }
0xe0: {  	s25 =	sadd.s32 $0x5000, s25;
	_ =	swait.ge [sflag:s17], $0x500  }
.LBB2_12:
.Ltmp14:
0xe1: {  	(pc) =	sbr.rel .LBB2_18-.Ltmp14, $3  }
0xe2: {  	_ =	sdelay $0x1  }
0xe3: {  	[sflag:s17] =	ssyncset.done $0x0  }
0xe4: {  	[sflag:s17] =	ssyncadd.s32 $0xFFFFFB00  }
.LBB2_19:
0xe5: {  	_ =	sfence.sel $0x180000  }
0xe6: {  	[bflag:$0x0] =	sbarrier.arrive $0xFFFF  }
0xe7: {  	p0 =	sne.s32 s1, $0x0;
	_ =	strace $0x90000047  }
0xe8: {  	s0 =	sadd.s32 @!p0 $0x100000, s0;
	[bflag:$0x2] =	sbarrier.arrive $0xFFFF  }
0xe9: {  	[sflag:s0] =	ssyncadd.tile.s32 @!p0 $0x1;
	_ =	shalt  }
.Lfunc_end2:
_tile_overlayer_lowered:
.L_overlay_start_2:
0xea: {  	(tag) =	ssettag $0x2  }
0xeb: {  	s0 =	rddreg [dreg:$0x0];
	s2 =	stileid.u32  }
0xec: {  	s1 =	rddreg [dreg:$0x1];
	p0 =	sne.s32 s2, $0x0  }
0xed: {  	s3 =	rddreg [dreg:$0x2];
	[bflag:$0x3] =	sbarrier.arrive $0xFFFF;
	s2 =	simm.s32 @!p0 $0x1C03  }
0xee: {  	[timem:s3], [sflag:s2] =	dma.local @!p0 [hbm:s0], s1  }
0xef: {  	s0 =	simm.s32 @!p0 $0x3  }
0xf0: {  	_ =	swait.ge @!p0 [sflag:s0], s1  }
0xf1: {  	s1 =	ssub.s32 @!p0 $0x0, s1;
	[sflag:s0] =	ssyncset.done @!p0 $0x0  }
0xf2: {  	[sflag:s0] =	ssyncadd.s32 @!p0 s1  }
0xf3: {  	[bflag:$0x3] =	sbarrier.arrive $0xFFFF  }
0xf4: {  	_ =	shalt  }

// kernel: kernel.13.cloned.1.call-start
scs
__scs_entry_jumppad:
0x0: {  	(pc) =	sbr.rel $0x88, $3  }
0x1: {  	(tag) =	ssettag $0x0;
	lr =	simm.s32 $0x1  }
0x2: {  	[smem:$0x3F99] =	sst lr;
	_ =	strace $0xD0000000  }
0x3: {  	_ = 	snop  }
0x4: {  	_ = 	snop  }
0x5: {  	_ = 	snop  }
0x6: {  	_ = 	snop  }
0x7: {  	_ = 	snop  }
__scs_overlays_trampoline_lowered:
0x8: {  	[smem:$0x3FA8] =	sst s0  }
0x9: {  	[smem:$0x3FA9] =	sst s1  }
0xa: {  	[smem:$0x3FAA] =	sst s2  }
0xb: {  	[smem:$0x3FAB] =	sst s3  }
0xc: {  	[smem:$0x3FAC] =	sst s4  }
0xd: {  	[smem:$0x3FAD] =	sst s5  }
0xe: {  	[smem:$0x3FAE] =	sst s6  }
0xf: {  	[smem:$0x3FAF] =	sst s7  }
0x10: {  	[smem:$0x3FB0] =	sst s8  }
0x11: {  	[smem:$0x3FB1] =	sst s9;
	s0 =	simm.s32 @!p0 $0x0  }
0x12: {  	s1 =	sld [smem:$0x3F97];
	s0 =	simm.s32 @p0 $0x1  }
0x13: {  	[smem:$0x3FB2] =	sst s0;
	s0 =	simm.s32 @!p1 $0x0  }
0x14: {  	s2 =	sld [smem:$0x3F96];
	s0 =	simm.s32 @p1 $0x1  }
0x15: {  	[smem:$0x3FB3] =	sst s0;
	s0 =	simm.s32 @!p2 $0x0  }
0x16: {  	s3 =	sld [smem:$0x3FDB];
	s0 =	simm.s32 @p2 $0x1  }
0x17: {  	s4 =	simm.s32 $0x1BF5;
	[smem:$0x3FB5] =	sst s0  }
0x18: {  	s0 =	sld [smem:$0x3F98];
	_ =	swait.ge [sflag:s4], $0x0  }
0x19: {  	s7 =	sld [smem:$0x3F99]  }
0x1a: {  	s8 =	sadd.s32 $0xFFFFE003, lr  }
0x1b: {  	s9 =	sadd.s32 $0xFFFFFEF7, lr;
	s5 =	simm.s32 $0xFFFFFFFF;
	p2 =	slt.u32 s8, $0xFFFFF086  }
0x1c: {  	p1 =	slt.u32 s9, $0xF7A;
	s5 =	simm.s32 @!p2 $0x0  }
0x1d: {  	s5 =	simm.s32 @p1 $0x1;
	p0 =	seq.s32 s7, s2  }
0x1e: {  	s7 =	smul.u32 @!p0 $0xF7A, s2;
	p2 =	seq.s32 @!p0 s5, $0x0  }
0x1f: {  	s9 =	smul.u32 $0xF7A, s1;
	s8 =	simm.s32 @!p0 $0x1BF5;
	p2 =	por !p2, p0  }
0x20: {  	[sflag:s8] =	ssyncset.s32 @!p0 $0xFFFFF086;
	s6 =	sadd.s32 @!p0 s3, s7;
	s7 =	simm.s32 @!p0 $0x108  }
0x21: {  	s3 =	sadd.s32 s3, s9;
	s6 =	sadd.s32 @!p0 $0x88, s6;
	s7 =	simm.s32 @p2 $0x1082  }
0x22: {  	[simem:s7], [sflag:s8] =	dma.local @!p0 [hbm:s6], $0xF7A  }
0x23: {  	s9 =	sor.u32 $0xD0000000, s2;
	s6 =	simm.s32 $0x108;
	_ =	swait.ge @!p0 [sflag:s8], $0x0  }
0x24: {  	s3 =	sadd.s32 $0x88, s3;
	s6 =	simm.s32 @!p1 $0x1082;
	[sflag:s4] =	ssyncset.s32 $0xFFFFF086  }
0x25: {  	[simem:s6], [sflag:s4] =	dma.local [hbm:s3], $0xF7A  }
0x26: {  	[smem:$0x3F99] =	sst s1;
	(tag) =	ssettag s2;
	_ =	strace s9  }
0x27: {  	s1 =	sld [smem:$0x3FA9]  }
0x28: {  	s2 =	sld [smem:$0x3FAA]  }
0x29: {  	s4 =	sld [smem:$0x3FAC]  }
0x2a: {  	p0 =	seq.s32 s5, $0x0;
	s5 =	sld [smem:$0x3FAD]  }
0x2b: {  	s6 =	sld [smem:$0x3FAE]  }
0x2c: {  	s7 =	sld [smem:$0x3FAF]  }
0x2d: {  	s3 =	simm.s32 $0x108;
	s8 =	sld [smem:$0x3FB0]  }
0x2e: {  	s3 =	simm.s32 @!p0 $0x1082;
	s9 =	sld [smem:$0x3FB1]  }
0x2f: {  	lr =	sadd.s32 s0, s3;
	s0 =	sld [smem:$0x3FA8]  }
0x30: {  	s3 =	sld [smem:$0x3FAB]  }
0x31: {  	[smem:$0x3FB4] =	sst s10  }
0x32: {  	s10 =	sld [smem:$0x3FB2];
	_ =	sdelay $0x3  }
0x33: {  	p0 =	seq.s32 s10, $0x1;
	s10 =	sld [smem:$0x3FB4];
	_ =	sdelay $0x3  }
0x34: {  	[smem:$0x3FB4] =	sst s10  }
0x35: {  	s10 =	sld [smem:$0x3FB3];
	_ =	sdelay $0x3  }
0x36: {  	p1 =	seq.s32 s10, $0x1;
	s10 =	sld [smem:$0x3FB4];
	_ =	sdelay $0x3  }
0x37: {  	[smem:$0x3FB4] =	sst s10  }
0x38: {  	s10 =	sld [smem:$0x3FB5]  }
0x39: {  	_ = 	snop;
	(pc) =	sbr.ind lr, $3  }
0x3a: {  	_ = 	snop  }
0x3b: {  	_ = 	snop  }
0x3c: {  	p2 =	seq.s32 s10, $0x1;
	s10 =	sld [smem:$0x3FB4]  }
0x3d: {  	_ =	shalt  }
0x3e: {  	_ =	shalt  }
0x3f: {  	_ =	shalt  }
0x40: {  	_ =	shalt  }
0x41: {  	_ =	shalt  }
0x42: {  	_ =	shalt  }
0x43: {  	_ =	shalt  }
0x44: {  	_ =	shalt  }
0x45: {  	_ =	shalt  }
0x46: {  	_ =	shalt  }
0x47: {  	_ =	shalt  }
0x48: {  	_ =	shalt  }
0x49: {  	_ =	shalt  }
0x4a: {  	_ =	shalt  }
0x4b: {  	_ =	shalt  }
0x4c: {  	_ =	shalt  }
0x4d: {  	_ =	shalt  }
0x4e: {  	_ =	shalt  }
0x4f: {  	_ =	shalt  }
0x50: {  	_ =	shalt  }
0x51: {  	_ =	shalt  }
0x52: {  	_ =	shalt  }
0x53: {  	_ =	shalt  }
0x54: {  	_ =	shalt  }
0x55: {  	_ =	shalt  }
0x56: {  	_ =	shalt  }
0x57: {  	_ =	shalt  }
0x58: {  	_ =	shalt  }
0x59: {  	_ =	shalt  }
0x5a: {  	_ =	shalt  }
0x5b: {  	_ =	shalt  }
0x5c: {  	_ =	shalt  }
0x5d: {  	_ =	shalt  }
0x5e: {  	_ =	shalt  }
0x5f: {  	_ =	shalt  }
0x60: {  	_ =	shalt  }
0x61: {  	_ =	shalt  }
0x62: {  	_ =	shalt  }
0x63: {  	_ =	shalt  }
0x64: {  	_ =	shalt  }
0x65: {  	_ =	shalt  }
0x66: {  	_ =	shalt  }
0x67: {  	_ =	shalt  }
0x68: {  	_ =	shalt  }
0x69: {  	_ =	shalt  }
0x6a: {  	_ =	shalt  }
0x6b: {  	_ =	shalt  }
0x6c: {  	_ =	shalt  }
0x6d: {  	_ =	shalt  }
0x6e: {  	_ =	shalt  }
0x6f: {  	_ =	shalt  }
0x70: {  	_ =	shalt  }
0x71: {  	_ =	shalt  }
0x72: {  	_ =	shalt  }
0x73: {  	_ =	shalt  }
0x74: {  	_ =	shalt  }
0x75: {  	_ =	shalt  }
0x76: {  	_ =	shalt  }
0x77: {  	_ =	shalt  }
0x78: {  	_ =	shalt  }
0x79: {  	_ =	shalt  }
0x7a: {  	_ =	shalt  }
0x7b: {  	_ =	shalt  }
0x7c: {  	_ =	shalt  }
0x7d: {  	_ =	shalt  }
0x7e: {  	_ =	shalt  }
0x7f: {  	_ =	shalt  }
0x80: {  	_ =	shalt  }
0x81: {  	_ =	shalt  }
0x82: {  	_ =	shalt  }
0x83: {  	_ =	shalt  }
0x84: {  	_ =	shalt  }
0x85: {  	_ =	shalt  }
0x86: {  	_ =	shalt  }
0x87: {  	_ =	shalt  }
.Lfunc_end0:
.L_simem_size_0:
called_computation.1_lowered:
.L_overlay_start_0:
0x88: {  	s2 =	sld [smem:$0x3FD9]  }
0x89: {  	s3 =	sld [smem:$0x3FFE];
	_ =	sdelay $0x1  }
0x8a: {  	s1 =	srdreg.scid  }
0x8b: {  	s0 =	sand.u32 $0x1, s1  }
0x8c: {  	s17 =	sshll.u32 s0, $0xA;
	s2 =	sadd.s32 s3, s2  }
0x8d: {  	s2 =	sadd.s32 s2, s17  }
0x8e: {  	[smem:$0x3FC0] =	sst s2  }
0x8f: {  	_ = 	snop  }
0x90: {  	s2 =	sld [smem:$0x3FD0];
	(tm) =	ssettm $0x1  }
0x91: {  	s18 =	sld [smem:$0x3FFB];
	_ =	sdelay $0x3  }
0x92: {  	_ =	strace s18  }
0x93: {  	s3 =	sld [smem:$0x3FFC];
	_ =	sdelay $0x3  }
0x94: {  	_ =	strace s3  }
0x95: {  	s3 =	sld [smem:$0x3FFD];
	_ =	sdelay $0x3  }
0x96: {  	_ =	strace s3  }
0x97: {  	_ =	strace $0x8FFFFFFF  }
0x98: {  	s19 =	sld [smem:$0x3FDB];
	_ =	sdelay $0x1  }
0x99: {  	s4 =	simm.s32 $_scs_section_size  }
0x9a: {  	s5 =	simm.s32 $_size__tile_overlayer_lowered;
	s6 =	simm.s32 $_tile_overlayer_lowered  }
0x9b: {  	s22 =	simm.s32 $0x1BFF;
	s21 =	sshll.u32 s6, $0x1;
	s3 =	sadd.s32 s4, s19  }
0x9c: {  	s7 =	simm.s32 $0x0;
	s20 =	sshll.u32 s5, $0x1;
	s5 =	sadd.s32 s21, s3  }
0x9d: {  	[timem:s7], [sflag:s22] =	dma.local [hbm:s5], s20  }
0x9e: {  	_ =	swait.ge [sflag:s22], s20  }
0x9f: {  	s4 =	ssub.s32 $0x0, s20;
	[sflag:s22] =	ssyncset.done $0x0  }
0xa0: {  	[sflag:s22] =	ssyncadd.s32 s4;
	_ =	sdelay $0x1  }
0xa1: {  	s23 =	simm.s32 $0x1B8B  }
0xa2: {  	_ =	swait.ge [sflag:s23], $0x1  }
0xa3: {  	[sflag:s23] =	ssyncset.done $0x0  }
0xa4: {  	s25 =	simm.s32 $0x1B8E;
	s24 =	sld [smem:$0x3FFE];
	[sflag:s23] =	ssyncadd.s32 $0xFFFFFFFF  }
0xa5: {  	s26 =	simm.s32 $execute0_lowered;
	[smem:$0x3FD2] =	sst s25  }
0xa6: {  	s5 =	sshll.u32 s26, $0x1;
	_ =	strace $0x80000049;
	[dreg:$0x1] =	wrdreg $0xFFFFFFFF  }
0xa7: {  	s28 =	simm.s32 $_size_execute0_lowered;
	s3 =	sadd.s32 s3, s5;
	[dreg:$0x0] =	wrdreg $0x0  }
0xa8: {  	s5 =	sshll.u32 s28, $0x1;
	[dreg:$0x2] =	wrdreg s3  }
0xa9: {  	[dreg:$0x3] =	wrdreg s5  }
0xaa: {  	[dreg:$0x4] =	wrdreg $0xC0  }
0xab: {  	_ =	task [dreg:s7], $0x5FFFF  }
0xac: {  	[dreg:$0x1] =	wrdreg $0xFFFFFFFF  }
0xad: {  	[dreg:$0x0] =	wrdreg $0x60  }
0xae: {  	[dreg:$0x2] =	wrdreg s2  }
0xaf: {  	[dreg:$0x3] =	wrdreg s24  }
0xb0: {  	[dreg:$0x4] =	wrdreg $0x7B000  }
0xb1: {  	[dreg:$0x5] =	wrdreg $0x9  }
0xb2: {  	_ =	task.clear_ibuf [dreg:s7], $0x6FFFF;
	_ =	strace $0x90000049  }
0xb3: {  	s29 =	simm.s32 $0x9;
	_ =	strace $0x8000004B  }
0xb4: {  	_ =	swait.ge [sflag:s29], $0x1  }
0xb5: {  	[sflag:s29] =	ssyncadd.s32 $0xFFFFFFFF  }
0xb6: {  	_ =	strace $0x9000004B  }
0xb7: {  	_ =	sfence  }
0xb8: {  	s30 =	sld [smem:$0x0];
	_ =	sdelay $0x2  }
0xb9: {  	s31 =	sshll.u32 s1, $0xD;
	s1 =	sshrl.u32 s1, $0x2  }
0xba: {  	s3 =	sand.u32 $0x4000, s31;
	s1 =	sadd.s32 s1, s30  }
0xbb: {  	s0 =	sor.u32 s3, s0;
	s1 =	sshll.u32 s1, $0x11  }
0xbc: {  	s0 =	sor.u32 s1, s0  }
0xbd: {  	s0 =	sadd.s32 $0x8F2B, s0  }
0xbe: {  	[sflag:s0] =	ssyncadd.remote.s32 $0x1  }
0xbf: {  	_ =	sfence.sel $0xFFFF  }
0xc0: {  	[dreg:$0x0] =	wrdreg $0xFFFFFFFF;
	(pc) =	sbr.abs _section_cstart, $3  }
0xc1: {  	[dreg:$0x1] =	wrdreg $0xFFFFFFFF  }
0xc2: {  	_ =	task.clear_ibuf [dreg:s7], $0x2FFFF;
	_ =	strace $0x9FFFFFFF  }
0xc3: {  	(tm) =	ssettm $0x7FFFFFFF  }
tec
execute0_lowered:
.L_overlay_start_1:
0x0: {  	(tag) =	ssettag $0x1  }
0x1: {  	s1 =	rddreg [dreg:$0x0]  }
0x2: {  	s0 =	rddreg [dreg:$0x1]  }
0x3: {  	s2 =	rddreg [dreg:$0x2];
	s4 =	simm.s32 $0x0;
	s10 =	stileid.u32  }
0x4: {  	s3 =	srdreg.scid;
	s28 =	simm.s32 $0x200;
	s29 =	simm.s32 $0x280  }
0x5: {  	s30 =	simm.s32 $0x5300;
	s31 =	simm.s32 $0x1;
	[smem:$0x7FF] =	sst s4  }
0x6: {  	s5 =	sadd.s32 $0x14800, s0;
	s6 =	smul.u32 $0x500, s10;
	s3 =	sand.u32 $0x1, s3  }
0x7: {  	s8 =	sadd.s32 $0xA800, s0;
	s15 =	sadd.s32 $0xF800, s0;
	s9 =	smul.u32 $0x2760, s10  }
0x8: {  	p0 =	slt.u32 s10, $0xE;
	s25 =	smul.u32 $0xA000, s10;
	p1 =	slt.u32 s10, $0xD  }
0x9: {  	s17 =	smul.u32 $0x4EC, s10;
	_ =	strace $0x8000004A;
	s7 =	ssub.s32 $0x2, s3  }
0xa: {  	s0 =	sadd.s32 s6, s0;
	s20 =	sshrl.u32 s7, $0x1;
	s6 =	simm.s32 $0x8  }
0xb: {  	s9 =	sshrl.u32 s9, $0x3;
	s16 =	sadd.s32 s17, s15;
	s17 =	sadd.s32 s17, s8  }
0xc: {  	s14 =	ssub.s32 s7, s20;
	s7 =	simm.s32 $0x8;
	s6 =	simm.s32 @!p0 $0x7  }
0xd: {  	p0 =	seq.s32 s3, $0x1;
	s21 =	sadd.s32 s8, s9;
	s22 =	sadd.s32 $0xA, s9  }
0xe: {  	s11 =	sadd.s32 s15, s9;
	s9 =	sadd.s32 $0x14, s9;
	s18 =	sadd.s32 $0x89E00, s0  }
0xf: {  	s19 =	sadd.s32 $0xB1000, s0;
	s20 =	simm.s32 $0x300;
	[dreg:$0x4] =	wrdreg s21  }
0x10: {  	s0 =	simm.s32 $0x3;
	[dreg:$0x5] =	wrdreg s11;
	s23 =	sadd.s32 s8, s22  }
0x11: {  	s3 =	sadd.s32 s15, s22;
	s24 =	sadd.s32 s8, s9;
	[dreg:$0x6] =	wrdreg s23  }
.Ltmp0:
0x12: {  	s9 =	sadd.s32 s15, s9;
	[dreg:$0x7] =	wrdreg s3;
	(pc) =	sbr.rel .LBB2_1-.Ltmp0, $4  }
0x13: {  	s7 =	simm.s32 @!p1 $0x7;
	s26 =	smax.u32 s14, $0x1;
	[dreg:$0x8] =	wrdreg s24  }
0x14: {  	s21 =	simm.s32 $0x4;
	s22 =	simm.s32 $0x80;
	[dreg:$0x9] =	wrdreg s9  }
0x15: {  	[dreg:$0xa] =	wrdreg s26;
	s3 =	sshrl.u32 s25, $0x2;
	s23 =	simm.s32 $0x50  }
0x16: {  	v0 =	vimm.f32 $0.0e+00;
	s24 =	simm.s32 $0x100;
	s25 =	simm.s32 $0x0;
	s9 =	sadd.s32 s3, s2  }
.LBB2_17:
0x17: {  	[sflag:s21] =	ssyncset.done $0x0  }
0x18: {  	[sflag:s21] =	ssyncadd.s32 $0xFFFFFB00  }
.LBB2_18:
0x19: {  	s25 =	sadd.s32 $0x1, s25;
	s3 =	rddreg [dreg:$0xa]  }
0x1a: {  	p1 =	sne.s32 s25, s3  }
.Ltmp1:
0x1b: {  	_ = 	snop;
	(pc) =	sbr.rel @!p1 .LBB2_19-.Ltmp1, $1  }
0x1c: {  	_ =	sdelay $0x3  }
.LBB2_1:
0x1d: {  	s26 =	simm.s32 $0x0;
	s3 =	simm.s32 $0x200  }
.LBB2_2:
0x1e: {  	p1 =	sne.s32 s3, $0x9E00;
	[tilespmem:s26+$0x370] =	vst v0  }
0x1f: {  	[tilespmem:s26+$0x300] =	vst v0  }
0x20: {  	[tilespmem:s26+$0x310] =	vst v0  }
.Ltmp2:
0x21: {  	[tilespmem:s26+$0x320] =	vst v0;
	(pc) =	sbr.rel @p1 .LBB2_2-.Ltmp2, $4  }
0x22: {  	[tilespmem:s26+$0x330] =	vst v0  }
0x23: {  	[tilespmem:s26+$0x340] =	vst v0  }
0x24: {  	[tilespmem:s26+$0x350] =	vst v0  }
0x25: {  	[tilespmem:s26+$0x360] =	vst v0;
	s26 =	sshra.s32 s3, $0x2;
	s3 =	sadd.s32 $0x200, s3  }
0x26: {  	[tilespmem:s26+$0x370] =	vst v0  }
0x27: {  	[tilespmem:s26+$0x300] =	vst v0  }
0x28: {  	[tilespmem:s26+$0x310] =	vst v0  }
0x29: {  	[tilespmem:s26+$0x320] =	vst v0  }
0x2a: {  	[tilespmem:s26+$0x330] =	vst v0  }
0x2b: {  	[tilespmem:s26+$0x340] =	vst v0;
	p1 =	sne.s32 s6, $0x1  }
.Ltmp3:
0x2c: {  	[tilespmem:s26+$0x350] =	vst v0;
	(pc) =	sbr.rel @!p1 .LBB2_5-.Ltmp3, $4  }
0x2d: {  	[tilespmem:s26+$0x360] =	vst v0  }
0x2e: {  	[spmem:s9] =	stream.linear.scatter [tilespmem:s20], [sflag:$0x4], $0x2800, $0x38;
	[tilespmem:$0x1B600] =	vst v63  }
0x2f: {  	_ =	swait.ge [sflag:s21], $0x2800  }
0x30: {  	s3 =	sadd.s32 $0xFFFFFFFF, s6;
	s8 =	smov.u32 s9;
	[sflag:s21] =	ssyncset.done $0x0  }
.LBB2_4:
0x31: {  	p1 =	sne.s32 s3, $0x1;
	[sflag:s21] =	ssyncadd.s32 $0xFFFFD800;
	s8 =	sadd.s32 $0x28000, s8  }
.Ltmp4:
0x32: {  	s3 =	sadd.s32 $0xFFFFFFFF, s3;
	(pc) =	sbr.rel @p1 .LBB2_4-.Ltmp4, $4  }
0x33: {  	_ = 	snop  }
0x34: {  	[spmem:s8] =	stream.linear.scatter [tilespmem:s20], [sflag:$0x4], $0x2800, $0x38;
	[tilespmem:$0x1B600] =	vst v63  }
0x35: {  	_ =	swait.ge [sflag:s21], $0x2800  }
0x36: {  	[sflag:s21] =	ssyncset.done $0x0  }
.LBB2_5:
0x37: {  	[sflag:s21] =	ssyncadd.s32 $0xFFFFD800  }
0x38: {  	[bflag:$0x0] =	sbarrier.arrive $0xFFFF  }
0x39: {  	s3 =	rddreg [dreg:$0x4]  }
0x3a: {  	[tilespmem:s4], [sflag:$0x4] =	stream.linear.gather [hbm4b:s3+s4], $0x50, $0x38;
	[tilespmem:$0x1B600] =	vst v63  }
0x3b: {  	_ =	swait.ge [sflag:s21], $0x50  }
0x3c: {  	[sflag:s21] =	ssyncset.done $0x0  }
.Ltmp5:
0x3d: {  	s26 =	rddreg [dreg:$0x5];
	[sflag:s21] =	ssyncadd.s32 $0xFFFFFFB0;
	(pc) =	sbr.rel @!p0 .LBB2_6-.Ltmp5, $4  }
0x3e: {  	[tilespmem:s22], [sflag:$0x4] =	stream.linear.gather [hbm4b:s26+s4], $0x50, $0x38;
	[tilespmem:$0x1B600] =	vst v63  }
0x3f: {  	_ =	swait.ge [sflag:s21], $0x50  }
0x40: {  	[sflag:s21] =	ssyncset.done $0x0  }
0x41: {  	s26 =	simm.s32 $0x0;
	[sflag:s21] =	ssyncadd.s32 $0xFFFFFFB0  }
0x42: {  	[tilespmem:s20], [sflag:$0x1] =	stream.indirect.gather [hbm4b:s5+s23], $0x80, s26, s23, $0xb8;
	[tilespmem:$0x1B600] =	vst v63  }
0x43: {  	s3 =	rddreg [dreg:$0x6]  }
0x44: {  	[tilespmem:s24], [sflag:$0x4] =	stream.linear.gather [hbm4b:s3+s26], $0x50, $0x38;
	[tilespmem:$0x1B600] =	vst v63  }
0x45: {  	_ =	swait.ge [sflag:s21], $0x50  }
0x46: {  	[sflag:s21] =	ssyncset.done $0x0  }
0x47: {  	s8 =	simm.s32 $0x180;
	s12 =	rddreg [dreg:$0x7];
	[sflag:s21] =	ssyncadd.s32 $0xFFFFFFB0  }
0x48: {  	[tilespmem:s8], [sflag:$0x4] =	stream.linear.gather [hbm4b:s12+s26], $0x50, $0x38;
	[tilespmem:$0x1B600] =	vst v63  }
0x49: {  	_ =	swait.ge [sflag:s21], $0x50  }
0x4a: {  	[sflag:s21] =	ssyncset.done $0x0  }
0x4b: {  	s13 =	simm.s32 $0x2B00;
	[sflag:s21] =	ssyncadd.s32 $0xFFFFFFB0  }
0x4c: {  	[tilespmem:s13], [sflag:$0x2] =	stream.indirect.gather [hbm4b:s5+s23], $0x80, s24, s23, $0xb8;
	[tilespmem:$0x1B600] =	vst v63  }
0x4d: {  	s14 =	rddreg [dreg:$0x8]  }
0x4e: {  	[tilespmem:s28], [sflag:$0x4] =	stream.linear.gather [hbm4b:s14+s26], $0x50, $0x38;
	[tilespmem:$0x1B600] =	vst v63  }
0x4f: {  	_ =	swait.ge [sflag:s21], $0x50  }
0x50: {  	[sflag:s21] =	ssyncset.done $0x0  }
0x51: {  	s15 =	rddreg [dreg:$0x9];
	[sflag:s21] =	ssyncadd.s32 $0xFFFFFFB0  }
0x52: {  	[tilespmem:s29], [sflag:$0x4] =	stream.linear.gather [hbm4b:s15+s26], $0x50, $0x38;
	[tilespmem:$0x1B600] =	vst v63  }
0x53: {  	_ =	swait.ge [sflag:s21], $0x50  }
0x54: {  	[sflag:s21] =	ssyncset.done $0x0  }
0x55: {  	[sflag:s21] =	ssyncadd.s32 $0xFFFFFFB0  }
0x56: {  	[tilespmem:s30], [sflag:$0x3] =	stream.indirect.gather [hbm4b:s5+s23], $0x80, s28, s23, $0xb8;
	[tilespmem:$0x1B600] =	vst v63  }
.LBB2_13:
0x57: {  	_ =	swait.ge [sflag:s31], $0x2800  }
0x58: {  	[sflag:s31] =	ssyncset.done $0x0  }
0x59: {  	[sflag:s31] =	ssyncadd.s32 $0xFFFFD800  }
0x5a: {  	[spmem:s2] =	stream.indirect.scatter.add.f32 [tilespmem:s20], [sflag:$0x4], $0x80, s22, s23, $0xb8;
	[tilespmem:$0x1B600] =	vst v63  }
0x5b: {  	_ =	swait.ge [sflag:s21], $0x2800  }
0x5c: {  	p1 =	seq.s32 s26, $0x4CE;
	[sflag:s21] =	ssyncset.done $0x0  }
0x5d: {  	s3 =	simm.s32 @p1 $0x2;
	[sflag:s21] =	ssyncadd.s32 $0xFFFFD800  }
0x5e: {  	_ =	swait.ge @p1 [sflag:s3], $0x2800  }
0x5f: {  	s8 =	simm.s32 @p1 $0x180;
	[sflag:s3] =	ssyncset.done @p1 $0x0  }
0x60: {  	s10 =	simm.s32 @p1 $0x2B00;
	[sflag:s3] =	ssyncadd.s32 @p1 $0xFFFFD800;
	s3 =	simm.s32 @p1 $0x50  }
0x61: {  	[spmem:s2] =	stream.indirect.scatter.add.f32 @p1 [tilespmem:s10], [sflag:$0x4], $0x80, s8, s3, $0xb8;
	[tilespmem:$0x1B600] =	vst v63  }
0x62: {  	s3 =	simm.s32 @p1 $0x4  }
0x63: {  	_ =	swait.ge @p1 [sflag:s3], $0x2800  }
0x64: {  	s8 =	sadd.s32 @!p1 s26, s17;
	[sflag:s3] =	ssyncset.done @p1 $0x0  }
0x65: {  	s10 =	simm.s32 @!p1 $0x0;
	[sflag:s3] =	ssyncadd.s32 @p1 $0xFFFFD800;
	s3 =	sadd.s32 @!p1 $0x1E, s8  }
0x66: {  	[tilespmem:s10], [sflag:$0x4] =	stream.linear.gather @!p1 [hbm4b:s3+s10], $0x50, $0x38;
	[tilespmem:$0x1B600] =	vst v63  }
0x67: {  	s3 =	simm.s32 @!p1 $0x4  }
0x68: {  	_ =	swait.ge @!p1 [sflag:s3], $0x50  }
0x69: {  	s11 =	sadd.s32 @!p1 s26, s16;
	[sflag:s3] =	ssyncset.done @!p1 $0x0  }
0x6a: {  	s13 =	simm.s32 @!p1 $0x80;
	s12 =	sadd.s32 @!p1 $0x1E, s11;
	[sflag:s3] =	ssyncadd.s32 @!p1 $0xFFFFFFB0  }
0x6b: {  	[tilespmem:s13], [sflag:$0x4] =	stream.linear.gather @!p1 [hbm4b:s12+s10], $0x50, $0x38;
	[tilespmem:$0x1B600] =	vst v63  }
0x6c: {  	_ =	swait.ge @!p1 [sflag:s3], $0x50  }
0x6d: {  	[sflag:s3] =	ssyncset.done @!p1 $0x0  }
0x6e: {  	s12 =	simm.s32 @!p1 $0x50;
	s13 =	simm.s32 @!p1 $0x300;
	[sflag:s3] =	ssyncadd.s32 @!p1 $0xFFFFFFB0  }
0x6f: {  	[tilespmem:s13], [sflag:$0x1] =	stream.indirect.gather @!p1 [hbm4b:s5+s12], $0x80, s10, s12, $0xb8;
	[tilespmem:$0x1B600] =	vst v63  }
0x70: {  	s13 =	simm.s32 @!p1 $0x2  }
0x71: {  	_ =	swait.ge @!p1 [sflag:s13], $0x2800  }
0x72: {  	[sflag:s13] =	ssyncset.done @!p1 $0x0  }
0x73: {  	s14 =	simm.s32 @!p1 $0x2B00;
	[sflag:s13] =	ssyncadd.s32 @!p1 $0xFFFFD800;
	s13 =	simm.s32 @!p1 $0x180  }
0x74: {  	[spmem:s2] =	stream.indirect.scatter.add.f32 @!p1 [tilespmem:s14], [sflag:$0x4], $0x80, s13, s12, $0xb8;
	[tilespmem:$0x1B600] =	vst v63  }
0x75: {  	_ =	swait.ge @!p1 [sflag:s3], $0x2800  }
0x76: {  	[sflag:s3] =	ssyncset.done @!p1 $0x0  }
0x77: {  	s15 =	simm.s32 @!p1 $0x100;
	s8 =	sadd.s32 @!p1 $0x28, s8;
	[sflag:s3] =	ssyncadd.s32 @!p1 $0xFFFFD800  }
0x78: {  	[tilespmem:s15], [sflag:$0x4] =	stream.linear.gather @!p1 [hbm4b:s8+s10], $0x50, $0x38;
	[tilespmem:$0x1B600] =	vst v63  }
0x79: {  	_ =	swait.ge @!p1 [sflag:s3], $0x50  }
0x7a: {  	[sflag:s3] =	ssyncset.done @!p1 $0x0  }
0x7b: {  	s8 =	sadd.s32 @!p1 $0x28, s11;
	[sflag:s3] =	ssyncadd.s32 @!p1 $0xFFFFFFB0  }
0x7c: {  	[tilespmem:s13], [sflag:$0x4] =	stream.linear.gather @!p1 [hbm4b:s8+s10], $0x50, $0x38;
	[tilespmem:$0x1B600] =	vst v63  }
0x7d: {  	_ =	swait.ge @!p1 [sflag:s3], $0x50  }
0x7e: {  	[sflag:s3] =	ssyncset.done @!p1 $0x0  }
0x7f: {  	[sflag:s3] =	ssyncadd.s32 @!p1 $0xFFFFFFB0  }
0x80: {  	[tilespmem:s14], [sflag:$0x2] =	stream.indirect.gather @!p1 [hbm4b:s5+s12], $0x80, s15, s12, $0xb8;
	[tilespmem:$0x1B600] =	vst v63  }
0x81: {  	_ =	swait.ge [sflag:s0], $0x2800  }
0x82: {  	[sflag:s0] =	ssyncset.done $0x0  }
.Ltmp6:
0x83: {  	[sflag:s0] =	ssyncadd.s32 $0xFFFFD800;
	(pc) =	sbr.rel @p1 .LBB2_15-.Ltmp6, $4  }
0x84: {  	[spmem:s2] =	stream.indirect.scatter.add.f32 [tilespmem:s30], [sflag:$0x4], $0x80, s29, s23, $0xb8;
	[tilespmem:$0x1B600] =	vst v63  }
0x85: {  	_ =	swait.ge [sflag:s21], $0x2800  }
0x86: {  	[sflag:s21] =	ssyncset.done $0x0  }
0x87: {  	[sflag:s21] =	ssyncadd.s32 $0xFFFFD800  }
0x88: {  	s3 =	sadd.s32 s26, s17  }
0x89: {  	s3 =	sadd.s32 $0x32, s3  }
0x8a: {  	[tilespmem:s28], [sflag:$0x4] =	stream.linear.gather [hbm4b:s3+s4], $0x50, $0x38;
	[tilespmem:$0x1B600] =	vst v63  }
0x8b: {  	_ =	swait.ge [sflag:s21], $0x50  }
0x8c: {  	s15 =	sadd.s32 s26, s16;
	[sflag:s21] =	ssyncset.done $0x0  }
0x8d: {  	s3 =	sadd.s32 $0x32, s15;
	[sflag:s21] =	ssyncadd.s32 $0xFFFFFFB0  }
0x8e: {  	[tilespmem:s29], [sflag:$0x4] =	stream.linear.gather [hbm4b:s3+s4], $0x50, $0x38;
	[tilespmem:$0x1B600] =	vst v63  }
.Ltmp7:
0x8f: {  	_ = 	snop;
	(pc) =	sbr.rel .LBB2_13-.Ltmp7, $4  }
0x90: {  	_ =	swait.ge [sflag:s21], $0x50  }
0x91: {  	[sflag:s21] =	ssyncset.done $0x0  }
0x92: {  	s26 =	sadd.s32 $0x1E, s26;
	[sflag:s21] =	ssyncadd.s32 $0xFFFFFFB0  }
0x93: {  	[tilespmem:s30], [sflag:$0x3] =	stream.indirect.gather [hbm4b:s5+s23], $0x80, s28, s23, $0xb8;
	[tilespmem:$0x1B600] =	vst v63  }
.LBB2_6:
0x94: {  	[tilespmem:s20], [sflag:$0x1] =	stream.indirect.gather [hbm4b:s1+s23], $0x80, s26, s23, $0xb8;
	[tilespmem:$0x1B600] =	vst v63  }
0x95: {  	s3 =	rddreg [dreg:$0x6]  }
0x96: {  	[tilespmem:s24], [sflag:$0x4] =	stream.linear.gather [hbm4b:s3+s26], $0x50, $0x38;
	[tilespmem:$0x1B600] =	vst v63  }
0x97: {  	_ =	swait.ge [sflag:s21], $0x50  }
0x98: {  	[sflag:s21] =	ssyncset.done $0x0  }
0x99: {  	s8 =	simm.s32 $0x180;
	s12 =	rddreg [dreg:$0x7];
	[sflag:s21] =	ssyncadd.s32 $0xFFFFFFB0  }
0x9a: {  	[tilespmem:s8], [sflag:$0x4] =	stream.linear.gather [hbm4b:s12+s26], $0x50, $0x38;
	[tilespmem:$0x1B600] =	vst v63  }
0x9b: {  	_ =	swait.ge [sflag:s21], $0x50  }
0x9c: {  	[sflag:s21] =	ssyncset.done $0x0  }
0x9d: {  	s13 =	simm.s32 $0x2B00;
	[sflag:s21] =	ssyncadd.s32 $0xFFFFFFB0  }
0x9e: {  	[tilespmem:s13], [sflag:$0x2] =	stream.indirect.gather [hbm4b:s1+s23], $0x80, s24, s23, $0xb8;
	[tilespmem:$0x1B600] =	vst v63  }
0x9f: {  	s14 =	rddreg [dreg:$0x8]  }
0xa0: {  	[tilespmem:s28], [sflag:$0x4] =	stream.linear.gather [hbm4b:s14+s26], $0x50, $0x38;
	[tilespmem:$0x1B600] =	vst v63  }
0xa1: {  	_ =	swait.ge [sflag:s21], $0x50  }
0xa2: {  	[sflag:s21] =	ssyncset.done $0x0  }
0xa3: {  	s15 =	rddreg [dreg:$0x9];
	[sflag:s21] =	ssyncadd.s32 $0xFFFFFFB0  }
0xa4: {  	[tilespmem:s29], [sflag:$0x4] =	stream.linear.gather [hbm4b:s15+s26], $0x50, $0x38;
	[tilespmem:$0x1B600] =	vst v63  }
0xa5: {  	_ =	swait.ge [sflag:s21], $0x50  }
0xa6: {  	[sflag:s21] =	ssyncset.done $0x0  }
0xa7: {  	[sflag:s21] =	ssyncadd.s32 $0xFFFFFFB0  }
0xa8: {  	[tilespmem:s30], [sflag:$0x3] =	stream.indirect.gather [hbm4b:s1+s23], $0x80, s28, s23, $0xb8;
	[tilespmem:$0x1B600] =	vst v63  }
.LBB2_7:
0xa9: {  	_ =	swait.ge [sflag:s31], $0x2800  }
0xaa: {  	[sflag:s31] =	ssyncset.done $0x0  }
0xab: {  	[sflag:s31] =	ssyncadd.s32 $0xFFFFD800  }
0xac: {  	[spmem:s2] =	stream.indirect.scatter.add.f32 [tilespmem:s20], [sflag:$0x4], $0x80, s22, s23, $0xb8;
	[tilespmem:$0x1B600] =	vst v63  }
0xad: {  	_ =	swait.ge [sflag:s21], $0x2800  }
0xae: {  	p1 =	seq.s32 s26, $0x4CE;
	[sflag:s21] =	ssyncset.done $0x0  }
0xaf: {  	s3 =	simm.s32 @p1 $0x2;
	[sflag:s21] =	ssyncadd.s32 $0xFFFFD800  }
0xb0: {  	_ =	swait.ge @p1 [sflag:s3], $0x2800  }
0xb1: {  	s8 =	simm.s32 @p1 $0x180;
	[sflag:s3] =	ssyncset.done @p1 $0x0  }
0xb2: {  	s15 =	simm.s32 @p1 $0x2B00;
	[sflag:s3] =	ssyncadd.s32 @p1 $0xFFFFD800;
	s3 =	simm.s32 @p1 $0x50  }
0xb3: {  	[spmem:s2] =	stream.indirect.scatter.add.f32 @p1 [tilespmem:s15], [sflag:$0x4], $0x80, s8, s3, $0xb8;
	[tilespmem:$0x1B600] =	vst v63  }
0xb4: {  	s3 =	simm.s32 @p1 $0x4  }
0xb5: {  	_ =	swait.ge @p1 [sflag:s3], $0x2800  }
0xb6: {  	s8 =	sadd.s32 @!p1 s26, s17;
	[sflag:s3] =	ssyncset.done @p1 $0x0  }
0xb7: {  	s15 =	simm.s32 @!p1 $0x0;
	[sflag:s3] =	ssyncadd.s32 @p1 $0xFFFFD800;
	s3 =	sadd.s32 @!p1 $0x1E, s8  }
0xb8: {  	[tilespmem:s15], [sflag:$0x4] =	stream.linear.gather @!p1 [hbm4b:s3+s15], $0x50, $0x38;
	[tilespmem:$0x1B600] =	vst v63  }
0xb9: {  	s3 =	simm.s32 @!p1 $0x4  }
0xba: {  	_ =	swait.ge @!p1 [sflag:s3], $0x50  }
0xbb: {  	s10 =	sadd.s32 @!p1 s26, s16;
	[sflag:s3] =	ssyncset.done @!p1 $0x0  }
0xbc: {  	s12 =	simm.s32 @!p1 $0x80;
	s11 =	sadd.s32 @!p1 $0x1E, s10;
	[sflag:s3] =	ssyncadd.s32 @!p1 $0xFFFFFFB0  }
0xbd: {  	[tilespmem:s12], [sflag:$0x4] =	stream.linear.gather @!p1 [hbm4b:s11+s15], $0x50, $0x38;
	[tilespmem:$0x1B600] =	vst v63  }
0xbe: {  	_ =	swait.ge @!p1 [sflag:s3], $0x50  }
0xbf: {  	[sflag:s3] =	ssyncset.done @!p1 $0x0  }
0xc0: {  	s11 =	simm.s32 @!p1 $0x50;
	s12 =	simm.s32 @!p1 $0x300;
	[sflag:s3] =	ssyncadd.s32 @!p1 $0xFFFFFFB0  }
0xc1: {  	[tilespmem:s12], [sflag:$0x1] =	stream.indirect.gather @!p1 [hbm4b:s1+s11], $0x80, s15, s11, $0xb8;
	[tilespmem:$0x1B600] =	vst v63  }
0xc2: {  	s12 =	simm.s32 @!p1 $0x2  }
0xc3: {  	_ =	swait.ge @!p1 [sflag:s12], $0x2800  }
0xc4: {  	[sflag:s12] =	ssyncset.done @!p1 $0x0  }
0xc5: {  	s13 =	simm.s32 @!p1 $0x2B00;
	[sflag:s12] =	ssyncadd.s32 @!p1 $0xFFFFD800;
	s12 =	simm.s32 @!p1 $0x180  }
0xc6: {  	[spmem:s2] =	stream.indirect.scatter.add.f32 @!p1 [tilespmem:s13], [sflag:$0x4], $0x80, s12, s11, $0xb8;
	[tilespmem:$0x1B600] =	vst v63  }
0xc7: {  	_ =	swait.ge @!p1 [sflag:s3], $0x2800  }
0xc8: {  	[sflag:s3] =	ssyncset.done @!p1 $0x0  }
0xc9: {  	s14 =	simm.s32 @!p1 $0x100;
	s8 =	sadd.s32 @!p1 $0x28, s8;
	[sflag:s3] =	ssyncadd.s32 @!p1 $0xFFFFD800  }
0xca: {  	[tilespmem:s14], [sflag:$0x4] =	stream.linear.gather @!p1 [hbm4b:s8+s15], $0x50, $0x38;
	[tilespmem:$0x1B600] =	vst v63  }
0xcb: {  	_ =	swait.ge @!p1 [sflag:s3], $0x50  }
0xcc: {  	[sflag:s3] =	ssyncset.done @!p1 $0x0  }
0xcd: {  	s8 =	sadd.s32 @!p1 $0x28, s10;
	[sflag:s3] =	ssyncadd.s32 @!p1 $0xFFFFFFB0  }
0xce: {  	[tilespmem:s12], [sflag:$0x4] =	stream.linear.gather @!p1 [hbm4b:s8+s15], $0x50, $0x38;
	[tilespmem:$0x1B600] =	vst v63  }
0xcf: {  	_ =	swait.ge @!p1 [sflag:s3], $0x50  }
0xd0: {  	[sflag:s3] =	ssyncset.done @!p1 $0x0  }
0xd1: {  	[sflag:s3] =	ssyncadd.s32 @!p1 $0xFFFFFFB0  }
0xd2: {  	[tilespmem:s13], [sflag:$0x2] =	stream.indirect.gather @!p1 [hbm4b:s1+s11], $0x80, s14, s11, $0xb8;
	[tilespmem:$0x1B600] =	vst v63  }
0xd3: {  	_ =	swait.ge [sflag:s0], $0x2800  }
0xd4: {  	[sflag:s0] =	ssyncset.done $0x0  }
.Ltmp8:
0xd5: {  	[sflag:s0] =	ssyncadd.s32 $0xFFFFD800;
	(pc) =	sbr.rel @p1 .LBB2_9-.Ltmp8, $4  }
0xd6: {  	[spmem:s2] =	stream.indirect.scatter.add.f32 [tilespmem:s30], [sflag:$0x4], $0x80, s29, s23, $0xb8;
	[tilespmem:$0x1B600] =	vst v63  }
0xd7: {  	_ =	swait.ge [sflag:s21], $0x2800  }
0xd8: {  	[sflag:s21] =	ssyncset.done $0x0  }
0xd9: {  	[sflag:s21] =	ssyncadd.s32 $0xFFFFD800  }
0xda: {  	s3 =	sadd.s32 s26, s17  }
0xdb: {  	s3 =	sadd.s32 $0x32, s3  }
0xdc: {  	[tilespmem:s28], [sflag:$0x4] =	stream.linear.gather [hbm4b:s3+s4], $0x50, $0x38;
	[tilespmem:$0x1B600] =	vst v63  }
0xdd: {  	_ =	swait.ge [sflag:s21], $0x50  }
0xde: {  	s15 =	sadd.s32 s26, s16;
	[sflag:s21] =	ssyncset.done $0x0  }
0xdf: {  	s3 =	sadd.s32 $0x32, s15;
	[sflag:s21] =	ssyncadd.s32 $0xFFFFFFB0  }
0xe0: {  	[tilespmem:s29], [sflag:$0x4] =	stream.linear.gather [hbm4b:s3+s4], $0x50, $0x38;
	[tilespmem:$0x1B600] =	vst v63  }
.Ltmp9:
0xe1: {  	_ = 	snop;
	(pc) =	sbr.rel .LBB2_7-.Ltmp9, $4  }
0xe2: {  	_ =	swait.ge [sflag:s21], $0x50  }
0xe3: {  	[sflag:s21] =	ssyncset.done $0x0  }
0xe4: {  	s26 =	sadd.s32 $0x1E, s26;
	[sflag:s21] =	ssyncadd.s32 $0xFFFFFFB0  }
0xe5: {  	[tilespmem:s30], [sflag:$0x3] =	stream.indirect.gather [hbm4b:s1+s23], $0x80, s28, s23, $0xb8;
	[tilespmem:$0x1B600] =	vst v63  }
.LBB2_15:
0xe6: {  	p1 =	sne.s32 s7, $0x1  }
.Ltmp10:
0xe7: {  	s3 =	stileid.u32;
	(pc) =	sbr.rel @!p1 .LBB2_17-.Ltmp10, $4  }
0xe8: {  	[bflag:$0x0] =	sbarrier.arrive $0xFFFF;
	s3 =	sshll.u32 s3, $0x6  }
0xe9: {  	s15 =	sshrl.u32 s9, $0x3;
	s8 =	sadd.s32 $0x5000, s19;
	s26 =	sor.u32 $0x1C04, s3  }
0xea: {  	[hbm:s19], [sflag:s26] =	dma.local [spmem:s15], $0x500  }
0xeb: {  	s3 =	sadd.s32 $0xFFFFFFFF, s7;
	s15 =	smov.u32 s9;
	_ =	swait.ge [sflag:s21], $0x500  }
.LBB2_16:
0xec: {  	[sflag:s21] =	ssyncset.done $0x0;
	s15 =	sadd.s32 $0x28000, s15;
	p1 =	sne.s32 s3, $0x1  }
.Ltmp11:
0xed: {  	s10 =	sshrl.u32 s15, $0x3;
	[sflag:s21] =	ssyncadd.s32 $0xFFFFFB00;
	(pc) =	sbr.rel @p1 .LBB2_16-.Ltmp11, $3  }
0xee: {  	[hbm:s8], [sflag:s26] =	dma.local [spmem:s10], $0x500  }
0xef: {  	s3 =	sadd.s32 $0xFFFFFFFF, s3;
	_ =	sdelay $0x1  }
0xf0: {  	s8 =	sadd.s32 $0x5000, s8;
	_ =	swait.ge [sflag:s21], $0x500  }
.Ltmp12:
0xf1: {  	_ = 	snop;
	(pc) =	sbr.rel .LBB2_17-.Ltmp12, $1  }
0xf2: {  	_ =	sdelay $0x3  }
.LBB2_9:
0xf3: {  	p1 =	seq.s32 s7, $0x1  }
.Ltmp13:
0xf4: {  	s3 =	stileid.u32;
	(pc) =	sbr.rel @p1 .LBB2_11-.Ltmp13, $4  }
0xf5: {  	[bflag:$0x0] =	sbarrier.arrive $0xFFFF;
	s3 =	sshll.u32 s3, $0x6  }
0xf6: {  	s15 =	sshrl.u32 s9, $0x3;
	s8 =	sadd.s32 $0x5000, s18;
	s26 =	sor.u32 $0x1C04, s3  }
0xf7: {  	[hbm:s18], [sflag:s26] =	dma.local [spmem:s15], $0x500  }
0xf8: {  	s3 =	sadd.s32 $0xFFFFFFFF, s7;
	s15 =	smov.u32 s9;
	_ =	swait.ge [sflag:s21], $0x500  }
.LBB2_10:
0xf9: {  	[sflag:s21] =	ssyncset.done $0x0;
	s15 =	sadd.s32 $0x28000, s15;
	p1 =	seq.s32 s3, $0x1  }
.Ltmp14:
0xfa: {  	s10 =	sshrl.u32 s15, $0x3;
	[sflag:s21] =	ssyncadd.s32 $0xFFFFFB00;
	(pc) =	sbr.rel @!p1 .LBB2_10-.Ltmp14, $3  }
0xfb: {  	[hbm:s8], [sflag:s26] =	dma.local [spmem:s10], $0x500  }
0xfc: {  	s3 =	sadd.s32 $0xFFFFFFFF, s3;
	_ =	sdelay $0x1  }
0xfd: {  	s8 =	sadd.s32 $0x5000, s8;
	_ =	swait.ge [sflag:s21], $0x500  }
.LBB2_11:
.Ltmp15:
0xfe: {  	(pc) =	sbr.rel .LBB2_18-.Ltmp15, $3  }
0xff: {  	_ =	sdelay $0x1  }
0x100: {  	[sflag:s21] =	ssyncset.done $0x0  }
0x101: {  	[sflag:s21] =	ssyncadd.s32 $0xFFFFFB00  }
.LBB2_19:
0x102: {  	_ =	sfence.sel $0x180000  }
0x103: {  	[bflag:$0x0] =	sbarrier.arrive $0xFFFF  }
0x104: {  	_ =	strace $0x9000004A  }
0x105: {  	s0 =	stileid.u32;
	[bflag:$0x2] =	sbarrier.arrive $0xFFFF  }
0x106: {  	p0 =	sne.s32 s0, $0x0;
	s0 =	rddreg [dreg:$0x3]  }
0x107: {  	s0 =	sadd.s32 @!p0 $0x100000, s0  }
0x108: {  	[sflag:s0] =	ssyncadd.tile.s32 @!p0 $0x1;
	_ =	shalt  }
.Lfunc_end2:
_tile_overlayer_lowered:
.L_overlay_start_2:
0x109: {  	(tag) =	ssettag $0x2  }
0x10a: {  	s0 =	rddreg [dreg:$0x0];
	s2 =	stileid.u32  }
0x10b: {  	s1 =	rddreg [dreg:$0x1];
	p0 =	sne.s32 s2, $0x0  }
0x10c: {  	s3 =	rddreg [dreg:$0x2];
	[bflag:$0x3] =	sbarrier.arrive $0xFFFF;
	s2 =	simm.s32 @!p0 $0x1C04  }
0x10d: {  	[timem:s3], [sflag:s2] =	dma.local @!p0 [hbm:s0], s1  }
0x10e: {  	s0 =	simm.s32 @!p0 $0x4  }
0x10f: {  	_ =	swait.ge @!p0 [sflag:s0], s1  }
0x110: {  	s1 =	ssub.s32 @!p0 $0x0, s1;
	[sflag:s0] =	ssyncset.done @!p0 $0x0  }
0x111: {  	[sflag:s0] =	ssyncadd.s32 @!p0 s1  }
0x112: {  	[bflag:$0x3] =	sbarrier.arrive $0xFFFF  }
0x113: {  	_ =	shalt  }

// kernel: kernel.16.cloned.1.call-start
scs
__scs_entry_jumppad:
0x0: {  	(pc) =	sbr.rel $0x88, $3  }
0x1: {  	(tag) =	ssettag $0x0;
	lr =	simm.s32 $0x1  }
0x2: {  	[smem:$0x3F99] =	sst lr;
	_ =	strace $0xD0000000  }
0x3: {  	_ = 	snop  }
0x4: {  	_ = 	snop  }
0x5: {  	_ = 	snop  }
0x6: {  	_ = 	snop  }
0x7: {  	_ = 	snop  }
__scs_overlays_trampoline_lowered:
0x8: {  	[smem:$0x3FA8] =	sst s0  }
0x9: {  	[smem:$0x3FA9] =	sst s1  }
0xa: {  	[smem:$0x3FAA] =	sst s2  }
0xb: {  	[smem:$0x3FAB] =	sst s3  }
0xc: {  	[smem:$0x3FAC] =	sst s4  }
0xd: {  	[smem:$0x3FAD] =	sst s5  }
0xe: {  	[smem:$0x3FAE] =	sst s6  }
0xf: {  	[smem:$0x3FAF] =	sst s7  }
0x10: {  	[smem:$0x3FB0] =	sst s8  }
0x11: {  	[smem:$0x3FB1] =	sst s9;
	s0 =	simm.s32 @!p0 $0x0  }
0x12: {  	s1 =	sld [smem:$0x3F97];
	s0 =	simm.s32 @p0 $0x1  }
0x13: {  	[smem:$0x3FB2] =	sst s0;
	s0 =	simm.s32 @!p1 $0x0  }
0x14: {  	s2 =	sld [smem:$0x3F96];
	s0 =	simm.s32 @p1 $0x1  }
0x15: {  	[smem:$0x3FB3] =	sst s0;
	s0 =	simm.s32 @!p2 $0x0  }
0x16: {  	s3 =	sld [smem:$0x3FDB];
	s0 =	simm.s32 @p2 $0x1  }
0x17: {  	s4 =	simm.s32 $0x1BF5;
	[smem:$0x3FB5] =	sst s0  }
0x18: {  	s0 =	sld [smem:$0x3F98];
	_ =	swait.ge [sflag:s4], $0x0  }
0x19: {  	s7 =	sld [smem:$0x3F99]  }
0x1a: {  	s8 =	sadd.s32 $0xFFFFE003, lr  }
0x1b: {  	s9 =	sadd.s32 $0xFFFFFEF7, lr;
	s5 =	simm.s32 $0xFFFFFFFF;
	p2 =	slt.u32 s8, $0xFFFFF086  }
0x1c: {  	p1 =	slt.u32 s9, $0xF7A;
	s5 =	simm.s32 @!p2 $0x0  }
0x1d: {  	s5 =	simm.s32 @p1 $0x1;
	p0 =	seq.s32 s7, s2  }
0x1e: {  	s7 =	smul.u32 @!p0 $0xF7A, s2;
	p2 =	seq.s32 @!p0 s5, $0x0  }
0x1f: {  	s9 =	smul.u32 $0xF7A, s1;
	s8 =	simm.s32 @!p0 $0x1BF5;
	p2 =	por !p2, p0  }
0x20: {  	[sflag:s8] =	ssyncset.s32 @!p0 $0xFFFFF086;
	s6 =	sadd.s32 @!p0 s3, s7;
	s7 =	simm.s32 @!p0 $0x108  }
0x21: {  	s3 =	sadd.s32 s3, s9;
	s6 =	sadd.s32 @!p0 $0x88, s6;
	s7 =	simm.s32 @p2 $0x1082  }
0x22: {  	[simem:s7], [sflag:s8] =	dma.local @!p0 [hbm:s6], $0xF7A  }
0x23: {  	s9 =	sor.u32 $0xD0000000, s2;
	s6 =	simm.s32 $0x108;
	_ =	swait.ge @!p0 [sflag:s8], $0x0  }
0x24: {  	s3 =	sadd.s32 $0x88, s3;
	s6 =	simm.s32 @!p1 $0x1082;
	[sflag:s4] =	ssyncset.s32 $0xFFFFF086  }
0x25: {  	[simem:s6], [sflag:s4] =	dma.local [hbm:s3], $0xF7A  }
0x26: {  	[smem:$0x3F99] =	sst s1;
	(tag) =	ssettag s2;
	_ =	strace s9  }
0x27: {  	s1 =	sld [smem:$0x3FA9]  }
0x28: {  	s2 =	sld [smem:$0x3FAA]  }
0x29: {  	s4 =	sld [smem:$0x3FAC]  }
0x2a: {  	p0 =	seq.s32 s5, $0x0;
	s5 =	sld [smem:$0x3FAD]  }
0x2b: {  	s6 =	sld [smem:$0x3FAE]  }
0x2c: {  	s7 =	sld [smem:$0x3FAF]  }
0x2d: {  	s3 =	simm.s32 $0x108;
	s8 =	sld [smem:$0x3FB0]  }
0x2e: {  	s3 =	simm.s32 @!p0 $0x1082;
	s9 =	sld [smem:$0x3FB1]  }
0x2f: {  	lr =	sadd.s32 s0, s3;
	s0 =	sld [smem:$0x3FA8]  }
0x30: {  	s3 =	sld [smem:$0x3FAB]  }
0x31: {  	[smem:$0x3FB4] =	sst s10  }
0x32: {  	s10 =	sld [smem:$0x3FB2];
	_ =	sdelay $0x3  }
0x33: {  	p0 =	seq.s32 s10, $0x1;
	s10 =	sld [smem:$0x3FB4];
	_ =	sdelay $0x3  }
0x34: {  	[smem:$0x3FB4] =	sst s10  }
0x35: {  	s10 =	sld [smem:$0x3FB3];
	_ =	sdelay $0x3  }
0x36: {  	p1 =	seq.s32 s10, $0x1;
	s10 =	sld [smem:$0x3FB4];
	_ =	sdelay $0x3  }
0x37: {  	[smem:$0x3FB4] =	sst s10  }
0x38: {  	s10 =	sld [smem:$0x3FB5]  }
0x39: {  	_ = 	snop;
	(pc) =	sbr.ind lr, $3  }
0x3a: {  	_ = 	snop  }
0x3b: {  	_ = 	snop  }
0x3c: {  	p2 =	seq.s32 s10, $0x1;
	s10 =	sld [smem:$0x3FB4]  }
0x3d: {  	_ =	shalt  }
0x3e: {  	_ =	shalt  }
0x3f: {  	_ =	shalt  }
0x40: {  	_ =	shalt  }
0x41: {  	_ =	shalt  }
0x42: {  	_ =	shalt  }
0x43: {  	_ =	shalt  }
0x44: {  	_ =	shalt  }
0x45: {  	_ =	shalt  }
0x46: {  	_ =	shalt  }
0x47: {  	_ =	shalt  }
0x48: {  	_ =	shalt  }
0x49: {  	_ =	shalt  }
0x4a: {  	_ =	shalt  }
0x4b: {  	_ =	shalt  }
0x4c: {  	_ =	shalt  }
0x4d: {  	_ =	shalt  }
0x4e: {  	_ =	shalt  }
0x4f: {  	_ =	shalt  }
0x50: {  	_ =	shalt  }
0x51: {  	_ =	shalt  }
0x52: {  	_ =	shalt  }
0x53: {  	_ =	shalt  }
0x54: {  	_ =	shalt  }
0x55: {  	_ =	shalt  }
0x56: {  	_ =	shalt  }
0x57: {  	_ =	shalt  }
0x58: {  	_ =	shalt  }
0x59: {  	_ =	shalt  }
0x5a: {  	_ =	shalt  }
0x5b: {  	_ =	shalt  }
0x5c: {  	_ =	shalt  }
0x5d: {  	_ =	shalt  }
0x5e: {  	_ =	shalt  }
0x5f: {  	_ =	shalt  }
0x60: {  	_ =	shalt  }
0x61: {  	_ =	shalt  }
0x62: {  	_ =	shalt  }
0x63: {  	_ =	shalt  }
0x64: {  	_ =	shalt  }
0x65: {  	_ =	shalt  }
0x66: {  	_ =	shalt  }
0x67: {  	_ =	shalt  }
0x68: {  	_ =	shalt  }
0x69: {  	_ =	shalt  }
0x6a: {  	_ =	shalt  }
0x6b: {  	_ =	shalt  }
0x6c: {  	_ =	shalt  }
0x6d: {  	_ =	shalt  }
0x6e: {  	_ =	shalt  }
0x6f: {  	_ =	shalt  }
0x70: {  	_ =	shalt  }
0x71: {  	_ =	shalt  }
0x72: {  	_ =	shalt  }
0x73: {  	_ =	shalt  }
0x74: {  	_ =	shalt  }
0x75: {  	_ =	shalt  }
0x76: {  	_ =	shalt  }
0x77: {  	_ =	shalt  }
0x78: {  	_ =	shalt  }
0x79: {  	_ =	shalt  }
0x7a: {  	_ =	shalt  }
0x7b: {  	_ =	shalt  }
0x7c: {  	_ =	shalt  }
0x7d: {  	_ =	shalt  }
0x7e: {  	_ =	shalt  }
0x7f: {  	_ =	shalt  }
0x80: {  	_ =	shalt  }
0x81: {  	_ =	shalt  }
0x82: {  	_ =	shalt  }
0x83: {  	_ =	shalt  }
0x84: {  	_ =	shalt  }
0x85: {  	_ =	shalt  }
0x86: {  	_ =	shalt  }
0x87: {  	_ =	shalt  }
.Lfunc_end0:
.L_simem_size_0:
called_computation.2_lowered:
.L_overlay_start_0:
0x88: {  	s2 =	sld [smem:$0x3FD9]  }
0x89: {  	s3 =	sld [smem:$0x3FFE];
	_ =	sdelay $0x1  }
0x8a: {  	s1 =	srdreg.scid  }
0x8b: {  	s0 =	sand.u32 $0x1, s1  }
0x8c: {  	s17 =	sshll.u32 s0, $0xA;
	s2 =	sadd.s32 s3, s2  }
0x8d: {  	s2 =	sadd.s32 s2, s17  }
0x8e: {  	[smem:$0x3FC0] =	sst s2  }
0x8f: {  	_ = 	snop  }
0x90: {  	s2 =	sld [smem:$0x3FD0];
	(tm) =	ssettm $0x1  }
0x91: {  	s18 =	sld [smem:$0x3FFB];
	_ =	sdelay $0x3  }
0x92: {  	_ =	strace s18  }
0x93: {  	s3 =	sld [smem:$0x3FFC];
	_ =	sdelay $0x3  }
0x94: {  	_ =	strace s3  }
0x95: {  	s3 =	sld [smem:$0x3FFD];
	_ =	sdelay $0x3  }
0x96: {  	_ =	strace s3  }
0x97: {  	_ =	strace $0x8FFFFFFF  }
0x98: {  	s19 =	sld [smem:$0x3FDB];
	_ =	sdelay $0x1  }
0x99: {  	s4 =	simm.s32 $_scs_section_size  }
0x9a: {  	s5 =	simm.s32 $_size__tile_overlayer_lowered;
	s6 =	simm.s32 $_tile_overlayer_lowered  }
0x9b: {  	s22 =	simm.s32 $0x1BFF;
	s21 =	sshll.u32 s6, $0x1;
	s3 =	sadd.s32 s4, s19  }
0x9c: {  	s7 =	simm.s32 $0x0;
	s20 =	sshll.u32 s5, $0x1;
	s5 =	sadd.s32 s21, s3  }
0x9d: {  	[timem:s7], [sflag:s22] =	dma.local [hbm:s5], s20  }
0x9e: {  	_ =	swait.ge [sflag:s22], s20  }
0x9f: {  	s4 =	ssub.s32 $0x0, s20;
	[sflag:s22] =	ssyncset.done $0x0  }
0xa0: {  	[sflag:s22] =	ssyncadd.s32 s4;
	_ =	sdelay $0x1  }
0xa1: {  	s23 =	simm.s32 $0x1B8B  }
0xa2: {  	_ =	swait.ge [sflag:s23], $0x1  }
0xa3: {  	[sflag:s23] =	ssyncset.done $0x0  }
0xa4: {  	s25 =	simm.s32 $0x1B8E;
	s24 =	sld [smem:$0x3FFE];
	[sflag:s23] =	ssyncadd.s32 $0xFFFFFFFF  }
0xa5: {  	s26 =	simm.s32 $execute0_lowered;
	[smem:$0x3FD2] =	sst s25  }
0xa6: {  	s5 =	sshll.u32 s26, $0x1;
	_ =	strace $0x8000004C;
	[dreg:$0x1] =	wrdreg $0xFFFFFFFF  }
0xa7: {  	s28 =	simm.s32 $_size_execute0_lowered;
	s3 =	sadd.s32 s3, s5;
	[dreg:$0x0] =	wrdreg $0x0  }
0xa8: {  	s5 =	sshll.u32 s28, $0x1;
	[dreg:$0x2] =	wrdreg s3  }
0xa9: {  	[dreg:$0x3] =	wrdreg s5  }
0xaa: {  	[dreg:$0x4] =	wrdreg $0xC0  }
0xab: {  	_ =	task [dreg:s7], $0x5FFFF  }
0xac: {  	[dreg:$0x1] =	wrdreg $0xFFFFFFFF  }
0xad: {  	[dreg:$0x0] =	wrdreg $0x60  }
0xae: {  	[dreg:$0x2] =	wrdreg s2  }
0xaf: {  	[dreg:$0x3] =	wrdreg s24  }
0xb0: {  	[dreg:$0x4] =	wrdreg $0x7B000  }
0xb1: {  	[dreg:$0x5] =	wrdreg $0x9  }
0xb2: {  	_ =	task.clear_ibuf [dreg:s7], $0x6FFFF;
	_ =	strace $0x9000004C  }
0xb3: {  	s29 =	simm.s32 $0x9;
	_ =	strace $0x8000004E  }
0xb4: {  	_ =	swait.ge [sflag:s29], $0x1  }
0xb5: {  	[sflag:s29] =	ssyncadd.s32 $0xFFFFFFFF  }
0xb6: {  	_ =	strace $0x9000004E  }
0xb7: {  	_ =	sfence  }
0xb8: {  	s30 =	sld [smem:$0x0];
	_ =	sdelay $0x2  }
0xb9: {  	s31 =	sshll.u32 s1, $0xD;
	s1 =	sshrl.u32 s1, $0x2  }
0xba: {  	s3 =	sand.u32 $0x4000, s31;
	s1 =	sadd.s32 s1, s30  }
0xbb: {  	s0 =	sor.u32 s3, s0;
	s1 =	sshll.u32 s1, $0x11  }
0xbc: {  	s0 =	sor.u32 s1, s0  }
0xbd: {  	s0 =	sadd.s32 $0x8F2B, s0  }
0xbe: {  	[sflag:s0] =	ssyncadd.remote.s32 $0x1  }
0xbf: {  	_ =	sfence.sel $0xFFFF  }
0xc0: {  	[dreg:$0x0] =	wrdreg $0xFFFFFFFF;
	(pc) =	sbr.abs _section_cstart, $3  }
0xc1: {  	[dreg:$0x1] =	wrdreg $0xFFFFFFFF  }
0xc2: {  	_ =	task.clear_ibuf [dreg:s7], $0x2FFFF;
	_ =	strace $0x9FFFFFFF  }
0xc3: {  	(tm) =	ssettm $0x7FFFFFFF  }
tec
execute0_lowered:
.L_overlay_start_1:
0x0: {  	(tag) =	ssettag $0x1  }
0x1: {  	s1 =	rddreg [dreg:$0x0]  }
0x2: {  	s0 =	rddreg [dreg:$0x1]  }
0x3: {  	s2 =	rddreg [dreg:$0x2];
	s4 =	simm.s32 $0x0;
	s10 =	stileid.u32  }
0x4: {  	s3 =	srdreg.scid;
	s28 =	simm.s32 $0x200;
	s29 =	simm.s32 $0x280  }
0x5: {  	s30 =	simm.s32 $0x5300;
	s31 =	simm.s32 $0x1;
	[smem:$0x7FF] =	sst s4  }
0x6: {  	s5 =	sadd.s32 $0x14800, s0;
	s6 =	smul.u32 $0x500, s10;
	s3 =	sand.u32 $0x1, s3  }
0x7: {  	s8 =	sadd.s32 $0xA800, s0;
	s15 =	sadd.s32 $0xF800, s0;
	s9 =	smul.u32 $0x2760, s10  }
0x8: {  	p0 =	slt.u32 s10, $0xE;
	s25 =	smul.u32 $0xA000, s10;
	p1 =	slt.u32 s10, $0xD  }
0x9: {  	s17 =	smul.u32 $0x4EC, s10;
	_ =	strace $0x8000004D;
	s7 =	ssub.s32 $0x2, s3  }
0xa: {  	s0 =	sadd.s32 s6, s0;
	s20 =	sshrl.u32 s7, $0x1;
	s6 =	simm.s32 $0x8  }
0xb: {  	s9 =	sshrl.u32 s9, $0x3;
	s16 =	sadd.s32 s17, s15;
	s17 =	sadd.s32 s17, s8  }
0xc: {  	s14 =	ssub.s32 s7, s20;
	s7 =	simm.s32 $0x8;
	s6 =	simm.s32 @!p0 $0x7  }
0xd: {  	p0 =	seq.s32 s3, $0x1;
	s21 =	sadd.s32 s8, s9;
	s22 =	sadd.s32 $0xA, s9  }
0xe: {  	s11 =	sadd.s32 s15, s9;
	s9 =	sadd.s32 $0x14, s9;
	s18 =	sadd.s32 $0x89E00, s0  }
0xf: {  	s19 =	sadd.s32 $0xB1000, s0;
	s20 =	simm.s32 $0x300;
	[dreg:$0x4] =	wrdreg s21  }
0x10: {  	s0 =	simm.s32 $0x3;
	[dreg:$0x5] =	wrdreg s11;
	s23 =	sadd.s32 s8, s22  }
0x11: {  	s3 =	sadd.s32 s15, s22;
	s24 =	sadd.s32 s8, s9;
	[dreg:$0x6] =	wrdreg s23  }
.Ltmp0:
0x12: {  	s9 =	sadd.s32 s15, s9;
	[dreg:$0x7] =	wrdreg s3;
	(pc) =	sbr.rel .LBB2_1-.Ltmp0, $4  }
0x13: {  	s7 =	simm.s32 @!p1 $0x7;
	s26 =	smax.u32 s14, $0x1;
	[dreg:$0x8] =	wrdreg s24  }
0x14: {  	s21 =	simm.s32 $0x4;
	s22 =	simm.s32 $0x80;
	[dreg:$0x9] =	wrdreg s9  }
0x15: {  	[dreg:$0xa] =	wrdreg s26;
	s3 =	sshrl.u32 s25, $0x2;
	s23 =	simm.s32 $0x50  }
0x16: {  	v0 =	vimm.f32 $0.0e+00;
	s24 =	simm.s32 $0x100;
	s25 =	simm.s32 $0x0;
	s9 =	sadd.s32 s3, s2  }
.LBB2_17:
0x17: {  	[sflag:s21] =	ssyncset.done $0x0  }
0x18: {  	[sflag:s21] =	ssyncadd.s32 $0xFFFFFB00  }
.LBB2_18:
0x19: {  	s25 =	sadd.s32 $0x1, s25;
	s3 =	rddreg [dreg:$0xa]  }
0x1a: {  	p1 =	sne.s32 s25, s3  }
.Ltmp1:
0x1b: {  	_ = 	snop;
	(pc) =	sbr.rel @!p1 .LBB2_19-.Ltmp1, $1  }
0x1c: {  	_ =	sdelay $0x3  }
.LBB2_1:
0x1d: {  	s26 =	simm.s32 $0x0;
	s3 =	simm.s32 $0x200  }
.LBB2_2:
0x1e: {  	p1 =	sne.s32 s3, $0x9E00;
	[tilespmem:s26+$0x370] =	vst v0  }
0x1f: {  	[tilespmem:s26+$0x300] =	vst v0  }
0x20: {  	[tilespmem:s26+$0x310] =	vst v0  }
.Ltmp2:
0x21: {  	[tilespmem:s26+$0x320] =	vst v0;
	(pc) =	sbr.rel @p1 .LBB2_2-.Ltmp2, $4  }
0x22: {  	[tilespmem:s26+$0x330] =	vst v0  }
0x23: {  	[tilespmem:s26+$0x340] =	vst v0  }
0x24: {  	[tilespmem:s26+$0x350] =	vst v0  }
0x25: {  	[tilespmem:s26+$0x360] =	vst v0;
	s26 =	sshra.s32 s3, $0x2;
	s3 =	sadd.s32 $0x200, s3  }
0x26: {  	[tilespmem:s26+$0x370] =	vst v0  }
0x27: {  	[tilespmem:s26+$0x300] =	vst v0  }
0x28: {  	[tilespmem:s26+$0x310] =	vst v0  }
0x29: {  	[tilespmem:s26+$0x320] =	vst v0  }
0x2a: {  	[tilespmem:s26+$0x330] =	vst v0  }
0x2b: {  	[tilespmem:s26+$0x340] =	vst v0;
	p1 =	sne.s32 s6, $0x1  }
.Ltmp3:
0x2c: {  	[tilespmem:s26+$0x350] =	vst v0;
	(pc) =	sbr.rel @!p1 .LBB2_5-.Ltmp3, $4  }
0x2d: {  	[tilespmem:s26+$0x360] =	vst v0  }
0x2e: {  	[spmem:s9] =	stream.linear.scatter [tilespmem:s20], [sflag:$0x4], $0x2800, $0x38;
	[tilespmem:$0x1B600] =	vst v63  }
0x2f: {  	_ =	swait.ge [sflag:s21], $0x2800  }
0x30: {  	s3 =	sadd.s32 $0xFFFFFFFF, s6;
	s8 =	smov.u32 s9;
	[sflag:s21] =	ssyncset.done $0x0  }
.LBB2_4:
0x31: {  	p1 =	sne.s32 s3, $0x1;
	[sflag:s21] =	ssyncadd.s32 $0xFFFFD800;
	s8 =	sadd.s32 $0x28000, s8  }
.Ltmp4:
0x32: {  	s3 =	sadd.s32 $0xFFFFFFFF, s3;
	(pc) =	sbr.rel @p1 .LBB2_4-.Ltmp4, $4  }
0x33: {  	_ = 	snop  }
0x34: {  	[spmem:s8] =	stream.linear.scatter [tilespmem:s20], [sflag:$0x4], $0x2800, $0x38;
	[tilespmem:$0x1B600] =	vst v63  }
0x35: {  	_ =	swait.ge [sflag:s21], $0x2800  }
0x36: {  	[sflag:s21] =	ssyncset.done $0x0  }
.LBB2_5:
0x37: {  	[sflag:s21] =	ssyncadd.s32 $0xFFFFD800  }
0x38: {  	[bflag:$0x0] =	sbarrier.arrive $0xFFFF  }
0x39: {  	s3 =	rddreg [dreg:$0x4]  }
0x3a: {  	[tilespmem:s4], [sflag:$0x4] =	stream.linear.gather [hbm4b:s3+s4], $0x50, $0x38;
	[tilespmem:$0x1B600] =	vst v63  }
0x3b: {  	_ =	swait.ge [sflag:s21], $0x50  }
0x3c: {  	[sflag:s21] =	ssyncset.done $0x0  }
.Ltmp5:
0x3d: {  	s26 =	rddreg [dreg:$0x5];
	[sflag:s21] =	ssyncadd.s32 $0xFFFFFFB0;
	(pc) =	sbr.rel @!p0 .LBB2_6-.Ltmp5, $4  }
0x3e: {  	[tilespmem:s22], [sflag:$0x4] =	stream.linear.gather [hbm4b:s26+s4], $0x50, $0x38;
	[tilespmem:$0x1B600] =	vst v63  }
0x3f: {  	_ =	swait.ge [sflag:s21], $0x50  }
0x40: {  	[sflag:s21] =	ssyncset.done $0x0  }
0x41: {  	s26 =	simm.s32 $0x0;
	[sflag:s21] =	ssyncadd.s32 $0xFFFFFFB0  }
0x42: {  	[tilespmem:s20], [sflag:$0x1] =	stream.indirect.gather [hbm4b:s5+s23], $0x80, s26, s23, $0xb8;
	[tilespmem:$0x1B600] =	vst v63  }
0x43: {  	s3 =	rddreg [dreg:$0x6]  }
0x44: {  	[tilespmem:s24], [sflag:$0x4] =	stream.linear.gather [hbm4b:s3+s26], $0x50, $0x38;
	[tilespmem:$0x1B600] =	vst v63  }
0x45: {  	_ =	swait.ge [sflag:s21], $0x50  }
0x46: {  	[sflag:s21] =	ssyncset.done $0x0  }
0x47: {  	s8 =	simm.s32 $0x180;
	s12 =	rddreg [dreg:$0x7];
	[sflag:s21] =	ssyncadd.s32 $0xFFFFFFB0  }
0x48: {  	[tilespmem:s8], [sflag:$0x4] =	stream.linear.gather [hbm4b:s12+s26], $0x50, $0x38;
	[tilespmem:$0x1B600] =	vst v63  }
0x49: {  	_ =	swait.ge [sflag:s21], $0x50  }
0x4a: {  	[sflag:s21] =	ssyncset.done $0x0  }
0x4b: {  	s13 =	simm.s32 $0x2B00;
	[sflag:s21] =	ssyncadd.s32 $0xFFFFFFB0  }
0x4c: {  	[tilespmem:s13], [sflag:$0x2] =	stream.indirect.gather [hbm4b:s5+s23], $0x80, s24, s23, $0xb8;
	[tilespmem:$0x1B600] =	vst v63  }
0x4d: {  	s14 =	rddreg [dreg:$0x8]  }
0x4e: {  	[tilespmem:s28], [sflag:$0x4] =	stream.linear.gather [hbm4b:s14+s26], $0x50, $0x38;
	[tilespmem:$0x1B600] =	vst v63  }
0x4f: {  	_ =	swait.ge [sflag:s21], $0x50  }
0x50: {  	[sflag:s21] =	ssyncset.done $0x0  }
0x51: {  	s15 =	rddreg [dreg:$0x9];
	[sflag:s21] =	ssyncadd.s32 $0xFFFFFFB0  }
0x52: {  	[tilespmem:s29], [sflag:$0x4] =	stream.linear.gather [hbm4b:s15+s26], $0x50, $0x38;
	[tilespmem:$0x1B600] =	vst v63  }
0x53: {  	_ =	swait.ge [sflag:s21], $0x50  }
0x54: {  	[sflag:s21] =	ssyncset.done $0x0  }
0x55: {  	[sflag:s21] =	ssyncadd.s32 $0xFFFFFFB0  }
0x56: {  	[tilespmem:s30], [sflag:$0x3] =	stream.indirect.gather [hbm4b:s5+s23], $0x80, s28, s23, $0xb8;
	[tilespmem:$0x1B600] =	vst v63  }
.LBB2_13:
0x57: {  	_ =	swait.ge [sflag:s31], $0x2800  }
0x58: {  	[sflag:s31] =	ssyncset.done $0x0  }
0x59: {  	[sflag:s31] =	ssyncadd.s32 $0xFFFFD800  }
0x5a: {  	[spmem:s2] =	stream.indirect.scatter.add.f32 [tilespmem:s20], [sflag:$0x4], $0x80, s22, s23, $0xb8;
	[tilespmem:$0x1B600] =	vst v63  }
0x5b: {  	_ =	swait.ge [sflag:s21], $0x2800  }
0x5c: {  	p1 =	seq.s32 s26, $0x4CE;
	[sflag:s21] =	ssyncset.done $0x0  }
0x5d: {  	s3 =	simm.s32 @p1 $0x2;
	[sflag:s21] =	ssyncadd.s32 $0xFFFFD800  }
0x5e: {  	_ =	swait.ge @p1 [sflag:s3], $0x2800  }
0x5f: {  	s8 =	simm.s32 @p1 $0x180;
	[sflag:s3] =	ssyncset.done @p1 $0x0  }
0x60: {  	s10 =	simm.s32 @p1 $0x2B00;
	[sflag:s3] =	ssyncadd.s32 @p1 $0xFFFFD800;
	s3 =	simm.s32 @p1 $0x50  }
0x61: {  	[spmem:s2] =	stream.indirect.scatter.add.f32 @p1 [tilespmem:s10], [sflag:$0x4], $0x80, s8, s3, $0xb8;
	[tilespmem:$0x1B600] =	vst v63  }
0x62: {  	s3 =	simm.s32 @p1 $0x4  }
0x63: {  	_ =	swait.ge @p1 [sflag:s3], $0x2800  }
0x64: {  	s8 =	sadd.s32 @!p1 s26, s17;
	[sflag:s3] =	ssyncset.done @p1 $0x0  }
0x65: {  	s10 =	simm.s32 @!p1 $0x0;
	[sflag:s3] =	ssyncadd.s32 @p1 $0xFFFFD800;
	s3 =	sadd.s32 @!p1 $0x1E, s8  }
0x66: {  	[tilespmem:s10], [sflag:$0x4] =	stream.linear.gather @!p1 [hbm4b:s3+s10], $0x50, $0x38;
	[tilespmem:$0x1B600] =	vst v63  }
0x67: {  	s3 =	simm.s32 @!p1 $0x4  }
0x68: {  	_ =	swait.ge @!p1 [sflag:s3], $0x50  }
0x69: {  	s11 =	sadd.s32 @!p1 s26, s16;
	[sflag:s3] =	ssyncset.done @!p1 $0x0  }
0x6a: {  	s13 =	simm.s32 @!p1 $0x80;
	s12 =	sadd.s32 @!p1 $0x1E, s11;
	[sflag:s3] =	ssyncadd.s32 @!p1 $0xFFFFFFB0  }
0x6b: {  	[tilespmem:s13], [sflag:$0x4] =	stream.linear.gather @!p1 [hbm4b:s12+s10], $0x50, $0x38;
	[tilespmem:$0x1B600] =	vst v63  }
0x6c: {  	_ =	swait.ge @!p1 [sflag:s3], $0x50  }
0x6d: {  	[sflag:s3] =	ssyncset.done @!p1 $0x0  }
0x6e: {  	s12 =	simm.s32 @!p1 $0x50;
	s13 =	simm.s32 @!p1 $0x300;
	[sflag:s3] =	ssyncadd.s32 @!p1 $0xFFFFFFB0  }
0x6f: {  	[tilespmem:s13], [sflag:$0x1] =	stream.indirect.gather @!p1 [hbm4b:s5+s12], $0x80, s10, s12, $0xb8;
	[tilespmem:$0x1B600] =	vst v63  }
0x70: {  	s13 =	simm.s32 @!p1 $0x2  }
0x71: {  	_ =	swait.ge @!p1 [sflag:s13], $0x2800  }
0x72: {  	[sflag:s13] =	ssyncset.done @!p1 $0x0  }
0x73: {  	s14 =	simm.s32 @!p1 $0x2B00;
	[sflag:s13] =	ssyncadd.s32 @!p1 $0xFFFFD800;
	s13 =	simm.s32 @!p1 $0x180  }
0x74: {  	[spmem:s2] =	stream.indirect.scatter.add.f32 @!p1 [tilespmem:s14], [sflag:$0x4], $0x80, s13, s12, $0xb8;
	[tilespmem:$0x1B600] =	vst v63  }
0x75: {  	_ =	swait.ge @!p1 [sflag:s3], $0x2800  }
0x76: {  	[sflag:s3] =	ssyncset.done @!p1 $0x0  }
0x77: {  	s15 =	simm.s32 @!p1 $0x100;
	s8 =	sadd.s32 @!p1 $0x28, s8;
	[sflag:s3] =	ssyncadd.s32 @!p1 $0xFFFFD800  }
0x78: {  	[tilespmem:s15], [sflag:$0x4] =	stream.linear.gather @!p1 [hbm4b:s8+s10], $0x50, $0x38;
	[tilespmem:$0x1B600] =	vst v63  }
0x79: {  	_ =	swait.ge @!p1 [sflag:s3], $0x50  }
0x7a: {  	[sflag:s3] =	ssyncset.done @!p1 $0x0  }
0x7b: {  	s8 =	sadd.s32 @!p1 $0x28, s11;
	[sflag:s3] =	ssyncadd.s32 @!p1 $0xFFFFFFB0  }
0x7c: {  	[tilespmem:s13], [sflag:$0x4] =	stream.linear.gather @!p1 [hbm4b:s8+s10], $0x50, $0x38;
	[tilespmem:$0x1B600] =	vst v63  }
0x7d: {  	_ =	swait.ge @!p1 [sflag:s3], $0x50  }
0x7e: {  	[sflag:s3] =	ssyncset.done @!p1 $0x0  }
0x7f: {  	[sflag:s3] =	ssyncadd.s32 @!p1 $0xFFFFFFB0  }
0x80: {  	[tilespmem:s14], [sflag:$0x2] =	stream.indirect.gather @!p1 [hbm4b:s5+s12], $0x80, s15, s12, $0xb8;
	[tilespmem:$0x1B600] =	vst v63  }
0x81: {  	_ =	swait.ge [sflag:s0], $0x2800  }
0x82: {  	[sflag:s0] =	ssyncset.done $0x0  }
.Ltmp6:
0x83: {  	[sflag:s0] =	ssyncadd.s32 $0xFFFFD800;
	(pc) =	sbr.rel @p1 .LBB2_15-.Ltmp6, $4  }
0x84: {  	[spmem:s2] =	stream.indirect.scatter.add.f32 [tilespmem:s30], [sflag:$0x4], $0x80, s29, s23, $0xb8;
	[tilespmem:$0x1B600] =	vst v63  }
0x85: {  	_ =	swait.ge [sflag:s21], $0x2800  }
0x86: {  	[sflag:s21] =	ssyncset.done $0x0  }
0x87: {  	[sflag:s21] =	ssyncadd.s32 $0xFFFFD800  }
0x88: {  	s3 =	sadd.s32 s26, s17  }
0x89: {  	s3 =	sadd.s32 $0x32, s3  }
0x8a: {  	[tilespmem:s28], [sflag:$0x4] =	stream.linear.gather [hbm4b:s3+s4], $0x50, $0x38;
	[tilespmem:$0x1B600] =	vst v63  }
0x8b: {  	_ =	swait.ge [sflag:s21], $0x50  }
0x8c: {  	s15 =	sadd.s32 s26, s16;
	[sflag:s21] =	ssyncset.done $0x0  }
0x8d: {  	s3 =	sadd.s32 $0x32, s15;
	[sflag:s21] =	ssyncadd.s32 $0xFFFFFFB0  }
0x8e: {  	[tilespmem:s29], [sflag:$0x4] =	stream.linear.gather [hbm4b:s3+s4], $0x50, $0x38;
	[tilespmem:$0x1B600] =	vst v63  }
.Ltmp7:
0x8f: {  	_ = 	snop;
	(pc) =	sbr.rel .LBB2_13-.Ltmp7, $4  }
0x90: {  	_ =	swait.ge [sflag:s21], $0x50  }
0x91: {  	[sflag:s21] =	ssyncset.done $0x0  }
0x92: {  	s26 =	sadd.s32 $0x1E, s26;
	[sflag:s21] =	ssyncadd.s32 $0xFFFFFFB0  }
0x93: {  	[tilespmem:s30], [sflag:$0x3] =	stream.indirect.gather [hbm4b:s5+s23], $0x80, s28, s23, $0xb8;
	[tilespmem:$0x1B600] =	vst v63  }
.LBB2_6:
0x94: {  	[tilespmem:s20], [sflag:$0x1] =	stream.indirect.gather [hbm4b:s1+s23], $0x80, s26, s23, $0xb8;
	[tilespmem:$0x1B600] =	vst v63  }
0x95: {  	s3 =	rddreg [dreg:$0x6]  }
0x96: {  	[tilespmem:s24], [sflag:$0x4] =	stream.linear.gather [hbm4b:s3+s26], $0x50, $0x38;
	[tilespmem:$0x1B600] =	vst v63  }
0x97: {  	_ =	swait.ge [sflag:s21], $0x50  }
0x98: {  	[sflag:s21] =	ssyncset.done $0x0  }
0x99: {  	s8 =	simm.s32 $0x180;
	s12 =	rddreg [dreg:$0x7];
	[sflag:s21] =	ssyncadd.s32 $0xFFFFFFB0  }
0x9a: {  	[tilespmem:s8], [sflag:$0x4] =	stream.linear.gather [hbm4b:s12+s26], $0x50, $0x38;
	[tilespmem:$0x1B600] =	vst v63  }
0x9b: {  	_ =	swait.ge [sflag:s21], $0x50  }
0x9c: {  	[sflag:s21] =	ssyncset.done $0x0  }
0x9d: {  	s13 =	simm.s32 $0x2B00;
	[sflag:s21] =	ssyncadd.s32 $0xFFFFFFB0  }
0x9e: {  	[tilespmem:s13], [sflag:$0x2] =	stream.indirect.gather [hbm4b:s1+s23], $0x80, s24, s23, $0xb8;
	[tilespmem:$0x1B600] =	vst v63  }
0x9f: {  	s14 =	rddreg [dreg:$0x8]  }
0xa0: {  	[tilespmem:s28], [sflag:$0x4] =	stream.linear.gather [hbm4b:s14+s26], $0x50, $0x38;
	[tilespmem:$0x1B600] =	vst v63  }
0xa1: {  	_ =	swait.ge [sflag:s21], $0x50  }
0xa2: {  	[sflag:s21] =	ssyncset.done $0x0  }
0xa3: {  	s15 =	rddreg [dreg:$0x9];
	[sflag:s21] =	ssyncadd.s32 $0xFFFFFFB0  }
0xa4: {  	[tilespmem:s29], [sflag:$0x4] =	stream.linear.gather [hbm4b:s15+s26], $0x50, $0x38;
	[tilespmem:$0x1B600] =	vst v63  }
0xa5: {  	_ =	swait.ge [sflag:s21], $0x50  }
0xa6: {  	[sflag:s21] =	ssyncset.done $0x0  }
0xa7: {  	[sflag:s21] =	ssyncadd.s32 $0xFFFFFFB0  }
0xa8: {  	[tilespmem:s30], [sflag:$0x3] =	stream.indirect.gather [hbm4b:s1+s23], $0x80, s28, s23, $0xb8;
	[tilespmem:$0x1B600] =	vst v63  }
.LBB2_7:
0xa9: {  	_ =	swait.ge [sflag:s31], $0x2800  }
0xaa: {  	[sflag:s31] =	ssyncset.done $0x0  }
0xab: {  	[sflag:s31] =	ssyncadd.s32 $0xFFFFD800  }
0xac: {  	[spmem:s2] =	stream.indirect.scatter.add.f32 [tilespmem:s20], [sflag:$0x4], $0x80, s22, s23, $0xb8;
	[tilespmem:$0x1B600] =	vst v63  }
0xad: {  	_ =	swait.ge [sflag:s21], $0x2800  }
0xae: {  	p1 =	seq.s32 s26, $0x4CE;
	[sflag:s21] =	ssyncset.done $0x0  }
0xaf: {  	s3 =	simm.s32 @p1 $0x2;
	[sflag:s21] =	ssyncadd.s32 $0xFFFFD800  }
0xb0: {  	_ =	swait.ge @p1 [sflag:s3], $0x2800  }
0xb1: {  	s8 =	simm.s32 @p1 $0x180;
	[sflag:s3] =	ssyncset.done @p1 $0x0  }
0xb2: {  	s15 =	simm.s32 @p1 $0x2B00;
	[sflag:s3] =	ssyncadd.s32 @p1 $0xFFFFD800;
	s3 =	simm.s32 @p1 $0x50  }
0xb3: {  	[spmem:s2] =	stream.indirect.scatter.add.f32 @p1 [tilespmem:s15], [sflag:$0x4], $0x80, s8, s3, $0xb8;
	[tilespmem:$0x1B600] =	vst v63  }
0xb4: {  	s3 =	simm.s32 @p1 $0x4  }
0xb5: {  	_ =	swait.ge @p1 [sflag:s3], $0x2800  }
0xb6: {  	s8 =	sadd.s32 @!p1 s26, s17;
	[sflag:s3] =	ssyncset.done @p1 $0x0  }
0xb7: {  	s15 =	simm.s32 @!p1 $0x0;
	[sflag:s3] =	ssyncadd.s32 @p1 $0xFFFFD800;
	s3 =	sadd.s32 @!p1 $0x1E, s8  }
0xb8: {  	[tilespmem:s15], [sflag:$0x4] =	stream.linear.gather @!p1 [hbm4b:s3+s15], $0x50, $0x38;
	[tilespmem:$0x1B600] =	vst v63  }
0xb9: {  	s3 =	simm.s32 @!p1 $0x4  }
0xba: {  	_ =	swait.ge @!p1 [sflag:s3], $0x50  }
0xbb: {  	s10 =	sadd.s32 @!p1 s26, s16;
	[sflag:s3] =	ssyncset.done @!p1 $0x0  }
0xbc: {  	s12 =	simm.s32 @!p1 $0x80;
	s11 =	sadd.s32 @!p1 $0x1E, s10;
	[sflag:s3] =	ssyncadd.s32 @!p1 $0xFFFFFFB0  }
0xbd: {  	[tilespmem:s12], [sflag:$0x4] =	stream.linear.gather @!p1 [hbm4b:s11+s15], $0x50, $0x38;
	[tilespmem:$0x1B600] =	vst v63  }
0xbe: {  	_ =	swait.ge @!p1 [sflag:s3], $0x50  }
0xbf: {  	[sflag:s3] =	ssyncset.done @!p1 $0x0  }
0xc0: {  	s11 =	simm.s32 @!p1 $0x50;
	s12 =	simm.s32 @!p1 $0x300;
	[sflag:s3] =	ssyncadd.s32 @!p1 $0xFFFFFFB0  }
0xc1: {  	[tilespmem:s12], [sflag:$0x1] =	stream.indirect.gather @!p1 [hbm4b:s1+s11], $0x80, s15, s11, $0xb8;
	[tilespmem:$0x1B600] =	vst v63  }
0xc2: {  	s12 =	simm.s32 @!p1 $0x2  }
0xc3: {  	_ =	swait.ge @!p1 [sflag:s12], $0x2800  }
0xc4: {  	[sflag:s12] =	ssyncset.done @!p1 $0x0  }
0xc5: {  	s13 =	simm.s32 @!p1 $0x2B00;
	[sflag:s12] =	ssyncadd.s32 @!p1 $0xFFFFD800;
	s12 =	simm.s32 @!p1 $0x180  }
0xc6: {  	[spmem:s2] =	stream.indirect.scatter.add.f32 @!p1 [tilespmem:s13], [sflag:$0x4], $0x80, s12, s11, $0xb8;
	[tilespmem:$0x1B600] =	vst v63  }
0xc7: {  	_ =	swait.ge @!p1 [sflag:s3], $0x2800  }
0xc8: {  	[sflag:s3] =	ssyncset.done @!p1 $0x0  }
0xc9: {  	s14 =	simm.s32 @!p1 $0x100;
	s8 =	sadd.s32 @!p1 $0x28, s8;
	[sflag:s3] =	ssyncadd.s32 @!p1 $0xFFFFD800  }
0xca: {  	[tilespmem:s14], [sflag:$0x4] =	stream.linear.gather @!p1 [hbm4b:s8+s15], $0x50, $0x38;
	[tilespmem:$0x1B600] =	vst v63  }
0xcb: {  	_ =	swait.ge @!p1 [sflag:s3], $0x50  }
0xcc: {  	[sflag:s3] =	ssyncset.done @!p1 $0x0  }
0xcd: {  	s8 =	sadd.s32 @!p1 $0x28, s10;
	[sflag:s3] =	ssyncadd.s32 @!p1 $0xFFFFFFB0  }
0xce: {  	[tilespmem:s12], [sflag:$0x4] =	stream.linear.gather @!p1 [hbm4b:s8+s15], $0x50, $0x38;
	[tilespmem:$0x1B600] =	vst v63  }
0xcf: {  	_ =	swait.ge @!p1 [sflag:s3], $0x50  }
0xd0: {  	[sflag:s3] =	ssyncset.done @!p1 $0x0  }
0xd1: {  	[sflag:s3] =	ssyncadd.s32 @!p1 $0xFFFFFFB0  }
0xd2: {  	[tilespmem:s13], [sflag:$0x2] =	stream.indirect.gather @!p1 [hbm4b:s1+s11], $0x80, s14, s11, $0xb8;
	[tilespmem:$0x1B600] =	vst v63  }
0xd3: {  	_ =	swait.ge [sflag:s0], $0x2800  }
0xd4: {  	[sflag:s0] =	ssyncset.done $0x0  }
.Ltmp8:
0xd5: {  	[sflag:s0] =	ssyncadd.s32 $0xFFFFD800;
	(pc) =	sbr.rel @p1 .LBB2_9-.Ltmp8, $4  }
0xd6: {  	[spmem:s2] =	stream.indirect.scatter.add.f32 [tilespmem:s30], [sflag:$0x4], $0x80, s29, s23, $0xb8;
	[tilespmem:$0x1B600] =	vst v63  }
0xd7: {  	_ =	swait.ge [sflag:s21], $0x2800  }
0xd8: {  	[sflag:s21] =	ssyncset.done $0x0  }
0xd9: {  	[sflag:s21] =	ssyncadd.s32 $0xFFFFD800  }
0xda: {  	s3 =	sadd.s32 s26, s17  }
0xdb: {  	s3 =	sadd.s32 $0x32, s3  }
0xdc: {  	[tilespmem:s28], [sflag:$0x4] =	stream.linear.gather [hbm4b:s3+s4], $0x50, $0x38;
	[tilespmem:$0x1B600] =	vst v63  }
0xdd: {  	_ =	swait.ge [sflag:s21], $0x50  }
0xde: {  	s15 =	sadd.s32 s26, s16;
	[sflag:s21] =	ssyncset.done $0x0  }
0xdf: {  	s3 =	sadd.s32 $0x32, s15;
	[sflag:s21] =	ssyncadd.s32 $0xFFFFFFB0  }
0xe0: {  	[tilespmem:s29], [sflag:$0x4] =	stream.linear.gather [hbm4b:s3+s4], $0x50, $0x38;
	[tilespmem:$0x1B600] =	vst v63  }
.Ltmp9:
0xe1: {  	_ = 	snop;
	(pc) =	sbr.rel .LBB2_7-.Ltmp9, $4  }
0xe2: {  	_ =	swait.ge [sflag:s21], $0x50  }
0xe3: {  	[sflag:s21] =	ssyncset.done $0x0  }
0xe4: {  	s26 =	sadd.s32 $0x1E, s26;
	[sflag:s21] =	ssyncadd.s32 $0xFFFFFFB0  }
0xe5: {  	[tilespmem:s30], [sflag:$0x3] =	stream.indirect.gather [hbm4b:s1+s23], $0x80, s28, s23, $0xb8;
	[tilespmem:$0x1B600] =	vst v63  }
.LBB2_15:
0xe6: {  	p1 =	sne.s32 s7, $0x1  }
.Ltmp10:
0xe7: {  	s3 =	stileid.u32;
	(pc) =	sbr.rel @!p1 .LBB2_17-.Ltmp10, $4  }
0xe8: {  	[bflag:$0x0] =	sbarrier.arrive $0xFFFF;
	s3 =	sshll.u32 s3, $0x6  }
0xe9: {  	s15 =	sshrl.u32 s9, $0x3;
	s8 =	sadd.s32 $0x5000, s19;
	s26 =	sor.u32 $0x1C04, s3  }
0xea: {  	[hbm:s19], [sflag:s26] =	dma.local [spmem:s15], $0x500  }
0xeb: {  	s3 =	sadd.s32 $0xFFFFFFFF, s7;
	s15 =	smov.u32 s9;
	_ =	swait.ge [sflag:s21], $0x500  }
.LBB2_16:
0xec: {  	[sflag:s21] =	ssyncset.done $0x0;
	s15 =	sadd.s32 $0x28000, s15;
	p1 =	sne.s32 s3, $0x1  }
.Ltmp11:
0xed: {  	s10 =	sshrl.u32 s15, $0x3;
	[sflag:s21] =	ssyncadd.s32 $0xFFFFFB00;
	(pc) =	sbr.rel @p1 .LBB2_16-.Ltmp11, $3  }
0xee: {  	[hbm:s8], [sflag:s26] =	dma.local [spmem:s10], $0x500  }
0xef: {  	s3 =	sadd.s32 $0xFFFFFFFF, s3;
	_ =	sdelay $0x1  }
0xf0: {  	s8 =	sadd.s32 $0x5000, s8;
	_ =	swait.ge [sflag:s21], $0x500  }
.Ltmp12:
0xf1: {  	_ = 	snop;
	(pc) =	sbr.rel .LBB2_17-.Ltmp12, $1  }
0xf2: {  	_ =	sdelay $0x3  }
.LBB2_9:
0xf3: {  	p1 =	seq.s32 s7, $0x1  }
.Ltmp13:
0xf4: {  	s3 =	stileid.u32;
	(pc) =	sbr.rel @p1 .LBB2_11-.Ltmp13, $4  }
0xf5: {  	[bflag:$0x0] =	sbarrier.arrive $0xFFFF;
	s3 =	sshll.u32 s3, $0x6  }
0xf6: {  	s15 =	sshrl.u32 s9, $0x3;
	s8 =	sadd.s32 $0x5000, s18;
	s26 =	sor.u32 $0x1C04, s3  }
0xf7: {  	[hbm:s18], [sflag:s26] =	dma.local [spmem:s15], $0x500  }
0xf8: {  	s3 =	sadd.s32 $0xFFFFFFFF, s7;
	s15 =	smov.u32 s9;
	_ =	swait.ge [sflag:s21], $0x500  }
.LBB2_10:
0xf9: {  	[sflag:s21] =	ssyncset.done $0x0;
	s15 =	sadd.s32 $0x28000, s15;
	p1 =	seq.s32 s3, $0x1  }
.Ltmp14:
0xfa: {  	s10 =	sshrl.u32 s15, $0x3;
	[sflag:s21] =	ssyncadd.s32 $0xFFFFFB00;
	(pc) =	sbr.rel @!p1 .LBB2_10-.Ltmp14, $3  }
0xfb: {  	[hbm:s8], [sflag:s26] =	dma.local [spmem:s10], $0x500  }
0xfc: {  	s3 =	sadd.s32 $0xFFFFFFFF, s3;
	_ =	sdelay $0x1  }
0xfd: {  	s8 =	sadd.s32 $0x5000, s8;
	_ =	swait.ge [sflag:s21], $0x500  }
.LBB2_11:
.Ltmp15:
0xfe: {  	(pc) =	sbr.rel .LBB2_18-.Ltmp15, $3  }
0xff: {  	_ =	sdelay $0x1  }
0x100: {  	[sflag:s21] =	ssyncset.done $0x0  }
0x101: {  	[sflag:s21] =	ssyncadd.s32 $0xFFFFFB00  }
.LBB2_19:
0x102: {  	_ =	sfence.sel $0x180000  }
0x103: {  	[bflag:$0x0] =	sbarrier.arrive $0xFFFF  }
0x104: {  	_ =	strace $0x9000004D  }
0x105: {  	s0 =	stileid.u32;
	[bflag:$0x2] =	sbarrier.arrive $0xFFFF  }
0x106: {  	p0 =	sne.s32 s0, $0x0;
	s0 =	rddreg [dreg:$0x3]  }
0x107: {  	s0 =	sadd.s32 @!p0 $0x100000, s0  }
0x108: {  	[sflag:s0] =	ssyncadd.tile.s32 @!p0 $0x1;
	_ =	shalt  }
.Lfunc_end2:
_tile_overlayer_lowered:
.L_overlay_start_2:
0x109: {  	(tag) =	ssettag $0x2  }
0x10a: {  	s0 =	rddreg [dreg:$0x0];
	s2 =	stileid.u32  }
0x10b: {  	s1 =	rddreg [dreg:$0x1];
	p0 =	sne.s32 s2, $0x0  }
0x10c: {  	s3 =	rddreg [dreg:$0x2];
	[bflag:$0x3] =	sbarrier.arrive $0xFFFF;
	s2 =	simm.s32 @!p0 $0x1C04  }
0x10d: {  	[timem:s3], [sflag:s2] =	dma.local @!p0 [hbm:s0], s1  }
0x10e: {  	s0 =	simm.s32 @!p0 $0x4  }
0x10f: {  	_ =	swait.ge @!p0 [sflag:s0], s1  }
0x110: {  	s1 =	ssub.s32 @!p0 $0x0, s1;
	[sflag:s0] =	ssyncset.done @!p0 $0x0  }
0x111: {  	[sflag:s0] =	ssyncadd.s32 @!p0 s1  }
0x112: {  	[bflag:$0x3] =	sbarrier.arrive $0xFFFF  }
0x113: {  	_ =	shalt  }

// kernel: kernel.19.cloned.1.call-start
scs
__scs_entry_jumppad:
0x0: {  	(pc) =	sbr.rel $0x88, $3  }
0x1: {  	(tag) =	ssettag $0x0;
	lr =	simm.s32 $0x1  }
0x2: {  	[smem:$0x3F99] =	sst lr;
	_ =	strace $0xD0000000  }
0x3: {  	_ = 	snop  }
0x4: {  	_ = 	snop  }
0x5: {  	_ = 	snop  }
0x6: {  	_ = 	snop  }
0x7: {  	_ = 	snop  }
__scs_overlays_trampoline_lowered:
0x8: {  	[smem:$0x3FA8] =	sst s0  }
0x9: {  	[smem:$0x3FA9] =	sst s1  }
0xa: {  	[smem:$0x3FAA] =	sst s2  }
0xb: {  	[smem:$0x3FAB] =	sst s3  }
0xc: {  	[smem:$0x3FAC] =	sst s4  }
0xd: {  	[smem:$0x3FAD] =	sst s5  }
0xe: {  	[smem:$0x3FAE] =	sst s6  }
0xf: {  	[smem:$0x3FAF] =	sst s7  }
0x10: {  	[smem:$0x3FB0] =	sst s8  }
0x11: {  	[smem:$0x3FB1] =	sst s9;
	s0 =	simm.s32 @!p0 $0x0  }
0x12: {  	s1 =	sld [smem:$0x3F97];
	s0 =	simm.s32 @p0 $0x1  }
0x13: {  	[smem:$0x3FB2] =	sst s0;
	s0 =	simm.s32 @!p1 $0x0  }
0x14: {  	s2 =	sld [smem:$0x3F96];
	s0 =	simm.s32 @p1 $0x1  }
0x15: {  	[smem:$0x3FB3] =	sst s0;
	s0 =	simm.s32 @!p2 $0x0  }
0x16: {  	s3 =	sld [smem:$0x3FDB];
	s0 =	simm.s32 @p2 $0x1  }
0x17: {  	s4 =	simm.s32 $0x1BF5;
	[smem:$0x3FB5] =	sst s0  }
0x18: {  	s0 =	sld [smem:$0x3F98];
	_ =	swait.ge [sflag:s4], $0x0  }
0x19: {  	s7 =	sld [smem:$0x3F99]  }
0x1a: {  	s8 =	sadd.s32 $0xFFFFE003, lr  }
0x1b: {  	s9 =	sadd.s32 $0xFFFFFEF7, lr;
	s5 =	simm.s32 $0xFFFFFFFF;
	p2 =	slt.u32 s8, $0xFFFFF086  }
0x1c: {  	p1 =	slt.u32 s9, $0xF7A;
	s5 =	simm.s32 @!p2 $0x0  }
0x1d: {  	s5 =	simm.s32 @p1 $0x1;
	p0 =	seq.s32 s7, s2  }
0x1e: {  	s7 =	smul.u32 @!p0 $0xF7A, s2;
	p2 =	seq.s32 @!p0 s5, $0x0  }
0x1f: {  	s9 =	smul.u32 $0xF7A, s1;
	s8 =	simm.s32 @!p0 $0x1BF5;
	p2 =	por !p2, p0  }
0x20: {  	[sflag:s8] =	ssyncset.s32 @!p0 $0xFFFFF086;
	s6 =	sadd.s32 @!p0 s3, s7;
	s7 =	simm.s32 @!p0 $0x108  }
0x21: {  	s3 =	sadd.s32 s3, s9;
	s6 =	sadd.s32 @!p0 $0x88, s6;
	s7 =	simm.s32 @p2 $0x1082  }
0x22: {  	[simem:s7], [sflag:s8] =	dma.local @!p0 [hbm:s6], $0xF7A  }
0x23: {  	s9 =	sor.u32 $0xD0000000, s2;
	s6 =	simm.s32 $0x108;
	_ =	swait.ge @!p0 [sflag:s8], $0x0  }
0x24: {  	s3 =	sadd.s32 $0x88, s3;
	s6 =	simm.s32 @!p1 $0x1082;
	[sflag:s4] =	ssyncset.s32 $0xFFFFF086  }
0x25: {  	[simem:s6], [sflag:s4] =	dma.local [hbm:s3], $0xF7A  }
0x26: {  	[smem:$0x3F99] =	sst s1;
	(tag) =	ssettag s2;
	_ =	strace s9  }
0x27: {  	s1 =	sld [smem:$0x3FA9]  }
0x28: {  	s2 =	sld [smem:$0x3FAA]  }
0x29: {  	s4 =	sld [smem:$0x3FAC]  }
0x2a: {  	p0 =	seq.s32 s5, $0x0;
	s5 =	sld [smem:$0x3FAD]  }
0x2b: {  	s6 =	sld [smem:$0x3FAE]  }
0x2c: {  	s7 =	sld [smem:$0x3FAF]  }
0x2d: {  	s3 =	simm.s32 $0x108;
	s8 =	sld [smem:$0x3FB0]  }
0x2e: {  	s3 =	simm.s32 @!p0 $0x1082;
	s9 =	sld [smem:$0x3FB1]  }
0x2f: {  	lr =	sadd.s32 s0, s3;
	s0 =	sld [smem:$0x3FA8]  }
0x30: {  	s3 =	sld [smem:$0x3FAB]  }
0x31: {  	[smem:$0x3FB4] =	sst s10  }
0x32: {  	s10 =	sld [smem:$0x3FB2];
	_ =	sdelay $0x3  }
0x33: {  	p0 =	seq.s32 s10, $0x1;
	s10 =	sld [smem:$0x3FB4];
	_ =	sdelay $0x3  }
0x34: {  	[smem:$0x3FB4] =	sst s10  }
0x35: {  	s10 =	sld [smem:$0x3FB3];
	_ =	sdelay $0x3  }
0x36: {  	p1 =	seq.s32 s10, $0x1;
	s10 =	sld [smem:$0x3FB4];
	_ =	sdelay $0x3  }
0x37: {  	[smem:$0x3FB4] =	sst s10  }
0x38: {  	s10 =	sld [smem:$0x3FB5]  }
0x39: {  	_ = 	snop;
	(pc) =	sbr.ind lr, $3  }
0x3a: {  	_ = 	snop  }
0x3b: {  	_ = 	snop  }
0x3c: {  	p2 =	seq.s32 s10, $0x1;
	s10 =	sld [smem:$0x3FB4]  }
0x3d: {  	_ =	shalt  }
0x3e: {  	_ =	shalt  }
0x3f: {  	_ =	shalt  }
0x40: {  	_ =	shalt  }
0x41: {  	_ =	shalt  }
0x42: {  	_ =	shalt  }
0x43: {  	_ =	shalt  }
0x44: {  	_ =	shalt  }
0x45: {  	_ =	shalt  }
0x46: {  	_ =	shalt  }
0x47: {  	_ =	shalt  }
0x48: {  	_ =	shalt  }
0x49: {  	_ =	shalt  }
0x4a: {  	_ =	shalt  }
0x4b: {  	_ =	shalt  }
0x4c: {  	_ =	shalt  }
0x4d: {  	_ =	shalt  }
0x4e: {  	_ =	shalt  }
0x4f: {  	_ =	shalt  }
0x50: {  	_ =	shalt  }
0x51: {  	_ =	shalt  }
0x52: {  	_ =	shalt  }
0x53: {  	_ =	shalt  }
0x54: {  	_ =	shalt  }
0x55: {  	_ =	shalt  }
0x56: {  	_ =	shalt  }
0x57: {  	_ =	shalt  }
0x58: {  	_ =	shalt  }
0x59: {  	_ =	shalt  }
0x5a: {  	_ =	shalt  }
0x5b: {  	_ =	shalt  }
0x5c: {  	_ =	shalt  }
0x5d: {  	_ =	shalt  }
0x5e: {  	_ =	shalt  }
0x5f: {  	_ =	shalt  }
0x60: {  	_ =	shalt  }
0x61: {  	_ =	shalt  }
0x62: {  	_ =	shalt  }
0x63: {  	_ =	shalt  }
0x64: {  	_ =	shalt  }
0x65: {  	_ =	shalt  }
0x66: {  	_ =	shalt  }
0x67: {  	_ =	shalt  }
0x68: {  	_ =	shalt  }
0x69: {  	_ =	shalt  }
0x6a: {  	_ =	shalt  }
0x6b: {  	_ =	shalt  }
0x6c: {  	_ =	shalt  }
0x6d: {  	_ =	shalt  }
0x6e: {  	_ =	shalt  }
0x6f: {  	_ =	shalt  }
0x70: {  	_ =	shalt  }
0x71: {  	_ =	shalt  }
0x72: {  	_ =	shalt  }
0x73: {  	_ =	shalt  }
0x74: {  	_ =	shalt  }
0x75: {  	_ =	shalt  }
0x76: {  	_ =	shalt  }
0x77: {  	_ =	shalt  }
0x78: {  	_ =	shalt  }
0x79: {  	_ =	shalt  }
0x7a: {  	_ =	shalt  }
0x7b: {  	_ =	shalt  }
0x7c: {  	_ =	shalt  }
0x7d: {  	_ =	shalt  }
0x7e: {  	_ =	shalt  }
0x7f: {  	_ =	shalt  }
0x80: {  	_ =	shalt  }
0x81: {  	_ =	shalt  }
0x82: {  	_ =	shalt  }
0x83: {  	_ =	shalt  }
0x84: {  	_ =	shalt  }
0x85: {  	_ =	shalt  }
0x86: {  	_ =	shalt  }
0x87: {  	_ =	shalt  }
.Lfunc_end0:
.L_simem_size_0:
called_computation.3_lowered:
.L_overlay_start_0:
0x88: {  	s2 =	sld [smem:$0x3FD9]  }
0x89: {  	s3 =	sld [smem:$0x3FFE];
	_ =	sdelay $0x1  }
0x8a: {  	s1 =	srdreg.scid  }
0x8b: {  	s0 =	sand.u32 $0x1, s1  }
0x8c: {  	s17 =	sshll.u32 s0, $0xA;
	s2 =	sadd.s32 s3, s2  }
0x8d: {  	s2 =	sadd.s32 s2, s17  }
0x8e: {  	[smem:$0x3FC0] =	sst s2  }
0x8f: {  	_ = 	snop  }
0x90: {  	s2 =	sld [smem:$0x3FD0];
	(tm) =	ssettm $0x1  }
0x91: {  	s18 =	sld [smem:$0x3FFB];
	_ =	sdelay $0x3  }
0x92: {  	_ =	strace s18  }
0x93: {  	s3 =	sld [smem:$0x3FFC];
	_ =	sdelay $0x3  }
0x94: {  	_ =	strace s3  }
0x95: {  	s3 =	sld [smem:$0x3FFD];
	_ =	sdelay $0x3  }
0x96: {  	_ =	strace s3  }
0x97: {  	_ =	strace $0x8FFFFFFF  }
0x98: {  	s19 =	sld [smem:$0x3FDB];
	_ =	sdelay $0x1  }
0x99: {  	s4 =	simm.s32 $_scs_section_size  }
0x9a: {  	s5 =	simm.s32 $_size__tile_overlayer_lowered;
	s6 =	simm.s32 $_tile_overlayer_lowered  }
0x9b: {  	s22 =	simm.s32 $0x1BFF;
	s21 =	sshll.u32 s6, $0x1;
	s3 =	sadd.s32 s4, s19  }
0x9c: {  	s7 =	simm.s32 $0x0;
	s20 =	sshll.u32 s5, $0x1;
	s5 =	sadd.s32 s21, s3  }
0x9d: {  	[timem:s7], [sflag:s22] =	dma.local [hbm:s5], s20  }
0x9e: {  	_ =	swait.ge [sflag:s22], s20  }
0x9f: {  	s4 =	ssub.s32 $0x0, s20;
	[sflag:s22] =	ssyncset.done $0x0  }
0xa0: {  	[sflag:s22] =	ssyncadd.s32 s4;
	_ =	sdelay $0x1  }
0xa1: {  	s23 =	simm.s32 $0x1B8B  }
0xa2: {  	_ =	swait.ge [sflag:s23], $0x1  }
0xa3: {  	[sflag:s23] =	ssyncset.done $0x0  }
0xa4: {  	s25 =	simm.s32 $0x1B8E;
	s24 =	sld [smem:$0x3FFE];
	[sflag:s23] =	ssyncadd.s32 $0xFFFFFFFF  }
0xa5: {  	s26 =	simm.s32 $execute0_lowered;
	[smem:$0x3FD2] =	sst s25  }
0xa6: {  	s5 =	sshll.u32 s26, $0x1;
	_ =	strace $0x8000004F;
	[dreg:$0x1] =	wrdreg $0xFFFFFFFF  }
0xa7: {  	s28 =	simm.s32 $_size_execute0_lowered;
	s3 =	sadd.s32 s3, s5;
	[dreg:$0x0] =	wrdreg $0x0  }
0xa8: {  	s5 =	sshll.u32 s28, $0x1;
	[dreg:$0x2] =	wrdreg s3  }
0xa9: {  	[dreg:$0x3] =	wrdreg s5  }
0xaa: {  	[dreg:$0x4] =	wrdreg $0xC0  }
0xab: {  	_ =	task [dreg:s7], $0x5FFFF  }
0xac: {  	[dreg:$0x1] =	wrdreg $0xFFFFFFFF  }
0xad: {  	[dreg:$0x0] =	wrdreg $0x60  }
0xae: {  	[dreg:$0x2] =	wrdreg s2  }
0xaf: {  	[dreg:$0x3] =	wrdreg s24  }
0xb0: {  	[dreg:$0x4] =	wrdreg $0x7B000  }
0xb1: {  	[dreg:$0x5] =	wrdreg $0x9  }
0xb2: {  	_ =	task.clear_ibuf [dreg:s7], $0x6FFFF;
	_ =	strace $0x9000004F  }
0xb3: {  	s29 =	simm.s32 $0x9;
	_ =	strace $0x80000051  }
0xb4: {  	_ =	swait.ge [sflag:s29], $0x1  }
0xb5: {  	[sflag:s29] =	ssyncadd.s32 $0xFFFFFFFF  }
0xb6: {  	_ =	strace $0x90000051  }
0xb7: {  	_ =	sfence  }
0xb8: {  	s30 =	sld [smem:$0x0];
	_ =	sdelay $0x2  }
0xb9: {  	s31 =	sshll.u32 s1, $0xD;
	s1 =	sshrl.u32 s1, $0x2  }
0xba: {  	s3 =	sand.u32 $0x4000, s31;
	s1 =	sadd.s32 s1, s30  }
0xbb: {  	s0 =	sor.u32 s3, s0;
	s1 =	sshll.u32 s1, $0x11  }
0xbc: {  	s0 =	sor.u32 s1, s0  }
0xbd: {  	s0 =	sadd.s32 $0x8F2B, s0  }
0xbe: {  	[sflag:s0] =	ssyncadd.remote.s32 $0x1  }
0xbf: {  	_ =	sfence.sel $0xFFFF  }
0xc0: {  	[dreg:$0x0] =	wrdreg $0xFFFFFFFF;
	(pc) =	sbr.abs _section_cstart, $3  }
0xc1: {  	[dreg:$0x1] =	wrdreg $0xFFFFFFFF  }
0xc2: {  	_ =	task.clear_ibuf [dreg:s7], $0x2FFFF;
	_ =	strace $0x9FFFFFFF  }
0xc3: {  	(tm) =	ssettm $0x7FFFFFFF  }
tec
execute0_lowered:
.L_overlay_start_1:
0x0: {  	(tag) =	ssettag $0x1  }
0x1: {  	s1 =	rddreg [dreg:$0x0]  }
0x2: {  	s0 =	rddreg [dreg:$0x1]  }
0x3: {  	s2 =	rddreg [dreg:$0x2];
	s4 =	simm.s32 $0x0;
	s10 =	stileid.u32  }
0x4: {  	s3 =	srdreg.scid;
	s28 =	simm.s32 $0x200;
	s29 =	simm.s32 $0x280  }
0x5: {  	s30 =	simm.s32 $0x5300;
	s31 =	simm.s32 $0x1;
	[smem:$0x7FF] =	sst s4  }
0x6: {  	s5 =	sadd.s32 $0x14800, s0;
	s6 =	smul.u32 $0x500, s10;
	s3 =	sand.u32 $0x1, s3  }
0x7: {  	s8 =	sadd.s32 $0xA800, s0;
	s15 =	sadd.s32 $0xF800, s0;
	s9 =	smul.u32 $0x2760, s10  }
0x8: {  	p0 =	slt.u32 s10, $0xE;
	s25 =	smul.u32 $0xA000, s10;
	p1 =	slt.u32 s10, $0xD  }
0x9: {  	s17 =	smul.u32 $0x4EC, s10;
	_ =	strace $0x80000050;
	s7 =	ssub.s32 $0x2, s3  }
0xa: {  	s0 =	sadd.s32 s6, s0;
	s20 =	sshrl.u32 s7, $0x1;
	s6 =	simm.s32 $0x8  }
0xb: {  	s9 =	sshrl.u32 s9, $0x3;
	s16 =	sadd.s32 s17, s15;
	s17 =	sadd.s32 s17, s8  }
0xc: {  	s14 =	ssub.s32 s7, s20;
	s7 =	simm.s32 $0x8;
	s6 =	simm.s32 @!p0 $0x7  }
0xd: {  	p0 =	seq.s32 s3, $0x1;
	s21 =	sadd.s32 s8, s9;
	s22 =	sadd.s32 $0xA, s9  }
0xe: {  	s11 =	sadd.s32 s15, s9;
	s9 =	sadd.s32 $0x14, s9;
	s18 =	sadd.s32 $0x89E00, s0  }
0xf: {  	s19 =	sadd.s32 $0xB1000, s0;
	s20 =	simm.s32 $0x300;
	[dreg:$0x4] =	wrdreg s21  }
0x10: {  	s0 =	simm.s32 $0x3;
	[dreg:$0x5] =	wrdreg s11;
	s23 =	sadd.s32 s8, s22  }
0x11: {  	s3 =	sadd.s32 s15, s22;
	s24 =	sadd.s32 s8, s9;
	[dreg:$0x6] =	wrdreg s23  }
.Ltmp0:
0x12: {  	s9 =	sadd.s32 s15, s9;
	[dreg:$0x7] =	wrdreg s3;
	(pc) =	sbr.rel .LBB2_1-.Ltmp0, $4  }
0x13: {  	s7 =	simm.s32 @!p1 $0x7;
	s26 =	smax.u32 s14, $0x1;
	[dreg:$0x8] =	wrdreg s24  }
0x14: {  	s21 =	simm.s32 $0x4;
	s22 =	simm.s32 $0x80;
	[dreg:$0x9] =	wrdreg s9  }
0x15: {  	[dreg:$0xa] =	wrdreg s26;
	s3 =	sshrl.u32 s25, $0x2;
	s23 =	simm.s32 $0x50  }
0x16: {  	v0 =	vimm.f32 $0.0e+00;
	s24 =	simm.s32 $0x100;
	s25 =	simm.s32 $0x0;
	s9 =	sadd.s32 s3, s2  }
.LBB2_17:
0x17: {  	[sflag:s21] =	ssyncset.done $0x0  }
0x18: {  	[sflag:s21] =	ssyncadd.s32 $0xFFFFFB00  }
.LBB2_18:
0x19: {  	s25 =	sadd.s32 $0x1, s25;
	s3 =	rddreg [dreg:$0xa]  }
0x1a: {  	p1 =	sne.s32 s25, s3  }
.Ltmp1:
0x1b: {  	_ = 	snop;
	(pc) =	sbr.rel @!p1 .LBB2_19-.Ltmp1, $1  }
0x1c: {  	_ =	sdelay $0x3  }
.LBB2_1:
0x1d: {  	s26 =	simm.s32 $0x0;
	s3 =	simm.s32 $0x200  }
.LBB2_2:
0x1e: {  	p1 =	sne.s32 s3, $0x9E00;
	[tilespmem:s26+$0x370] =	vst v0  }
0x1f: {  	[tilespmem:s26+$0x300] =	vst v0  }
0x20: {  	[tilespmem:s26+$0x310] =	vst v0  }
.Ltmp2:
0x21: {  	[tilespmem:s26+$0x320] =	vst v0;
	(pc) =	sbr.rel @p1 .LBB2_2-.Ltmp2, $4  }
0x22: {  	[tilespmem:s26+$0x330] =	vst v0  }
0x23: {  	[tilespmem:s26+$0x340] =	vst v0  }
0x24: {  	[tilespmem:s26+$0x350] =	vst v0  }
0x25: {  	[tilespmem:s26+$0x360] =	vst v0;
	s26 =	sshra.s32 s3, $0x2;
	s3 =	sadd.s32 $0x200, s3  }
0x26: {  	[tilespmem:s26+$0x370] =	vst v0  }
0x27: {  	[tilespmem:s26+$0x300] =	vst v0  }
0x28: {  	[tilespmem:s26+$0x310] =	vst v0  }
0x29: {  	[tilespmem:s26+$0x320] =	vst v0  }
0x2a: {  	[tilespmem:s26+$0x330] =	vst v0  }
0x2b: {  	[tilespmem:s26+$0x340] =	vst v0;
	p1 =	sne.s32 s6, $0x1  }
.Ltmp3:
0x2c: {  	[tilespmem:s26+$0x350] =	vst v0;
	(pc) =	sbr.rel @!p1 .LBB2_5-.Ltmp3, $4  }
0x2d: {  	[tilespmem:s26+$0x360] =	vst v0  }
0x2e: {  	[spmem:s9] =	stream.linear.scatter [tilespmem:s20], [sflag:$0x4], $0x2800, $0x38;
	[tilespmem:$0x1B600] =	vst v63  }
0x2f: {  	_ =	swait.ge [sflag:s21], $0x2800  }
0x30: {  	s3 =	sadd.s32 $0xFFFFFFFF, s6;
	s8 =	smov.u32 s9;
	[sflag:s21] =	ssyncset.done $0x0  }
.LBB2_4:
0x31: {  	p1 =	sne.s32 s3, $0x1;
	[sflag:s21] =	ssyncadd.s32 $0xFFFFD800;
	s8 =	sadd.s32 $0x28000, s8  }
.Ltmp4:
0x32: {  	s3 =	sadd.s32 $0xFFFFFFFF, s3;
	(pc) =	sbr.rel @p1 .LBB2_4-.Ltmp4, $4  }
0x33: {  	_ = 	snop  }
0x34: {  	[spmem:s8] =	stream.linear.scatter [tilespmem:s20], [sflag:$0x4], $0x2800, $0x38;
	[tilespmem:$0x1B600] =	vst v63  }
0x35: {  	_ =	swait.ge [sflag:s21], $0x2800  }
0x36: {  	[sflag:s21] =	ssyncset.done $0x0  }
.LBB2_5:
0x37: {  	[sflag:s21] =	ssyncadd.s32 $0xFFFFD800  }
0x38: {  	[bflag:$0x0] =	sbarrier.arrive $0xFFFF  }
0x39: {  	s3 =	rddreg [dreg:$0x4]  }
0x3a: {  	[tilespmem:s4], [sflag:$0x4] =	stream.linear.gather [hbm4b:s3+s4], $0x50, $0x38;
	[tilespmem:$0x1B600] =	vst v63  }
0x3b: {  	_ =	swait.ge [sflag:s21], $0x50  }
0x3c: {  	[sflag:s21] =	ssyncset.done $0x0  }
.Ltmp5:
0x3d: {  	s26 =	rddreg [dreg:$0x5];
	[sflag:s21] =	ssyncadd.s32 $0xFFFFFFB0;
	(pc) =	sbr.rel @!p0 .LBB2_6-.Ltmp5, $4  }
0x3e: {  	[tilespmem:s22], [sflag:$0x4] =	stream.linear.gather [hbm4b:s26+s4], $0x50, $0x38;
	[tilespmem:$0x1B600] =	vst v63  }
0x3f: {  	_ =	swait.ge [sflag:s21], $0x50  }
0x40: {  	[sflag:s21] =	ssyncset.done $0x0  }
0x41: {  	s26 =	simm.s32 $0x0;
	[sflag:s21] =	ssyncadd.s32 $0xFFFFFFB0  }
0x42: {  	[tilespmem:s20], [sflag:$0x1] =	stream.indirect.gather [hbm4b:s5+s23], $0x80, s26, s23, $0xb8;
	[tilespmem:$0x1B600] =	vst v63  }
0x43: {  	s3 =	rddreg [dreg:$0x6]  }
0x44: {  	[tilespmem:s24], [sflag:$0x4] =	stream.linear.gather [hbm4b:s3+s26], $0x50, $0x38;
	[tilespmem:$0x1B600] =	vst v63  }
0x45: {  	_ =	swait.ge [sflag:s21], $0x50  }
0x46: {  	[sflag:s21] =	ssyncset.done $0x0  }
0x47: {  	s8 =	simm.s32 $0x180;
	s12 =	rddreg [dreg:$0x7];
	[sflag:s21] =	ssyncadd.s32 $0xFFFFFFB0  }
0x48: {  	[tilespmem:s8], [sflag:$0x4] =	stream.linear.gather [hbm4b:s12+s26], $0x50, $0x38;
	[tilespmem:$0x1B600] =	vst v63  }
0x49: {  	_ =	swait.ge [sflag:s21], $0x50  }
0x4a: {  	[sflag:s21] =	ssyncset.done $0x0  }
0x4b: {  	s13 =	simm.s32 $0x2B00;
	[sflag:s21] =	ssyncadd.s32 $0xFFFFFFB0  }
0x4c: {  	[tilespmem:s13], [sflag:$0x2] =	stream.indirect.gather [hbm4b:s5+s23], $0x80, s24, s23, $0xb8;
	[tilespmem:$0x1B600] =	vst v63  }
0x4d: {  	s14 =	rddreg [dreg:$0x8]  }
0x4e: {  	[tilespmem:s28], [sflag:$0x4] =	stream.linear.gather [hbm4b:s14+s26], $0x50, $0x38;
	[tilespmem:$0x1B600] =	vst v63  }
0x4f: {  	_ =	swait.ge [sflag:s21], $0x50  }
0x50: {  	[sflag:s21] =	ssyncset.done $0x0  }
0x51: {  	s15 =	rddreg [dreg:$0x9];
	[sflag:s21] =	ssyncadd.s32 $0xFFFFFFB0  }
0x52: {  	[tilespmem:s29], [sflag:$0x4] =	stream.linear.gather [hbm4b:s15+s26], $0x50, $0x38;
	[tilespmem:$0x1B600] =	vst v63  }
0x53: {  	_ =	swait.ge [sflag:s21], $0x50  }
0x54: {  	[sflag:s21] =	ssyncset.done $0x0  }
0x55: {  	[sflag:s21] =	ssyncadd.s32 $0xFFFFFFB0  }
0x56: {  	[tilespmem:s30], [sflag:$0x3] =	stream.indirect.gather [hbm4b:s5+s23], $0x80, s28, s23, $0xb8;
	[tilespmem:$0x1B600] =	vst v63  }
.LBB2_13:
0x57: {  	_ =	swait.ge [sflag:s31], $0x2800  }
0x58: {  	[sflag:s31] =	ssyncset.done $0x0  }
0x59: {  	[sflag:s31] =	ssyncadd.s32 $0xFFFFD800  }
0x5a: {  	[spmem:s2] =	stream.indirect.scatter.add.f32 [tilespmem:s20], [sflag:$0x4], $0x80, s22, s23, $0xb8;
	[tilespmem:$0x1B600] =	vst v63  }
0x5b: {  	_ =	swait.ge [sflag:s21], $0x2800  }
0x5c: {  	p1 =	seq.s32 s26, $0x4CE;
	[sflag:s21] =	ssyncset.done $0x0  }
0x5d: {  	s3 =	simm.s32 @p1 $0x2;
	[sflag:s21] =	ssyncadd.s32 $0xFFFFD800  }
0x5e: {  	_ =	swait.ge @p1 [sflag:s3], $0x2800  }
0x5f: {  	s8 =	simm.s32 @p1 $0x180;
	[sflag:s3] =	ssyncset.done @p1 $0x0  }
0x60: {  	s10 =	simm.s32 @p1 $0x2B00;
	[sflag:s3] =	ssyncadd.s32 @p1 $0xFFFFD800;
	s3 =	simm.s32 @p1 $0x50  }
0x61: {  	[spmem:s2] =	stream.indirect.scatter.add.f32 @p1 [tilespmem:s10], [sflag:$0x4], $0x80, s8, s3, $0xb8;
	[tilespmem:$0x1B600] =	vst v63  }
0x62: {  	s3 =	simm.s32 @p1 $0x4  }
0x63: {  	_ =	swait.ge @p1 [sflag:s3], $0x2800  }
0x64: {  	s8 =	sadd.s32 @!p1 s26, s17;
	[sflag:s3] =	ssyncset.done @p1 $0x0  }
0x65: {  	s10 =	simm.s32 @!p1 $0x0;
	[sflag:s3] =	ssyncadd.s32 @p1 $0xFFFFD800;
	s3 =	sadd.s32 @!p1 $0x1E, s8  }
0x66: {  	[tilespmem:s10], [sflag:$0x4] =	stream.linear.gather @!p1 [hbm4b:s3+s10], $0x50, $0x38;
	[tilespmem:$0x1B600] =	vst v63  }
0x67: {  	s3 =	simm.s32 @!p1 $0x4  }
0x68: {  	_ =	swait.ge @!p1 [sflag:s3], $0x50  }
0x69: {  	s11 =	sadd.s32 @!p1 s26, s16;
	[sflag:s3] =	ssyncset.done @!p1 $0x0  }
0x6a: {  	s13 =	simm.s32 @!p1 $0x80;
	s12 =	sadd.s32 @!p1 $0x1E, s11;
	[sflag:s3] =	ssyncadd.s32 @!p1 $0xFFFFFFB0  }
0x6b: {  	[tilespmem:s13], [sflag:$0x4] =	stream.linear.gather @!p1 [hbm4b:s12+s10], $0x50, $0x38;
	[tilespmem:$0x1B600] =	vst v63  }
0x6c: {  	_ =	swait.ge @!p1 [sflag:s3], $0x50  }
0x6d: {  	[sflag:s3] =	ssyncset.done @!p1 $0x0  }
0x6e: {  	s12 =	simm.s32 @!p1 $0x50;
	s13 =	simm.s32 @!p1 $0x300;
	[sflag:s3] =	ssyncadd.s32 @!p1 $0xFFFFFFB0  }
0x6f: {  	[tilespmem:s13], [sflag:$0x1] =	stream.indirect.gather @!p1 [hbm4b:s5+s12], $0x80, s10, s12, $0xb8;
	[tilespmem:$0x1B600] =	vst v63  }
0x70: {  	s13 =	simm.s32 @!p1 $0x2  }
0x71: {  	_ =	swait.ge @!p1 [sflag:s13], $0x2800  }
0x72: {  	[sflag:s13] =	ssyncset.done @!p1 $0x0  }
0x73: {  	s14 =	simm.s32 @!p1 $0x2B00;
	[sflag:s13] =	ssyncadd.s32 @!p1 $0xFFFFD800;
	s13 =	simm.s32 @!p1 $0x180  }
0x74: {  	[spmem:s2] =	stream.indirect.scatter.add.f32 @!p1 [tilespmem:s14], [sflag:$0x4], $0x80, s13, s12, $0xb8;
	[tilespmem:$0x1B600] =	vst v63  }
0x75: {  	_ =	swait.ge @!p1 [sflag:s3], $0x2800  }
0x76: {  	[sflag:s3] =	ssyncset.done @!p1 $0x0  }
0x77: {  	s15 =	simm.s32 @!p1 $0x100;
	s8 =	sadd.s32 @!p1 $0x28, s8;
	[sflag:s3] =	ssyncadd.s32 @!p1 $0xFFFFD800  }
0x78: {  	[tilespmem:s15], [sflag:$0x4] =	stream.linear.gather @!p1 [hbm4b:s8+s10], $0x50, $0x38;
	[tilespmem:$0x1B600] =	vst v63  }
0x79: {  	_ =	swait.ge @!p1 [sflag:s3], $0x50  }
0x7a: {  	[sflag:s3] =	ssyncset.done @!p1 $0x0  }
0x7b: {  	s8 =	sadd.s32 @!p1 $0x28, s11;
	[sflag:s3] =	ssyncadd.s32 @!p1 $0xFFFFFFB0  }
0x7c: {  	[tilespmem:s13], [sflag:$0x4] =	stream.linear.gather @!p1 [hbm4b:s8+s10], $0x50, $0x38;
	[tilespmem:$0x1B600] =	vst v63  }
0x7d: {  	_ =	swait.ge @!p1 [sflag:s3], $0x50  }
0x7e: {  	[sflag:s3] =	ssyncset.done @!p1 $0x0  }
0x7f: {  	[sflag:s3] =	ssyncadd.s32 @!p1 $0xFFFFFFB0  }
0x80: {  	[tilespmem:s14], [sflag:$0x2] =	stream.indirect.gather @!p1 [hbm4b:s5+s12], $0x80, s15, s12, $0xb8;
	[tilespmem:$0x1B600] =	vst v63  }
0x81: {  	_ =	swait.ge [sflag:s0], $0x2800  }
0x82: {  	[sflag:s0] =	ssyncset.done $0x0  }
.Ltmp6:
0x83: {  	[sflag:s0] =	ssyncadd.s32 $0xFFFFD800;
	(pc) =	sbr.rel @p1 .LBB2_15-.Ltmp6, $4  }
0x84: {  	[spmem:s2] =	stream.indirect.scatter.add.f32 [tilespmem:s30], [sflag:$0x4], $0x80, s29, s23, $0xb8;
	[tilespmem:$0x1B600] =	vst v63  }
0x85: {  	_ =	swait.ge [sflag:s21], $0x2800  }
0x86: {  	[sflag:s21] =	ssyncset.done $0x0  }
0x87: {  	[sflag:s21] =	ssyncadd.s32 $0xFFFFD800  }
0x88: {  	s3 =	sadd.s32 s26, s17  }
0x89: {  	s3 =	sadd.s32 $0x32, s3  }
0x8a: {  	[tilespmem:s28], [sflag:$0x4] =	stream.linear.gather [hbm4b:s3+s4], $0x50, $0x38;
	[tilespmem:$0x1B600] =	vst v63  }
0x8b: {  	_ =	swait.ge [sflag:s21], $0x50  }
0x8c: {  	s15 =	sadd.s32 s26, s16;
	[sflag:s21] =	ssyncset.done $0x0  }
0x8d: {  	s3 =	sadd.s32 $0x32, s15;
	[sflag:s21] =	ssyncadd.s32 $0xFFFFFFB0  }
0x8e: {  	[tilespmem:s29], [sflag:$0x4] =	stream.linear.gather [hbm4b:s3+s4], $0x50, $0x38;
	[tilespmem:$0x1B600] =	vst v63  }
.Ltmp7:
0x8f: {  	_ = 	snop;
	(pc) =	sbr.rel .LBB2_13-.Ltmp7, $4  }
0x90: {  	_ =	swait.ge [sflag:s21], $0x50  }
0x91: {  	[sflag:s21] =	ssyncset.done $0x0  }
0x92: {  	s26 =	sadd.s32 $0x1E, s26;
	[sflag:s21] =	ssyncadd.s32 $0xFFFFFFB0  }
0x93: {  	[tilespmem:s30], [sflag:$0x3] =	stream.indirect.gather [hbm4b:s5+s23], $0x80, s28, s23, $0xb8;
	[tilespmem:$0x1B600] =	vst v63  }
.LBB2_6:
0x94: {  	[tilespmem:s20], [sflag:$0x1] =	stream.indirect.gather [hbm4b:s1+s23], $0x80, s26, s23, $0xb8;
	[tilespmem:$0x1B600] =	vst v63  }
0x95: {  	s3 =	rddreg [dreg:$0x6]  }
0x96: {  	[tilespmem:s24], [sflag:$0x4] =	stream.linear.gather [hbm4b:s3+s26], $0x50, $0x38;
	[tilespmem:$0x1B600] =	vst v63  }
0x97: {  	_ =	swait.ge [sflag:s21], $0x50  }
0x98: {  	[sflag:s21] =	ssyncset.done $0x0  }
0x99: {  	s8 =	simm.s32 $0x180;
	s12 =	rddreg [dreg:$0x7];
	[sflag:s21] =	ssyncadd.s32 $0xFFFFFFB0  }
0x9a: {  	[tilespmem:s8], [sflag:$0x4] =	stream.linear.gather [hbm4b:s12+s26], $0x50, $0x38;
	[tilespmem:$0x1B600] =	vst v63  }
0x9b: {  	_ =	swait.ge [sflag:s21], $0x50  }
0x9c: {  	[sflag:s21] =	ssyncset.done $0x0  }
0x9d: {  	s13 =	simm.s32 $0x2B00;
	[sflag:s21] =	ssyncadd.s32 $0xFFFFFFB0  }
0x9e: {  	[tilespmem:s13], [sflag:$0x2] =	stream.indirect.gather [hbm4b:s1+s23], $0x80, s24, s23, $0xb8;
	[tilespmem:$0x1B600] =	vst v63  }
0x9f: {  	s14 =	rddreg [dreg:$0x8]  }
0xa0: {  	[tilespmem:s28], [sflag:$0x4] =	stream.linear.gather [hbm4b:s14+s26], $0x50, $0x38;
	[tilespmem:$0x1B600] =	vst v63  }
0xa1: {  	_ =	swait.ge [sflag:s21], $0x50  }
0xa2: {  	[sflag:s21] =	ssyncset.done $0x0  }
0xa3: {  	s15 =	rddreg [dreg:$0x9];
	[sflag:s21] =	ssyncadd.s32 $0xFFFFFFB0  }
0xa4: {  	[tilespmem:s29], [sflag:$0x4] =	stream.linear.gather [hbm4b:s15+s26], $0x50, $0x38;
	[tilespmem:$0x1B600] =	vst v63  }
0xa5: {  	_ =	swait.ge [sflag:s21], $0x50  }
0xa6: {  	[sflag:s21] =	ssyncset.done $0x0  }
0xa7: {  	[sflag:s21] =	ssyncadd.s32 $0xFFFFFFB0  }
0xa8: {  	[tilespmem:s30], [sflag:$0x3] =	stream.indirect.gather [hbm4b:s1+s23], $0x80, s28, s23, $0xb8;
	[tilespmem:$0x1B600] =	vst v63  }
.LBB2_7:
0xa9: {  	_ =	swait.ge [sflag:s31], $0x2800  }
0xaa: {  	[sflag:s31] =	ssyncset.done $0x0  }
0xab: {  	[sflag:s31] =	ssyncadd.s32 $0xFFFFD800  }
0xac: {  	[spmem:s2] =	stream.indirect.scatter.add.f32 [tilespmem:s20], [sflag:$0x4], $0x80, s22, s23, $0xb8;
	[tilespmem:$0x1B600] =	vst v63  }
0xad: {  	_ =	swait.ge [sflag:s21], $0x2800  }
0xae: {  	p1 =	seq.s32 s26, $0x4CE;
	[sflag:s21] =	ssyncset.done $0x0  }
0xaf: {  	s3 =	simm.s32 @p1 $0x2;
	[sflag:s21] =	ssyncadd.s32 $0xFFFFD800  }
0xb0: {  	_ =	swait.ge @p1 [sflag:s3], $0x2800  }
0xb1: {  	s8 =	simm.s32 @p1 $0x180;
	[sflag:s3] =	ssyncset.done @p1 $0x0  }
0xb2: {  	s15 =	simm.s32 @p1 $0x2B00;
	[sflag:s3] =	ssyncadd.s32 @p1 $0xFFFFD800;
	s3 =	simm.s32 @p1 $0x50  }
0xb3: {  	[spmem:s2] =	stream.indirect.scatter.add.f32 @p1 [tilespmem:s15], [sflag:$0x4], $0x80, s8, s3, $0xb8;
	[tilespmem:$0x1B600] =	vst v63  }
0xb4: {  	s3 =	simm.s32 @p1 $0x4  }
0xb5: {  	_ =	swait.ge @p1 [sflag:s3], $0x2800  }
0xb6: {  	s8 =	sadd.s32 @!p1 s26, s17;
	[sflag:s3] =	ssyncset.done @p1 $0x0  }
0xb7: {  	s15 =	simm.s32 @!p1 $0x0;
	[sflag:s3] =	ssyncadd.s32 @p1 $0xFFFFD800;
	s3 =	sadd.s32 @!p1 $0x1E, s8  }
0xb8: {  	[tilespmem:s15], [sflag:$0x4] =	stream.linear.gather @!p1 [hbm4b:s3+s15], $0x50, $0x38;
	[tilespmem:$0x1B600] =	vst v63  }
0xb9: {  	s3 =	simm.s32 @!p1 $0x4  }
0xba: {  	_ =	swait.ge @!p1 [sflag:s3], $0x50  }
0xbb: {  	s10 =	sadd.s32 @!p1 s26, s16;
	[sflag:s3] =	ssyncset.done @!p1 $0x0  }
0xbc: {  	s12 =	simm.s32 @!p1 $0x80;
	s11 =	sadd.s32 @!p1 $0x1E, s10;
	[sflag:s3] =	ssyncadd.s32 @!p1 $0xFFFFFFB0  }
0xbd: {  	[tilespmem:s12], [sflag:$0x4] =	stream.linear.gather @!p1 [hbm4b:s11+s15], $0x50, $0x38;
	[tilespmem:$0x1B600] =	vst v63  }
0xbe: {  	_ =	swait.ge @!p1 [sflag:s3], $0x50  }
0xbf: {  	[sflag:s3] =	ssyncset.done @!p1 $0x0  }
0xc0: {  	s11 =	simm.s32 @!p1 $0x50;
	s12 =	simm.s32 @!p1 $0x300;
	[sflag:s3] =	ssyncadd.s32 @!p1 $0xFFFFFFB0  }
0xc1: {  	[tilespmem:s12], [sflag:$0x1] =	stream.indirect.gather @!p1 [hbm4b:s1+s11], $0x80, s15, s11, $0xb8;
	[tilespmem:$0x1B600] =	vst v63  }
0xc2: {  	s12 =	simm.s32 @!p1 $0x2  }
0xc3: {  	_ =	swait.ge @!p1 [sflag:s12], $0x2800  }
0xc4: {  	[sflag:s12] =	ssyncset.done @!p1 $0x0  }
0xc5: {  	s13 =	simm.s32 @!p1 $0x2B00;
	[sflag:s12] =	ssyncadd.s32 @!p1 $0xFFFFD800;
	s12 =	simm.s32 @!p1 $0x180  }
0xc6: {  	[spmem:s2] =	stream.indirect.scatter.add.f32 @!p1 [tilespmem:s13], [sflag:$0x4], $0x80, s12, s11, $0xb8;
	[tilespmem:$0x1B600] =	vst v63  }
0xc7: {  	_ =	swait.ge @!p1 [sflag:s3], $0x2800  }
0xc8: {  	[sflag:s3] =	ssyncset.done @!p1 $0x0  }
0xc9: {  	s14 =	simm.s32 @!p1 $0x100;
	s8 =	sadd.s32 @!p1 $0x28, s8;
	[sflag:s3] =	ssyncadd.s32 @!p1 $0xFFFFD800  }
0xca: {  	[tilespmem:s14], [sflag:$0x4] =	stream.linear.gather @!p1 [hbm4b:s8+s15], $0x50, $0x38;
	[tilespmem:$0x1B600] =	vst v63  }
0xcb: {  	_ =	swait.ge @!p1 [sflag:s3], $0x50  }
0xcc: {  	[sflag:s3] =	ssyncset.done @!p1 $0x0  }
0xcd: {  	s8 =	sadd.s32 @!p1 $0x28, s10;
	[sflag:s3] =	ssyncadd.s32 @!p1 $0xFFFFFFB0  }
0xce: {  	[tilespmem:s12], [sflag:$0x4] =	stream.linear.gather @!p1 [hbm4b:s8+s15], $0x50, $0x38;
	[tilespmem:$0x1B600] =	vst v63  }
0xcf: {  	_ =	swait.ge @!p1 [sflag:s3], $0x50  }
0xd0: {  	[sflag:s3] =	ssyncset.done @!p1 $0x0  }
0xd1: {  	[sflag:s3] =	ssyncadd.s32 @!p1 $0xFFFFFFB0  }
0xd2: {  	[tilespmem:s13], [sflag:$0x2] =	stream.indirect.gather @!p1 [hbm4b:s1+s11], $0x80, s14, s11, $0xb8;
	[tilespmem:$0x1B600] =	vst v63  }
0xd3: {  	_ =	swait.ge [sflag:s0], $0x2800  }
0xd4: {  	[sflag:s0] =	ssyncset.done $0x0  }
.Ltmp8:
0xd5: {  	[sflag:s0] =	ssyncadd.s32 $0xFFFFD800;
	(pc) =	sbr.rel @p1 .LBB2_9-.Ltmp8, $4  }
0xd6: {  	[spmem:s2] =	stream.indirect.scatter.add.f32 [tilespmem:s30], [sflag:$0x4], $0x80, s29, s23, $0xb8;
	[tilespmem:$0x1B600] =	vst v63  }
0xd7: {  	_ =	swait.ge [sflag:s21], $0x2800  }
0xd8: {  	[sflag:s21] =	ssyncset.done $0x0  }
0xd9: {  	[sflag:s21] =	ssyncadd.s32 $0xFFFFD800  }
0xda: {  	s3 =	sadd.s32 s26, s17  }
0xdb: {  	s3 =	sadd.s32 $0x32, s3  }
0xdc: {  	[tilespmem:s28], [sflag:$0x4] =	stream.linear.gather [hbm4b:s3+s4], $0x50, $0x38;
	[tilespmem:$0x1B600] =	vst v63  }
0xdd: {  	_ =	swait.ge [sflag:s21], $0x50  }
0xde: {  	s15 =	sadd.s32 s26, s16;
	[sflag:s21] =	ssyncset.done $0x0  }
0xdf: {  	s3 =	sadd.s32 $0x32, s15;
	[sflag:s21] =	ssyncadd.s32 $0xFFFFFFB0  }
0xe0: {  	[tilespmem:s29], [sflag:$0x4] =	stream.linear.gather [hbm4b:s3+s4], $0x50, $0x38;
	[tilespmem:$0x1B600] =	vst v63  }
.Ltmp9:
0xe1: {  	_ = 	snop;
	(pc) =	sbr.rel .LBB2_7-.Ltmp9, $4  }
0xe2: {  	_ =	swait.ge [sflag:s21], $0x50  }
0xe3: {  	[sflag:s21] =	ssyncset.done $0x0  }
0xe4: {  	s26 =	sadd.s32 $0x1E, s26;
	[sflag:s21] =	ssyncadd.s32 $0xFFFFFFB0  }
0xe5: {  	[tilespmem:s30], [sflag:$0x3] =	stream.indirect.gather [hbm4b:s1+s23], $0x80, s28, s23, $0xb8;
	[tilespmem:$0x1B600] =	vst v63  }
.LBB2_15:
0xe6: {  	p1 =	sne.s32 s7, $0x1  }
.Ltmp10:
0xe7: {  	s3 =	stileid.u32;
	(pc) =	sbr.rel @!p1 .LBB2_17-.Ltmp10, $4  }
0xe8: {  	[bflag:$0x0] =	sbarrier.arrive $0xFFFF;
	s3 =	sshll.u32 s3, $0x6  }
0xe9: {  	s15 =	sshrl.u32 s9, $0x3;
	s8 =	sadd.s32 $0x5000, s19;
	s26 =	sor.u32 $0x1C04, s3  }
0xea: {  	[hbm:s19], [sflag:s26] =	dma.local [spmem:s15], $0x500  }
0xeb: {  	s3 =	sadd.s32 $0xFFFFFFFF, s7;
	s15 =	smov.u32 s9;
	_ =	swait.ge [sflag:s21], $0x500  }
.LBB2_16:
0xec: {  	[sflag:s21] =	ssyncset.done $0x0;
	s15 =	sadd.s32 $0x28000, s15;
	p1 =	sne.s32 s3, $0x1  }
.Ltmp11:
0xed: {  	s10 =	sshrl.u32 s15, $0x3;
	[sflag:s21] =	ssyncadd.s32 $0xFFFFFB00;
	(pc) =	sbr.rel @p1 .LBB2_16-.Ltmp11, $3  }
0xee: {  	[hbm:s8], [sflag:s26] =	dma.local [spmem:s10], $0x500  }
0xef: {  	s3 =	sadd.s32 $0xFFFFFFFF, s3;
	_ =	sdelay $0x1  }
0xf0: {  	s8 =	sadd.s32 $0x5000, s8;
	_ =	swait.ge [sflag:s21], $0x500  }
.Ltmp12:
0xf1: {  	_ = 	snop;
	(pc) =	sbr.rel .LBB2_17-.Ltmp12, $1  }
0xf2: {  	_ =	sdelay $0x3  }
.LBB2_9:
0xf3: {  	p1 =	seq.s32 s7, $0x1  }
.Ltmp13:
0xf4: {  	s3 =	stileid.u32;
	(pc) =	sbr.rel @p1 .LBB2_11-.Ltmp13, $4  }
0xf5: {  	[bflag:$0x0] =	sbarrier.arrive $0xFFFF;
	s3 =	sshll.u32 s3, $0x6  }
0xf6: {  	s15 =	sshrl.u32 s9, $0x3;
	s8 =	sadd.s32 $0x5000, s18;
	s26 =	sor.u32 $0x1C04, s3  }
0xf7: {  	[hbm:s18], [sflag:s26] =	dma.local [spmem:s15], $0x500  }
0xf8: {  	s3 =	sadd.s32 $0xFFFFFFFF, s7;
	s15 =	smov.u32 s9;
	_ =	swait.ge [sflag:s21], $0x500  }
.LBB2_10:
0xf9: {  	[sflag:s21] =	ssyncset.done $0x0;
	s15 =	sadd.s32 $0x28000, s15;
	p1 =	seq.s32 s3, $0x1  }
.Ltmp14:
0xfa: {  	s10 =	sshrl.u32 s15, $0x3;
	[sflag:s21] =	ssyncadd.s32 $0xFFFFFB00;
	(pc) =	sbr.rel @!p1 .LBB2_10-.Ltmp14, $3  }
0xfb: {  	[hbm:s8], [sflag:s26] =	dma.local [spmem:s10], $0x500  }
0xfc: {  	s3 =	sadd.s32 $0xFFFFFFFF, s3;
	_ =	sdelay $0x1  }
0xfd: {  	s8 =	sadd.s32 $0x5000, s8;
	_ =	swait.ge [sflag:s21], $0x500  }
.LBB2_11:
.Ltmp15:
0xfe: {  	(pc) =	sbr.rel .LBB2_18-.Ltmp15, $3  }
0xff: {  	_ =	sdelay $0x1  }
0x100: {  	[sflag:s21] =	ssyncset.done $0x0  }
0x101: {  	[sflag:s21] =	ssyncadd.s32 $0xFFFFFB00  }
.LBB2_19:
0x102: {  	_ =	sfence.sel $0x180000  }
0x103: {  	[bflag:$0x0] =	sbarrier.arrive $0xFFFF  }
0x104: {  	_ =	strace $0x90000050  }
0x105: {  	s0 =	stileid.u32;
	[bflag:$0x2] =	sbarrier.arrive $0xFFFF  }
0x106: {  	p0 =	sne.s32 s0, $0x0;
	s0 =	rddreg [dreg:$0x3]  }
0x107: {  	s0 =	sadd.s32 @!p0 $0x100000, s0  }
0x108: {  	[sflag:s0] =	ssyncadd.tile.s32 @!p0 $0x1;
	_ =	shalt  }
.Lfunc_end2:
_tile_overlayer_lowered:
.L_overlay_start_2:
0x109: {  	(tag) =	ssettag $0x2  }
0x10a: {  	s0 =	rddreg [dreg:$0x0];
	s2 =	stileid.u32  }
0x10b: {  	s1 =	rddreg [dreg:$0x1];
	p0 =	sne.s32 s2, $0x0  }
0x10c: {  	s3 =	rddreg [dreg:$0x2];
	[bflag:$0x3] =	sbarrier.arrive $0xFFFF;
	s2 =	simm.s32 @!p0 $0x1C04  }
0x10d: {  	[timem:s3], [sflag:s2] =	dma.local @!p0 [hbm:s0], s1  }
0x10e: {  	s0 =	simm.s32 @!p0 $0x4  }
0x10f: {  	_ =	swait.ge @!p0 [sflag:s0], s1  }
0x110: {  	s1 =	ssub.s32 @!p0 $0x0, s1;
	[sflag:s0] =	ssyncset.done @!p0 $0x0  }
0x111: {  	[sflag:s0] =	ssyncadd.s32 @!p0 s1  }
0x112: {  	[bflag:$0x3] =	sbarrier.arrive $0xFFFF  }
0x113: {  	_ =	shalt  }

</sc_bundles>
